<compile_context>
chip_gen: v7x
topology: tpu7x:2x2x1
jax: 0.10.2.dev20260603
libtpu: 0.0.44.dev20260713+nightly
codegen_flags: <defaults>
</compile_context>

<pallas_src>
import functools

import jax
import jax.numpy as jnp
from jax import lax
from jax.experimental import pallas as pl
from jax.experimental.pallas import tpu as pltpu
from jax.experimental.pallas import tpu_sc as plsc

D_ITEM = 64
D_OTHER = 16
_CH = 256
_HC = 128


def _item_transform(item_table, wfi):
    V = item_table.shape[0]
    BR = 2048
    grid = (V + BR - 1) // BR

    def body(t_ref, w_ref, o_ref):
        o_ref[...] = _pack_cols(
            lax.dot_general(t_ref[...], w_ref[...], (((1,), (1,)), ((), ())),
                            preferred_element_type=jnp.float32))

    return pl.pallas_call(
        body,
        grid=(grid,),
        in_specs=[pl.BlockSpec((BR, D_ITEM), lambda i: (i, 0)),
                  pl.BlockSpec((D_ITEM, D_ITEM), lambda i: (0, 0))],
        out_specs=pl.BlockSpec((BR, 32), lambda i: (i, 0)),
        out_shape=jax.ShapeDtypeStruct((V, 32), jnp.int32),
    )(item_table, wfi)


def _pack_cols(m):
    lo = jnp.concatenate([m[:, 0:16], m[:, 32:48]], axis=1)
    hi = jnp.concatenate([m[:, 16:32], m[:, 48:64]], axis=1)
    lo16 = lax.bitcast_convert_type(lo.astype(jnp.bfloat16), jnp.uint16)
    hi16 = lax.bitcast_convert_type(hi.astype(jnp.bfloat16), jnp.uint16)
    word = lo16.astype(jnp.uint32) | (hi16.astype(jnp.uint32) << 16)
    return lax.bitcast_convert_type(word, jnp.int32)


def _small_transforms(brand_table, cat_table, wfb, wfc, wfp, Wp, bp2, bf2):

    def body(bt, ct, wb, wc, wpf, wpp, bpr, bfr, ob, oc, opv):
        b2 = lax.dot_general(bt[...], wb[...], (((1,), (1,)), ((), ())),
                             preferred_element_type=jnp.float32)
        ob[...] = _pack_cols(b2)
        c = lax.dot_general(bpr[...], wpf[...], (((1,), (1,)), ((), ())),
                            preferred_element_type=jnp.float32) + bfr[...]
        c2 = lax.dot_general(ct[...], wc[...], (((1,), (1,)), ((), ())),
                             preferred_element_type=jnp.float32) + c
        oc[...] = _pack_cols(c2)
        opv[...] = lax.dot_general(wpp[...], wpf[...], (((0,), (1,)), ((), ())),
                                   preferred_element_type=jnp.float32)

    nb = brand_table.shape[0]
    nc = cat_table.shape[0]
    return pl.pallas_call(
        body,
        out_shape=[jax.ShapeDtypeStruct((nb, 32), jnp.int32),
                   jax.ShapeDtypeStruct((nc, 32), jnp.int32),
                   jax.ShapeDtypeStruct((1, D_ITEM), jnp.float32)],
    )(brand_table, cat_table, wfb, wfc, wfp, Wp, bp2, bf2)


def _sc_fuse(packed, item2, brand2p, cat2p, pv, n, nb, nc):
    info = plsc.get_sparse_core_info()
    nw = info.num_cores * info.num_subcores
    assert n % (nw * _CH) == 0
    rows_w = n // nw
    nch = rows_w // _CH
    assert nch % 2 == 0
    npairs = nch // 2
    mesh = plsc.VectorSubcoreMesh(core_axis_name="c", subcore_axis_name="s")

    @functools.partial(
        pl.kernel, mesh=mesh,
        compiler_params=pltpu.CompilerParams(use_tc_tiling_on_sc=False,
                                             needs_layout_passes=False),
        out_type=jax.ShapeDtypeStruct((n, D_ITEM), jnp.float32),
        scratch_types=[
            pltpu.VMEM((8, _HC), jnp.int32),
            pltpu.VMEM((8, _HC), jnp.int32),
            pltpu.VMEM((_CH, 32), jnp.int32),
            pltpu.VMEM((_CH, 32), jnp.int32),
            pltpu.VMEM((_CH, D_ITEM), jnp.float32),
            pltpu.VMEM((_CH, D_ITEM), jnp.float32),
            pltpu.VMEM((nb, 32), jnp.int32),
            pltpu.VMEM((nc, 32), jnp.int32),
            pltpu.VMEM((D_ITEM,), jnp.float32),
            pltpu.SemaphoreType.DMA,
            pltpu.SemaphoreType.DMA,
            pltpu.SemaphoreType.DMA,
            pltpu.SemaphoreType.DMA,
            pltpu.SemaphoreType.DMA,
            pltpu.SemaphoreType.DMA,
        ],
    )
    def k(packed_hbm, it2, br2_hbm, ct2_hbm, pv_hbm, out_hbm,
          xb0, xb1, a0, a1, o0, o1, br_v, ct_v, pv_v,
          si0, si1, sg0, sg1, so0, so1):
        c16 = [jnp.full((16,), r, jnp.int32) for r in range(16)]
        col16 = [jnp.arange(16, dtype=jnp.int32) + 16 * w for w in range(2)]
        wid = lax.axis_index("s") * info.num_cores + lax.axis_index("c")
        cbase = wid * nch
        rbase = wid * rows_w
        pltpu.sync_copy(pv_hbm.at[0], pv_v)
        pltpu.sync_copy(br2_hbm, br_v)
        pltpu.sync_copy(ct2_hbm, ct_v)
        xb = (xb0, xb1)
        A = (a0, a1)
        O = (o0, o1)
        si = (si0, si1)
        sg = (sg0, sg1)
        so = (so0, so1)

        def fire_idx(g, s):
            pltpu.async_copy(packed_hbm.at[cbase + g], xb[s], si[s])

        def wait_idx(s):
            pltpu.make_async_copy(packed_hbm.at[0], xb[s], si[s]).wait()

        def fire_gathers(g, s):
            for h in range(2):
                dst = pl.ds(h * _HC, _HC)
                pltpu.async_copy(it2.at[xb[s].at[h]], A[s].at[dst], sg[s])

        def wait_gathers(s):
            for h in range(2):
                dst = pl.ds(h * _HC, _HC)
                pltpu.make_async_copy(it2.at[pl.ds(0, _HC)], A[s].at[dst],
                                      sg[s]).wait()

        def fire_store(g, s):
            pltpu.async_copy(O[s], out_hbm.at[pl.ds(rbase + g * _CH, _CH)],
                             so[s])

        def wait_store(s):
            pltpu.make_async_copy(O[s], out_hbm.at[pl.ds(0, _CH)],
                                  so[s]).wait()

        pvs_slices = [pl.ds(t * 16, 16) for t in range(4)]

        def gather_packed(tab, rowb):
            out = []
            for w in range(2):
                words = plsc.load_gather(tab, [rowb, col16[w]])
                s0, s1 = plsc.unpack(plsc.bitcast(words, jnp.bfloat16),
                                     format=plsc.PackFormat.INTERLEAVED)
                out.append(s0)
                out.append(s1)
            return out

        def alu(s):
            av, ov, xv = A[s], O[s], xb[s]
            pvs = [pv_v[sl] for sl in pvs_slices]

            def grp(j, carry2):
                jhi = j // 8
                jlo = pl.ds((j % 8) * 16, 16)
                bi_vec = xv[2 + jhi, jlo]
                ci_vec = xv[4 + jhi, jlo]
                pr_vec = plsc.bitcast(xv[6 + jhi, jlo], jnp.float32)
                for r in range(16):
                    nr = j * 16 + r
                    rb = bi_vec.at[c16[r]].get(mode="promise_in_bounds")
                    rc = ci_vec.at[c16[r]].get(mode="promise_in_bounds")
                    pb = pr_vec.at[c16[r]].get(mode="promise_in_bounds")
                    bs = gather_packed(br_v, rb)
                    cs = gather_packed(ct_v, rc)
                    ws = []
                    for w in range(2):
                        i0, i1 = plsc.unpack(
                            plsc.bitcast(av[nr, pl.ds(16 * w, 16)],
                                         jnp.bfloat16),
                            format=plsc.PackFormat.INTERLEAVED)
                        ws.append(i0)
                        ws.append(i1)
                    for t in range(4):
                        sl = pvs_slices[t]
                        ov[nr, sl] = (ws[t] + bs[t] + cs[t]
                                      + pb * pvs[t])
                return carry2

            lax.fori_loop(0, _CH // 16, grp, 0)

        fire_idx(0, 0)
        fire_idx(1, 1)
        wait_idx(0)
        fire_gathers(0, 0)

        def pair(p, carry):
            g = 2 * p
            wait_gathers(0)

            @pl.when(p > 0)
            def _():
                wait_store(1)

            wait_idx(1)
            fire_gathers(g + 1, 1)
            alu(0)
            fire_store(g, 0)

            @pl.when(p < npairs - 1)
            def _():
                fire_idx(g + 2, 0)

            wait_gathers(1)
            wait_store(0)

            @pl.when(p < npairs - 1)
            def _():
                wait_idx(0)
                fire_gathers(g + 2, 0)

            alu(1)
            fire_store(g + 1, 1)

            @pl.when(p < npairs - 1)
            def _():
                fire_idx(g + 3, 1)

            return carry

        lax.fori_loop(0, npairs, pair, 0)
        wait_store(1)

    return k(packed, item2, brand2p, cat2p, pv)


def kernel(x, item_table, brand_table, cat_table, Wp, bp, Wf, bf):
    n = x.shape[0]
    nchunks = n // _CH
    ii = x[:, 0].astype(jnp.int32).reshape(nchunks, 2, _HC)
    bi = x[:, 1].astype(jnp.int32).reshape(nchunks, 2, _HC)
    ci = x[:, 2].astype(jnp.int32).reshape(nchunks, 2, _HC)
    pb = lax.bitcast_convert_type(x[:, 3], jnp.int32).reshape(nchunks, 2, _HC)
    packed = jnp.concatenate([ii, bi, ci, pb], axis=1)
    wfi = Wf[:, :D_ITEM]
    wfb = Wf[:, D_ITEM:D_ITEM + D_OTHER]
    wfc = Wf[:, D_ITEM + D_OTHER:D_ITEM + 2 * D_OTHER]
    wfp = Wf[:, D_ITEM + 2 * D_OTHER:]
    item2 = _item_transform(item_table, wfi)
    brand2p, cat2p, pv = _small_transforms(
        brand_table, cat_table, wfb, wfc, wfp, Wp,
        bp.reshape(1, -1), bf.reshape(1, -1))
    return _sc_fuse(packed, item2, brand2p, cat2p, pv, n,
                    brand_table.shape[0], cat_table.shape[0])

# --- scband reference (transcript-rebuilt; emitter-appended) ---
"""Pipeline reference for scband-item-encoder-19877108646333 (READ-ONLY COPY).

The authoritative reference and input builder live on the scoring server;
editing this copy changes nothing except your own understanding.
"""

import jax, jax.numpy as jnp
import numpy as np

N = 819200
NUM_ITEMS = 100000
NUM_BRANDS = 1859
NUM_CATS = 24
D_ITEM = 64
D_OTHER = 16
D_FUSE_IN = D_ITEM + 3 * D_OTHER  # 112


def setup_inputs(seed: int = 0) -> dict:
    key = jax.random.key(seed)
    ks = jax.random.split(key, 12)
    item_idx = jax.random.randint(ks[0], (N,), 0, NUM_ITEMS + 1)
    brand_idx = jax.random.randint(ks[1], (N,), 0, NUM_BRANDS + 1)
    cat_idx = jax.random.randint(ks[2], (N,), 0, NUM_CATS + 1)
    price = jax.random.uniform(ks[3], (N,), dtype=jnp.float32)
    x = jnp.stack([
        item_idx.astype(jnp.float32),
        brand_idx.astype(jnp.float32),
        cat_idx.astype(jnp.float32),
        price,
    ], axis=1)
    # embedding tables (torch nn.Embedding default: N(0,1)), padding_idx=0 row zeroed
    item_table = jax.random.normal(ks[4], (NUM_ITEMS + 1, D_ITEM), dtype=jnp.float32).at[0].set(0.0)
    brand_table = jax.random.normal(ks[5], (NUM_BRANDS + 1, D_OTHER), dtype=jnp.float32).at[0].set(0.0)
    cat_table = jax.random.normal(ks[6], (NUM_CATS + 1, D_OTHER), dtype=jnp.float32).at[0].set(0.0)
    # price_proj: Linear(1, 16) -> torch init U(-1/sqrt(1), 1/sqrt(1))
    Wp = jax.random.uniform(ks[7], (D_OTHER, 1), minval=-1.0, maxval=1.0, dtype=jnp.float32)
    bp = jax.random.uniform(ks[8], (D_OTHER,), minval=-1.0, maxval=1.0, dtype=jnp.float32)
    # item_fusion: Linear(112, 64) -> torch init U(-1/sqrt(112), 1/sqrt(112))
    kf = 1.0 / np.sqrt(D_FUSE_IN)
    Wf = jax.random.uniform(ks[9], (D_ITEM, D_FUSE_IN), minval=-kf, maxval=kf, dtype=jnp.float32)
    bf = jax.random.uniform(ks[10], (D_ITEM,), minval=-kf, maxval=kf, dtype=jnp.float32)
    return {"x": x, "item_table": item_table, "brand_table": brand_table,
            "cat_table": cat_table, "Wp": Wp, "bp": bp, "Wf": Wf, "bf": bf}


def reference(x, item_table, brand_table, cat_table, Wp, bp, Wf, bf):
    item_idx = x[:, 0].astype(jnp.int32)
    brand_idx = x[:, 1].astype(jnp.int32)
    cat_idx = x[:, 2].astype(jnp.int32)
    price = x[:, 3:4]
    item_e = jnp.take(item_table, item_idx, axis=0)
    brand_e = jnp.take(brand_table, brand_idx, axis=0)
    cat_e = jnp.take(cat_table, cat_idx, axis=0)
    price_e = price @ Wp.T + bp
    item_repr = jnp.concatenate([item_e, brand_e, cat_e, price_e], axis=-1)
    item_repr = item_repr @ Wf.T + bf
    return item_repr

if __name__ == "__main__":
    import jax
    _d = setup_inputs()
    print(jax.jit(kernel)(*tuple(_d.values())))

</pallas_src>

<mosaic_0001>
#map = affine_map<(d0, d1) -> (0, 0, 0)>
#map1 = affine_map<(d0, d1) -> (0, 0)>
module attributes {stable_mosaic.version = 14 : i64} {
  func.func @k(%arg0: i32, %arg1: i32, %arg2: memref<3200x8x128xi32, #tpu.memory_space<hbm>>, %arg3: memref<100001x32xi32, #tpu.memory_space<hbm>>, %arg4: memref<1860x32xi32, #tpu.memory_space<hbm>>, %arg5: memref<25x32xi32, #tpu.memory_space<hbm>>, %arg6: memref<1x64xf32, #tpu.memory_space<hbm>>, %arg7: memref<819200x64xf32, #tpu.memory_space<hbm>>, %arg8: memref<8x128xi32, #tpu.memory_space<vmem>>, %arg9: memref<8x128xi32, #tpu.memory_space<vmem>>, %arg10: memref<256x32xi32, #tpu.memory_space<vmem>>, %arg11: memref<256x32xi32, #tpu.memory_space<vmem>>, %arg12: memref<256x64xf32, #tpu.memory_space<vmem>>, %arg13: memref<256x64xf32, #tpu.memory_space<vmem>>, %arg14: memref<1860x32xi32, #tpu.memory_space<vmem>>, %arg15: memref<25x32xi32, #tpu.memory_space<vmem>>, %arg16: memref<64xf32, #tpu.memory_space<vmem>>, %arg17: memref<!tpu.dma_semaphore, #tpu.memory_space<semaphore_mem>>, %arg18: memref<!tpu.dma_semaphore, #tpu.memory_space<semaphore_mem>>, %arg19: memref<!tpu.dma_semaphore, #tpu.memory_space<semaphore_mem>>, %arg20: memref<!tpu.dma_semaphore, #tpu.memory_space<semaphore_mem>>, %arg21: memref<!tpu.dma_semaphore, #tpu.memory_space<semaphore_mem>>, %arg22: memref<!tpu.dma_semaphore, #tpu.memory_space<semaphore_mem>>) attributes {dimension_semantics = [#tpu.dimension_semantics<core_parallel>, #tpu.dimension_semantics<subcore_parallel>], iteration_bounds = array<i64: 2, 16>, scalar_prefetch = 0 : i64, scratch_operands = 15 : i64, tpu.core_type = #tpu.core_type<sc_vector_subcore>, window_params = [{transform_indices = #map}, {transform_indices = #map1}, {transform_indices = #map1}, {transform_indices = #map1}, {transform_indices = #map1}, {transform_indices = #map1}]} {
    %broadcast_in_dim3A = arith.constant 0 : i32
    %broadcast_in_dim3A_0 = vector.broadcast %broadcast_in_dim3A : i32 to vector<16xi32>
    %broadcast_in_dim3A_1 = arith.constant 1 : i32
    %broadcast_in_dim3A_2 = vector.broadcast %broadcast_in_dim3A_1 : i32 to vector<16xi32>
    %broadcast_in_dim3A_3 = arith.constant 2 : i32
    %broadcast_in_dim3A_4 = vector.broadcast %broadcast_in_dim3A_3 : i32 to vector<16xi32>
    %broadcast_in_dim3A_5 = arith.constant 3 : i32
    %broadcast_in_dim3A_6 = vector.broadcast %broadcast_in_dim3A_5 : i32 to vector<16xi32>
    %broadcast_in_dim3A_7 = arith.constant 4 : i32
    %broadcast_in_dim3A_8 = vector.broadcast %broadcast_in_dim3A_7 : i32 to vector<16xi32>
    %broadcast_in_dim3A_9 = arith.constant 5 : i32
    %broadcast_in_dim3A_10 = vector.broadcast %broadcast_in_dim3A_9 : i32 to vector<16xi32>
    %broadcast_in_dim3A_11 = arith.constant 6 : i32
    %broadcast_in_dim3A_12 = vector.broadcast %broadcast_in_dim3A_11 : i32 to vector<16xi32>
    %broadcast_in_dim3A_13 = arith.constant 7 : i32
    %broadcast_in_dim3A_14 = vector.broadcast %broadcast_in_dim3A_13 : i32 to vector<16xi32>
    %broadcast_in_dim3A_15 = arith.constant 8 : i32
    %broadcast_in_dim3A_16 = vector.broadcast %broadcast_in_dim3A_15 : i32 to vector<16xi32>
    %broadcast_in_dim3A_17 = arith.constant 9 : i32
    %broadcast_in_dim3A_18 = vector.broadcast %broadcast_in_dim3A_17 : i32 to vector<16xi32>
    %broadcast_in_dim3A_19 = arith.constant 10 : i32
    %broadcast_in_dim3A_20 = vector.broadcast %broadcast_in_dim3A_19 : i32 to vector<16xi32>
    %broadcast_in_dim3A_21 = arith.constant 11 : i32
    %broadcast_in_dim3A_22 = vector.broadcast %broadcast_in_dim3A_21 : i32 to vector<16xi32>
    %broadcast_in_dim3A_23 = arith.constant 12 : i32
    %broadcast_in_dim3A_24 = vector.broadcast %broadcast_in_dim3A_23 : i32 to vector<16xi32>
    %broadcast_in_dim3A_25 = arith.constant 13 : i32
    %broadcast_in_dim3A_26 = vector.broadcast %broadcast_in_dim3A_25 : i32 to vector<16xi32>
    %broadcast_in_dim3A_27 = arith.constant 14 : i32
    %broadcast_in_dim3A_28 = vector.broadcast %broadcast_in_dim3A_27 : i32 to vector<16xi32>
    %broadcast_in_dim3A_29 = arith.constant 15 : i32
    %broadcast_in_dim3A_30 = vector.broadcast %broadcast_in_dim3A_29 : i32 to vector<16xi32>
    %iota3A = tpu.iota {dimensions = array<i32: 0>} : vector<16xi32>
    %add3A = arith.constant 0 : i32
    %add3A_31 = vector.broadcast %add3A : i32 to vector<16xi32>
    %add3A_32 = arith.addi %iota3A, %add3A_31 : vector<16xi32>
    %iota3A_33 = tpu.iota {dimensions = array<i32: 0>} : vector<16xi32>
    %add3A_34 = arith.constant 16 : i32
    %add3A_35 = vector.broadcast %add3A_34 : i32 to vector<16xi32>
    %add3A_36 = arith.addi %iota3A_33, %add3A_35 : vector<16xi32>
    %mul3A = arith.constant 2 : i32
    %mul3A_37 = arith.muli %arg1, %mul3A : i32
    %add3A_38 = arith.addi %mul3A_37, %arg0 : i32
    %mul3A_39 = arith.constant 100 : i32
    %mul3A_40 = arith.muli %add3A_38, %mul3A_39 : i32
    %mul3A_41 = arith.constant 25600 : i32
    %mul3A_42 = arith.muli %add3A_38, %mul3A_41 : i32
    %run_scoped3A = arith.constant 0 : i32
    "tpu.region"() ({
      %run_scoped3A_101 = tpu.sem_alloc : memref<!tpu.dma_semaphore, #tpu.memory_space<semaphore_mem>>
      %dma_start3A_102 = arith.constant 0 : i32
      %dma_start3A_103 = tpu.memref_slice %arg6[%run_scoped3A, %dma_start3A_102] : memref<1x64xf32, #tpu.memory_space<hbm>> -> memref<1x64xf32, #tpu.memory_space<hbm>>
      %dma_start3A_104 = tpu.memref_squeeze %dma_start3A_103 : memref<1x64xf32, #tpu.memory_space<hbm>> -> memref<64xf32, #tpu.memory_space<hbm>>
      %dma_start3A_105 = arith.constant 0 : i32
      %dma_start3A_106 = tpu.memref_slice %arg6[%run_scoped3A, %dma_start3A_105] : memref<1x64xf32, #tpu.memory_space<hbm>> -> memref<1x64xf32, #tpu.memory_space<hbm>>
      %dma_start3A_107 = tpu.memref_squeeze %dma_start3A_106 : memref<1x64xf32, #tpu.memory_space<hbm>> -> memref<64xf32, #tpu.memory_space<hbm>>
      tpu.enqueue_dma source(%dma_start3A_107 : memref<64xf32, #tpu.memory_space<hbm>>) target(%arg16 : memref<64xf32, #tpu.memory_space<vmem>>) target_semaphore(%run_scoped3A_101 : memref<!tpu.dma_semaphore, #tpu.memory_space<semaphore_mem>>)
      %dma_wait3A_108 = arith.constant 0 : i32
      %dma_wait3A_109 = tpu.memref_slice %arg6[%run_scoped3A, %dma_wait3A_108] : memref<1x64xf32, #tpu.memory_space<hbm>> -> memref<1x64xf32, #tpu.memory_space<hbm>>
      %dma_wait3A_110 = tpu.memref_squeeze %dma_wait3A_109 : memref<1x64xf32, #tpu.memory_space<hbm>> -> memref<64xf32, #tpu.memory_space<hbm>>
      %dma_wait3A_111 = arith.constant 0 : i32
      %dma_wait3A_112 = tpu.memref_slice %arg6[%run_scoped3A, %dma_wait3A_111] : memref<1x64xf32, #tpu.memory_space<hbm>> -> memref<1x64xf32, #tpu.memory_space<hbm>>
      %dma_wait3A_113 = tpu.memref_squeeze %dma_wait3A_112 : memref<1x64xf32, #tpu.memory_space<hbm>> -> memref<64xf32, #tpu.memory_space<hbm>>
      tpu.wait_dma2 semaphore(%run_scoped3A_101 : memref<!tpu.dma_semaphore, #tpu.memory_space<semaphore_mem>>) src(%dma_wait3A_113 : memref<64xf32, #tpu.memory_space<hbm>>) dst(%arg16 : memref<64xf32, #tpu.memory_space<vmem>>)
      tpu.yield
    }) : () -> ()
    "tpu.region"() ({
      %run_scoped3A_101 = tpu.sem_alloc : memref<!tpu.dma_semaphore, #tpu.memory_space<semaphore_mem>>
      tpu.enqueue_dma source(%arg4 : memref<1860x32xi32, #tpu.memory_space<hbm>>) target(%arg14 : memref<1860x32xi32, #tpu.memory_space<vmem>>) target_semaphore(%run_scoped3A_101 : memref<!tpu.dma_semaphore, #tpu.memory_space<semaphore_mem>>)
      tpu.wait_dma2 semaphore(%run_scoped3A_101 : memref<!tpu.dma_semaphore, #tpu.memory_space<semaphore_mem>>) src(%arg4 : memref<1860x32xi32, #tpu.memory_space<hbm>>) dst(%arg14 : memref<1860x32xi32, #tpu.memory_space<vmem>>)
      tpu.yield
    }) : () -> ()
    "tpu.region"() ({
      %run_scoped3A_101 = tpu.sem_alloc : memref<!tpu.dma_semaphore, #tpu.memory_space<semaphore_mem>>
      tpu.enqueue_dma source(%arg5 : memref<25x32xi32, #tpu.memory_space<hbm>>) target(%arg15 : memref<25x32xi32, #tpu.memory_space<vmem>>) target_semaphore(%run_scoped3A_101 : memref<!tpu.dma_semaphore, #tpu.memory_space<semaphore_mem>>)
      tpu.wait_dma2 semaphore(%run_scoped3A_101 : memref<!tpu.dma_semaphore, #tpu.memory_space<semaphore_mem>>) src(%arg5 : memref<25x32xi32, #tpu.memory_space<hbm>>) dst(%arg15 : memref<25x32xi32, #tpu.memory_space<vmem>>)
      tpu.yield
    }) : () -> ()
    %add3A_43 = arith.constant 0 : i32
    %add3A_44 = arith.addi %mul3A_40, %add3A_43 : i32
    %dma_start3A = arith.constant 0 : i32
    %dma_start3A_45 = arith.constant 0 : i32
    %dma_start3A_46 = tpu.memref_slice %arg2[%add3A_44, %dma_start3A, %dma_start3A_45] : memref<3200x8x128xi32, #tpu.memory_space<hbm>> -> memref<1x8x128xi32, #tpu.memory_space<hbm>>
    %dma_start3A_47 = tpu.memref_squeeze %dma_start3A_46 : memref<1x8x128xi32, #tpu.memory_space<hbm>> -> memref<8x128xi32, #tpu.memory_space<hbm>>
    %dma_start3A_48 = arith.constant 0 : i32
    %dma_start3A_49 = arith.constant 0 : i32
    %dma_start3A_50 = tpu.memref_slice %arg2[%add3A_44, %dma_start3A_48, %dma_start3A_49] : memref<3200x8x128xi32, #tpu.memory_space<hbm>> -> memref<1x8x128xi32, #tpu.memory_space<hbm>>
    %dma_start3A_51 = tpu.memref_squeeze %dma_start3A_50 : memref<1x8x128xi32, #tpu.memory_space<hbm>> -> memref<8x128xi32, #tpu.memory_space<hbm>>
    tpu.enqueue_dma source(%dma_start3A_51 : memref<8x128xi32, #tpu.memory_space<hbm>>) target(%arg8 : memref<8x128xi32, #tpu.memory_space<vmem>>) target_semaphore(%arg17 : memref<!tpu.dma_semaphore, #tpu.memory_space<semaphore_mem>>)
    %add3A_52 = arith.constant 1 : i32
    %add3A_53 = arith.addi %mul3A_40, %add3A_52 : i32
    %dma_start3A_54 = arith.constant 0 : i32
    %dma_start3A_55 = arith.constant 0 : i32
    %dma_start3A_56 = tpu.memref_slice %arg2[%add3A_53, %dma_start3A_54, %dma_start3A_55] : memref<3200x8x128xi32, #tpu.memory_space<hbm>> -> memref<1x8x128xi32, #tpu.memory_space<hbm>>
    %dma_start3A_57 = tpu.memref_squeeze %dma_start3A_56 : memref<1x8x128xi32, #tpu.memory_space<hbm>> -> memref<8x128xi32, #tpu.memory_space<hbm>>
    %dma_start3A_58 = arith.constant 0 : i32
    %dma_start3A_59 = arith.constant 0 : i32
    %dma_start3A_60 = tpu.memref_slice %arg2[%add3A_53, %dma_start3A_58, %dma_start3A_59] : memref<3200x8x128xi32, #tpu.memory_space<hbm>> -> memref<1x8x128xi32, #tpu.memory_space<hbm>>
    %dma_start3A_61 = tpu.memref_squeeze %dma_start3A_60 : memref<1x8x128xi32, #tpu.memory_space<hbm>> -> memref<8x128xi32, #tpu.memory_space<hbm>>
    tpu.enqueue_dma source(%dma_start3A_61 : memref<8x128xi32, #tpu.memory_space<hbm>>) target(%arg9 : memref<8x128xi32, #tpu.memory_space<vmem>>) target_semaphore(%arg18 : memref<!tpu.dma_semaphore, #tpu.memory_space<semaphore_mem>>)
    %dma_wait3A = arith.constant 0 : i32
    %dma_wait3A_62 = arith.constant 0 : i32
    %dma_wait3A_63 = arith.constant 0 : i32
    %dma_wait3A_64 = tpu.memref_slice %arg2[%dma_wait3A, %dma_wait3A_62, %dma_wait3A_63] : memref<3200x8x128xi32, #tpu.memory_space<hbm>> -> memref<1x8x128xi32, #tpu.memory_space<hbm>>
    %dma_wait3A_65 = tpu.memref_squeeze %dma_wait3A_64 : memref<1x8x128xi32, #tpu.memory_space<hbm>> -> memref<8x128xi32, #tpu.memory_space<hbm>>
    %dma_wait3A_66 = arith.constant 0 : i32
    %dma_wait3A_67 = arith.constant 0 : i32
    %dma_wait3A_68 = tpu.memref_slice %arg2[%dma_wait3A, %dma_wait3A_66, %dma_wait3A_67] : memref<3200x8x128xi32, #tpu.memory_space<hbm>> -> memref<1x8x128xi32, #tpu.memory_space<hbm>>
    %dma_wait3A_69 = tpu.memref_squeeze %dma_wait3A_68 : memref<1x8x128xi32, #tpu.memory_space<hbm>> -> memref<8x128xi32, #tpu.memory_space<hbm>>
    tpu.wait_dma2 semaphore(%arg17 : memref<!tpu.dma_semaphore, #tpu.memory_space<semaphore_mem>>) src(%dma_wait3A_69 : memref<8x128xi32, #tpu.memory_space<hbm>>) dst(%arg8 : memref<8x128xi32, #tpu.memory_space<vmem>>)
    %dma_start3A_70 = arith.constant 0 : i32
    %dma_start3A_71 = arith.constant 0 : i32
    %dma_start3A_72 = arith.constant 0 : i32
    %dma_start3A_73 = tpu.memref_slice %arg10[%dma_start3A_71, %dma_start3A_72] : memref<256x32xi32, #tpu.memory_space<vmem>> -> memref<128x32xi32, #tpu.memory_space<vmem>>
    %dma_start3A_74 = arith.constant 0 : i32
    %dma_start3A_75 = tpu.memref_slice %arg8[%dma_start3A_70, %dma_start3A_74] : memref<8x128xi32, #tpu.memory_space<vmem>> -> memref<1x128xi32, #tpu.memory_space<vmem>>
    %dma_start3A_76 = tpu.memref_squeeze %dma_start3A_75 : memref<1x128xi32, #tpu.memory_space<vmem>> -> memref<128xi32, #tpu.memory_space<vmem>>
    %dma_start3A_77 = arith.constant 0 : i32
    %dma_start3A_78 = arith.constant 0 : i32
    %dma_start3A_79 = tpu.memref_slice %arg3[%dma_start3A_77, %dma_start3A_78] : memref<100001x32xi32, #tpu.memory_space<hbm>> -> memref<100001x32xi32, #tpu.memory_space<hbm>>
    tpu.enqueue_indirect_dma source(%dma_start3A_79 : memref<100001x32xi32, #tpu.memory_space<hbm>>) target(%dma_start3A_73 : memref<128x32xi32, #tpu.memory_space<vmem>>) offsets(%dma_start3A_76 : memref<128xi32, #tpu.memory_space<vmem>>) semaphore(%arg19 : memref<!tpu.dma_semaphore, #tpu.memory_space<semaphore_mem>>)
    %dma_start3A_80 = arith.constant 1 : i32
    %dma_start3A_81 = arith.constant 128 : i32
    %dma_start3A_82 = arith.constant 0 : i32
    %dma_start3A_83 = tpu.memref_slice %arg10[%dma_start3A_81, %dma_start3A_82] : memref<256x32xi32, #tpu.memory_space<vmem>> -> memref<128x32xi32, #tpu.memory_space<vmem>>
    %dma_start3A_84 = arith.constant 0 : i32
    %dma_start3A_85 = tpu.memref_slice %arg8[%dma_start3A_80, %dma_start3A_84] : memref<8x128xi32, #tpu.memory_space<vmem>> -> memref<1x128xi32, #tpu.memory_space<vmem>>
    %dma_start3A_86 = tpu.memref_squeeze %dma_start3A_85 : memref<1x128xi32, #tpu.memory_space<vmem>> -> memref<128xi32, #tpu.memory_space<vmem>>
    %dma_start3A_87 = arith.constant 0 : i32
    %dma_start3A_88 = arith.constant 0 : i32
    %dma_start3A_89 = tpu.memref_slice %arg3[%dma_start3A_87, %dma_start3A_88] : memref<100001x32xi32, #tpu.memory_space<hbm>> -> memref<100001x32xi32, #tpu.memory_space<hbm>>
    tpu.enqueue_indirect_dma source(%dma_start3A_89 : memref<100001x32xi32, #tpu.memory_space<hbm>>) target(%dma_start3A_83 : memref<128x32xi32, #tpu.memory_space<vmem>>) offsets(%dma_start3A_86 : memref<128xi32, #tpu.memory_space<vmem>>) semaphore(%arg19 : memref<!tpu.dma_semaphore, #tpu.memory_space<semaphore_mem>>)
    %scan3A = arith.constant 0 : i32
    %scan3A_90 = arith.constant 0 : i32
    %scan3A_91 = arith.constant 50 : i32
    %scan3A_92 = arith.addi %scan3A_90, %scan3A_91 : i32
    %scan3A_93 = arith.constant 1 : i32
    scf.for %scan3A_101 = %scan3A_90 to %scan3A_92 step %scan3A_93  : i32 {
      %mul3A_102 = arith.constant 2 : i32
      %mul3A_103 = arith.muli %mul3A_102, %scan3A_101 : i32
      %dma_wait3A_104 = arith.constant 0 : i32
      %dma_wait3A_105 = arith.constant 0 : i32
      %dma_wait3A_106 = tpu.memref_slice %arg10[%dma_wait3A_104, %dma_wait3A_105] : memref<256x32xi32, #tpu.memory_space<vmem>> -> memref<128x32xi32, #tpu.memory_space<vmem>>
      %dma_wait3A_107 = arith.constant 0 : i32
      %dma_wait3A_108 = arith.constant 0 : i32
      %dma_wait3A_109 = tpu.memref_slice %arg3[%dma_wait3A_107, %dma_wait3A_108] : memref<100001x32xi32, #tpu.memory_space<hbm>> -> memref<128x32xi32, #tpu.memory_space<hbm>>
      %dma_wait3A_110 = arith.constant 0 : i32
      %dma_wait3A_111 = arith.constant 0 : i32
      %dma_wait3A_112 = tpu.memref_slice %arg10[%dma_wait3A_110, %dma_wait3A_111] : memref<256x32xi32, #tpu.memory_space<vmem>> -> memref<128x32xi32, #tpu.memory_space<vmem>>
      %dma_wait3A_113 = arith.constant 0 : i32
      %dma_wait3A_114 = arith.constant 0 : i32
      %dma_wait3A_115 = tpu.memref_slice %arg3[%dma_wait3A_113, %dma_wait3A_114] : memref<100001x32xi32, #tpu.memory_space<hbm>> -> memref<128x32xi32, #tpu.memory_space<hbm>>
      tpu.wait_dma2 semaphore(%arg19 : memref<!tpu.dma_semaphore, #tpu.memory_space<semaphore_mem>>) src(%dma_wait3A_115 : memref<128x32xi32, #tpu.memory_space<hbm>>) dst(%dma_wait3A_112 : memref<128x32xi32, #tpu.memory_space<vmem>>)
      %dma_wait3A_116 = arith.constant 128 : i32
      %dma_wait3A_117 = arith.constant 0 : i32
      %dma_wait3A_118 = tpu.memref_slice %arg10[%dma_wait3A_116, %dma_wait3A_117] : memref<256x32xi32, #tpu.memory_space<vmem>> -> memref<128x32xi32, #tpu.memory_space<vmem>>
      %dma_wait3A_119 = arith.constant 0 : i32
      %dma_wait3A_120 = arith.constant 0 : i32
      %dma_wait3A_121 = tpu.memref_slice %arg3[%dma_wait3A_119, %dma_wait3A_120] : memref<100001x32xi32, #tpu.memory_space<hbm>> -> memref<128x32xi32, #tpu.memory_space<hbm>>
      %dma_wait3A_122 = arith.constant 128 : i32
      %dma_wait3A_123 = arith.constant 0 : i32
      %dma_wait3A_124 = tpu.memref_slice %arg10[%dma_wait3A_122, %dma_wait3A_123] : memref<256x32xi32, #tpu.memory_space<vmem>> -> memref<128x32xi32, #tpu.memory_space<vmem>>
      %dma_wait3A_125 = arith.constant 0 : i32
      %dma_wait3A_126 = arith.constant 0 : i32
      %dma_wait3A_127 = tpu.memref_slice %arg3[%dma_wait3A_125, %dma_wait3A_126] : memref<100001x32xi32, #tpu.memory_space<hbm>> -> memref<128x32xi32, #tpu.memory_space<hbm>>
      tpu.wait_dma2 semaphore(%arg19 : memref<!tpu.dma_semaphore, #tpu.memory_space<semaphore_mem>>) src(%dma_wait3A_127 : memref<128x32xi32, #tpu.memory_space<hbm>>) dst(%dma_wait3A_124 : memref<128x32xi32, #tpu.memory_space<vmem>>)
      %gt3A = arith.constant 0 : i32
      %gt3A_128 = arith.cmpi sgt, %scan3A_101, %gt3A : i32
      %convert_element_type3A = arith.extui %gt3A_128 : i1 to i32
      %cond3A = arith.constant 0 : i32
      %cond3A_129 = arith.cmpi ne, %convert_element_type3A, %cond3A : i32
      scf.if %cond3A_129 {
        %dma_wait3A_248 = arith.constant 0 : i32
        %dma_wait3A_249 = arith.constant 0 : i32
        %dma_wait3A_250 = tpu.memref_slice %arg7[%dma_wait3A_248, %dma_wait3A_249] : memref<819200x64xf32, #tpu.memory_space<hbm>> -> memref<256x64xf32, #tpu.memory_space<hbm>>
        %dma_wait3A_251 = arith.constant 0 : i32
        %dma_wait3A_252 = arith.constant 0 : i32
        %dma_wait3A_253 = tpu.memref_slice %arg7[%dma_wait3A_251, %dma_wait3A_252] : memref<819200x64xf32, #tpu.memory_space<hbm>> -> memref<256x64xf32, #tpu.memory_space<hbm>>
        tpu.wait_dma2 semaphore(%arg22 : memref<!tpu.dma_semaphore, #tpu.memory_space<semaphore_mem>>) src(%arg13 : memref<256x64xf32, #tpu.memory_space<vmem>>) dst(%dma_wait3A_253 : memref<256x64xf32, #tpu.memory_space<hbm>>)
      } else {
      }
      %dma_wait3A_130 = arith.constant 0 : i32
      %dma_wait3A_131 = arith.constant 0 : i32
      %dma_wait3A_132 = arith.constant 0 : i32
      %dma_wait3A_133 = tpu.memref_slice %arg2[%dma_wait3A_130, %dma_wait3A_131, %dma_wait3A_132] : memref<3200x8x128xi32, #tpu.memory_space<hbm>> -> memref<1x8x128xi32, #tpu.memory_space<hbm>>
      %dma_wait3A_134 = tpu.memref_squeeze %dma_wait3A_133 : memref<1x8x128xi32, #tpu.memory_space<hbm>> -> memref<8x128xi32, #tpu.memory_space<hbm>>
      %dma_wait3A_135 = arith.constant 0 : i32
      %dma_wait3A_136 = arith.constant 0 : i32
      %dma_wait3A_137 = tpu.memref_slice %arg2[%dma_wait3A_130, %dma_wait3A_135, %dma_wait3A_136] : memref<3200x8x128xi32, #tpu.memory_space<hbm>> -> memref<1x8x128xi32, #tpu.memory_space<hbm>>
      %dma_wait3A_138 = tpu.memref_squeeze %dma_wait3A_137 : memref<1x8x128xi32, #tpu.memory_space<hbm>> -> memref<8x128xi32, #tpu.memory_space<hbm>>
      tpu.wait_dma2 semaphore(%arg18 : memref<!tpu.dma_semaphore, #tpu.memory_space<semaphore_mem>>) src(%dma_wait3A_138 : memref<8x128xi32, #tpu.memory_space<hbm>>) dst(%arg9 : memref<8x128xi32, #tpu.memory_space<vmem>>)
      %add3A_139 = arith.constant 1 : i32
      %add3A_140 = arith.addi %mul3A_103, %add3A_139 : i32
      %dma_start3A_141 = arith.constant 0 : i32
      %dma_start3A_142 = arith.constant 0 : i32
      %dma_start3A_143 = arith.constant 0 : i32
      %dma_start3A_144 = tpu.memref_slice %arg11[%dma_start3A_142, %dma_start3A_143] : memref<256x32xi32, #tpu.memory_space<vmem>> -> memref<128x32xi32, #tpu.memory_space<vmem>>
      %dma_start3A_145 = arith.constant 0 : i32
      %dma_start3A_146 = tpu.memref_slice %arg9[%dma_start3A_141, %dma_start3A_145] : memref<8x128xi32, #tpu.memory_space<vmem>> -> memref<1x128xi32, #tpu.memory_space<vmem>>
      %dma_start3A_147 = tpu.memref_squeeze %dma_start3A_146 : memref<1x128xi32, #tpu.memory_space<vmem>> -> memref<128xi32, #tpu.memory_space<vmem>>
      %dma_start3A_148 = arith.constant 0 : i32
      %dma_start3A_149 = arith.constant 0 : i32
      %dma_start3A_150 = tpu.memref_slice %arg3[%dma_start3A_148, %dma_start3A_149] : memref<100001x32xi32, #tpu.memory_space<hbm>> -> memref<100001x32xi32, #tpu.memory_space<hbm>>
      tpu.enqueue_indirect_dma source(%dma_start3A_150 : memref<100001x32xi32, #tpu.memory_space<hbm>>) target(%dma_start3A_144 : memref<128x32xi32, #tpu.memory_space<vmem>>) offsets(%dma_start3A_147 : memref<128xi32, #tpu.memory_space<vmem>>) semaphore(%arg20 : memref<!tpu.dma_semaphore, #tpu.memory_space<semaphore_mem>>)
      %dma_start3A_151 = arith.constant 1 : i32
      %dma_start3A_152 = arith.constant 128 : i32
      %dma_start3A_153 = arith.constant 0 : i32
      %dma_start3A_154 = tpu.memref_slice %arg11[%dma_start3A_152, %dma_start3A_153] : memref<256x32xi32, #tpu.memory_space<vmem>> -> memref<128x32xi32, #tpu.memory_space<vmem>>
      %dma_start3A_155 = arith.constant 0 : i32
      %dma_start3A_156 = tpu.memref_slice %arg9[%dma_start3A_151, %dma_start3A_155] : memref<8x128xi32, #tpu.memory_space<vmem>> -> memref<1x128xi32, #tpu.memory_space<vmem>>
      %dma_start3A_157 = tpu.memref_squeeze %dma_start3A_156 : memref<1x128xi32, #tpu.memory_space<vmem>> -> memref<128xi32, #tpu.memory_space<vmem>>
      %dma_start3A_158 = arith.constant 0 : i32
      %dma_start3A_159 = arith.constant 0 : i32
      %dma_start3A_160 = tpu.memref_slice %arg3[%dma_start3A_158, %dma_start3A_159] : memref<100001x32xi32, #tpu.memory_space<hbm>> -> memref<100001x32xi32, #tpu.memory_space<hbm>>
      tpu.enqueue_indirect_dma source(%dma_start3A_160 : memref<100001x32xi32, #tpu.memory_space<hbm>>) target(%dma_start3A_154 : memref<128x32xi32, #tpu.memory_space<vmem>>) offsets(%dma_start3A_157 : memref<128xi32, #tpu.memory_space<vmem>>) semaphore(%arg20 : memref<!tpu.dma_semaphore, #tpu.memory_space<semaphore_mem>>)
      %get3A = arith.constant 0 : index
      %get3A_161 = tpu.vector_load %arg16[%get3A] {strides = array<i32>} : memref<64xf32, #tpu.memory_space<vmem>>, vector<16xf32>,
      %get3A_162 = arith.constant 16 : index
      %get3A_163 = tpu.vector_load %arg16[%get3A_162] {strides = array<i32>} : memref<64xf32, #tpu.memory_space<vmem>>, vector<16xf32>,
      %get3A_164 = arith.constant 32 : index
      %get3A_165 = tpu.vector_load %arg16[%get3A_164] {strides = array<i32>} : memref<64xf32, #tpu.memory_space<vmem>>, vector<16xf32>,
      %get3A_166 = arith.constant 48 : index
      %get3A_167 = tpu.vector_load %arg16[%get3A_166] {strides = array<i32>} : memref<64xf32, #tpu.memory_space<vmem>>, vector<16xf32>,
      %scan3A_168 = arith.constant 0 : i32
      %scan3A_169 = arith.constant 0 : i32
      %scan3A_170 = arith.constant 16 : i32
      %scan3A_171 = arith.addi %scan3A_169, %scan3A_170 : i32
      %scan3A_172 = arith.constant 1 : i32
      scf.for %scan3A_248 = %scan3A_169 to %scan3A_171 step %scan3A_172  : i32 {
        %jit3A = arith.constant 8 : i32
        %div3A = arith.divsi %scan3A_248, %jit3A : i32
        %sign3A = arith.constant 0 : i32
        %sign3A_249 = arith.cmpi sgt, %scan3A_248, %sign3A : i32
        %sign3A_250 = arith.extui %sign3A_249 : i1 to i32
        %sign3A_251 = arith.constant 0 : i32
        %sign3A_252 = arith.cmpi slt, %scan3A_248, %sign3A_251 : i32
        %sign3A_253 = arith.extui %sign3A_252 : i1 to i32
        %sign3A_254 = arith.subi %sign3A_250, %sign3A_253 : i32
        %sign3A_255 = arith.constant 0 : i32
        %sign3A_256 = arith.cmpi sgt, %jit3A, %sign3A_255 : i32
        %sign3A_257 = arith.extui %sign3A_256 : i1 to i32
        %sign3A_258 = arith.constant 0 : i32
        %sign3A_259 = arith.cmpi slt, %jit3A, %sign3A_258 : i32
        %sign3A_260 = arith.extui %sign3A_259 : i1 to i32
        %sign3A_261 = arith.subi %sign3A_257, %sign3A_260 : i32
        %ne3A = arith.cmpi ne, %sign3A_254, %sign3A_261 : i32
        %rem3A = arith.remsi %scan3A_248, %jit3A : i32
        %ne3A_262 = arith.constant 0 : i32
        %ne3A_263 = arith.cmpi ne, %rem3A, %ne3A_262 : i32
        %and3A = arith.andi %ne3A, %ne3A_263 : i1
        %sub3A = arith.constant 1 : i32
        %sub3A_264 = arith.subi %div3A, %sub3A : i32
        %select_n3A = arith.select %and3A, %sub3A_264, %div3A : i32
        %jit3A_265 = arith.constant 8 : i32
        %eq3A = arith.constant 0 : i32
        %eq3A_266 = arith.cmpi eq, %jit3A_265, %eq3A : i32
        %jit3A_267 = arith.constant 1 : i32
        %select_n3A_268 = arith.select %eq3A_266, %jit3A_267, %jit3A_265 : i32
        %rem3A_269 = arith.remsi %scan3A_248, %select_n3A_268 : i32
        %ne3A_270 = arith.constant 0 : i32
        %ne3A_271 = arith.cmpi ne, %rem3A_269, %ne3A_270 : i32
        %lt3A_272 = arith.constant 0 : i32
        %lt3A_273 = arith.cmpi slt, %rem3A_269, %lt3A_272 : i32
        %lt3A_274 = arith.constant 0 : i32
        %lt3A_275 = arith.cmpi slt, %select_n3A_268, %lt3A_274 : i32
        %ne3A_276 = arith.xori %lt3A_273, %lt3A_275 : i1
        %and3A_277 = arith.andi %ne3A_276, %ne3A_271 : i1
        %add3A_278 = arith.addi %rem3A_269, %select_n3A_268 : i32
        %select_n3A_279 = arith.select %and3A_277, %add3A_278, %rem3A_269 : i32
        %mul3A_280 = arith.constant 16 : i32
        %mul3A_281 = arith.muli %select_n3A_279, %mul3A_280 : i32
        %add3A_282 = arith.constant 2 : i32
        %add3A_283 = arith.addi %add3A_282, %select_n3A : i32
        %get3A_284 = arith.index_cast %add3A_283 : i32 to index
        %get3A_285 = arith.index_cast %mul3A_281 : i32 to index
        %get3A_286 = tpu.vector_load %arg8[%get3A_284, %get3A_285] {strides = array<i32>} : memref<8x128xi32, #tpu.memory_space<vmem>>, vector<16xi32>,
        %add3A_287 = arith.constant 4 : i32
        %add3A_288 = arith.addi %add3A_287, %select_n3A : i32
        %get3A_289 = arith.index_cast %add3A_288 : i32 to index
        %get3A_290 = arith.index_cast %mul3A_281 : i32 to index
        %get3A_291 = tpu.vector_load %arg8[%get3A_289, %get3A_290] {strides = array<i32>} : memref<8x128xi32, #tpu.memory_space<vmem>>, vector<16xi32>,
        %add3A_292 = arith.constant 6 : i32
        %add3A_293 = arith.addi %add3A_292, %select_n3A : i32
        %get3A_294 = arith.index_cast %add3A_293 : i32 to index
        %get3A_295 = arith.index_cast %mul3A_281 : i32 to index
        %get3A_296 = tpu.vector_load %arg8[%get3A_294, %get3A_295] {strides = array<i32>} : memref<8x128xi32, #tpu.memory_space<vmem>>, vector<16xi32>,
        %bitcast3A = vector.bitcast %get3A_296 : vector<16xi32> to vector<16xf32>
        %mul3A_297 = arith.constant 16 : i32
        %mul3A_298 = arith.muli %scan3A_248, %mul3A_297 : i32
        %add3A_299 = arith.constant 0 : i32
        %add3A_300 = arith.addi %mul3A_298, %add3A_299 : i32
        %lt3A_301 = arith.constant 0 : i32
        %lt3A_302 = vector.broadcast %lt3A_301 : i32 to vector<16xi32>
        %lt3A_303 = arith.cmpi slt, %broadcast_in_dim3A_0, %lt3A_302 : vector<16xi32>
        %add3A_304 = arith.constant 16 : i32
        %add3A_305 = vector.broadcast %add3A_304 : i32 to vector<16xi32>
        %add3A_306 = arith.addi %broadcast_in_dim3A_0, %add3A_305 : vector<16xi32>
        %select_n3A_307 = arith.select %lt3A_303, %add3A_306, %broadcast_in_dim3A_0 : vector<16xi1>, vector<16xi32>
        %broadcast_in_dim3A_308 = vector.shape_cast %select_n3A_307 : vector<16xi32> to vector<16x1xi32>
        %gather3A = vector.shape_cast %broadcast_in_dim3A_308 : vector<16x1xi32> to vector<16xi32>
        %gather3A_309 = tpu.dynamic_gather %get3A_286[%gather3A] in [0] : vector<16xi32>, vector<16xi32> -> vector<16xi32>
        %lt3A_310 = arith.constant 0 : i32
        %lt3A_311 = vector.broadcast %lt3A_310 : i32 to vector<16xi32>
        %lt3A_312 = arith.cmpi slt, %broadcast_in_dim3A_0, %lt3A_311 : vector<16xi32>
        %add3A_313 = arith.constant 16 : i32
        %add3A_314 = vector.broadcast %add3A_313 : i32 to vector<16xi32>
        %add3A_315 = arith.addi %broadcast_in_dim3A_0, %add3A_314 : vector<16xi32>
        %select_n3A_316 = arith.select %lt3A_312, %add3A_315, %broadcast_in_dim3A_0 : vector<16xi1>, vector<16xi32>
        %broadcast_in_dim3A_317 = vector.shape_cast %select_n3A_316 : vector<16xi32> to vector<16x1xi32>
        %gather3A_318 = vector.shape_cast %broadcast_in_dim3A_317 : vector<16x1xi32> to vector<16xi32>
        %gather3A_319 = tpu.dynamic_gather %get3A_291[%gather3A_318] in [0] : vector<16xi32>, vector<16xi32> -> vector<16xi32>
        %lt3A_320 = arith.constant 0 : i32
        %lt3A_321 = vector.broadcast %lt3A_320 : i32 to vector<16xi32>
        %lt3A_322 = arith.cmpi slt, %broadcast_in_dim3A_0, %lt3A_321 : vector<16xi32>
        %add3A_323 = arith.constant 16 : i32
        %add3A_324 = vector.broadcast %add3A_323 : i32 to vector<16xi32>
        %add3A_325 = arith.addi %broadcast_in_dim3A_0, %add3A_324 : vector<16xi32>
        %select_n3A_326 = arith.select %lt3A_322, %add3A_325, %broadcast_in_dim3A_0 : vector<16xi1>, vector<16xi32>
        %broadcast_in_dim3A_327 = vector.shape_cast %select_n3A_326 : vector<16xi32> to vector<16x1xi32>
        %gather3A_328 = vector.shape_cast %broadcast_in_dim3A_327 : vector<16x1xi32> to vector<16xi32>
        %gather3A_329 = tpu.dynamic_gather %bitcast3A[%gather3A_328] in [0] : vector<16xf32>, vector<16xi32> -> vector<16xf32>
        %gather3A_330 = tpu.vector_load_idx %arg14[%gather3A_309, %add3A_32] : memref<1860x32xi32, #tpu.memory_space<vmem>>[vector<16xi32>, vector<16xi32>], vector<16xi32>,
        %bitcast3A_331 = vector.bitcast %gather3A_330 : vector<16xi32> to vector<32xbf16>
        %unpack3A = tpu.unpack_subelements %bitcast3A_331, 0 {pack_format = #tpu.pack_format<interleaved>} : vector<32xbf16> -> vector<16xf32>
        %unpack3A_332 = tpu.unpack_subelements %bitcast3A_331, 1 {pack_format = #tpu.pack_format<interleaved>} : vector<32xbf16> -> vector<16xf32>
        %gather3A_333 = tpu.vector_load_idx %arg14[%gather3A_309, %add3A_36] : memref<1860x32xi32, #tpu.memory_space<vmem>>[vector<16xi32>, vector<16xi32>], vector<16xi32>,
        %bitcast3A_334 = vector.bitcast %gather3A_333 : vector<16xi32> to vector<32xbf16>
        %unpack3A_335 = tpu.unpack_subelements %bitcast3A_334, 0 {pack_format = #tpu.pack_format<interleaved>} : vector<32xbf16> -> vector<16xf32>
        %unpack3A_336 = tpu.unpack_subelements %bitcast3A_334, 1 {pack_format = #tpu.pack_format<interleaved>} : vector<32xbf16> -> vector<16xf32>
        %gather3A_337 = tpu.vector_load_idx %arg15[%gather3A_319, %add3A_32] : memref<25x32xi32, #tpu.memory_space<vmem>>[vector<16xi32>, vector<16xi32>], vector<16xi32>,
        %bitcast3A_338 = vector.bitcast %gather3A_337 : vector<16xi32> to vector<32xbf16>
        %unpack3A_339 = tpu.unpack_subelements %bitcast3A_338, 0 {pack_format = #tpu.pack_format<interleaved>} : vector<32xbf16> -> vector<16xf32>
        %unpack3A_340 = tpu.unpack_subelements %bitcast3A_338, 1 {pack_format = #tpu.pack_format<interleaved>} : vector<32xbf16> -> vector<16xf32>
        %gather3A_341 = tpu.vector_load_idx %arg15[%gather3A_319, %add3A_36] : memref<25x32xi32, #tpu.memory_space<vmem>>[vector<16xi32>, vector<16xi32>], vector<16xi32>,
        %bitcast3A_342 = vector.bitcast %gather3A_341 : vector<16xi32> to vector<32xbf16>
        %unpack3A_343 = tpu.unpack_subelements %bitcast3A_342, 0 {pack_format = #tpu.pack_format<interleaved>} : vector<32xbf16> -> vector<16xf32>
        %unpack3A_344 = tpu.unpack_subelements %bitcast3A_342, 1 {pack_format = #tpu.pack_format<interleaved>} : vector<32xbf16> -> vector<16xf32>
        %get3A_345 = arith.index_cast %add3A_300 : i32 to index
        %get3A_346 = arith.constant 0 : index
        %get3A_347 = tpu.vector_load %arg10[%get3A_345, %get3A_346] {strides = array<i32>} : memref<256x32xi32, #tpu.memory_space<vmem>>, vector<16xi32>,
        %bitcast3A_348 = vector.bitcast %get3A_347 : vector<16xi32> to vector<32xbf16>
        %unpack3A_349 = tpu.unpack_subelements %bitcast3A_348, 0 {pack_format = #tpu.pack_format<interleaved>} : vector<32xbf16> -> vector<16xf32>
        %unpack3A_350 = tpu.unpack_subelements %bitcast3A_348, 1 {pack_format = #tpu.pack_format<interleaved>} : vector<32xbf16> -> vector<16xf32>
        %get3A_351 = arith.index_cast %add3A_300 : i32 to index
        %get3A_352 = arith.constant 16 : index
        %get3A_353 = tpu.vector_load %arg10[%get3A_351, %get3A_352] {strides = array<i32>} : memref<256x32xi32, #tpu.memory_space<vmem>>, vector<16xi32>,
        %bitcast3A_354 = vector.bitcast %get3A_353 : vector<16xi32> to vector<32xbf16>
        %unpack3A_355 = tpu.unpack_subelements %bitcast3A_354, 0 {pack_format = #tpu.pack_format<interleaved>} : vector<32xbf16> -> vector<16xf32>
        %unpack3A_356 = tpu.unpack_subelements %bitcast3A_354, 1 {pack_format = #tpu.pack_format<interleaved>} : vector<32xbf16> -> vector<16xf32>
        %add3A_357 = arith.addf %unpack3A_349, %unpack3A : vector<16xf32>
        %add3A_358 = arith.addf %add3A_357, %unpack3A_339 : vector<16xf32>
        %mul3A_359 = arith.mulf %gather3A_329, %get3A_161 : vector<16xf32>
        %add3A_360 = arith.addf %add3A_358, %mul3A_359 : vector<16xf32>
        %swap3A = arith.index_cast %add3A_300 : i32 to index
        %swap3A_361 = arith.constant 0 : index
        %swap3A_362 = tpu.vector_load %arg12[%swap3A, %swap3A_361] {strides = array<i32>} : memref<256x64xf32, #tpu.memory_space<vmem>>, vector<16xf32>,
        tpu.vector_store %arg12[%swap3A, %swap3A_361], %add3A_360 {strides = array<i32>} : memref<256x64xf32, #tpu.memory_space<vmem>>, vector<16xf32>,
        %add3A_363 = arith.addf %unpack3A_350, %unpack3A_332 : vector<16xf32>
        %add3A_364 = arith.addf %add3A_363, %unpack3A_340 : vector<16xf32>
        %mul3A_365 = arith.mulf %gather3A_329, %get3A_163 : vector<16xf32>
        %add3A_366 = arith.addf %add3A_364, %mul3A_365 : vector<16xf32>
        %swap3A_367 = arith.index_cast %add3A_300 : i32 to index
        %swap3A_368 = arith.constant 16 : index
        %swap3A_369 = tpu.vector_load %arg12[%swap3A_367, %swap3A_368] {strides = array<i32>} : memref<256x64xf32, #tpu.memory_space<vmem>>, vector<16xf32>,
        tpu.vector_store %arg12[%swap3A_367, %swap3A_368], %add3A_366 {strides = array<i32>} : memref<256x64xf32, #tpu.memory_space<vmem>>, vector<16xf32>,
        %add3A_370 = arith.addf %unpack3A_355, %unpack3A_335 : vector<16xf32>
        %add3A_371 = arith.addf %add3A_370, %unpack3A_343 : vector<16xf32>
        %mul3A_372 = arith.mulf %gather3A_329, %get3A_165 : vector<16xf32>
        %add3A_373 = arith.addf %add3A_371, %mul3A_372 : vector<16xf32>
        %swap3A_374 = arith.index_cast %add3A_300 : i32 to index
        %swap3A_375 = arith.constant 32 : index
        %swap3A_376 = tpu.vector_load %arg12[%swap3A_374, %swap3A_375] {strides = array<i32>} : memref<256x64xf32, #tpu.memory_space<vmem>>, vector<16xf32>,
        tpu.vector_store %arg12[%swap3A_374, %swap3A_375], %add3A_373 {strides = array<i32>} : memref<256x64xf32, #tpu.memory_space<vmem>>, vector<16xf32>,
        %add3A_377 = arith.addf %unpack3A_356, %unpack3A_336 : vector<16xf32>
        %add3A_378 = arith.addf %add3A_377, %unpack3A_344 : vector<16xf32>
        %mul3A_379 = arith.mulf %gather3A_329, %get3A_167 : vector<16xf32>
        %add3A_380 = arith.addf %add3A_378, %mul3A_379 : vector<16xf32>
        %swap3A_381 = arith.index_cast %add3A_300 : i32 to index
        %swap3A_382 = arith.constant 48 : index
        %swap3A_383 = tpu.vector_load %arg12[%swap3A_381, %swap3A_382] {strides = array<i32>} : memref<256x64xf32, #tpu.memory_space<vmem>>, vector<16xf32>,
        tpu.vector_store %arg12[%swap3A_381, %swap3A_382], %add3A_380 {strides = array<i32>} : memref<256x64xf32, #tpu.memory_space<vmem>>, vector<16xf32>,
        %mul3A_384 = arith.constant 16 : i32
        %mul3A_385 = arith.muli %scan3A_248, %mul3A_384 : i32
        %add3A_386 = arith.constant 1 : i32
        %add3A_387 = arith.addi %mul3A_385, %add3A_386 : i32
        %lt3A_388 = arith.constant 0 : i32
        %lt3A_389 = vector.broadcast %lt3A_388 : i32 to vector<16xi32>
        %lt3A_390 = arith.cmpi slt, %broadcast_in_dim3A_2, %lt3A_389 : vector<16xi32>
        %add3A_391 = arith.constant 16 : i32
        %add3A_392 = vector.broadcast %add3A_391 : i32 to vector<16xi32>
        %add3A_393 = arith.addi %broadcast_in_dim3A_2, %add3A_392 : vector<16xi32>
        %select_n3A_394 = arith.select %lt3A_390, %add3A_393, %broadcast_in_dim3A_2 : vector<16xi1>, vector<16xi32>
        %broadcast_in_dim3A_395 = vector.shape_cast %select_n3A_394 : vector<16xi32> to vector<16x1xi32>
        %gather3A_396 = vector.shape_cast %broadcast_in_dim3A_395 : vector<16x1xi32> to vector<16xi32>
        %gather3A_397 = tpu.dynamic_gather %get3A_286[%gather3A_396] in [0] : vector<16xi32>, vector<16xi32> -> vector<16xi32>
        %lt3A_398 = arith.constant 0 : i32
        %lt3A_399 = vector.broadcast %lt3A_398 : i32 to vector<16xi32>
        %lt3A_400 = arith.cmpi slt, %broadcast_in_dim3A_2, %lt3A_399 : vector<16xi32>
        %add3A_401 = arith.constant 16 : i32
        %add3A_402 = vector.broadcast %add3A_401 : i32 to vector<16xi32>
        %add3A_403 = arith.addi %broadcast_in_dim3A_2, %add3A_402 : vector<16xi32>
        %select_n3A_404 = arith.select %lt3A_400, %add3A_403, %broadcast_in_dim3A_2 : vector<16xi1>, vector<16xi32>
        %broadcast_in_dim3A_405 = vector.shape_cast %select_n3A_404 : vector<16xi32> to vector<16x1xi32>
        %gather3A_406 = vector.shape_cast %broadcast_in_dim3A_405 : vector<16x1xi32> to vector<16xi32>
        %gather3A_407 = tpu.dynamic_gather %get3A_291[%gather3A_406] in [0] : vector<16xi32>, vector<16xi32> -> vector<16xi32>
        %lt3A_408 = arith.constant 0 : i32
        %lt3A_409 = vector.broadcast %lt3A_408 : i32 to vector<16xi32>
        %lt3A_410 = arith.cmpi slt, %broadcast_in_dim3A_2, %lt3A_409 : vector<16xi32>
        %add3A_411 = arith.constant 16 : i32
        %add3A_412 = vector.broadcast %add3A_411 : i32 to vector<16xi32>
        %add3A_413 = arith.addi %broadcast_in_dim3A_2, %add3A_412 : vector<16xi32>
        %select_n3A_414 = arith.select %lt3A_410, %add3A_413, %broadcast_in_dim3A_2 : vector<16xi1>, vector<16xi32>
        %broadcast_in_dim3A_415 = vector.shape_cast %select_n3A_414 : vector<16xi32> to vector<16x1xi32>
        %gather3A_416 = vector.shape_cast %broadcast_in_dim3A_415 : vector<16x1xi32> to vector<16xi32>
        %gather3A_417 = tpu.dynamic_gather %bitcast3A[%gather3A_416] in [0] : vector<16xf32>, vector<16xi32> -> vector<16xf32>
        %gather3A_418 = tpu.vector_load_idx %arg14[%gather3A_397, %add3A_32] : memref<1860x32xi32, #tpu.memory_space<vmem>>[vector<16xi32>, vector<16xi32>], vector<16xi32>,
        %bitcast3A_419 = vector.bitcast %gather3A_418 : vector<16xi32> to vector<32xbf16>
        %unpack3A_420 = tpu.unpack_subelements %bitcast3A_419, 0 {pack_format = #tpu.pack_format<interleaved>} : vector<32xbf16> -> vector<16xf32>
        %unpack3A_421 = tpu.unpack_subelements %bitcast3A_419, 1 {pack_format = #tpu.pack_format<interleaved>} : vector<32xbf16> -> vector<16xf32>
        %gather3A_422 = tpu.vector_load_idx %arg14[%gather3A_397, %add3A_36] : memref<1860x32xi32, #tpu.memory_space<vmem>>[vector<16xi32>, vector<16xi32>], vector<16xi32>,
        %bitcast3A_423 = vector.bitcast %gather3A_422 : vector<16xi32> to vector<32xbf16>
        %unpack3A_424 = tpu.unpack_subelements %bitcast3A_423, 0 {pack_format = #tpu.pack_format<interleaved>} : vector<32xbf16> -> vector<16xf32>
        %unpack3A_425 = tpu.unpack_subelements %bitcast3A_423, 1 {pack_format = #tpu.pack_format<interleaved>} : vector<32xbf16> -> vector<16xf32>
        %gather3A_426 = tpu.vector_load_idx %arg15[%gather3A_407, %add3A_32] : memref<25x32xi32, #tpu.memory_space<vmem>>[vector<16xi32>, vector<16xi32>], vector<16xi32>,
        %bitcast3A_427 = vector.bitcast %gather3A_426 : vector<16xi32> to vector<32xbf16>
        %unpack3A_428 = tpu.unpack_subelements %bitcast3A_427, 0 {pack_format = #tpu.pack_format<interleaved>} : vector<32xbf16> -> vector<16xf32>
        %unpack3A_429 = tpu.unpack_subelements %bitcast3A_427, 1 {pack_format = #tpu.pack_format<interleaved>} : vector<32xbf16> -> vector<16xf32>
        %gather3A_430 = tpu.vector_load_idx %arg15[%gather3A_407, %add3A_36] : memref<25x32xi32, #tpu.memory_space<vmem>>[vector<16xi32>, vector<16xi32>], vector<16xi32>,
        %bitcast3A_431 = vector.bitcast %gather3A_430 : vector<16xi32> to vector<32xbf16>
        %unpack3A_432 = tpu.unpack_subelements %bitcast3A_431, 0 {pack_format = #tpu.pack_format<interleaved>} : vector<32xbf16> -> vector<16xf32>
        %unpack3A_433 = tpu.unpack_subelements %bitcast3A_431, 1 {pack_format = #tpu.pack_format<interleaved>} : vector<32xbf16> -> vector<16xf32>
        %get3A_434 = arith.index_cast %add3A_387 : i32 to index
        %get3A_435 = arith.constant 0 : index
        %get3A_436 = tpu.vector_load %arg10[%get3A_434, %get3A_435] {strides = array<i32>} : memref<256x32xi32, #tpu.memory_space<vmem>>, vector<16xi32>,
        %bitcast3A_437 = vector.bitcast %get3A_436 : vector<16xi32> to vector<32xbf16>
        %unpack3A_438 = tpu.unpack_subelements %bitcast3A_437, 0 {pack_format = #tpu.pack_format<interleaved>} : vector<32xbf16> -> vector<16xf32>
        %unpack3A_439 = tpu.unpack_subelements %bitcast3A_437, 1 {pack_format = #tpu.pack_format<interleaved>} : vector<32xbf16> -> vector<16xf32>
        %get3A_440 = arith.index_cast %add3A_387 : i32 to index
        %get3A_441 = arith.constant 16 : index
        %get3A_442 = tpu.vector_load %arg10[%get3A_440, %get3A_441] {strides = array<i32>} : memref<256x32xi32, #tpu.memory_space<vmem>>, vector<16xi32>,
        %bitcast3A_443 = vector.bitcast %get3A_442 : vector<16xi32> to vector<32xbf16>
        %unpack3A_444 = tpu.unpack_subelements %bitcast3A_443, 0 {pack_format = #tpu.pack_format<interleaved>} : vector<32xbf16> -> vector<16xf32>
        %unpack3A_445 = tpu.unpack_subelements %bitcast3A_443, 1 {pack_format = #tpu.pack_format<interleaved>} : vector<32xbf16> -> vector<16xf32>
        %add3A_446 = arith.addf %unpack3A_438, %unpack3A_420 : vector<16xf32>
        %add3A_447 = arith.addf %add3A_446, %unpack3A_428 : vector<16xf32>
        %mul3A_448 = arith.mulf %gather3A_417, %get3A_161 : vector<16xf32>
        %add3A_449 = arith.addf %add3A_447, %mul3A_448 : vector<16xf32>
        %swap3A_450 = arith.index_cast %add3A_387 : i32 to index
        %swap3A_451 = arith.constant 0 : index
        %swap3A_452 = tpu.vector_load %arg12[%swap3A_450, %swap3A_451] {strides = array<i32>} : memref<256x64xf32, #tpu.memory_space<vmem>>, vector<16xf32>,
        tpu.vector_store %arg12[%swap3A_450, %swap3A_451], %add3A_449 {strides = array<i32>} : memref<256x64xf32, #tpu.memory_space<vmem>>, vector<16xf32>,
        %add3A_453 = arith.addf %unpack3A_439, %unpack3A_421 : vector<16xf32>
        %add3A_454 = arith.addf %add3A_453, %unpack3A_429 : vector<16xf32>
        %mul3A_455 = arith.mulf %gather3A_417, %get3A_163 : vector<16xf32>
        %add3A_456 = arith.addf %add3A_454, %mul3A_455 : vector<16xf32>
        %swap3A_457 = arith.index_cast %add3A_387 : i32 to index
        %swap3A_458 = arith.constant 16 : index
        %swap3A_459 = tpu.vector_load %arg12[%swap3A_457, %swap3A_458] {strides = array<i32>} : memref<256x64xf32, #tpu.memory_space<vmem>>, vector<16xf32>,
        tpu.vector_store %arg12[%swap3A_457, %swap3A_458], %add3A_456 {strides = array<i32>} : memref<256x64xf32, #tpu.memory_space<vmem>>, vector<16xf32>,
        %add3A_460 = arith.addf %unpack3A_444, %unpack3A_424 : vector<16xf32>
        %add3A_461 = arith.addf %add3A_460, %unpack3A_432 : vector<16xf32>
        %mul3A_462 = arith.mulf %gather3A_417, %get3A_165 : vector<16xf32>
        %add3A_463 = arith.addf %add3A_461, %mul3A_462 : vector<16xf32>
        %swap3A_464 = arith.index_cast %add3A_387 : i32 to index
        %swap3A_465 = arith.constant 32 : index
        %swap3A_466 = tpu.vector_load %arg12[%swap3A_464, %swap3A_465] {strides = array<i32>} : memref<256x64xf32, #tpu.memory_space<vmem>>, vector<16xf32>,
        tpu.vector_store %arg12[%swap3A_464, %swap3A_465], %add3A_463 {strides = array<i32>} : memref<256x64xf32, #tpu.memory_space<vmem>>, vector<16xf32>,
        %add3A_467 = arith.addf %unpack3A_445, %unpack3A_425 : vector<16xf32>
        %add3A_468 = arith.addf %add3A_467, %unpack3A_433 : vector<16xf32>
        %mul3A_469 = arith.mulf %gather3A_417, %get3A_167 : vector<16xf32>
        %add3A_470 = arith.addf %add3A_468, %mul3A_469 : vector<16xf32>
        %swap3A_471 = arith.index_cast %add3A_387 : i32 to index
        %swap3A_472 = arith.constant 48 : index
        %swap3A_473 = tpu.vector_load %arg12[%swap3A_471, %swap3A_472] {strides = array<i32>} : memref<256x64xf32, #tpu.memory_space<vmem>>, vector<16xf32>,
        tpu.vector_store %arg12[%swap3A_471, %swap3A_472], %add3A_470 {strides = array<i32>} : memref<256x64xf32, #tpu.memory_space<vmem>>, vector<16xf32>,
        %mul3A_474 = arith.constant 16 : i32
        %mul3A_475 = arith.muli %scan3A_248, %mul3A_474 : i32
        %add3A_476 = arith.constant 2 : i32
        %add3A_477 = arith.addi %mul3A_475, %add3A_476 : i32
        %lt3A_478 = arith.constant 0 : i32
        %lt3A_479 = vector.broadcast %lt3A_478 : i32 to vector<16xi32>
        %lt3A_480 = arith.cmpi slt, %broadcast_in_dim3A_4, %lt3A_479 : vector<16xi32>
        %add3A_481 = arith.constant 16 : i32
        %add3A_482 = vector.broadcast %add3A_481 : i32 to vector<16xi32>
        %add3A_483 = arith.addi %broadcast_in_dim3A_4, %add3A_482 : vector<16xi32>
        %select_n3A_484 = arith.select %lt3A_480, %add3A_483, %broadcast_in_dim3A_4 : vector<16xi1>, vector<16xi32>
        %broadcast_in_dim3A_485 = vector.shape_cast %select_n3A_484 : vector<16xi32> to vector<16x1xi32>
        %gather3A_486 = vector.shape_cast %broadcast_in_dim3A_485 : vector<16x1xi32> to vector<16xi32>
        %gather3A_487 = tpu.dynamic_gather %get3A_286[%gather3A_486] in [0] : vector<16xi32>, vector<16xi32> -> vector<16xi32>
        %lt3A_488 = arith.constant 0 : i32
        %lt3A_489 = vector.broadcast %lt3A_488 : i32 to vector<16xi32>
        %lt3A_490 = arith.cmpi slt, %broadcast_in_dim3A_4, %lt3A_489 : vector<16xi32>
        %add3A_491 = arith.constant 16 : i32
        %add3A_492 = vector.broadcast %add3A_491 : i32 to vector<16xi32>
        %add3A_493 = arith.addi %broadcast_in_dim3A_4, %add3A_492 : vector<16xi32>
        %select_n3A_494 = arith.select %lt3A_490, %add3A_493, %broadcast_in_dim3A_4 : vector<16xi1>, vector<16xi32>
        %broadcast_in_dim3A_495 = vector.shape_cast %select_n3A_494 : vector<16xi32> to vector<16x1xi32>
        %gather3A_496 = vector.shape_cast %broadcast_in_dim3A_495 : vector<16x1xi32> to vector<16xi32>
        %gather3A_497 = tpu.dynamic_gather %get3A_291[%gather3A_496] in [0] : vector<16xi32>, vector<16xi32> -> vector<16xi32>
        %lt3A_498 = arith.constant 0 : i32
        %lt3A_499 = vector.broadcast %lt3A_498 : i32 to vector<16xi32>
        %lt3A_500 = arith.cmpi slt, %broadcast_in_dim3A_4, %lt3A_499 : vector<16xi32>
        %add3A_501 = arith.constant 16 : i32
        %add3A_502 = vector.broadcast %add3A_501 : i32 to vector<16xi32>
        %add3A_503 = arith.addi %broadcast_in_dim3A_4, %add3A_502 : vector<16xi32>
        %select_n3A_504 = arith.select %lt3A_500, %add3A_503, %broadcast_in_dim3A_4 : vector<16xi1>, vector<16xi32>
        %broadcast_in_dim3A_505 = vector.shape_cast %select_n3A_504 : vector<16xi32> to vector<16x1xi32>
        %gather3A_506 = vector.shape_cast %broadcast_in_dim3A_505 : vector<16x1xi32> to vector<16xi32>
        %gather3A_507 = tpu.dynamic_gather %bitcast3A[%gather3A_506] in [0] : vector<16xf32>, vector<16xi32> -> vector<16xf32>
        %gather3A_508 = tpu.vector_load_idx %arg14[%gather3A_487, %add3A_32] : memref<1860x32xi32, #tpu.memory_space<vmem>>[vector<16xi32>, vector<16xi32>], vector<16xi32>,
        %bitcast3A_509 = vector.bitcast %gather3A_508 : vector<16xi32> to vector<32xbf16>
        %unpack3A_510 = tpu.unpack_subelements %bitcast3A_509, 0 {pack_format = #tpu.pack_format<interleaved>} : vector<32xbf16> -> vector<16xf32>
        %unpack3A_511 = tpu.unpack_subelements %bitcast3A_509, 1 {pack_format = #tpu.pack_format<interleaved>} : vector<32xbf16> -> vector<16xf32>
        %gather3A_512 = tpu.vector_load_idx %arg14[%gather3A_487, %add3A_36] : memref<1860x32xi32, #tpu.memory_space<vmem>>[vector<16xi32>, vector<16xi32>], vector<16xi32>,
        %bitcast3A_513 = vector.bitcast %gather3A_512 : vector<16xi32> to vector<32xbf16>
        %unpack3A_514 = tpu.unpack_subelements %bitcast3A_513, 0 {pack_format = #tpu.pack_format<interleaved>} : vector<32xbf16> -> vector<16xf32>
        %unpack3A_515 = tpu.unpack_subelements %bitcast3A_513, 1 {pack_format = #tpu.pack_format<interleaved>} : vector<32xbf16> -> vector<16xf32>
        %gather3A_516 = tpu.vector_load_idx %arg15[%gather3A_497, %add3A_32] : memref<25x32xi32, #tpu.memory_space<vmem>>[vector<16xi32>, vector<16xi32>], vector<16xi32>,
        %bitcast3A_517 = vector.bitcast %gather3A_516 : vector<16xi32> to vector<32xbf16>
        %unpack3A_518 = tpu.unpack_subelements %bitcast3A_517, 0 {pack_format = #tpu.pack_format<interleaved>} : vector<32xbf16> -> vector<16xf32>
        %unpack3A_519 = tpu.unpack_subelements %bitcast3A_517, 1 {pack_format = #tpu.pack_format<interleaved>} : vector<32xbf16> -> vector<16xf32>
        %gather3A_520 = tpu.vector_load_idx %arg15[%gather3A_497, %add3A_36] : memref<25x32xi32, #tpu.memory_space<vmem>>[vector<16xi32>, vector<16xi32>], vector<16xi32>,
        %bitcast3A_521 = vector.bitcast %gather3A_520 : vector<16xi32> to vector<32xbf16>
        %unpack3A_522 = tpu.unpack_subelements %bitcast3A_521, 0 {pack_format = #tpu.pack_format<interleaved>} : vector<32xbf16> -> vector<16xf32>
        %unpack3A_523 = tpu.unpack_subelements %bitcast3A_521, 1 {pack_format = #tpu.pack_format<interleaved>} : vector<32xbf16> -> vector<16xf32>
        %get3A_524 = arith.index_cast %add3A_477 : i32 to index
        %get3A_525 = arith.constant 0 : index
        %get3A_526 = tpu.vector_load %arg10[%get3A_524, %get3A_525] {strides = array<i32>} : memref<256x32xi32, #tpu.memory_space<vmem>>, vector<16xi32>,
        %bitcast3A_527 = vector.bitcast %get3A_526 : vector<16xi32> to vector<32xbf16>
        %unpack3A_528 = tpu.unpack_subelements %bitcast3A_527, 0 {pack_format = #tpu.pack_format<interleaved>} : vector<32xbf16> -> vector<16xf32>
        %unpack3A_529 = tpu.unpack_subelements %bitcast3A_527, 1 {pack_format = #tpu.pack_format<interleaved>} : vector<32xbf16> -> vector<16xf32>
        %get3A_530 = arith.index_cast %add3A_477 : i32 to index
        %get3A_531 = arith.constant 16 : index
        %get3A_532 = tpu.vector_load %arg10[%get3A_530, %get3A_531] {strides = array<i32>} : memref<256x32xi32, #tpu.memory_space<vmem>>, vector<16xi32>,
        %bitcast3A_533 = vector.bitcast %get3A_532 : vector<16xi32> to vector<32xbf16>
        %unpack3A_534 = tpu.unpack_subelements %bitcast3A_533, 0 {pack_format = #tpu.pack_format<interleaved>} : vector<32xbf16> -> vector<16xf32>
        %unpack3A_535 = tpu.unpack_subelements %bitcast3A_533, 1 {pack_format = #tpu.pack_format<interleaved>} : vector<32xbf16> -> vector<16xf32>
        %add3A_536 = arith.addf %unpack3A_528, %unpack3A_510 : vector<16xf32>
        %add3A_537 = arith.addf %add3A_536, %unpack3A_518 : vector<16xf32>
        %mul3A_538 = arith.mulf %gather3A_507, %get3A_161 : vector<16xf32>
        %add3A_539 = arith.addf %add3A_537, %mul3A_538 : vector<16xf32>
        %swap3A_540 = arith.index_cast %add3A_477 : i32 to index
        %swap3A_541 = arith.constant 0 : index
        %swap3A_542 = tpu.vector_load %arg12[%swap3A_540, %swap3A_541] {strides = array<i32>} : memref<256x64xf32, #tpu.memory_space<vmem>>, vector<16xf32>,
        tpu.vector_store %arg12[%swap3A_540, %swap3A_541], %add3A_539 {strides = array<i32>} : memref<256x64xf32, #tpu.memory_space<vmem>>, vector<16xf32>,
        %add3A_543 = arith.addf %unpack3A_529, %unpack3A_511 : vector<16xf32>
        %add3A_544 = arith.addf %add3A_543, %unpack3A_519 : vector<16xf32>
        %mul3A_545 = arith.mulf %gather3A_507, %get3A_163 : vector<16xf32>
        %add3A_546 = arith.addf %add3A_544, %mul3A_545 : vector<16xf32>
        %swap3A_547 = arith.index_cast %add3A_477 : i32 to index
        %swap3A_548 = arith.constant 16 : index
        %swap3A_549 = tpu.vector_load %arg12[%swap3A_547, %swap3A_548] {strides = array<i32>} : memref<256x64xf32, #tpu.memory_space<vmem>>, vector<16xf32>,
        tpu.vector_store %arg12[%swap3A_547, %swap3A_548], %add3A_546 {strides = array<i32>} : memref<256x64xf32, #tpu.memory_space<vmem>>, vector<16xf32>,
        %add3A_550 = arith.addf %unpack3A_534, %unpack3A_514 : vector<16xf32>
        %add3A_551 = arith.addf %add3A_550, %unpack3A_522 : vector<16xf32>
        %mul3A_552 = arith.mulf %gather3A_507, %get3A_165 : vector<16xf32>
        %add3A_553 = arith.addf %add3A_551, %mul3A_552 : vector<16xf32>
        %swap3A_554 = arith.index_cast %add3A_477 : i32 to index
        %swap3A_555 = arith.constant 32 : index
        %swap3A_556 = tpu.vector_load %arg12[%swap3A_554, %swap3A_555] {strides = array<i32>} : memref<256x64xf32, #tpu.memory_space<vmem>>, vector<16xf32>,
        tpu.vector_store %arg12[%swap3A_554, %swap3A_555], %add3A_553 {strides = array<i32>} : memref<256x64xf32, #tpu.memory_space<vmem>>, vector<16xf32>,
        %add3A_557 = arith.addf %unpack3A_535, %unpack3A_515 : vector<16xf32>
        %add3A_558 = arith.addf %add3A_557, %unpack3A_523 : vector<16xf32>
        %mul3A_559 = arith.mulf %gather3A_507, %get3A_167 : vector<16xf32>
        %add3A_560 = arith.addf %add3A_558, %mul3A_559 : vector<16xf32>
        %swap3A_561 = arith.index_cast %add3A_477 : i32 to index
        %swap3A_562 = arith.constant 48 : index
        %swap3A_563 = tpu.vector_load %arg12[%swap3A_561, %swap3A_562] {strides = array<i32>} : memref<256x64xf32, #tpu.memory_space<vmem>>, vector<16xf32>,
        tpu.vector_store %arg12[%swap3A_561, %swap3A_562], %add3A_560 {strides = array<i32>} : memref<256x64xf32, #tpu.memory_space<vmem>>, vector<16xf32>,
        %mul3A_564 = arith.constant 16 : i32
        %mul3A_565 = arith.muli %scan3A_248, %mul3A_564 : i32
        %add3A_566 = arith.constant 3 : i32
        %add3A_567 = arith.addi %mul3A_565, %add3A_566 : i32
        %lt3A_568 = arith.constant 0 : i32
        %lt3A_569 = vector.broadcast %lt3A_568 : i32 to vector<16xi32>
        %lt3A_570 = arith.cmpi slt, %broadcast_in_dim3A_6, %lt3A_569 : vector<16xi32>
        %add3A_571 = arith.constant 16 : i32
        %add3A_572 = vector.broadcast %add3A_571 : i32 to vector<16xi32>
        %add3A_573 = arith.addi %broadcast_in_dim3A_6, %add3A_572 : vector<16xi32>
        %select_n3A_574 = arith.select %lt3A_570, %add3A_573, %broadcast_in_dim3A_6 : vector<16xi1>, vector<16xi32>
        %broadcast_in_dim3A_575 = vector.shape_cast %select_n3A_574 : vector<16xi32> to vector<16x1xi32>
        %gather3A_576 = vector.shape_cast %broadcast_in_dim3A_575 : vector<16x1xi32> to vector<16xi32>
        %gather3A_577 = tpu.dynamic_gather %get3A_286[%gather3A_576] in [0] : vector<16xi32>, vector<16xi32> -> vector<16xi32>
        %lt3A_578 = arith.constant 0 : i32
        %lt3A_579 = vector.broadcast %lt3A_578 : i32 to vector<16xi32>
        %lt3A_580 = arith.cmpi slt, %broadcast_in_dim3A_6, %lt3A_579 : vector<16xi32>
        %add3A_581 = arith.constant 16 : i32
        %add3A_582 = vector.broadcast %add3A_581 : i32 to vector<16xi32>
        %add3A_583 = arith.addi %broadcast_in_dim3A_6, %add3A_582 : vector<16xi32>
        %select_n3A_584 = arith.select %lt3A_580, %add3A_583, %broadcast_in_dim3A_6 : vector<16xi1>, vector<16xi32>
        %broadcast_in_dim3A_585 = vector.shape_cast %select_n3A_584 : vector<16xi32> to vector<16x1xi32>
        %gather3A_586 = vector.shape_cast %broadcast_in_dim3A_585 : vector<16x1xi32> to vector<16xi32>
        %gather3A_587 = tpu.dynamic_gather %get3A_291[%gather3A_586] in [0] : vector<16xi32>, vector<16xi32> -> vector<16xi32>
        %lt3A_588 = arith.constant 0 : i32
        %lt3A_589 = vector.broadcast %lt3A_588 : i32 to vector<16xi32>
        %lt3A_590 = arith.cmpi slt, %broadcast_in_dim3A_6, %lt3A_589 : vector<16xi32>
        %add3A_591 = arith.constant 16 : i32
        %add3A_592 = vector.broadcast %add3A_591 : i32 to vector<16xi32>
        %add3A_593 = arith.addi %broadcast_in_dim3A_6, %add3A_592 : vector<16xi32>
        %select_n3A_594 = arith.select %lt3A_590, %add3A_593, %broadcast_in_dim3A_6 : vector<16xi1>, vector<16xi32>
        %broadcast_in_dim3A_595 = vector.shape_cast %select_n3A_594 : vector<16xi32> to vector<16x1xi32>
        %gather3A_596 = vector.shape_cast %broadcast_in_dim3A_595 : vector<16x1xi32> to vector<16xi32>
        %gather3A_597 = tpu.dynamic_gather %bitcast3A[%gather3A_596] in [0] : vector<16xf32>, vector<16xi32> -> vector<16xf32>
        %gather3A_598 = tpu.vector_load_idx %arg14[%gather3A_577, %add3A_32] : memref<1860x32xi32, #tpu.memory_space<vmem>>[vector<16xi32>, vector<16xi32>], vector<16xi32>,
        %bitcast3A_599 = vector.bitcast %gather3A_598 : vector<16xi32> to vector<32xbf16>
        %unpack3A_600 = tpu.unpack_subelements %bitcast3A_599, 0 {pack_format = #tpu.pack_format<interleaved>} : vector<32xbf16> -> vector<16xf32>
        %unpack3A_601 = tpu.unpack_subelements %bitcast3A_599, 1 {pack_format = #tpu.pack_format<interleaved>} : vector<32xbf16> -> vector<16xf32>
        %gather3A_602 = tpu.vector_load_idx %arg14[%gather3A_577, %add3A_36] : memref<1860x32xi32, #tpu.memory_space<vmem>>[vector<16xi32>, vector<16xi32>], vector<16xi32>,
        %bitcast3A_603 = vector.bitcast %gather3A_602 : vector<16xi32> to vector<32xbf16>
        %unpack3A_604 = tpu.unpack_subelements %bitcast3A_603, 0 {pack_format = #tpu.pack_format<interleaved>} : vector<32xbf16> -> vector<16xf32>
        %unpack3A_605 = tpu.unpack_subelements %bitcast3A_603, 1 {pack_format = #tpu.pack_format<interleaved>} : vector<32xbf16> -> vector<16xf32>
        %gather3A_606 = tpu.vector_load_idx %arg15[%gather3A_587, %add3A_32] : memref<25x32xi32, #tpu.memory_space<vmem>>[vector<16xi32>, vector<16xi32>], vector<16xi32>,
        %bitcast3A_607 = vector.bitcast %gather3A_606 : vector<16xi32> to vector<32xbf16>
        %unpack3A_608 = tpu.unpack_subelements %bitcast3A_607, 0 {pack_format = #tpu.pack_format<interleaved>} : vector<32xbf16> -> vector<16xf32>
        %unpack3A_609 = tpu.unpack_subelements %bitcast3A_607, 1 {pack_format = #tpu.pack_format<interleaved>} : vector<32xbf16> -> vector<16xf32>
        %gather3A_610 = tpu.vector_load_idx %arg15[%gather3A_587, %add3A_36] : memref<25x32xi32, #tpu.memory_space<vmem>>[vector<16xi32>, vector<16xi32>], vector<16xi32>,
        %bitcast3A_611 = vector.bitcast %gather3A_610 : vector<16xi32> to vector<32xbf16>
        %unpack3A_612 = tpu.unpack_subelements %bitcast3A_611, 0 {pack_format = #tpu.pack_format<interleaved>} : vector<32xbf16> -> vector<16xf32>
        %unpack3A_613 = tpu.unpack_subelements %bitcast3A_611, 1 {pack_format = #tpu.pack_format<interleaved>} : vector<32xbf16> -> vector<16xf32>
        %get3A_614 = arith.index_cast %add3A_567 : i32 to index
        %get3A_615 = arith.constant 0 : index
        %get3A_616 = tpu.vector_load %arg10[%get3A_614, %get3A_615] {strides = array<i32>} : memref<256x32xi32, #tpu.memory_space<vmem>>, vector<16xi32>,
        %bitcast3A_617 = vector.bitcast %get3A_616 : vector<16xi32> to vector<32xbf16>
        %unpack3A_618 = tpu.unpack_subelements %bitcast3A_617, 0 {pack_format = #tpu.pack_format<interleaved>} : vector<32xbf16> -> vector<16xf32>
        %unpack3A_619 = tpu.unpack_subelements %bitcast3A_617, 1 {pack_format = #tpu.pack_format<interleaved>} : vector<32xbf16> -> vector<16xf32>
        %get3A_620 = arith.index_cast %add3A_567 : i32 to index
        %get3A_621 = arith.constant 16 : index
        %get3A_622 = tpu.vector_load %arg10[%get3A_620, %get3A_621] {strides = array<i32>} : memref<256x32xi32, #tpu.memory_space<vmem>>, vector<16xi32>,
        %bitcast3A_623 = vector.bitcast %get3A_622 : vector<16xi32> to vector<32xbf16>
        %unpack3A_624 = tpu.unpack_subelements %bitcast3A_623, 0 {pack_format = #tpu.pack_format<interleaved>} : vector<32xbf16> -> vector<16xf32>
        %unpack3A_625 = tpu.unpack_subelements %bitcast3A_623, 1 {pack_format = #tpu.pack_format<interleaved>} : vector<32xbf16> -> vector<16xf32>
        %add3A_626 = arith.addf %unpack3A_618, %unpack3A_600 : vector<16xf32>
        %add3A_627 = arith.addf %add3A_626, %unpack3A_608 : vector<16xf32>
        %mul3A_628 = arith.mulf %gather3A_597, %get3A_161 : vector<16xf32>
        %add3A_629 = arith.addf %add3A_627, %mul3A_628 : vector<16xf32>
        %swap3A_630 = arith.index_cast %add3A_567 : i32 to index
        %swap3A_631 = arith.constant 0 : index
        %swap3A_632 = tpu.vector_load %arg12[%swap3A_630, %swap3A_631] {strides = array<i32>} : memref<256x64xf32, #tpu.memory_space<vmem>>, vector<16xf32>,
        tpu.vector_store %arg12[%swap3A_630, %swap3A_631], %add3A_629 {strides = array<i32>} : memref<256x64xf32, #tpu.memory_space<vmem>>, vector<16xf32>,
        %add3A_633 = arith.addf %unpack3A_619, %unpack3A_601 : vector<16xf32>
        %add3A_634 = arith.addf %add3A_633, %unpack3A_609 : vector<16xf32>
        %mul3A_635 = arith.mulf %gather3A_597, %get3A_163 : vector<16xf32>
        %add3A_636 = arith.addf %add3A_634, %mul3A_635 : vector<16xf32>
        %swap3A_637 = arith.index_cast %add3A_567 : i32 to index
        %swap3A_638 = arith.constant 16 : index
        %swap3A_639 = tpu.vector_load %arg12[%swap3A_637, %swap3A_638] {strides = array<i32>} : memref<256x64xf32, #tpu.memory_space<vmem>>, vector<16xf32>,
        tpu.vector_store %arg12[%swap3A_637, %swap3A_638], %add3A_636 {strides = array<i32>} : memref<256x64xf32, #tpu.memory_space<vmem>>, vector<16xf32>,
        %add3A_640 = arith.addf %unpack3A_624, %unpack3A_604 : vector<16xf32>
        %add3A_641 = arith.addf %add3A_640, %unpack3A_612 : vector<16xf32>
        %mul3A_642 = arith.mulf %gather3A_597, %get3A_165 : vector<16xf32>
        %add3A_643 = arith.addf %add3A_641, %mul3A_642 : vector<16xf32>
        %swap3A_644 = arith.index_cast %add3A_567 : i32 to index
        %swap3A_645 = arith.constant 32 : index
        %swap3A_646 = tpu.vector_load %arg12[%swap3A_644, %swap3A_645] {strides = array<i32>} : memref<256x64xf32, #tpu.memory_space<vmem>>, vector<16xf32>,
        tpu.vector_store %arg12[%swap3A_644, %swap3A_645], %add3A_643 {strides = array<i32>} : memref<256x64xf32, #tpu.memory_space<vmem>>, vector<16xf32>,
        %add3A_647 = arith.addf %unpack3A_625, %unpack3A_605 : vector<16xf32>
        %add3A_648 = arith.addf %add3A_647, %unpack3A_613 : vector<16xf32>
        %mul3A_649 = arith.mulf %gather3A_597, %get3A_167 : vector<16xf32>
        %add3A_650 = arith.addf %add3A_648, %mul3A_649 : vector<16xf32>
        %swap3A_651 = arith.index_cast %add3A_567 : i32 to index
        %swap3A_652 = arith.constant 48 : index
        %swap3A_653 = tpu.vector_load %arg12[%swap3A_651, %swap3A_652] {strides = array<i32>} : memref<256x64xf32, #tpu.memory_space<vmem>>, vector<16xf32>,
        tpu.vector_store %arg12[%swap3A_651, %swap3A_652], %add3A_650 {strides = array<i32>} : memref<256x64xf32, #tpu.memory_space<vmem>>, vector<16xf32>,
        %mul3A_654 = arith.constant 16 : i32
        %mul3A_655 = arith.muli %scan3A_248, %mul3A_654 : i32
        %add3A_656 = arith.constant 4 : i32
        %add3A_657 = arith.addi %mul3A_655, %add3A_656 : i32
        %lt3A_658 = arith.constant 0 : i32
        %lt3A_659 = vector.broadcast %lt3A_658 : i32 to vector<16xi32>
        %lt3A_660 = arith.cmpi slt, %broadcast_in_dim3A_8, %lt3A_659 : vector<16xi32>
        %add3A_661 = arith.constant 16 : i32
        %add3A_662 = vector.broadcast %add3A_661 : i32 to vector<16xi32>
        %add3A_663 = arith.addi %broadcast_in_dim3A_8, %add3A_662 : vector<16xi32>
        %select_n3A_664 = arith.select %lt3A_660, %add3A_663, %broadcast_in_dim3A_8 : vector<16xi1>, vector<16xi32>
        %broadcast_in_dim3A_665 = vector.shape_cast %select_n3A_664 : vector<16xi32> to vector<16x1xi32>
        %gather3A_666 = vector.shape_cast %broadcast_in_dim3A_665 : vector<16x1xi32> to vector<16xi32>
        %gather3A_667 = tpu.dynamic_gather %get3A_286[%gather3A_666] in [0] : vector<16xi32>, vector<16xi32> -> vector<16xi32>
        %lt3A_668 = arith.constant 0 : i32
        %lt3A_669 = vector.broadcast %lt3A_668 : i32 to vector<16xi32>
        %lt3A_670 = arith.cmpi slt, %broadcast_in_dim3A_8, %lt3A_669 : vector<16xi32>
        %add3A_671 = arith.constant 16 : i32
        %add3A_672 = vector.broadcast %add3A_671 : i32 to vector<16xi32>
        %add3A_673 = arith.addi %broadcast_in_dim3A_8, %add3A_672 : vector<16xi32>
        %select_n3A_674 = arith.select %lt3A_670, %add3A_673, %broadcast_in_dim3A_8 : vector<16xi1>, vector<16xi32>
        %broadcast_in_dim3A_675 = vector.shape_cast %select_n3A_674 : vector<16xi32> to vector<16x1xi32>
        %gather3A_676 = vector.shape_cast %broadcast_in_dim3A_675 : vector<16x1xi32> to vector<16xi32>
        %gather3A_677 = tpu.dynamic_gather %get3A_291[%gather3A_676] in [0] : vector<16xi32>, vector<16xi32> -> vector<16xi32>
        %lt3A_678 = arith.constant 0 : i32
        %lt3A_679 = vector.broadcast %lt3A_678 : i32 to vector<16xi32>
        %lt3A_680 = arith.cmpi slt, %broadcast_in_dim3A_8, %lt3A_679 : vector<16xi32>
        %add3A_681 = arith.constant 16 : i32
        %add3A_682 = vector.broadcast %add3A_681 : i32 to vector<16xi32>
        %add3A_683 = arith.addi %broadcast_in_dim3A_8, %add3A_682 : vector<16xi32>
        %select_n3A_684 = arith.select %lt3A_680, %add3A_683, %broadcast_in_dim3A_8 : vector<16xi1>, vector<16xi32>
        %broadcast_in_dim3A_685 = vector.shape_cast %select_n3A_684 : vector<16xi32> to vector<16x1xi32>
        %gather3A_686 = vector.shape_cast %broadcast_in_dim3A_685 : vector<16x1xi32> to vector<16xi32>
        %gather3A_687 = tpu.dynamic_gather %bitcast3A[%gather3A_686] in [0] : vector<16xf32>, vector<16xi32> -> vector<16xf32>
        %gather3A_688 = tpu.vector_load_idx %arg14[%gather3A_667, %add3A_32] : memref<1860x32xi32, #tpu.memory_space<vmem>>[vector<16xi32>, vector<16xi32>], vector<16xi32>,
        %bitcast3A_689 = vector.bitcast %gather3A_688 : vector<16xi32> to vector<32xbf16>
        %unpack3A_690 = tpu.unpack_subelements %bitcast3A_689, 0 {pack_format = #tpu.pack_format<interleaved>} : vector<32xbf16> -> vector<16xf32>
        %unpack3A_691 = tpu.unpack_subelements %bitcast3A_689, 1 {pack_format = #tpu.pack_format<interleaved>} : vector<32xbf16> -> vector<16xf32>
        %gather3A_692 = tpu.vector_load_idx %arg14[%gather3A_667, %add3A_36] : memref<1860x32xi32, #tpu.memory_space<vmem>>[vector<16xi32>, vector<16xi32>], vector<16xi32>,
        %bitcast3A_693 = vector.bitcast %gather3A_692 : vector<16xi32> to vector<32xbf16>
        %unpack3A_694 = tpu.unpack_subelements %bitcast3A_693, 0 {pack_format = #tpu.pack_format<interleaved>} : vector<32xbf16> -> vector<16xf32>
        %unpack3A_695 = tpu.unpack_subelements %bitcast3A_693, 1 {pack_format = #tpu.pack_format<interleaved>} : vector<32xbf16> -> vector<16xf32>
        %gather3A_696 = tpu.vector_load_idx %arg15[%gather3A_677, %add3A_32] : memref<25x32xi32, #tpu.memory_space<vmem>>[vector<16xi32>, vector<16xi32>], vector<16xi32>,
        %bitcast3A_697 = vector.bitcast %gather3A_696 : vector<16xi32> to vector<32xbf16>
        %unpack3A_698 = tpu.unpack_subelements %bitcast3A_697, 0 {pack_format = #tpu.pack_format<interleaved>} : vector<32xbf16> -> vector<16xf32>
        %unpack3A_699 = tpu.unpack_subelements %bitcast3A_697, 1 {pack_format = #tpu.pack_format<interleaved>} : vector<32xbf16> -> vector<16xf32>
        %gather3A_700 = tpu.vector_load_idx %arg15[%gather3A_677, %add3A_36] : memref<25x32xi32, #tpu.memory_space<vmem>>[vector<16xi32>, vector<16xi32>], vector<16xi32>,
        %bitcast3A_701 = vector.bitcast %gather3A_700 : vector<16xi32> to vector<32xbf16>
        %unpack3A_702 = tpu.unpack_subelements %bitcast3A_701, 0 {pack_format = #tpu.pack_format<interleaved>} : vector<32xbf16> -> vector<16xf32>
        %unpack3A_703 = tpu.unpack_subelements %bitcast3A_701, 1 {pack_format = #tpu.pack_format<interleaved>} : vector<32xbf16> -> vector<16xf32>
        %get3A_704 = arith.index_cast %add3A_657 : i32 to index
        %get3A_705 = arith.constant 0 : index
        %get3A_706 = tpu.vector_load %arg10[%get3A_704, %get3A_705] {strides = array<i32>} : memref<256x32xi32, #tpu.memory_space<vmem>>, vector<16xi32>,
        %bitcast3A_707 = vector.bitcast %get3A_706 : vector<16xi32> to vector<32xbf16>
        %unpack3A_708 = tpu.unpack_subelements %bitcast3A_707, 0 {pack_format = #tpu.pack_format<interleaved>} : vector<32xbf16> -> vector<16xf32>
        %unpack3A_709 = tpu.unpack_subelements %bitcast3A_707, 1 {pack_format = #tpu.pack_format<interleaved>} : vector<32xbf16> -> vector<16xf32>
        %get3A_710 = arith.index_cast %add3A_657 : i32 to index
        %get3A_711 = arith.constant 16 : index
        %get3A_712 = tpu.vector_load %arg10[%get3A_710, %get3A_711] {strides = array<i32>} : memref<256x32xi32, #tpu.memory_space<vmem>>, vector<16xi32>,
        %bitcast3A_713 = vector.bitcast %get3A_712 : vector<16xi32> to vector<32xbf16>
        %unpack3A_714 = tpu.unpack_subelements %bitcast3A_713, 0 {pack_format = #tpu.pack_format<interleaved>} : vector<32xbf16> -> vector<16xf32>
        %unpack3A_715 = tpu.unpack_subelements %bitcast3A_713, 1 {pack_format = #tpu.pack_format<interleaved>} : vector<32xbf16> -> vector<16xf32>
        %add3A_716 = arith.addf %unpack3A_708, %unpack3A_690 : vector<16xf32>
        %add3A_717 = arith.addf %add3A_716, %unpack3A_698 : vector<16xf32>
        %mul3A_718 = arith.mulf %gather3A_687, %get3A_161 : vector<16xf32>
        %add3A_719 = arith.addf %add3A_717, %mul3A_718 : vector<16xf32>
        %swap3A_720 = arith.index_cast %add3A_657 : i32 to index
        %swap3A_721 = arith.constant 0 : index
        %swap3A_722 = tpu.vector_load %arg12[%swap3A_720, %swap3A_721] {strides = array<i32>} : memref<256x64xf32, #tpu.memory_space<vmem>>, vector<16xf32>,
        tpu.vector_store %arg12[%swap3A_720, %swap3A_721], %add3A_719 {strides = array<i32>} : memref<256x64xf32, #tpu.memory_space<vmem>>, vector<16xf32>,
        %add3A_723 = arith.addf %unpack3A_709, %unpack3A_691 : vector<16xf32>
        %add3A_724 = arith.addf %add3A_723, %unpack3A_699 : vector<16xf32>
        %mul3A_725 = arith.mulf %gather3A_687, %get3A_163 : vector<16xf32>
        %add3A_726 = arith.addf %add3A_724, %mul3A_725 : vector<16xf32>
        %swap3A_727 = arith.index_cast %add3A_657 : i32 to index
        %swap3A_728 = arith.constant 16 : index
        %swap3A_729 = tpu.vector_load %arg12[%swap3A_727, %swap3A_728] {strides = array<i32>} : memref<256x64xf32, #tpu.memory_space<vmem>>, vector<16xf32>,
        tpu.vector_store %arg12[%swap3A_727, %swap3A_728], %add3A_726 {strides = array<i32>} : memref<256x64xf32, #tpu.memory_space<vmem>>, vector<16xf32>,
        %add3A_730 = arith.addf %unpack3A_714, %unpack3A_694 : vector<16xf32>
        %add3A_731 = arith.addf %add3A_730, %unpack3A_702 : vector<16xf32>
        %mul3A_732 = arith.mulf %gather3A_687, %get3A_165 : vector<16xf32>
        %add3A_733 = arith.addf %add3A_731, %mul3A_732 : vector<16xf32>
        %swap3A_734 = arith.index_cast %add3A_657 : i32 to index
        %swap3A_735 = arith.constant 32 : index
        %swap3A_736 = tpu.vector_load %arg12[%swap3A_734, %swap3A_735] {strides = array<i32>} : memref<256x64xf32, #tpu.memory_space<vmem>>, vector<16xf32>,
        tpu.vector_store %arg12[%swap3A_734, %swap3A_735], %add3A_733 {strides = array<i32>} : memref<256x64xf32, #tpu.memory_space<vmem>>, vector<16xf32>,
        %add3A_737 = arith.addf %unpack3A_715, %unpack3A_695 : vector<16xf32>
        %add3A_738 = arith.addf %add3A_737, %unpack3A_703 : vector<16xf32>
        %mul3A_739 = arith.mulf %gather3A_687, %get3A_167 : vector<16xf32>
        %add3A_740 = arith.addf %add3A_738, %mul3A_739 : vector<16xf32>
        %swap3A_741 = arith.index_cast %add3A_657 : i32 to index
        %swap3A_742 = arith.constant 48 : index
        %swap3A_743 = tpu.vector_load %arg12[%swap3A_741, %swap3A_742] {strides = array<i32>} : memref<256x64xf32, #tpu.memory_space<vmem>>, vector<16xf32>,
        tpu.vector_store %arg12[%swap3A_741, %swap3A_742], %add3A_740 {strides = array<i32>} : memref<256x64xf32, #tpu.memory_space<vmem>>, vector<16xf32>,
        %mul3A_744 = arith.constant 16 : i32
        %mul3A_745 = arith.muli %scan3A_248, %mul3A_744 : i32
        %add3A_746 = arith.constant 5 : i32
        %add3A_747 = arith.addi %mul3A_745, %add3A_746 : i32
        %lt3A_748 = arith.constant 0 : i32
        %lt3A_749 = vector.broadcast %lt3A_748 : i32 to vector<16xi32>
        %lt3A_750 = arith.cmpi slt, %broadcast_in_dim3A_10, %lt3A_749 : vector<16xi32>
        %add3A_751 = arith.constant 16 : i32
        %add3A_752 = vector.broadcast %add3A_751 : i32 to vector<16xi32>
        %add3A_753 = arith.addi %broadcast_in_dim3A_10, %add3A_752 : vector<16xi32>
        %select_n3A_754 = arith.select %lt3A_750, %add3A_753, %broadcast_in_dim3A_10 : vector<16xi1>, vector<16xi32>
        %broadcast_in_dim3A_755 = vector.shape_cast %select_n3A_754 : vector<16xi32> to vector<16x1xi32>
        %gather3A_756 = vector.shape_cast %broadcast_in_dim3A_755 : vector<16x1xi32> to vector<16xi32>
        %gather3A_757 = tpu.dynamic_gather %get3A_286[%gather3A_756] in [0] : vector<16xi32>, vector<16xi32> -> vector<16xi32>
        %lt3A_758 = arith.constant 0 : i32
        %lt3A_759 = vector.broadcast %lt3A_758 : i32 to vector<16xi32>
        %lt3A_760 = arith.cmpi slt, %broadcast_in_dim3A_10, %lt3A_759 : vector<16xi32>
        %add3A_761 = arith.constant 16 : i32
        %add3A_762 = vector.broadcast %add3A_761 : i32 to vector<16xi32>
        %add3A_763 = arith.addi %broadcast_in_dim3A_10, %add3A_762 : vector<16xi32>
        %select_n3A_764 = arith.select %lt3A_760, %add3A_763, %broadcast_in_dim3A_10 : vector<16xi1>, vector<16xi32>
        %broadcast_in_dim3A_765 = vector.shape_cast %select_n3A_764 : vector<16xi32> to vector<16x1xi32>
        %gather3A_766 = vector.shape_cast %broadcast_in_dim3A_765 : vector<16x1xi32> to vector<16xi32>
        %gather3A_767 = tpu.dynamic_gather %get3A_291[%gather3A_766] in [0] : vector<16xi32>, vector<16xi32> -> vector<16xi32>
        %lt3A_768 = arith.constant 0 : i32
        %lt3A_769 = vector.broadcast %lt3A_768 : i32 to vector<16xi32>
        %lt3A_770 = arith.cmpi slt, %broadcast_in_dim3A_10, %lt3A_769 : vector<16xi32>
        %add3A_771 = arith.constant 16 : i32
        %add3A_772 = vector.broadcast %add3A_771 : i32 to vector<16xi32>
        %add3A_773 = arith.addi %broadcast_in_dim3A_10, %add3A_772 : vector<16xi32>
        %select_n3A_774 = arith.select %lt3A_770, %add3A_773, %broadcast_in_dim3A_10 : vector<16xi1>, vector<16xi32>
        %broadcast_in_dim3A_775 = vector.shape_cast %select_n3A_774 : vector<16xi32> to vector<16x1xi32>
        %gather3A_776 = vector.shape_cast %broadcast_in_dim3A_775 : vector<16x1xi32> to vector<16xi32>
        %gather3A_777 = tpu.dynamic_gather %bitcast3A[%gather3A_776] in [0] : vector<16xf32>, vector<16xi32> -> vector<16xf32>
        %gather3A_778 = tpu.vector_load_idx %arg14[%gather3A_757, %add3A_32] : memref<1860x32xi32, #tpu.memory_space<vmem>>[vector<16xi32>, vector<16xi32>], vector<16xi32>,
        %bitcast3A_779 = vector.bitcast %gather3A_778 : vector<16xi32> to vector<32xbf16>
        %unpack3A_780 = tpu.unpack_subelements %bitcast3A_779, 0 {pack_format = #tpu.pack_format<interleaved>} : vector<32xbf16> -> vector<16xf32>
        %unpack3A_781 = tpu.unpack_subelements %bitcast3A_779, 1 {pack_format = #tpu.pack_format<interleaved>} : vector<32xbf16> -> vector<16xf32>
        %gather3A_782 = tpu.vector_load_idx %arg14[%gather3A_757, %add3A_36] : memref<1860x32xi32, #tpu.memory_space<vmem>>[vector<16xi32>, vector<16xi32>], vector<16xi32>,
        %bitcast3A_783 = vector.bitcast %gather3A_782 : vector<16xi32> to vector<32xbf16>
        %unpack3A_784 = tpu.unpack_subelements %bitcast3A_783, 0 {pack_format = #tpu.pack_format<interleaved>} : vector<32xbf16> -> vector<16xf32>
        %unpack3A_785 = tpu.unpack_subelements %bitcast3A_783, 1 {pack_format = #tpu.pack_format<interleaved>} : vector<32xbf16> -> vector<16xf32>
        %gather3A_786 = tpu.vector_load_idx %arg15[%gather3A_767, %add3A_32] : memref<25x32xi32, #tpu.memory_space<vmem>>[vector<16xi32>, vector<16xi32>], vector<16xi32>,
        %bitcast3A_787 = vector.bitcast %gather3A_786 : vector<16xi32> to vector<32xbf16>
        %unpack3A_788 = tpu.unpack_subelements %bitcast3A_787, 0 {pack_format = #tpu.pack_format<interleaved>} : vector<32xbf16> -> vector<16xf32>
        %unpack3A_789 = tpu.unpack_subelements %bitcast3A_787, 1 {pack_format = #tpu.pack_format<interleaved>} : vector<32xbf16> -> vector<16xf32>
        %gather3A_790 = tpu.vector_load_idx %arg15[%gather3A_767, %add3A_36] : memref<25x32xi32, #tpu.memory_space<vmem>>[vector<16xi32>, vector<16xi32>], vector<16xi32>,
        %bitcast3A_791 = vector.bitcast %gather3A_790 : vector<16xi32> to vector<32xbf16>
        %unpack3A_792 = tpu.unpack_subelements %bitcast3A_791, 0 {pack_format = #tpu.pack_format<interleaved>} : vector<32xbf16> -> vector<16xf32>
        %unpack3A_793 = tpu.unpack_subelements %bitcast3A_791, 1 {pack_format = #tpu.pack_format<interleaved>} : vector<32xbf16> -> vector<16xf32>
        %get3A_794 = arith.index_cast %add3A_747 : i32 to index
        %get3A_795 = arith.constant 0 : index
        %get3A_796 = tpu.vector_load %arg10[%get3A_794, %get3A_795] {strides = array<i32>} : memref<256x32xi32, #tpu.memory_space<vmem>>, vector<16xi32>,
        %bitcast3A_797 = vector.bitcast %get3A_796 : vector<16xi32> to vector<32xbf16>
        %unpack3A_798 = tpu.unpack_subelements %bitcast3A_797, 0 {pack_format = #tpu.pack_format<interleaved>} : vector<32xbf16> -> vector<16xf32>
        %unpack3A_799 = tpu.unpack_subelements %bitcast3A_797, 1 {pack_format = #tpu.pack_format<interleaved>} : vector<32xbf16> -> vector<16xf32>
        %get3A_800 = arith.index_cast %add3A_747 : i32 to index
        %get3A_801 = arith.constant 16 : index
        %get3A_802 = tpu.vector_load %arg10[%get3A_800, %get3A_801] {strides = array<i32>} : memref<256x32xi32, #tpu.memory_space<vmem>>, vector<16xi32>,
        %bitcast3A_803 = vector.bitcast %get3A_802 : vector<16xi32> to vector<32xbf16>
        %unpack3A_804 = tpu.unpack_subelements %bitcast3A_803, 0 {pack_format = #tpu.pack_format<interleaved>} : vector<32xbf16> -> vector<16xf32>
        %unpack3A_805 = tpu.unpack_subelements %bitcast3A_803, 1 {pack_format = #tpu.pack_format<interleaved>} : vector<32xbf16> -> vector<16xf32>
        %add3A_806 = arith.addf %unpack3A_798, %unpack3A_780 : vector<16xf32>
        %add3A_807 = arith.addf %add3A_806, %unpack3A_788 : vector<16xf32>
        %mul3A_808 = arith.mulf %gather3A_777, %get3A_161 : vector<16xf32>
        %add3A_809 = arith.addf %add3A_807, %mul3A_808 : vector<16xf32>
        %swap3A_810 = arith.index_cast %add3A_747 : i32 to index
        %swap3A_811 = arith.constant 0 : index
        %swap3A_812 = tpu.vector_load %arg12[%swap3A_810, %swap3A_811] {strides = array<i32>} : memref<256x64xf32, #tpu.memory_space<vmem>>, vector<16xf32>,
        tpu.vector_store %arg12[%swap3A_810, %swap3A_811], %add3A_809 {strides = array<i32>} : memref<256x64xf32, #tpu.memory_space<vmem>>, vector<16xf32>,
        %add3A_813 = arith.addf %unpack3A_799, %unpack3A_781 : vector<16xf32>
        %add3A_814 = arith.addf %add3A_813, %unpack3A_789 : vector<16xf32>
        %mul3A_815 = arith.mulf %gather3A_777, %get3A_163 : vector<16xf32>
        %add3A_816 = arith.addf %add3A_814, %mul3A_815 : vector<16xf32>
        %swap3A_817 = arith.index_cast %add3A_747 : i32 to index
        %swap3A_818 = arith.constant 16 : index
        %swap3A_819 = tpu.vector_load %arg12[%swap3A_817, %swap3A_818] {strides = array<i32>} : memref<256x64xf32, #tpu.memory_space<vmem>>, vector<16xf32>,
        tpu.vector_store %arg12[%swap3A_817, %swap3A_818], %add3A_816 {strides = array<i32>} : memref<256x64xf32, #tpu.memory_space<vmem>>, vector<16xf32>,
        %add3A_820 = arith.addf %unpack3A_804, %unpack3A_784 : vector<16xf32>
        %add3A_821 = arith.addf %add3A_820, %unpack3A_792 : vector<16xf32>
        %mul3A_822 = arith.mulf %gather3A_777, %get3A_165 : vector<16xf32>
        %add3A_823 = arith.addf %add3A_821, %mul3A_822 : vector<16xf32>
        %swap3A_824 = arith.index_cast %add3A_747 : i32 to index
        %swap3A_825 = arith.constant 32 : index
        %swap3A_826 = tpu.vector_load %arg12[%swap3A_824, %swap3A_825] {strides = array<i32>} : memref<256x64xf32, #tpu.memory_space<vmem>>, vector<16xf32>,
        tpu.vector_store %arg12[%swap3A_824, %swap3A_825], %add3A_823 {strides = array<i32>} : memref<256x64xf32, #tpu.memory_space<vmem>>, vector<16xf32>,
        %add3A_827 = arith.addf %unpack3A_805, %unpack3A_785 : vector<16xf32>
        %add3A_828 = arith.addf %add3A_827, %unpack3A_793 : vector<16xf32>
        %mul3A_829 = arith.mulf %gather3A_777, %get3A_167 : vector<16xf32>
        %add3A_830 = arith.addf %add3A_828, %mul3A_829 : vector<16xf32>
        %swap3A_831 = arith.index_cast %add3A_747 : i32 to index
        %swap3A_832 = arith.constant 48 : index
        %swap3A_833 = tpu.vector_load %arg12[%swap3A_831, %swap3A_832] {strides = array<i32>} : memref<256x64xf32, #tpu.memory_space<vmem>>, vector<16xf32>,
        tpu.vector_store %arg12[%swap3A_831, %swap3A_832], %add3A_830 {strides = array<i32>} : memref<256x64xf32, #tpu.memory_space<vmem>>, vector<16xf32>,
        %mul3A_834 = arith.constant 16 : i32
        %mul3A_835 = arith.muli %scan3A_248, %mul3A_834 : i32
        %add3A_836 = arith.constant 6 : i32
        %add3A_837 = arith.addi %mul3A_835, %add3A_836 : i32
        %lt3A_838 = arith.constant 0 : i32
        %lt3A_839 = vector.broadcast %lt3A_838 : i32 to vector<16xi32>
        %lt3A_840 = arith.cmpi slt, %broadcast_in_dim3A_12, %lt3A_839 : vector<16xi32>
        %add3A_841 = arith.constant 16 : i32
        %add3A_842 = vector.broadcast %add3A_841 : i32 to vector<16xi32>
        %add3A_843 = arith.addi %broadcast_in_dim3A_12, %add3A_842 : vector<16xi32>
        %select_n3A_844 = arith.select %lt3A_840, %add3A_843, %broadcast_in_dim3A_12 : vector<16xi1>, vector<16xi32>
        %broadcast_in_dim3A_845 = vector.shape_cast %select_n3A_844 : vector<16xi32> to vector<16x1xi32>
        %gather3A_846 = vector.shape_cast %broadcast_in_dim3A_845 : vector<16x1xi32> to vector<16xi32>
        %gather3A_847 = tpu.dynamic_gather %get3A_286[%gather3A_846] in [0] : vector<16xi32>, vector<16xi32> -> vector<16xi32>
        %lt3A_848 = arith.constant 0 : i32
        %lt3A_849 = vector.broadcast %lt3A_848 : i32 to vector<16xi32>
        %lt3A_850 = arith.cmpi slt, %broadcast_in_dim3A_12, %lt3A_849 : vector<16xi32>
        %add3A_851 = arith.constant 16 : i32
        %add3A_852 = vector.broadcast %add3A_851 : i32 to vector<16xi32>
        %add3A_853 = arith.addi %broadcast_in_dim3A_12, %add3A_852 : vector<16xi32>
        %select_n3A_854 = arith.select %lt3A_850, %add3A_853, %broadcast_in_dim3A_12 : vector<16xi1>, vector<16xi32>
        %broadcast_in_dim3A_855 = vector.shape_cast %select_n3A_854 : vector<16xi32> to vector<16x1xi32>
        %gather3A_856 = vector.shape_cast %broadcast_in_dim3A_855 : vector<16x1xi32> to vector<16xi32>
        %gather3A_857 = tpu.dynamic_gather %get3A_291[%gather3A_856] in [0] : vector<16xi32>, vector<16xi32> -> vector<16xi32>
        %lt3A_858 = arith.constant 0 : i32
        %lt3A_859 = vector.broadcast %lt3A_858 : i32 to vector<16xi32>
        %lt3A_860 = arith.cmpi slt, %broadcast_in_dim3A_12, %lt3A_859 : vector<16xi32>
        %add3A_861 = arith.constant 16 : i32
        %add3A_862 = vector.broadcast %add3A_861 : i32 to vector<16xi32>
        %add3A_863 = arith.addi %broadcast_in_dim3A_12, %add3A_862 : vector<16xi32>
        %select_n3A_864 = arith.select %lt3A_860, %add3A_863, %broadcast_in_dim3A_12 : vector<16xi1>, vector<16xi32>
        %broadcast_in_dim3A_865 = vector.shape_cast %select_n3A_864 : vector<16xi32> to vector<16x1xi32>
        %gather3A_866 = vector.shape_cast %broadcast_in_dim3A_865 : vector<16x1xi32> to vector<16xi32>
        %gather3A_867 = tpu.dynamic_gather %bitcast3A[%gather3A_866] in [0] : vector<16xf32>, vector<16xi32> -> vector<16xf32>
        %gather3A_868 = tpu.vector_load_idx %arg14[%gather3A_847, %add3A_32] : memref<1860x32xi32, #tpu.memory_space<vmem>>[vector<16xi32>, vector<16xi32>], vector<16xi32>,
        %bitcast3A_869 = vector.bitcast %gather3A_868 : vector<16xi32> to vector<32xbf16>
        %unpack3A_870 = tpu.unpack_subelements %bitcast3A_869, 0 {pack_format = #tpu.pack_format<interleaved>} : vector<32xbf16> -> vector<16xf32>
        %unpack3A_871 = tpu.unpack_subelements %bitcast3A_869, 1 {pack_format = #tpu.pack_format<interleaved>} : vector<32xbf16> -> vector<16xf32>
        %gather3A_872 = tpu.vector_load_idx %arg14[%gather3A_847, %add3A_36] : memref<1860x32xi32, #tpu.memory_space<vmem>>[vector<16xi32>, vector<16xi32>], vector<16xi32>,
        %bitcast3A_873 = vector.bitcast %gather3A_872 : vector<16xi32> to vector<32xbf16>
        %unpack3A_874 = tpu.unpack_subelements %bitcast3A_873, 0 {pack_format = #tpu.pack_format<interleaved>} : vector<32xbf16> -> vector<16xf32>
        %unpack3A_875 = tpu.unpack_subelements %bitcast3A_873, 1 {pack_format = #tpu.pack_format<interleaved>} : vector<32xbf16> -> vector<16xf32>
        %gather3A_876 = tpu.vector_load_idx %arg15[%gather3A_857, %add3A_32] : memref<25x32xi32, #tpu.memory_space<vmem>>[vector<16xi32>, vector<16xi32>], vector<16xi32>,
        %bitcast3A_877 = vector.bitcast %gather3A_876 : vector<16xi32> to vector<32xbf16>
        %unpack3A_878 = tpu.unpack_subelements %bitcast3A_877, 0 {pack_format = #tpu.pack_format<interleaved>} : vector<32xbf16> -> vector<16xf32>
        %unpack3A_879 = tpu.unpack_subelements %bitcast3A_877, 1 {pack_format = #tpu.pack_format<interleaved>} : vector<32xbf16> -> vector<16xf32>
        %gather3A_880 = tpu.vector_load_idx %arg15[%gather3A_857, %add3A_36] : memref<25x32xi32, #tpu.memory_space<vmem>>[vector<16xi32>, vector<16xi32>], vector<16xi32>,
        %bitcast3A_881 = vector.bitcast %gather3A_880 : vector<16xi32> to vector<32xbf16>
        %unpack3A_882 = tpu.unpack_subelements %bitcast3A_881, 0 {pack_format = #tpu.pack_format<interleaved>} : vector<32xbf16> -> vector<16xf32>
        %unpack3A_883 = tpu.unpack_subelements %bitcast3A_881, 1 {pack_format = #tpu.pack_format<interleaved>} : vector<32xbf16> -> vector<16xf32>
        %get3A_884 = arith.index_cast %add3A_837 : i32 to index
        %get3A_885 = arith.constant 0 : index
        %get3A_886 = tpu.vector_load %arg10[%get3A_884, %get3A_885] {strides = array<i32>} : memref<256x32xi32, #tpu.memory_space<vmem>>, vector<16xi32>,
        %bitcast3A_887 = vector.bitcast %get3A_886 : vector<16xi32> to vector<32xbf16>
        %unpack3A_888 = tpu.unpack_subelements %bitcast3A_887, 0 {pack_format = #tpu.pack_format<interleaved>} : vector<32xbf16> -> vector<16xf32>
        %unpack3A_889 = tpu.unpack_subelements %bitcast3A_887, 1 {pack_format = #tpu.pack_format<interleaved>} : vector<32xbf16> -> vector<16xf32>
        %get3A_890 = arith.index_cast %add3A_837 : i32 to index
        %get3A_891 = arith.constant 16 : index
        %get3A_892 = tpu.vector_load %arg10[%get3A_890, %get3A_891] {strides = array<i32>} : memref<256x32xi32, #tpu.memory_space<vmem>>, vector<16xi32>,
        %bitcast3A_893 = vector.bitcast %get3A_892 : vector<16xi32> to vector<32xbf16>
        %unpack3A_894 = tpu.unpack_subelements %bitcast3A_893, 0 {pack_format = #tpu.pack_format<interleaved>} : vector<32xbf16> -> vector<16xf32>
        %unpack3A_895 = tpu.unpack_subelements %bitcast3A_893, 1 {pack_format = #tpu.pack_format<interleaved>} : vector<32xbf16> -> vector<16xf32>
        %add3A_896 = arith.addf %unpack3A_888, %unpack3A_870 : vector<16xf32>
        %add3A_897 = arith.addf %add3A_896, %unpack3A_878 : vector<16xf32>
        %mul3A_898 = arith.mulf %gather3A_867, %get3A_161 : vector<16xf32>
        %add3A_899 = arith.addf %add3A_897, %mul3A_898 : vector<16xf32>
        %swap3A_900 = arith.index_cast %add3A_837 : i32 to index
        %swap3A_901 = arith.constant 0 : index
        %swap3A_902 = tpu.vector_load %arg12[%swap3A_900, %swap3A_901] {strides = array<i32>} : memref<256x64xf32, #tpu.memory_space<vmem>>, vector<16xf32>,
        tpu.vector_store %arg12[%swap3A_900, %swap3A_901], %add3A_899 {strides = array<i32>} : memref<256x64xf32, #tpu.memory_space<vmem>>, vector<16xf32>,
        %add3A_903 = arith.addf %unpack3A_889, %unpack3A_871 : vector<16xf32>
        %add3A_904 = arith.addf %add3A_903, %unpack3A_879 : vector<16xf32>
        %mul3A_905 = arith.mulf %gather3A_867, %get3A_163 : vector<16xf32>
        %add3A_906 = arith.addf %add3A_904, %mul3A_905 : vector<16xf32>
        %swap3A_907 = arith.index_cast %add3A_837 : i32 to index
        %swap3A_908 = arith.constant 16 : index
        %swap3A_909 = tpu.vector_load %arg12[%swap3A_907, %swap3A_908] {strides = array<i32>} : memref<256x64xf32, #tpu.memory_space<vmem>>, vector<16xf32>,
        tpu.vector_store %arg12[%swap3A_907, %swap3A_908], %add3A_906 {strides = array<i32>} : memref<256x64xf32, #tpu.memory_space<vmem>>, vector<16xf32>,
        %add3A_910 = arith.addf %unpack3A_894, %unpack3A_874 : vector<16xf32>
        %add3A_911 = arith.addf %add3A_910, %unpack3A_882 : vector<16xf32>
        %mul3A_912 = arith.mulf %gather3A_867, %get3A_165 : vector<16xf32>
        %add3A_913 = arith.addf %add3A_911, %mul3A_912 : vector<16xf32>
        %swap3A_914 = arith.index_cast %add3A_837 : i32 to index
        %swap3A_915 = arith.constant 32 : index
        %swap3A_916 = tpu.vector_load %arg12[%swap3A_914, %swap3A_915] {strides = array<i32>} : memref<256x64xf32, #tpu.memory_space<vmem>>, vector<16xf32>,
        tpu.vector_store %arg12[%swap3A_914, %swap3A_915], %add3A_913 {strides = array<i32>} : memref<256x64xf32, #tpu.memory_space<vmem>>, vector<16xf32>,
        %add3A_917 = arith.addf %unpack3A_895, %unpack3A_875 : vector<16xf32>
        %add3A_918 = arith.addf %add3A_917, %unpack3A_883 : vector<16xf32>
        %mul3A_919 = arith.mulf %gather3A_867, %get3A_167 : vector<16xf32>
        %add3A_920 = arith.addf %add3A_918, %mul3A_919 : vector<16xf32>
        %swap3A_921 = arith.index_cast %add3A_837 : i32 to index
        %swap3A_922 = arith.constant 48 : index
        %swap3A_923 = tpu.vector_load %arg12[%swap3A_921, %swap3A_922] {strides = array<i32>} : memref<256x64xf32, #tpu.memory_space<vmem>>, vector<16xf32>,
        tpu.vector_store %arg12[%swap3A_921, %swap3A_922], %add3A_920 {strides = array<i32>} : memref<256x64xf32, #tpu.memory_space<vmem>>, vector<16xf32>,
        %mul3A_924 = arith.constant 16 : i32
        %mul3A_925 = arith.muli %scan3A_248, %mul3A_924 : i32
        %add3A_926 = arith.constant 7 : i32
        %add3A_927 = arith.addi %mul3A_925, %add3A_926 : i32
        %lt3A_928 = arith.constant 0 : i32
        %lt3A_929 = vector.broadcast %lt3A_928 : i32 to vector<16xi32>
        %lt3A_930 = arith.cmpi slt, %broadcast_in_dim3A_14, %lt3A_929 : vector<16xi32>
        %add3A_931 = arith.constant 16 : i32
        %add3A_932 = vector.broadcast %add3A_931 : i32 to vector<16xi32>
        %add3A_933 = arith.addi %broadcast_in_dim3A_14, %add3A_932 : vector<16xi32>
        %select_n3A_934 = arith.select %lt3A_930, %add3A_933, %broadcast_in_dim3A_14 : vector<16xi1>, vector<16xi32>
        %broadcast_in_dim3A_935 = vector.shape_cast %select_n3A_934 : vector<16xi32> to vector<16x1xi32>
        %gather3A_936 = vector.shape_cast %broadcast_in_dim3A_935 : vector<16x1xi32> to vector<16xi32>
        %gather3A_937 = tpu.dynamic_gather %get3A_286[%gather3A_936] in [0] : vector<16xi32>, vector<16xi32> -> vector<16xi32>
        %lt3A_938 = arith.constant 0 : i32
        %lt3A_939 = vector.broadcast %lt3A_938 : i32 to vector<16xi32>
        %lt3A_940 = arith.cmpi slt, %broadcast_in_dim3A_14, %lt3A_939 : vector<16xi32>
        %add3A_941 = arith.constant 16 : i32
        %add3A_942 = vector.broadcast %add3A_941 : i32 to vector<16xi32>
        %add3A_943 = arith.addi %broadcast_in_dim3A_14, %add3A_942 : vector<16xi32>
        %select_n3A_944 = arith.select %lt3A_940, %add3A_943, %broadcast_in_dim3A_14 : vector<16xi1>, vector<16xi32>
        %broadcast_in_dim3A_945 = vector.shape_cast %select_n3A_944 : vector<16xi32> to vector<16x1xi32>
        %gather3A_946 = vector.shape_cast %broadcast_in_dim3A_945 : vector<16x1xi32> to vector<16xi32>
        %gather3A_947 = tpu.dynamic_gather %get3A_291[%gather3A_946] in [0] : vector<16xi32>, vector<16xi32> -> vector<16xi32>
        %lt3A_948 = arith.constant 0 : i32
        %lt3A_949 = vector.broadcast %lt3A_948 : i32 to vector<16xi32>
        %lt3A_950 = arith.cmpi slt, %broadcast_in_dim3A_14, %lt3A_949 : vector<16xi32>
        %add3A_951 = arith.constant 16 : i32
        %add3A_952 = vector.broadcast %add3A_951 : i32 to vector<16xi32>
        %add3A_953 = arith.addi %broadcast_in_dim3A_14, %add3A_952 : vector<16xi32>
        %select_n3A_954 = arith.select %lt3A_950, %add3A_953, %broadcast_in_dim3A_14 : vector<16xi1>, vector<16xi32>
        %broadcast_in_dim3A_955 = vector.shape_cast %select_n3A_954 : vector<16xi32> to vector<16x1xi32>
        %gather3A_956 = vector.shape_cast %broadcast_in_dim3A_955 : vector<16x1xi32> to vector<16xi32>
        %gather3A_957 = tpu.dynamic_gather %bitcast3A[%gather3A_956] in [0] : vector<16xf32>, vector<16xi32> -> vector<16xf32>
        %gather3A_958 = tpu.vector_load_idx %arg14[%gather3A_937, %add3A_32] : memref<1860x32xi32, #tpu.memory_space<vmem>>[vector<16xi32>, vector<16xi32>], vector<16xi32>,
        %bitcast3A_959 = vector.bitcast %gather3A_958 : vector<16xi32> to vector<32xbf16>
        %unpack3A_960 = tpu.unpack_subelements %bitcast3A_959, 0 {pack_format = #tpu.pack_format<interleaved>} : vector<32xbf16> -> vector<16xf32>
        %unpack3A_961 = tpu.unpack_subelements %bitcast3A_959, 1 {pack_format = #tpu.pack_format<interleaved>} : vector<32xbf16> -> vector<16xf32>
        %gather3A_962 = tpu.vector_load_idx %arg14[%gather3A_937, %add3A_36] : memref<1860x32xi32, #tpu.memory_space<vmem>>[vector<16xi32>, vector<16xi32>], vector<16xi32>,
        %bitcast3A_963 = vector.bitcast %gather3A_962 : vector<16xi32> to vector<32xbf16>
        %unpack3A_964 = tpu.unpack_subelements %bitcast3A_963, 0 {pack_format = #tpu.pack_format<interleaved>} : vector<32xbf16> -> vector<16xf32>
        %unpack3A_965 = tpu.unpack_subelements %bitcast3A_963, 1 {pack_format = #tpu.pack_format<interleaved>} : vector<32xbf16> -> vector<16xf32>
        %gather3A_966 = tpu.vector_load_idx %arg15[%gather3A_947, %add3A_32] : memref<25x32xi32, #tpu.memory_space<vmem>>[vector<16xi32>, vector<16xi32>], vector<16xi32>,
        %bitcast3A_967 = vector.bitcast %gather3A_966 : vector<16xi32> to vector<32xbf16>
        %unpack3A_968 = tpu.unpack_subelements %bitcast3A_967, 0 {pack_format = #tpu.pack_format<interleaved>} : vector<32xbf16> -> vector<16xf32>
        %unpack3A_969 = tpu.unpack_subelements %bitcast3A_967, 1 {pack_format = #tpu.pack_format<interleaved>} : vector<32xbf16> -> vector<16xf32>
        %gather3A_970 = tpu.vector_load_idx %arg15[%gather3A_947, %add3A_36] : memref<25x32xi32, #tpu.memory_space<vmem>>[vector<16xi32>, vector<16xi32>], vector<16xi32>,
        %bitcast3A_971 = vector.bitcast %gather3A_970 : vector<16xi32> to vector<32xbf16>
        %unpack3A_972 = tpu.unpack_subelements %bitcast3A_971, 0 {pack_format = #tpu.pack_format<interleaved>} : vector<32xbf16> -> vector<16xf32>
        %unpack3A_973 = tpu.unpack_subelements %bitcast3A_971, 1 {pack_format = #tpu.pack_format<interleaved>} : vector<32xbf16> -> vector<16xf32>
        %get3A_974 = arith.index_cast %add3A_927 : i32 to index
        %get3A_975 = arith.constant 0 : index
        %get3A_976 = tpu.vector_load %arg10[%get3A_974, %get3A_975] {strides = array<i32>} : memref<256x32xi32, #tpu.memory_space<vmem>>, vector<16xi32>,
        %bitcast3A_977 = vector.bitcast %get3A_976 : vector<16xi32> to vector<32xbf16>
        %unpack3A_978 = tpu.unpack_subelements %bitcast3A_977, 0 {pack_format = #tpu.pack_format<interleaved>} : vector<32xbf16> -> vector<16xf32>
        %unpack3A_979 = tpu.unpack_subelements %bitcast3A_977, 1 {pack_format = #tpu.pack_format<interleaved>} : vector<32xbf16> -> vector<16xf32>
        %get3A_980 = arith.index_cast %add3A_927 : i32 to index
        %get3A_981 = arith.constant 16 : index
        %get3A_982 = tpu.vector_load %arg10[%get3A_980, %get3A_981] {strides = array<i32>} : memref<256x32xi32, #tpu.memory_space<vmem>>, vector<16xi32>,
        %bitcast3A_983 = vector.bitcast %get3A_982 : vector<16xi32> to vector<32xbf16>
        %unpack3A_984 = tpu.unpack_subelements %bitcast3A_983, 0 {pack_format = #tpu.pack_format<interleaved>} : vector<32xbf16> -> vector<16xf32>
        %unpack3A_985 = tpu.unpack_subelements %bitcast3A_983, 1 {pack_format = #tpu.pack_format<interleaved>} : vector<32xbf16> -> vector<16xf32>
        %add3A_986 = arith.addf %unpack3A_978, %unpack3A_960 : vector<16xf32>
        %add3A_987 = arith.addf %add3A_986, %unpack3A_968 : vector<16xf32>
        %mul3A_988 = arith.mulf %gather3A_957, %get3A_161 : vector<16xf32>
        %add3A_989 = arith.addf %add3A_987, %mul3A_988 : vector<16xf32>
        %swap3A_990 = arith.index_cast %add3A_927 : i32 to index
        %swap3A_991 = arith.constant 0 : index
        %swap3A_992 = tpu.vector_load %arg12[%swap3A_990, %swap3A_991] {strides = array<i32>} : memref<256x64xf32, #tpu.memory_space<vmem>>, vector<16xf32>,
        tpu.vector_store %arg12[%swap3A_990, %swap3A_991], %add3A_989 {strides = array<i32>} : memref<256x64xf32, #tpu.memory_space<vmem>>, vector<16xf32>,
        %add3A_993 = arith.addf %unpack3A_979, %unpack3A_961 : vector<16xf32>
        %add3A_994 = arith.addf %add3A_993, %unpack3A_969 : vector<16xf32>
        %mul3A_995 = arith.mulf %gather3A_957, %get3A_163 : vector<16xf32>
        %add3A_996 = arith.addf %add3A_994, %mul3A_995 : vector<16xf32>
        %swap3A_997 = arith.index_cast %add3A_927 : i32 to index
        %swap3A_998 = arith.constant 16 : index
        %swap3A_999 = tpu.vector_load %arg12[%swap3A_997, %swap3A_998] {strides = array<i32>} : memref<256x64xf32, #tpu.memory_space<vmem>>, vector<16xf32>,
        tpu.vector_store %arg12[%swap3A_997, %swap3A_998], %add3A_996 {strides = array<i32>} : memref<256x64xf32, #tpu.memory_space<vmem>>, vector<16xf32>,
        %add3A_1000 = arith.addf %unpack3A_984, %unpack3A_964 : vector<16xf32>
        %add3A_1001 = arith.addf %add3A_1000, %unpack3A_972 : vector<16xf32>
        %mul3A_1002 = arith.mulf %gather3A_957, %get3A_165 : vector<16xf32>
        %add3A_1003 = arith.addf %add3A_1001, %mul3A_1002 : vector<16xf32>
        %swap3A_1004 = arith.index_cast %add3A_927 : i32 to index
        %swap3A_1005 = arith.constant 32 : index
        %swap3A_1006 = tpu.vector_load %arg12[%swap3A_1004, %swap3A_1005] {strides = array<i32>} : memref<256x64xf32, #tpu.memory_space<vmem>>, vector<16xf32>,
        tpu.vector_store %arg12[%swap3A_1004, %swap3A_1005], %add3A_1003 {strides = array<i32>} : memref<256x64xf32, #tpu.memory_space<vmem>>, vector<16xf32>,
        %add3A_1007 = arith.addf %unpack3A_985, %unpack3A_965 : vector<16xf32>
        %add3A_1008 = arith.addf %add3A_1007, %unpack3A_973 : vector<16xf32>
        %mul3A_1009 = arith.mulf %gather3A_957, %get3A_167 : vector<16xf32>
        %add3A_1010 = arith.addf %add3A_1008, %mul3A_1009 : vector<16xf32>
        %swap3A_1011 = arith.index_cast %add3A_927 : i32 to index
        %swap3A_1012 = arith.constant 48 : index
        %swap3A_1013 = tpu.vector_load %arg12[%swap3A_1011, %swap3A_1012] {strides = array<i32>} : memref<256x64xf32, #tpu.memory_space<vmem>>, vector<16xf32>,
        tpu.vector_store %arg12[%swap3A_1011, %swap3A_1012], %add3A_1010 {strides = array<i32>} : memref<256x64xf32, #tpu.memory_space<vmem>>, vector<16xf32>,
        %mul3A_1014 = arith.constant 16 : i32
        %mul3A_1015 = arith.muli %scan3A_248, %mul3A_1014 : i32
        %add3A_1016 = arith.constant 8 : i32
        %add3A_1017 = arith.addi %mul3A_1015, %add3A_1016 : i32
        %lt3A_1018 = arith.constant 0 : i32
        %lt3A_1019 = vector.broadcast %lt3A_1018 : i32 to vector<16xi32>
        %lt3A_1020 = arith.cmpi slt, %broadcast_in_dim3A_16, %lt3A_1019 : vector<16xi32>
        %add3A_1021 = arith.constant 16 : i32
        %add3A_1022 = vector.broadcast %add3A_1021 : i32 to vector<16xi32>
        %add3A_1023 = arith.addi %broadcast_in_dim3A_16, %add3A_1022 : vector<16xi32>
        %select_n3A_1024 = arith.select %lt3A_1020, %add3A_1023, %broadcast_in_dim3A_16 : vector<16xi1>, vector<16xi32>
        %broadcast_in_dim3A_1025 = vector.shape_cast %select_n3A_1024 : vector<16xi32> to vector<16x1xi32>
        %gather3A_1026 = vector.shape_cast %broadcast_in_dim3A_1025 : vector<16x1xi32> to vector<16xi32>
        %gather3A_1027 = tpu.dynamic_gather %get3A_286[%gather3A_1026] in [0] : vector<16xi32>, vector<16xi32> -> vector<16xi32>
        %lt3A_1028 = arith.constant 0 : i32
        %lt3A_1029 = vector.broadcast %lt3A_1028 : i32 to vector<16xi32>
        %lt3A_1030 = arith.cmpi slt, %broadcast_in_dim3A_16, %lt3A_1029 : vector<16xi32>
        %add3A_1031 = arith.constant 16 : i32
        %add3A_1032 = vector.broadcast %add3A_1031 : i32 to vector<16xi32>
        %add3A_1033 = arith.addi %broadcast_in_dim3A_16, %add3A_1032 : vector<16xi32>
        %select_n3A_1034 = arith.select %lt3A_1030, %add3A_1033, %broadcast_in_dim3A_16 : vector<16xi1>, vector<16xi32>
        %broadcast_in_dim3A_1035 = vector.shape_cast %select_n3A_1034 : vector<16xi32> to vector<16x1xi32>
        %gather3A_1036 = vector.shape_cast %broadcast_in_dim3A_1035 : vector<16x1xi32> to vector<16xi32>
        %gather3A_1037 = tpu.dynamic_gather %get3A_291[%gather3A_1036] in [0] : vector<16xi32>, vector<16xi32> -> vector<16xi32>
        %lt3A_1038 = arith.constant 0 : i32
        %lt3A_1039 = vector.broadcast %lt3A_1038 : i32 to vector<16xi32>
        %lt3A_1040 = arith.cmpi slt, %broadcast_in_dim3A_16, %lt3A_1039 : vector<16xi32>
        %add3A_1041 = arith.constant 16 : i32
        %add3A_1042 = vector.broadcast %add3A_1041 : i32 to vector<16xi32>
        %add3A_1043 = arith.addi %broadcast_in_dim3A_16, %add3A_1042 : vector<16xi32>
        %select_n3A_1044 = arith.select %lt3A_1040, %add3A_1043, %broadcast_in_dim3A_16 : vector<16xi1>, vector<16xi32>
        %broadcast_in_dim3A_1045 = vector.shape_cast %select_n3A_1044 : vector<16xi32> to vector<16x1xi32>
        %gather3A_1046 = vector.shape_cast %broadcast_in_dim3A_1045 : vector<16x1xi32> to vector<16xi32>
        %gather3A_1047 = tpu.dynamic_gather %bitcast3A[%gather3A_1046] in [0] : vector<16xf32>, vector<16xi32> -> vector<16xf32>
        %gather3A_1048 = tpu.vector_load_idx %arg14[%gather3A_1027, %add3A_32] : memref<1860x32xi32, #tpu.memory_space<vmem>>[vector<16xi32>, vector<16xi32>], vector<16xi32>,
        %bitcast3A_1049 = vector.bitcast %gather3A_1048 : vector<16xi32> to vector<32xbf16>
        %unpack3A_1050 = tpu.unpack_subelements %bitcast3A_1049, 0 {pack_format = #tpu.pack_format<interleaved>} : vector<32xbf16> -> vector<16xf32>
        %unpack3A_1051 = tpu.unpack_subelements %bitcast3A_1049, 1 {pack_format = #tpu.pack_format<interleaved>} : vector<32xbf16> -> vector<16xf32>
        %gather3A_1052 = tpu.vector_load_idx %arg14[%gather3A_1027, %add3A_36] : memref<1860x32xi32, #tpu.memory_space<vmem>>[vector<16xi32>, vector<16xi32>], vector<16xi32>,
        %bitcast3A_1053 = vector.bitcast %gather3A_1052 : vector<16xi32> to vector<32xbf16>
        %unpack3A_1054 = tpu.unpack_subelements %bitcast3A_1053, 0 {pack_format = #tpu.pack_format<interleaved>} : vector<32xbf16> -> vector<16xf32>
        %unpack3A_1055 = tpu.unpack_subelements %bitcast3A_1053, 1 {pack_format = #tpu.pack_format<interleaved>} : vector<32xbf16> -> vector<16xf32>
        %gather3A_1056 = tpu.vector_load_idx %arg15[%gather3A_1037, %add3A_32] : memref<25x32xi32, #tpu.memory_space<vmem>>[vector<16xi32>, vector<16xi32>], vector<16xi32>,
        %bitcast3A_1057 = vector.bitcast %gather3A_1056 : vector<16xi32> to vector<32xbf16>
        %unpack3A_1058 = tpu.unpack_subelements %bitcast3A_1057, 0 {pack_format = #tpu.pack_format<interleaved>} : vector<32xbf16> -> vector<16xf32>
        %unpack3A_1059 = tpu.unpack_subelements %bitcast3A_1057, 1 {pack_format = #tpu.pack_format<interleaved>} : vector<32xbf16> -> vector<16xf32>
        %gather3A_1060 = tpu.vector_load_idx %arg15[%gather3A_1037, %add3A_36] : memref<25x32xi32, #tpu.memory_space<vmem>>[vector<16xi32>, vector<16xi32>], vector<16xi32>,
        %bitcast3A_1061 = vector.bitcast %gather3A_1060 : vector<16xi32> to vector<32xbf16>
        %unpack3A_1062 = tpu.unpack_subelements %bitcast3A_1061, 0 {pack_format = #tpu.pack_format<interleaved>} : vector<32xbf16> -> vector<16xf32>
        %unpack3A_1063 = tpu.unpack_subelements %bitcast3A_1061, 1 {pack_format = #tpu.pack_format<interleaved>} : vector<32xbf16> -> vector<16xf32>
        %get3A_1064 = arith.index_cast %add3A_1017 : i32 to index
        %get3A_1065 = arith.constant 0 : index
        %get3A_1066 = tpu.vector_load %arg10[%get3A_1064, %get3A_1065] {strides = array<i32>} : memref<256x32xi32, #tpu.memory_space<vmem>>, vector<16xi32>,
        %bitcast3A_1067 = vector.bitcast %get3A_1066 : vector<16xi32> to vector<32xbf16>
        %unpack3A_1068 = tpu.unpack_subelements %bitcast3A_1067, 0 {pack_format = #tpu.pack_format<interleaved>} : vector<32xbf16> -> vector<16xf32>
        %unpack3A_1069 = tpu.unpack_subelements %bitcast3A_1067, 1 {pack_format = #tpu.pack_format<interleaved>} : vector<32xbf16> -> vector<16xf32>
        %get3A_1070 = arith.index_cast %add3A_1017 : i32 to index
        %get3A_1071 = arith.constant 16 : index
        %get3A_1072 = tpu.vector_load %arg10[%get3A_1070, %get3A_1071] {strides = array<i32>} : memref<256x32xi32, #tpu.memory_space<vmem>>, vector<16xi32>,
        %bitcast3A_1073 = vector.bitcast %get3A_1072 : vector<16xi32> to vector<32xbf16>
        %unpack3A_1074 = tpu.unpack_subelements %bitcast3A_1073, 0 {pack_format = #tpu.pack_format<interleaved>} : vector<32xbf16> -> vector<16xf32>
        %unpack3A_1075 = tpu.unpack_subelements %bitcast3A_1073, 1 {pack_format = #tpu.pack_format<interleaved>} : vector<32xbf16> -> vector<16xf32>
        %add3A_1076 = arith.addf %unpack3A_1068, %unpack3A_1050 : vector<16xf32>
        %add3A_1077 = arith.addf %add3A_1076, %unpack3A_1058 : vector<16xf32>
        %mul3A_1078 = arith.mulf %gather3A_1047, %get3A_161 : vector<16xf32>
        %add3A_1079 = arith.addf %add3A_1077, %mul3A_1078 : vector<16xf32>
        %swap3A_1080 = arith.index_cast %add3A_1017 : i32 to index
        %swap3A_1081 = arith.constant 0 : index
        %swap3A_1082 = tpu.vector_load %arg12[%swap3A_1080, %swap3A_1081] {strides = array<i32>} : memref<256x64xf32, #tpu.memory_space<vmem>>, vector<16xf32>,
        tpu.vector_store %arg12[%swap3A_1080, %swap3A_1081], %add3A_1079 {strides = array<i32>} : memref<256x64xf32, #tpu.memory_space<vmem>>, vector<16xf32>,
        %add3A_1083 = arith.addf %unpack3A_1069, %unpack3A_1051 : vector<16xf32>
        %add3A_1084 = arith.addf %add3A_1083, %unpack3A_1059 : vector<16xf32>
        %mul3A_1085 = arith.mulf %gather3A_1047, %get3A_163 : vector<16xf32>
        %add3A_1086 = arith.addf %add3A_1084, %mul3A_1085 : vector<16xf32>
        %swap3A_1087 = arith.index_cast %add3A_1017 : i32 to index
        %swap3A_1088 = arith.constant 16 : index
        %swap3A_1089 = tpu.vector_load %arg12[%swap3A_1087, %swap3A_1088] {strides = array<i32>} : memref<256x64xf32, #tpu.memory_space<vmem>>, vector<16xf32>,
        tpu.vector_store %arg12[%swap3A_1087, %swap3A_1088], %add3A_1086 {strides = array<i32>} : memref<256x64xf32, #tpu.memory_space<vmem>>, vector<16xf32>,
        %add3A_1090 = arith.addf %unpack3A_1074, %unpack3A_1054 : vector<16xf32>
        %add3A_1091 = arith.addf %add3A_1090, %unpack3A_1062 : vector<16xf32>
        %mul3A_1092 = arith.mulf %gather3A_1047, %get3A_165 : vector<16xf32>
        %add3A_1093 = arith.addf %add3A_1091, %mul3A_1092 : vector<16xf32>
        %swap3A_1094 = arith.index_cast %add3A_1017 : i32 to index
        %swap3A_1095 = arith.constant 32 : index
        %swap3A_1096 = tpu.vector_load %arg12[%swap3A_1094, %swap3A_1095] {strides = array<i32>} : memref<256x64xf32, #tpu.memory_space<vmem>>, vector<16xf32>,
        tpu.vector_store %arg12[%swap3A_1094, %swap3A_1095], %add3A_1093 {strides = array<i32>} : memref<256x64xf32, #tpu.memory_space<vmem>>, vector<16xf32>,
        %add3A_1097 = arith.addf %unpack3A_1075, %unpack3A_1055 : vector<16xf32>
        %add3A_1098 = arith.addf %add3A_1097, %unpack3A_1063 : vector<16xf32>
        %mul3A_1099 = arith.mulf %gather3A_1047, %get3A_167 : vector<16xf32>
        %add3A_1100 = arith.addf %add3A_1098, %mul3A_1099 : vector<16xf32>
        %swap3A_1101 = arith.index_cast %add3A_1017 : i32 to index
        %swap3A_1102 = arith.constant 48 : index
        %swap3A_1103 = tpu.vector_load %arg12[%swap3A_1101, %swap3A_1102] {strides = array<i32>} : memref<256x64xf32, #tpu.memory_space<vmem>>, vector<16xf32>,
        tpu.vector_store %arg12[%swap3A_1101, %swap3A_1102], %add3A_1100 {strides = array<i32>} : memref<256x64xf32, #tpu.memory_space<vmem>>, vector<16xf32>,
        %mul3A_1104 = arith.constant 16 : i32
        %mul3A_1105 = arith.muli %scan3A_248, %mul3A_1104 : i32
        %add3A_1106 = arith.constant 9 : i32
        %add3A_1107 = arith.addi %mul3A_1105, %add3A_1106 : i32
        %lt3A_1108 = arith.constant 0 : i32
        %lt3A_1109 = vector.broadcast %lt3A_1108 : i32 to vector<16xi32>
        %lt3A_1110 = arith.cmpi slt, %broadcast_in_dim3A_18, %lt3A_1109 : vector<16xi32>
        %add3A_1111 = arith.constant 16 : i32
        %add3A_1112 = vector.broadcast %add3A_1111 : i32 to vector<16xi32>
        %add3A_1113 = arith.addi %broadcast_in_dim3A_18, %add3A_1112 : vector<16xi32>
        %select_n3A_1114 = arith.select %lt3A_1110, %add3A_1113, %broadcast_in_dim3A_18 : vector<16xi1>, vector<16xi32>
        %broadcast_in_dim3A_1115 = vector.shape_cast %select_n3A_1114 : vector<16xi32> to vector<16x1xi32>
        %gather3A_1116 = vector.shape_cast %broadcast_in_dim3A_1115 : vector<16x1xi32> to vector<16xi32>
        %gather3A_1117 = tpu.dynamic_gather %get3A_286[%gather3A_1116] in [0] : vector<16xi32>, vector<16xi32> -> vector<16xi32>
        %lt3A_1118 = arith.constant 0 : i32
        %lt3A_1119 = vector.broadcast %lt3A_1118 : i32 to vector<16xi32>
        %lt3A_1120 = arith.cmpi slt, %broadcast_in_dim3A_18, %lt3A_1119 : vector<16xi32>
        %add3A_1121 = arith.constant 16 : i32
        %add3A_1122 = vector.broadcast %add3A_1121 : i32 to vector<16xi32>
        %add3A_1123 = arith.addi %broadcast_in_dim3A_18, %add3A_1122 : vector<16xi32>
        %select_n3A_1124 = arith.select %lt3A_1120, %add3A_1123, %broadcast_in_dim3A_18 : vector<16xi1>, vector<16xi32>
        %broadcast_in_dim3A_1125 = vector.shape_cast %select_n3A_1124 : vector<16xi32> to vector<16x1xi32>
        %gather3A_1126 = vector.shape_cast %broadcast_in_dim3A_1125 : vector<16x1xi32> to vector<16xi32>
        %gather3A_1127 = tpu.dynamic_gather %get3A_291[%gather3A_1126] in [0] : vector<16xi32>, vector<16xi32> -> vector<16xi32>
        %lt3A_1128 = arith.constant 0 : i32
        %lt3A_1129 = vector.broadcast %lt3A_1128 : i32 to vector<16xi32>
        %lt3A_1130 = arith.cmpi slt, %broadcast_in_dim3A_18, %lt3A_1129 : vector<16xi32>
        %add3A_1131 = arith.constant 16 : i32
        %add3A_1132 = vector.broadcast %add3A_1131 : i32 to vector<16xi32>
        %add3A_1133 = arith.addi %broadcast_in_dim3A_18, %add3A_1132 : vector<16xi32>
        %select_n3A_1134 = arith.select %lt3A_1130, %add3A_1133, %broadcast_in_dim3A_18 : vector<16xi1>, vector<16xi32>
        %broadcast_in_dim3A_1135 = vector.shape_cast %select_n3A_1134 : vector<16xi32> to vector<16x1xi32>
        %gather3A_1136 = vector.shape_cast %broadcast_in_dim3A_1135 : vector<16x1xi32> to vector<16xi32>
        %gather3A_1137 = tpu.dynamic_gather %bitcast3A[%gather3A_1136] in [0] : vector<16xf32>, vector<16xi32> -> vector<16xf32>
        %gather3A_1138 = tpu.vector_load_idx %arg14[%gather3A_1117, %add3A_32] : memref<1860x32xi32, #tpu.memory_space<vmem>>[vector<16xi32>, vector<16xi32>], vector<16xi32>,
        %bitcast3A_1139 = vector.bitcast %gather3A_1138 : vector<16xi32> to vector<32xbf16>
        %unpack3A_1140 = tpu.unpack_subelements %bitcast3A_1139, 0 {pack_format = #tpu.pack_format<interleaved>} : vector<32xbf16> -> vector<16xf32>
        %unpack3A_1141 = tpu.unpack_subelements %bitcast3A_1139, 1 {pack_format = #tpu.pack_format<interleaved>} : vector<32xbf16> -> vector<16xf32>
        %gather3A_1142 = tpu.vector_load_idx %arg14[%gather3A_1117, %add3A_36] : memref<1860x32xi32, #tpu.memory_space<vmem>>[vector<16xi32>, vector<16xi32>], vector<16xi32>,
        %bitcast3A_1143 = vector.bitcast %gather3A_1142 : vector<16xi32> to vector<32xbf16>
        %unpack3A_1144 = tpu.unpack_subelements %bitcast3A_1143, 0 {pack_format = #tpu.pack_format<interleaved>} : vector<32xbf16> -> vector<16xf32>
        %unpack3A_1145 = tpu.unpack_subelements %bitcast3A_1143, 1 {pack_format = #tpu.pack_format<interleaved>} : vector<32xbf16> -> vector<16xf32>
        %gather3A_1146 = tpu.vector_load_idx %arg15[%gather3A_1127, %add3A_32] : memref<25x32xi32, #tpu.memory_space<vmem>>[vector<16xi32>, vector<16xi32>], vector<16xi32>,
        %bitcast3A_1147 = vector.bitcast %gather3A_1146 : vector<16xi32> to vector<32xbf16>
        %unpack3A_1148 = tpu.unpack_subelements %bitcast3A_1147, 0 {pack_format = #tpu.pack_format<interleaved>} : vector<32xbf16> -> vector<16xf32>
        %unpack3A_1149 = tpu.unpack_subelements %bitcast3A_1147, 1 {pack_format = #tpu.pack_format<interleaved>} : vector<32xbf16> -> vector<16xf32>
        %gather3A_1150 = tpu.vector_load_idx %arg15[%gather3A_1127, %add3A_36] : memref<25x32xi32, #tpu.memory_space<vmem>>[vector<16xi32>, vector<16xi32>], vector<16xi32>,
        %bitcast3A_1151 = vector.bitcast %gather3A_1150 : vector<16xi32> to vector<32xbf16>
        %unpack3A_1152 = tpu.unpack_subelements %bitcast3A_1151, 0 {pack_format = #tpu.pack_format<interleaved>} : vector<32xbf16> -> vector<16xf32>
        %unpack3A_1153 = tpu.unpack_subelements %bitcast3A_1151, 1 {pack_format = #tpu.pack_format<interleaved>} : vector<32xbf16> -> vector<16xf32>
        %get3A_1154 = arith.index_cast %add3A_1107 : i32 to index
        %get3A_1155 = arith.constant 0 : index
        %get3A_1156 = tpu.vector_load %arg10[%get3A_1154, %get3A_1155] {strides = array<i32>} : memref<256x32xi32, #tpu.memory_space<vmem>>, vector<16xi32>,
        %bitcast3A_1157 = vector.bitcast %get3A_1156 : vector<16xi32> to vector<32xbf16>
        %unpack3A_1158 = tpu.unpack_subelements %bitcast3A_1157, 0 {pack_format = #tpu.pack_format<interleaved>} : vector<32xbf16> -> vector<16xf32>
        %unpack3A_1159 = tpu.unpack_subelements %bitcast3A_1157, 1 {pack_format = #tpu.pack_format<interleaved>} : vector<32xbf16> -> vector<16xf32>
        %get3A_1160 = arith.index_cast %add3A_1107 : i32 to index
        %get3A_1161 = arith.constant 16 : index
        %get3A_1162 = tpu.vector_load %arg10[%get3A_1160, %get3A_1161] {strides = array<i32>} : memref<256x32xi32, #tpu.memory_space<vmem>>, vector<16xi32>,
        %bitcast3A_1163 = vector.bitcast %get3A_1162 : vector<16xi32> to vector<32xbf16>
        %unpack3A_1164 = tpu.unpack_subelements %bitcast3A_1163, 0 {pack_format = #tpu.pack_format<interleaved>} : vector<32xbf16> -> vector<16xf32>
        %unpack3A_1165 = tpu.unpack_subelements %bitcast3A_1163, 1 {pack_format = #tpu.pack_format<interleaved>} : vector<32xbf16> -> vector<16xf32>
        %add3A_1166 = arith.addf %unpack3A_1158, %unpack3A_1140 : vector<16xf32>
        %add3A_1167 = arith.addf %add3A_1166, %unpack3A_1148 : vector<16xf32>
        %mul3A_1168 = arith.mulf %gather3A_1137, %get3A_161 : vector<16xf32>
        %add3A_1169 = arith.addf %add3A_1167, %mul3A_1168 : vector<16xf32>
        %swap3A_1170 = arith.index_cast %add3A_1107 : i32 to index
        %swap3A_1171 = arith.constant 0 : index
        %swap3A_1172 = tpu.vector_load %arg12[%swap3A_1170, %swap3A_1171] {strides = array<i32>} : memref<256x64xf32, #tpu.memory_space<vmem>>, vector<16xf32>,
        tpu.vector_store %arg12[%swap3A_1170, %swap3A_1171], %add3A_1169 {strides = array<i32>} : memref<256x64xf32, #tpu.memory_space<vmem>>, vector<16xf32>,
        %add3A_1173 = arith.addf %unpack3A_1159, %unpack3A_1141 : vector<16xf32>
        %add3A_1174 = arith.addf %add3A_1173, %unpack3A_1149 : vector<16xf32>
        %mul3A_1175 = arith.mulf %gather3A_1137, %get3A_163 : vector<16xf32>
        %add3A_1176 = arith.addf %add3A_1174, %mul3A_1175 : vector<16xf32>
        %swap3A_1177 = arith.index_cast %add3A_1107 : i32 to index
        %swap3A_1178 = arith.constant 16 : index
        %swap3A_1179 = tpu.vector_load %arg12[%swap3A_1177, %swap3A_1178] {strides = array<i32>} : memref<256x64xf32, #tpu.memory_space<vmem>>, vector<16xf32>,
        tpu.vector_store %arg12[%swap3A_1177, %swap3A_1178], %add3A_1176 {strides = array<i32>} : memref<256x64xf32, #tpu.memory_space<vmem>>, vector<16xf32>,
        %add3A_1180 = arith.addf %unpack3A_1164, %unpack3A_1144 : vector<16xf32>
        %add3A_1181 = arith.addf %add3A_1180, %unpack3A_1152 : vector<16xf32>
        %mul3A_1182 = arith.mulf %gather3A_1137, %get3A_165 : vector<16xf32>
        %add3A_1183 = arith.addf %add3A_1181, %mul3A_1182 : vector<16xf32>
        %swap3A_1184 = arith.index_cast %add3A_1107 : i32 to index
        %swap3A_1185 = arith.constant 32 : index
        %swap3A_1186 = tpu.vector_load %arg12[%swap3A_1184, %swap3A_1185] {strides = array<i32>} : memref<256x64xf32, #tpu.memory_space<vmem>>, vector<16xf32>,
        tpu.vector_store %arg12[%swap3A_1184, %swap3A_1185], %add3A_1183 {strides = array<i32>} : memref<256x64xf32, #tpu.memory_space<vmem>>, vector<16xf32>,
        %add3A_1187 = arith.addf %unpack3A_1165, %unpack3A_1145 : vector<16xf32>
        %add3A_1188 = arith.addf %add3A_1187, %unpack3A_1153 : vector<16xf32>
        %mul3A_1189 = arith.mulf %gather3A_1137, %get3A_167 : vector<16xf32>
        %add3A_1190 = arith.addf %add3A_1188, %mul3A_1189 : vector<16xf32>
        %swap3A_1191 = arith.index_cast %add3A_1107 : i32 to index
        %swap3A_1192 = arith.constant 48 : index
        %swap3A_1193 = tpu.vector_load %arg12[%swap3A_1191, %swap3A_1192] {strides = array<i32>} : memref<256x64xf32, #tpu.memory_space<vmem>>, vector<16xf32>,
        tpu.vector_store %arg12[%swap3A_1191, %swap3A_1192], %add3A_1190 {strides = array<i32>} : memref<256x64xf32, #tpu.memory_space<vmem>>, vector<16xf32>,
        %mul3A_1194 = arith.constant 16 : i32
        %mul3A_1195 = arith.muli %scan3A_248, %mul3A_1194 : i32
        %add3A_1196 = arith.constant 10 : i32
        %add3A_1197 = arith.addi %mul3A_1195, %add3A_1196 : i32
        %lt3A_1198 = arith.constant 0 : i32
        %lt3A_1199 = vector.broadcast %lt3A_1198 : i32 to vector<16xi32>
        %lt3A_1200 = arith.cmpi slt, %broadcast_in_dim3A_20, %lt3A_1199 : vector<16xi32>
        %add3A_1201 = arith.constant 16 : i32
        %add3A_1202 = vector.broadcast %add3A_1201 : i32 to vector<16xi32>
        %add3A_1203 = arith.addi %broadcast_in_dim3A_20, %add3A_1202 : vector<16xi32>
        %select_n3A_1204 = arith.select %lt3A_1200, %add3A_1203, %broadcast_in_dim3A_20 : vector<16xi1>, vector<16xi32>
        %broadcast_in_dim3A_1205 = vector.shape_cast %select_n3A_1204 : vector<16xi32> to vector<16x1xi32>
        %gather3A_1206 = vector.shape_cast %broadcast_in_dim3A_1205 : vector<16x1xi32> to vector<16xi32>
        %gather3A_1207 = tpu.dynamic_gather %get3A_286[%gather3A_1206] in [0] : vector<16xi32>, vector<16xi32> -> vector<16xi32>
        %lt3A_1208 = arith.constant 0 : i32
        %lt3A_1209 = vector.broadcast %lt3A_1208 : i32 to vector<16xi32>
        %lt3A_1210 = arith.cmpi slt, %broadcast_in_dim3A_20, %lt3A_1209 : vector<16xi32>
        %add3A_1211 = arith.constant 16 : i32
        %add3A_1212 = vector.broadcast %add3A_1211 : i32 to vector<16xi32>
        %add3A_1213 = arith.addi %broadcast_in_dim3A_20, %add3A_1212 : vector<16xi32>
        %select_n3A_1214 = arith.select %lt3A_1210, %add3A_1213, %broadcast_in_dim3A_20 : vector<16xi1>, vector<16xi32>
        %broadcast_in_dim3A_1215 = vector.shape_cast %select_n3A_1214 : vector<16xi32> to vector<16x1xi32>
        %gather3A_1216 = vector.shape_cast %broadcast_in_dim3A_1215 : vector<16x1xi32> to vector<16xi32>
        %gather3A_1217 = tpu.dynamic_gather %get3A_291[%gather3A_1216] in [0] : vector<16xi32>, vector<16xi32> -> vector<16xi32>
        %lt3A_1218 = arith.constant 0 : i32
        %lt3A_1219 = vector.broadcast %lt3A_1218 : i32 to vector<16xi32>
        %lt3A_1220 = arith.cmpi slt, %broadcast_in_dim3A_20, %lt3A_1219 : vector<16xi32>
        %add3A_1221 = arith.constant 16 : i32
        %add3A_1222 = vector.broadcast %add3A_1221 : i32 to vector<16xi32>
        %add3A_1223 = arith.addi %broadcast_in_dim3A_20, %add3A_1222 : vector<16xi32>
        %select_n3A_1224 = arith.select %lt3A_1220, %add3A_1223, %broadcast_in_dim3A_20 : vector<16xi1>, vector<16xi32>
        %broadcast_in_dim3A_1225 = vector.shape_cast %select_n3A_1224 : vector<16xi32> to vector<16x1xi32>
        %gather3A_1226 = vector.shape_cast %broadcast_in_dim3A_1225 : vector<16x1xi32> to vector<16xi32>
        %gather3A_1227 = tpu.dynamic_gather %bitcast3A[%gather3A_1226] in [0] : vector<16xf32>, vector<16xi32> -> vector<16xf32>
        %gather3A_1228 = tpu.vector_load_idx %arg14[%gather3A_1207, %add3A_32] : memref<1860x32xi32, #tpu.memory_space<vmem>>[vector<16xi32>, vector<16xi32>], vector<16xi32>,
        %bitcast3A_1229 = vector.bitcast %gather3A_1228 : vector<16xi32> to vector<32xbf16>
        %unpack3A_1230 = tpu.unpack_subelements %bitcast3A_1229, 0 {pack_format = #tpu.pack_format<interleaved>} : vector<32xbf16> -> vector<16xf32>
        %unpack3A_1231 = tpu.unpack_subelements %bitcast3A_1229, 1 {pack_format = #tpu.pack_format<interleaved>} : vector<32xbf16> -> vector<16xf32>
        %gather3A_1232 = tpu.vector_load_idx %arg14[%gather3A_1207, %add3A_36] : memref<1860x32xi32, #tpu.memory_space<vmem>>[vector<16xi32>, vector<16xi32>], vector<16xi32>,
        %bitcast3A_1233 = vector.bitcast %gather3A_1232 : vector<16xi32> to vector<32xbf16>
        %unpack3A_1234 = tpu.unpack_subelements %bitcast3A_1233, 0 {pack_format = #tpu.pack_format<interleaved>} : vector<32xbf16> -> vector<16xf32>
        %unpack3A_1235 = tpu.unpack_subelements %bitcast3A_1233, 1 {pack_format = #tpu.pack_format<interleaved>} : vector<32xbf16> -> vector<16xf32>
        %gather3A_1236 = tpu.vector_load_idx %arg15[%gather3A_1217, %add3A_32] : memref<25x32xi32, #tpu.memory_space<vmem>>[vector<16xi32>, vector<16xi32>], vector<16xi32>,
        %bitcast3A_1237 = vector.bitcast %gather3A_1236 : vector<16xi32> to vector<32xbf16>
        %unpack3A_1238 = tpu.unpack_subelements %bitcast3A_1237, 0 {pack_format = #tpu.pack_format<interleaved>} : vector<32xbf16> -> vector<16xf32>
        %unpack3A_1239 = tpu.unpack_subelements %bitcast3A_1237, 1 {pack_format = #tpu.pack_format<interleaved>} : vector<32xbf16> -> vector<16xf32>
        %gather3A_1240 = tpu.vector_load_idx %arg15[%gather3A_1217, %add3A_36] : memref<25x32xi32, #tpu.memory_space<vmem>>[vector<16xi32>, vector<16xi32>], vector<16xi32>,
        %bitcast3A_1241 = vector.bitcast %gather3A_1240 : vector<16xi32> to vector<32xbf16>
        %unpack3A_1242 = tpu.unpack_subelements %bitcast3A_1241, 0 {pack_format = #tpu.pack_format<interleaved>} : vector<32xbf16> -> vector<16xf32>
        %unpack3A_1243 = tpu.unpack_subelements %bitcast3A_1241, 1 {pack_format = #tpu.pack_format<interleaved>} : vector<32xbf16> -> vector<16xf32>
        %get3A_1244 = arith.index_cast %add3A_1197 : i32 to index
        %get3A_1245 = arith.constant 0 : index
        %get3A_1246 = tpu.vector_load %arg10[%get3A_1244, %get3A_1245] {strides = array<i32>} : memref<256x32xi32, #tpu.memory_space<vmem>>, vector<16xi32>,
        %bitcast3A_1247 = vector.bitcast %get3A_1246 : vector<16xi32> to vector<32xbf16>
        %unpack3A_1248 = tpu.unpack_subelements %bitcast3A_1247, 0 {pack_format = #tpu.pack_format<interleaved>} : vector<32xbf16> -> vector<16xf32>
        %unpack3A_1249 = tpu.unpack_subelements %bitcast3A_1247, 1 {pack_format = #tpu.pack_format<interleaved>} : vector<32xbf16> -> vector<16xf32>
        %get3A_1250 = arith.index_cast %add3A_1197 : i32 to index
        %get3A_1251 = arith.constant 16 : index
        %get3A_1252 = tpu.vector_load %arg10[%get3A_1250, %get3A_1251] {strides = array<i32>} : memref<256x32xi32, #tpu.memory_space<vmem>>, vector<16xi32>,
        %bitcast3A_1253 = vector.bitcast %get3A_1252 : vector<16xi32> to vector<32xbf16>
        %unpack3A_1254 = tpu.unpack_subelements %bitcast3A_1253, 0 {pack_format = #tpu.pack_format<interleaved>} : vector<32xbf16> -> vector<16xf32>
        %unpack3A_1255 = tpu.unpack_subelements %bitcast3A_1253, 1 {pack_format = #tpu.pack_format<interleaved>} : vector<32xbf16> -> vector<16xf32>
        %add3A_1256 = arith.addf %unpack3A_1248, %unpack3A_1230 : vector<16xf32>
        %add3A_1257 = arith.addf %add3A_1256, %unpack3A_1238 : vector<16xf32>
        %mul3A_1258 = arith.mulf %gather3A_1227, %get3A_161 : vector<16xf32>
        %add3A_1259 = arith.addf %add3A_1257, %mul3A_1258 : vector<16xf32>
        %swap3A_1260 = arith.index_cast %add3A_1197 : i32 to index
        %swap3A_1261 = arith.constant 0 : index
        %swap3A_1262 = tpu.vector_load %arg12[%swap3A_1260, %swap3A_1261] {strides = array<i32>} : memref<256x64xf32, #tpu.memory_space<vmem>>, vector<16xf32>,
        tpu.vector_store %arg12[%swap3A_1260, %swap3A_1261], %add3A_1259 {strides = array<i32>} : memref<256x64xf32, #tpu.memory_space<vmem>>, vector<16xf32>,
        %add3A_1263 = arith.addf %unpack3A_1249, %unpack3A_1231 : vector<16xf32>
        %add3A_1264 = arith.addf %add3A_1263, %unpack3A_1239 : vector<16xf32>
        %mul3A_1265 = arith.mulf %gather3A_1227, %get3A_163 : vector<16xf32>
        %add3A_1266 = arith.addf %add3A_1264, %mul3A_1265 : vector<16xf32>
        %swap3A_1267 = arith.index_cast %add3A_1197 : i32 to index
        %swap3A_1268 = arith.constant 16 : index
        %swap3A_1269 = tpu.vector_load %arg12[%swap3A_1267, %swap3A_1268] {strides = array<i32>} : memref<256x64xf32, #tpu.memory_space<vmem>>, vector<16xf32>,
        tpu.vector_store %arg12[%swap3A_1267, %swap3A_1268], %add3A_1266 {strides = array<i32>} : memref<256x64xf32, #tpu.memory_space<vmem>>, vector<16xf32>,
        %add3A_1270 = arith.addf %unpack3A_1254, %unpack3A_1234 : vector<16xf32>
        %add3A_1271 = arith.addf %add3A_1270, %unpack3A_1242 : vector<16xf32>
        %mul3A_1272 = arith.mulf %gather3A_1227, %get3A_165 : vector<16xf32>
        %add3A_1273 = arith.addf %add3A_1271, %mul3A_1272 : vector<16xf32>
        %swap3A_1274 = arith.index_cast %add3A_1197 : i32 to index
        %swap3A_1275 = arith.constant 32 : index
        %swap3A_1276 = tpu.vector_load %arg12[%swap3A_1274, %swap3A_1275] {strides = array<i32>} : memref<256x64xf32, #tpu.memory_space<vmem>>, vector<16xf32>,
        tpu.vector_store %arg12[%swap3A_1274, %swap3A_1275], %add3A_1273 {strides = array<i32>} : memref<256x64xf32, #tpu.memory_space<vmem>>, vector<16xf32>,
        %add3A_1277 = arith.addf %unpack3A_1255, %unpack3A_1235 : vector<16xf32>
        %add3A_1278 = arith.addf %add3A_1277, %unpack3A_1243 : vector<16xf32>
        %mul3A_1279 = arith.mulf %gather3A_1227, %get3A_167 : vector<16xf32>
        %add3A_1280 = arith.addf %add3A_1278, %mul3A_1279 : vector<16xf32>
        %swap3A_1281 = arith.index_cast %add3A_1197 : i32 to index
        %swap3A_1282 = arith.constant 48 : index
        %swap3A_1283 = tpu.vector_load %arg12[%swap3A_1281, %swap3A_1282] {strides = array<i32>} : memref<256x64xf32, #tpu.memory_space<vmem>>, vector<16xf32>,
        tpu.vector_store %arg12[%swap3A_1281, %swap3A_1282], %add3A_1280 {strides = array<i32>} : memref<256x64xf32, #tpu.memory_space<vmem>>, vector<16xf32>,
        %mul3A_1284 = arith.constant 16 : i32
        %mul3A_1285 = arith.muli %scan3A_248, %mul3A_1284 : i32
        %add3A_1286 = arith.constant 11 : i32
        %add3A_1287 = arith.addi %mul3A_1285, %add3A_1286 : i32
        %lt3A_1288 = arith.constant 0 : i32
        %lt3A_1289 = vector.broadcast %lt3A_1288 : i32 to vector<16xi32>
        %lt3A_1290 = arith.cmpi slt, %broadcast_in_dim3A_22, %lt3A_1289 : vector<16xi32>
        %add3A_1291 = arith.constant 16 : i32
        %add3A_1292 = vector.broadcast %add3A_1291 : i32 to vector<16xi32>
        %add3A_1293 = arith.addi %broadcast_in_dim3A_22, %add3A_1292 : vector<16xi32>
        %select_n3A_1294 = arith.select %lt3A_1290, %add3A_1293, %broadcast_in_dim3A_22 : vector<16xi1>, vector<16xi32>
        %broadcast_in_dim3A_1295 = vector.shape_cast %select_n3A_1294 : vector<16xi32> to vector<16x1xi32>
        %gather3A_1296 = vector.shape_cast %broadcast_in_dim3A_1295 : vector<16x1xi32> to vector<16xi32>
        %gather3A_1297 = tpu.dynamic_gather %get3A_286[%gather3A_1296] in [0] : vector<16xi32>, vector<16xi32> -> vector<16xi32>
        %lt3A_1298 = arith.constant 0 : i32
        %lt3A_1299 = vector.broadcast %lt3A_1298 : i32 to vector<16xi32>
        %lt3A_1300 = arith.cmpi slt, %broadcast_in_dim3A_22, %lt3A_1299 : vector<16xi32>
        %add3A_1301 = arith.constant 16 : i32
        %add3A_1302 = vector.broadcast %add3A_1301 : i32 to vector<16xi32>
        %add3A_1303 = arith.addi %broadcast_in_dim3A_22, %add3A_1302 : vector<16xi32>
        %select_n3A_1304 = arith.select %lt3A_1300, %add3A_1303, %broadcast_in_dim3A_22 : vector<16xi1>, vector<16xi32>
        %broadcast_in_dim3A_1305 = vector.shape_cast %select_n3A_1304 : vector<16xi32> to vector<16x1xi32>
        %gather3A_1306 = vector.shape_cast %broadcast_in_dim3A_1305 : vector<16x1xi32> to vector<16xi32>
        %gather3A_1307 = tpu.dynamic_gather %get3A_291[%gather3A_1306] in [0] : vector<16xi32>, vector<16xi32> -> vector<16xi32>
        %lt3A_1308 = arith.constant 0 : i32
        %lt3A_1309 = vector.broadcast %lt3A_1308 : i32 to vector<16xi32>
        %lt3A_1310 = arith.cmpi slt, %broadcast_in_dim3A_22, %lt3A_1309 : vector<16xi32>
        %add3A_1311 = arith.constant 16 : i32
        %add3A_1312 = vector.broadcast %add3A_1311 : i32 to vector<16xi32>
        %add3A_1313 = arith.addi %broadcast_in_dim3A_22, %add3A_1312 : vector<16xi32>
        %select_n3A_1314 = arith.select %lt3A_1310, %add3A_1313, %broadcast_in_dim3A_22 : vector<16xi1>, vector<16xi32>
        %broadcast_in_dim3A_1315 = vector.shape_cast %select_n3A_1314 : vector<16xi32> to vector<16x1xi32>
        %gather3A_1316 = vector.shape_cast %broadcast_in_dim3A_1315 : vector<16x1xi32> to vector<16xi32>
        %gather3A_1317 = tpu.dynamic_gather %bitcast3A[%gather3A_1316] in [0] : vector<16xf32>, vector<16xi32> -> vector<16xf32>
        %gather3A_1318 = tpu.vector_load_idx %arg14[%gather3A_1297, %add3A_32] : memref<1860x32xi32, #tpu.memory_space<vmem>>[vector<16xi32>, vector<16xi32>], vector<16xi32>,
        %bitcast3A_1319 = vector.bitcast %gather3A_1318 : vector<16xi32> to vector<32xbf16>
        %unpack3A_1320 = tpu.unpack_subelements %bitcast3A_1319, 0 {pack_format = #tpu.pack_format<interleaved>} : vector<32xbf16> -> vector<16xf32>
        %unpack3A_1321 = tpu.unpack_subelements %bitcast3A_1319, 1 {pack_format = #tpu.pack_format<interleaved>} : vector<32xbf16> -> vector<16xf32>
        %gather3A_1322 = tpu.vector_load_idx %arg14[%gather3A_1297, %add3A_36] : memref<1860x32xi32, #tpu.memory_space<vmem>>[vector<16xi32>, vector<16xi32>], vector<16xi32>,
        %bitcast3A_1323 = vector.bitcast %gather3A_1322 : vector<16xi32> to vector<32xbf16>
        %unpack3A_1324 = tpu.unpack_subelements %bitcast3A_1323, 0 {pack_format = #tpu.pack_format<interleaved>} : vector<32xbf16> -> vector<16xf32>
        %unpack3A_1325 = tpu.unpack_subelements %bitcast3A_1323, 1 {pack_format = #tpu.pack_format<interleaved>} : vector<32xbf16> -> vector<16xf32>
        %gather3A_1326 = tpu.vector_load_idx %arg15[%gather3A_1307, %add3A_32] : memref<25x32xi32, #tpu.memory_space<vmem>>[vector<16xi32>, vector<16xi32>], vector<16xi32>,
        %bitcast3A_1327 = vector.bitcast %gather3A_1326 : vector<16xi32> to vector<32xbf16>
        %unpack3A_1328 = tpu.unpack_subelements %bitcast3A_1327, 0 {pack_format = #tpu.pack_format<interleaved>} : vector<32xbf16> -> vector<16xf32>
        %unpack3A_1329 = tpu.unpack_subelements %bitcast3A_1327, 1 {pack_format = #tpu.pack_format<interleaved>} : vector<32xbf16> -> vector<16xf32>
        %gather3A_1330 = tpu.vector_load_idx %arg15[%gather3A_1307, %add3A_36] : memref<25x32xi32, #tpu.memory_space<vmem>>[vector<16xi32>, vector<16xi32>], vector<16xi32>,
        %bitcast3A_1331 = vector.bitcast %gather3A_1330 : vector<16xi32> to vector<32xbf16>
        %unpack3A_1332 = tpu.unpack_subelements %bitcast3A_1331, 0 {pack_format = #tpu.pack_format<interleaved>} : vector<32xbf16> -> vector<16xf32>
        %unpack3A_1333 = tpu.unpack_subelements %bitcast3A_1331, 1 {pack_format = #tpu.pack_format<interleaved>} : vector<32xbf16> -> vector<16xf32>
        %get3A_1334 = arith.index_cast %add3A_1287 : i32 to index
        %get3A_1335 = arith.constant 0 : index
        %get3A_1336 = tpu.vector_load %arg10[%get3A_1334, %get3A_1335] {strides = array<i32>} : memref<256x32xi32, #tpu.memory_space<vmem>>, vector<16xi32>,
        %bitcast3A_1337 = vector.bitcast %get3A_1336 : vector<16xi32> to vector<32xbf16>
        %unpack3A_1338 = tpu.unpack_subelements %bitcast3A_1337, 0 {pack_format = #tpu.pack_format<interleaved>} : vector<32xbf16> -> vector<16xf32>
        %unpack3A_1339 = tpu.unpack_subelements %bitcast3A_1337, 1 {pack_format = #tpu.pack_format<interleaved>} : vector<32xbf16> -> vector<16xf32>
        %get3A_1340 = arith.index_cast %add3A_1287 : i32 to index
        %get3A_1341 = arith.constant 16 : index
        %get3A_1342 = tpu.vector_load %arg10[%get3A_1340, %get3A_1341] {strides = array<i32>} : memref<256x32xi32, #tpu.memory_space<vmem>>, vector<16xi32>,
        %bitcast3A_1343 = vector.bitcast %get3A_1342 : vector<16xi32> to vector<32xbf16>
        %unpack3A_1344 = tpu.unpack_subelements %bitcast3A_1343, 0 {pack_format = #tpu.pack_format<interleaved>} : vector<32xbf16> -> vector<16xf32>
        %unpack3A_1345 = tpu.unpack_subelements %bitcast3A_1343, 1 {pack_format = #tpu.pack_format<interleaved>} : vector<32xbf16> -> vector<16xf32>
        %add3A_1346 = arith.addf %unpack3A_1338, %unpack3A_1320 : vector<16xf32>
        %add3A_1347 = arith.addf %add3A_1346, %unpack3A_1328 : vector<16xf32>
        %mul3A_1348 = arith.mulf %gather3A_1317, %get3A_161 : vector<16xf32>
        %add3A_1349 = arith.addf %add3A_1347, %mul3A_1348 : vector<16xf32>
        %swap3A_1350 = arith.index_cast %add3A_1287 : i32 to index
        %swap3A_1351 = arith.constant 0 : index
        %swap3A_1352 = tpu.vector_load %arg12[%swap3A_1350, %swap3A_1351] {strides = array<i32>} : memref<256x64xf32, #tpu.memory_space<vmem>>, vector<16xf32>,
        tpu.vector_store %arg12[%swap3A_1350, %swap3A_1351], %add3A_1349 {strides = array<i32>} : memref<256x64xf32, #tpu.memory_space<vmem>>, vector<16xf32>,
        %add3A_1353 = arith.addf %unpack3A_1339, %unpack3A_1321 : vector<16xf32>
        %add3A_1354 = arith.addf %add3A_1353, %unpack3A_1329 : vector<16xf32>
        %mul3A_1355 = arith.mulf %gather3A_1317, %get3A_163 : vector<16xf32>
        %add3A_1356 = arith.addf %add3A_1354, %mul3A_1355 : vector<16xf32>
        %swap3A_1357 = arith.index_cast %add3A_1287 : i32 to index
        %swap3A_1358 = arith.constant 16 : index
        %swap3A_1359 = tpu.vector_load %arg12[%swap3A_1357, %swap3A_1358] {strides = array<i32>} : memref<256x64xf32, #tpu.memory_space<vmem>>, vector<16xf32>,
        tpu.vector_store %arg12[%swap3A_1357, %swap3A_1358], %add3A_1356 {strides = array<i32>} : memref<256x64xf32, #tpu.memory_space<vmem>>, vector<16xf32>,
        %add3A_1360 = arith.addf %unpack3A_1344, %unpack3A_1324 : vector<16xf32>
        %add3A_1361 = arith.addf %add3A_1360, %unpack3A_1332 : vector<16xf32>
        %mul3A_1362 = arith.mulf %gather3A_1317, %get3A_165 : vector<16xf32>
        %add3A_1363 = arith.addf %add3A_1361, %mul3A_1362 : vector<16xf32>
        %swap3A_1364 = arith.index_cast %add3A_1287 : i32 to index
        %swap3A_1365 = arith.constant 32 : index
        %swap3A_1366 = tpu.vector_load %arg12[%swap3A_1364, %swap3A_1365] {strides = array<i32>} : memref<256x64xf32, #tpu.memory_space<vmem>>, vector<16xf32>,
        tpu.vector_store %arg12[%swap3A_1364, %swap3A_1365], %add3A_1363 {strides = array<i32>} : memref<256x64xf32, #tpu.memory_space<vmem>>, vector<16xf32>,
        %add3A_1367 = arith.addf %unpack3A_1345, %unpack3A_1325 : vector<16xf32>
        %add3A_1368 = arith.addf %add3A_1367, %unpack3A_1333 : vector<16xf32>
        %mul3A_1369 = arith.mulf %gather3A_1317, %get3A_167 : vector<16xf32>
        %add3A_1370 = arith.addf %add3A_1368, %mul3A_1369 : vector<16xf32>
        %swap3A_1371 = arith.index_cast %add3A_1287 : i32 to index
        %swap3A_1372 = arith.constant 48 : index
        %swap3A_1373 = tpu.vector_load %arg12[%swap3A_1371, %swap3A_1372] {strides = array<i32>} : memref<256x64xf32, #tpu.memory_space<vmem>>, vector<16xf32>,
        tpu.vector_store %arg12[%swap3A_1371, %swap3A_1372], %add3A_1370 {strides = array<i32>} : memref<256x64xf32, #tpu.memory_space<vmem>>, vector<16xf32>,
        %mul3A_1374 = arith.constant 16 : i32
        %mul3A_1375 = arith.muli %scan3A_248, %mul3A_1374 : i32
        %add3A_1376 = arith.constant 12 : i32
        %add3A_1377 = arith.addi %mul3A_1375, %add3A_1376 : i32
        %lt3A_1378 = arith.constant 0 : i32
        %lt3A_1379 = vector.broadcast %lt3A_1378 : i32 to vector<16xi32>
        %lt3A_1380 = arith.cmpi slt, %broadcast_in_dim3A_24, %lt3A_1379 : vector<16xi32>
        %add3A_1381 = arith.constant 16 : i32
        %add3A_1382 = vector.broadcast %add3A_1381 : i32 to vector<16xi32>
        %add3A_1383 = arith.addi %broadcast_in_dim3A_24, %add3A_1382 : vector<16xi32>
        %select_n3A_1384 = arith.select %lt3A_1380, %add3A_1383, %broadcast_in_dim3A_24 : vector<16xi1>, vector<16xi32>
        %broadcast_in_dim3A_1385 = vector.shape_cast %select_n3A_1384 : vector<16xi32> to vector<16x1xi32>
        %gather3A_1386 = vector.shape_cast %broadcast_in_dim3A_1385 : vector<16x1xi32> to vector<16xi32>
        %gather3A_1387 = tpu.dynamic_gather %get3A_286[%gather3A_1386] in [0] : vector<16xi32>, vector<16xi32> -> vector<16xi32>
        %lt3A_1388 = arith.constant 0 : i32
        %lt3A_1389 = vector.broadcast %lt3A_1388 : i32 to vector<16xi32>
        %lt3A_1390 = arith.cmpi slt, %broadcast_in_dim3A_24, %lt3A_1389 : vector<16xi32>
        %add3A_1391 = arith.constant 16 : i32
        %add3A_1392 = vector.broadcast %add3A_1391 : i32 to vector<16xi32>
        %add3A_1393 = arith.addi %broadcast_in_dim3A_24, %add3A_1392 : vector<16xi32>
        %select_n3A_1394 = arith.select %lt3A_1390, %add3A_1393, %broadcast_in_dim3A_24 : vector<16xi1>, vector<16xi32>
        %broadcast_in_dim3A_1395 = vector.shape_cast %select_n3A_1394 : vector<16xi32> to vector<16x1xi32>
        %gather3A_1396 = vector.shape_cast %broadcast_in_dim3A_1395 : vector<16x1xi32> to vector<16xi32>
        %gather3A_1397 = tpu.dynamic_gather %get3A_291[%gather3A_1396] in [0] : vector<16xi32>, vector<16xi32> -> vector<16xi32>
        %lt3A_1398 = arith.constant 0 : i32
        %lt3A_1399 = vector.broadcast %lt3A_1398 : i32 to vector<16xi32>
        %lt3A_1400 = arith.cmpi slt, %broadcast_in_dim3A_24, %lt3A_1399 : vector<16xi32>
        %add3A_1401 = arith.constant 16 : i32
        %add3A_1402 = vector.broadcast %add3A_1401 : i32 to vector<16xi32>
        %add3A_1403 = arith.addi %broadcast_in_dim3A_24, %add3A_1402 : vector<16xi32>
        %select_n3A_1404 = arith.select %lt3A_1400, %add3A_1403, %broadcast_in_dim3A_24 : vector<16xi1>, vector<16xi32>
        %broadcast_in_dim3A_1405 = vector.shape_cast %select_n3A_1404 : vector<16xi32> to vector<16x1xi32>
        %gather3A_1406 = vector.shape_cast %broadcast_in_dim3A_1405 : vector<16x1xi32> to vector<16xi32>
        %gather3A_1407 = tpu.dynamic_gather %bitcast3A[%gather3A_1406] in [0] : vector<16xf32>, vector<16xi32> -> vector<16xf32>
        %gather3A_1408 = tpu.vector_load_idx %arg14[%gather3A_1387, %add3A_32] : memref<1860x32xi32, #tpu.memory_space<vmem>>[vector<16xi32>, vector<16xi32>], vector<16xi32>,
        %bitcast3A_1409 = vector.bitcast %gather3A_1408 : vector<16xi32> to vector<32xbf16>
        %unpack3A_1410 = tpu.unpack_subelements %bitcast3A_1409, 0 {pack_format = #tpu.pack_format<interleaved>} : vector<32xbf16> -> vector<16xf32>
        %unpack3A_1411 = tpu.unpack_subelements %bitcast3A_1409, 1 {pack_format = #tpu.pack_format<interleaved>} : vector<32xbf16> -> vector<16xf32>
        %gather3A_1412 = tpu.vector_load_idx %arg14[%gather3A_1387, %add3A_36] : memref<1860x32xi32, #tpu.memory_space<vmem>>[vector<16xi32>, vector<16xi32>], vector<16xi32>,
        %bitcast3A_1413 = vector.bitcast %gather3A_1412 : vector<16xi32> to vector<32xbf16>
        %unpack3A_1414 = tpu.unpack_subelements %bitcast3A_1413, 0 {pack_format = #tpu.pack_format<interleaved>} : vector<32xbf16> -> vector<16xf32>
        %unpack3A_1415 = tpu.unpack_subelements %bitcast3A_1413, 1 {pack_format = #tpu.pack_format<interleaved>} : vector<32xbf16> -> vector<16xf32>
        %gather3A_1416 = tpu.vector_load_idx %arg15[%gather3A_1397, %add3A_32] : memref<25x32xi32, #tpu.memory_space<vmem>>[vector<16xi32>, vector<16xi32>], vector<16xi32>,
        %bitcast3A_1417 = vector.bitcast %gather3A_1416 : vector<16xi32> to vector<32xbf16>
        %unpack3A_1418 = tpu.unpack_subelements %bitcast3A_1417, 0 {pack_format = #tpu.pack_format<interleaved>} : vector<32xbf16> -> vector<16xf32>
        %unpack3A_1419 = tpu.unpack_subelements %bitcast3A_1417, 1 {pack_format = #tpu.pack_format<interleaved>} : vector<32xbf16> -> vector<16xf32>
        %gather3A_1420 = tpu.vector_load_idx %arg15[%gather3A_1397, %add3A_36] : memref<25x32xi32, #tpu.memory_space<vmem>>[vector<16xi32>, vector<16xi32>], vector<16xi32>,
        %bitcast3A_1421 = vector.bitcast %gather3A_1420 : vector<16xi32> to vector<32xbf16>
        %unpack3A_1422 = tpu.unpack_subelements %bitcast3A_1421, 0 {pack_format = #tpu.pack_format<interleaved>} : vector<32xbf16> -> vector<16xf32>
        %unpack3A_1423 = tpu.unpack_subelements %bitcast3A_1421, 1 {pack_format = #tpu.pack_format<interleaved>} : vector<32xbf16> -> vector<16xf32>
        %get3A_1424 = arith.index_cast %add3A_1377 : i32 to index
        %get3A_1425 = arith.constant 0 : index
        %get3A_1426 = tpu.vector_load %arg10[%get3A_1424, %get3A_1425] {strides = array<i32>} : memref<256x32xi32, #tpu.memory_space<vmem>>, vector<16xi32>,
        %bitcast3A_1427 = vector.bitcast %get3A_1426 : vector<16xi32> to vector<32xbf16>
        %unpack3A_1428 = tpu.unpack_subelements %bitcast3A_1427, 0 {pack_format = #tpu.pack_format<interleaved>} : vector<32xbf16> -> vector<16xf32>
        %unpack3A_1429 = tpu.unpack_subelements %bitcast3A_1427, 1 {pack_format = #tpu.pack_format<interleaved>} : vector<32xbf16> -> vector<16xf32>
        %get3A_1430 = arith.index_cast %add3A_1377 : i32 to index
        %get3A_1431 = arith.constant 16 : index
        %get3A_1432 = tpu.vector_load %arg10[%get3A_1430, %get3A_1431] {strides = array<i32>} : memref<256x32xi32, #tpu.memory_space<vmem>>, vector<16xi32>,
        %bitcast3A_1433 = vector.bitcast %get3A_1432 : vector<16xi32> to vector<32xbf16>
        %unpack3A_1434 = tpu.unpack_subelements %bitcast3A_1433, 0 {pack_format = #tpu.pack_format<interleaved>} : vector<32xbf16> -> vector<16xf32>
        %unpack3A_1435 = tpu.unpack_subelements %bitcast3A_1433, 1 {pack_format = #tpu.pack_format<interleaved>} : vector<32xbf16> -> vector<16xf32>
        %add3A_1436 = arith.addf %unpack3A_1428, %unpack3A_1410 : vector<16xf32>
        %add3A_1437 = arith.addf %add3A_1436, %unpack3A_1418 : vector<16xf32>
        %mul3A_1438 = arith.mulf %gather3A_1407, %get3A_161 : vector<16xf32>
        %add3A_1439 = arith.addf %add3A_1437, %mul3A_1438 : vector<16xf32>
        %swap3A_1440 = arith.index_cast %add3A_1377 : i32 to index
        %swap3A_1441 = arith.constant 0 : index
        %swap3A_1442 = tpu.vector_load %arg12[%swap3A_1440, %swap3A_1441] {strides = array<i32>} : memref<256x64xf32, #tpu.memory_space<vmem>>, vector<16xf32>,
        tpu.vector_store %arg12[%swap3A_1440, %swap3A_1441], %add3A_1439 {strides = array<i32>} : memref<256x64xf32, #tpu.memory_space<vmem>>, vector<16xf32>,
        %add3A_1443 = arith.addf %unpack3A_1429, %unpack3A_1411 : vector<16xf32>
        %add3A_1444 = arith.addf %add3A_1443, %unpack3A_1419 : vector<16xf32>
        %mul3A_1445 = arith.mulf %gather3A_1407, %get3A_163 : vector<16xf32>
        %add3A_1446 = arith.addf %add3A_1444, %mul3A_1445 : vector<16xf32>
        %swap3A_1447 = arith.index_cast %add3A_1377 : i32 to index
        %swap3A_1448 = arith.constant 16 : index
        %swap3A_1449 = tpu.vector_load %arg12[%swap3A_1447, %swap3A_1448] {strides = array<i32>} : memref<256x64xf32, #tpu.memory_space<vmem>>, vector<16xf32>,
        tpu.vector_store %arg12[%swap3A_1447, %swap3A_1448], %add3A_1446 {strides = array<i32>} : memref<256x64xf32, #tpu.memory_space<vmem>>, vector<16xf32>,
        %add3A_1450 = arith.addf %unpack3A_1434, %unpack3A_1414 : vector<16xf32>
        %add3A_1451 = arith.addf %add3A_1450, %unpack3A_1422 : vector<16xf32>
        %mul3A_1452 = arith.mulf %gather3A_1407, %get3A_165 : vector<16xf32>
        %add3A_1453 = arith.addf %add3A_1451, %mul3A_1452 : vector<16xf32>
        %swap3A_1454 = arith.index_cast %add3A_1377 : i32 to index
        %swap3A_1455 = arith.constant 32 : index
        %swap3A_1456 = tpu.vector_load %arg12[%swap3A_1454, %swap3A_1455] {strides = array<i32>} : memref<256x64xf32, #tpu.memory_space<vmem>>, vector<16xf32>,
        tpu.vector_store %arg12[%swap3A_1454, %swap3A_1455], %add3A_1453 {strides = array<i32>} : memref<256x64xf32, #tpu.memory_space<vmem>>, vector<16xf32>,
        %add3A_1457 = arith.addf %unpack3A_1435, %unpack3A_1415 : vector<16xf32>
        %add3A_1458 = arith.addf %add3A_1457, %unpack3A_1423 : vector<16xf32>
        %mul3A_1459 = arith.mulf %gather3A_1407, %get3A_167 : vector<16xf32>
        %add3A_1460 = arith.addf %add3A_1458, %mul3A_1459 : vector<16xf32>
        %swap3A_1461 = arith.index_cast %add3A_1377 : i32 to index
        %swap3A_1462 = arith.constant 48 : index
        %swap3A_1463 = tpu.vector_load %arg12[%swap3A_1461, %swap3A_1462] {strides = array<i32>} : memref<256x64xf32, #tpu.memory_space<vmem>>, vector<16xf32>,
        tpu.vector_store %arg12[%swap3A_1461, %swap3A_1462], %add3A_1460 {strides = array<i32>} : memref<256x64xf32, #tpu.memory_space<vmem>>, vector<16xf32>,
        %mul3A_1464 = arith.constant 16 : i32
        %mul3A_1465 = arith.muli %scan3A_248, %mul3A_1464 : i32
        %add3A_1466 = arith.constant 13 : i32
        %add3A_1467 = arith.addi %mul3A_1465, %add3A_1466 : i32
        %lt3A_1468 = arith.constant 0 : i32
        %lt3A_1469 = vector.broadcast %lt3A_1468 : i32 to vector<16xi32>
        %lt3A_1470 = arith.cmpi slt, %broadcast_in_dim3A_26, %lt3A_1469 : vector<16xi32>
        %add3A_1471 = arith.constant 16 : i32
        %add3A_1472 = vector.broadcast %add3A_1471 : i32 to vector<16xi32>
        %add3A_1473 = arith.addi %broadcast_in_dim3A_26, %add3A_1472 : vector<16xi32>
        %select_n3A_1474 = arith.select %lt3A_1470, %add3A_1473, %broadcast_in_dim3A_26 : vector<16xi1>, vector<16xi32>
        %broadcast_in_dim3A_1475 = vector.shape_cast %select_n3A_1474 : vector<16xi32> to vector<16x1xi32>
        %gather3A_1476 = vector.shape_cast %broadcast_in_dim3A_1475 : vector<16x1xi32> to vector<16xi32>
        %gather3A_1477 = tpu.dynamic_gather %get3A_286[%gather3A_1476] in [0] : vector<16xi32>, vector<16xi32> -> vector<16xi32>
        %lt3A_1478 = arith.constant 0 : i32
        %lt3A_1479 = vector.broadcast %lt3A_1478 : i32 to vector<16xi32>
        %lt3A_1480 = arith.cmpi slt, %broadcast_in_dim3A_26, %lt3A_1479 : vector<16xi32>
        %add3A_1481 = arith.constant 16 : i32
        %add3A_1482 = vector.broadcast %add3A_1481 : i32 to vector<16xi32>
        %add3A_1483 = arith.addi %broadcast_in_dim3A_26, %add3A_1482 : vector<16xi32>
        %select_n3A_1484 = arith.select %lt3A_1480, %add3A_1483, %broadcast_in_dim3A_26 : vector<16xi1>, vector<16xi32>
        %broadcast_in_dim3A_1485 = vector.shape_cast %select_n3A_1484 : vector<16xi32> to vector<16x1xi32>
        %gather3A_1486 = vector.shape_cast %broadcast_in_dim3A_1485 : vector<16x1xi32> to vector<16xi32>
        %gather3A_1487 = tpu.dynamic_gather %get3A_291[%gather3A_1486] in [0] : vector<16xi32>, vector<16xi32> -> vector<16xi32>
        %lt3A_1488 = arith.constant 0 : i32
        %lt3A_1489 = vector.broadcast %lt3A_1488 : i32 to vector<16xi32>
        %lt3A_1490 = arith.cmpi slt, %broadcast_in_dim3A_26, %lt3A_1489 : vector<16xi32>
        %add3A_1491 = arith.constant 16 : i32
        %add3A_1492 = vector.broadcast %add3A_1491 : i32 to vector<16xi32>
        %add3A_1493 = arith.addi %broadcast_in_dim3A_26, %add3A_1492 : vector<16xi32>
        %select_n3A_1494 = arith.select %lt3A_1490, %add3A_1493, %broadcast_in_dim3A_26 : vector<16xi1>, vector<16xi32>
        %broadcast_in_dim3A_1495 = vector.shape_cast %select_n3A_1494 : vector<16xi32> to vector<16x1xi32>
        %gather3A_1496 = vector.shape_cast %broadcast_in_dim3A_1495 : vector<16x1xi32> to vector<16xi32>
        %gather3A_1497 = tpu.dynamic_gather %bitcast3A[%gather3A_1496] in [0] : vector<16xf32>, vector<16xi32> -> vector<16xf32>
        %gather3A_1498 = tpu.vector_load_idx %arg14[%gather3A_1477, %add3A_32] : memref<1860x32xi32, #tpu.memory_space<vmem>>[vector<16xi32>, vector<16xi32>], vector<16xi32>,
        %bitcast3A_1499 = vector.bitcast %gather3A_1498 : vector<16xi32> to vector<32xbf16>
        %unpack3A_1500 = tpu.unpack_subelements %bitcast3A_1499, 0 {pack_format = #tpu.pack_format<interleaved>} : vector<32xbf16> -> vector<16xf32>
        %unpack3A_1501 = tpu.unpack_subelements %bitcast3A_1499, 1 {pack_format = #tpu.pack_format<interleaved>} : vector<32xbf16> -> vector<16xf32>
        %gather3A_1502 = tpu.vector_load_idx %arg14[%gather3A_1477, %add3A_36] : memref<1860x32xi32, #tpu.memory_space<vmem>>[vector<16xi32>, vector<16xi32>], vector<16xi32>,
        %bitcast3A_1503 = vector.bitcast %gather3A_1502 : vector<16xi32> to vector<32xbf16>
        %unpack3A_1504 = tpu.unpack_subelements %bitcast3A_1503, 0 {pack_format = #tpu.pack_format<interleaved>} : vector<32xbf16> -> vector<16xf32>
        %unpack3A_1505 = tpu.unpack_subelements %bitcast3A_1503, 1 {pack_format = #tpu.pack_format<interleaved>} : vector<32xbf16> -> vector<16xf32>
        %gather3A_1506 = tpu.vector_load_idx %arg15[%gather3A_1487, %add3A_32] : memref<25x32xi32, #tpu.memory_space<vmem>>[vector<16xi32>, vector<16xi32>], vector<16xi32>,
        %bitcast3A_1507 = vector.bitcast %gather3A_1506 : vector<16xi32> to vector<32xbf16>
        %unpack3A_1508 = tpu.unpack_subelements %bitcast3A_1507, 0 {pack_format = #tpu.pack_format<interleaved>} : vector<32xbf16> -> vector<16xf32>
        %unpack3A_1509 = tpu.unpack_subelements %bitcast3A_1507, 1 {pack_format = #tpu.pack_format<interleaved>} : vector<32xbf16> -> vector<16xf32>
        %gather3A_1510 = tpu.vector_load_idx %arg15[%gather3A_1487, %add3A_36] : memref<25x32xi32, #tpu.memory_space<vmem>>[vector<16xi32>, vector<16xi32>], vector<16xi32>,
        %bitcast3A_1511 = vector.bitcast %gather3A_1510 : vector<16xi32> to vector<32xbf16>
        %unpack3A_1512 = tpu.unpack_subelements %bitcast3A_1511, 0 {pack_format = #tpu.pack_format<interleaved>} : vector<32xbf16> -> vector<16xf32>
        %unpack3A_1513 = tpu.unpack_subelements %bitcast3A_1511, 1 {pack_format = #tpu.pack_format<interleaved>} : vector<32xbf16> -> vector<16xf32>
        %get3A_1514 = arith.index_cast %add3A_1467 : i32 to index
        %get3A_1515 = arith.constant 0 : index
        %get3A_1516 = tpu.vector_load %arg10[%get3A_1514, %get3A_1515] {strides = array<i32>} : memref<256x32xi32, #tpu.memory_space<vmem>>, vector<16xi32>,
        %bitcast3A_1517 = vector.bitcast %get3A_1516 : vector<16xi32> to vector<32xbf16>
        %unpack3A_1518 = tpu.unpack_subelements %bitcast3A_1517, 0 {pack_format = #tpu.pack_format<interleaved>} : vector<32xbf16> -> vector<16xf32>
        %unpack3A_1519 = tpu.unpack_subelements %bitcast3A_1517, 1 {pack_format = #tpu.pack_format<interleaved>} : vector<32xbf16> -> vector<16xf32>
        %get3A_1520 = arith.index_cast %add3A_1467 : i32 to index
        %get3A_1521 = arith.constant 16 : index
        %get3A_1522 = tpu.vector_load %arg10[%get3A_1520, %get3A_1521] {strides = array<i32>} : memref<256x32xi32, #tpu.memory_space<vmem>>, vector<16xi32>,
        %bitcast3A_1523 = vector.bitcast %get3A_1522 : vector<16xi32> to vector<32xbf16>
        %unpack3A_1524 = tpu.unpack_subelements %bitcast3A_1523, 0 {pack_format = #tpu.pack_format<interleaved>} : vector<32xbf16> -> vector<16xf32>
        %unpack3A_1525 = tpu.unpack_subelements %bitcast3A_1523, 1 {pack_format = #tpu.pack_format<interleaved>} : vector<32xbf16> -> vector<16xf32>
        %add3A_1526 = arith.addf %unpack3A_1518, %unpack3A_1500 : vector<16xf32>
        %add3A_1527 = arith.addf %add3A_1526, %unpack3A_1508 : vector<16xf32>
        %mul3A_1528 = arith.mulf %gather3A_1497, %get3A_161 : vector<16xf32>
        %add3A_1529 = arith.addf %add3A_1527, %mul3A_1528 : vector<16xf32>
        %swap3A_1530 = arith.index_cast %add3A_1467 : i32 to index
        %swap3A_1531 = arith.constant 0 : index
        %swap3A_1532 = tpu.vector_load %arg12[%swap3A_1530, %swap3A_1531] {strides = array<i32>} : memref<256x64xf32, #tpu.memory_space<vmem>>, vector<16xf32>,
        tpu.vector_store %arg12[%swap3A_1530, %swap3A_1531], %add3A_1529 {strides = array<i32>} : memref<256x64xf32, #tpu.memory_space<vmem>>, vector<16xf32>,
        %add3A_1533 = arith.addf %unpack3A_1519, %unpack3A_1501 : vector<16xf32>
        %add3A_1534 = arith.addf %add3A_1533, %unpack3A_1509 : vector<16xf32>
        %mul3A_1535 = arith.mulf %gather3A_1497, %get3A_163 : vector<16xf32>
        %add3A_1536 = arith.addf %add3A_1534, %mul3A_1535 : vector<16xf32>
        %swap3A_1537 = arith.index_cast %add3A_1467 : i32 to index
        %swap3A_1538 = arith.constant 16 : index
        %swap3A_1539 = tpu.vector_load %arg12[%swap3A_1537, %swap3A_1538] {strides = array<i32>} : memref<256x64xf32, #tpu.memory_space<vmem>>, vector<16xf32>,
        tpu.vector_store %arg12[%swap3A_1537, %swap3A_1538], %add3A_1536 {strides = array<i32>} : memref<256x64xf32, #tpu.memory_space<vmem>>, vector<16xf32>,
        %add3A_1540 = arith.addf %unpack3A_1524, %unpack3A_1504 : vector<16xf32>
        %add3A_1541 = arith.addf %add3A_1540, %unpack3A_1512 : vector<16xf32>
        %mul3A_1542 = arith.mulf %gather3A_1497, %get3A_165 : vector<16xf32>
        %add3A_1543 = arith.addf %add3A_1541, %mul3A_1542 : vector<16xf32>
        %swap3A_1544 = arith.index_cast %add3A_1467 : i32 to index
        %swap3A_1545 = arith.constant 32 : index
        %swap3A_1546 = tpu.vector_load %arg12[%swap3A_1544, %swap3A_1545] {strides = array<i32>} : memref<256x64xf32, #tpu.memory_space<vmem>>, vector<16xf32>,
        tpu.vector_store %arg12[%swap3A_1544, %swap3A_1545], %add3A_1543 {strides = array<i32>} : memref<256x64xf32, #tpu.memory_space<vmem>>, vector<16xf32>,
        %add3A_1547 = arith.addf %unpack3A_1525, %unpack3A_1505 : vector<16xf32>
        %add3A_1548 = arith.addf %add3A_1547, %unpack3A_1513 : vector<16xf32>
        %mul3A_1549 = arith.mulf %gather3A_1497, %get3A_167 : vector<16xf32>
        %add3A_1550 = arith.addf %add3A_1548, %mul3A_1549 : vector<16xf32>
        %swap3A_1551 = arith.index_cast %add3A_1467 : i32 to index
        %swap3A_1552 = arith.constant 48 : index
        %swap3A_1553 = tpu.vector_load %arg12[%swap3A_1551, %swap3A_1552] {strides = array<i32>} : memref<256x64xf32, #tpu.memory_space<vmem>>, vector<16xf32>,
        tpu.vector_store %arg12[%swap3A_1551, %swap3A_1552], %add3A_1550 {strides = array<i32>} : memref<256x64xf32, #tpu.memory_space<vmem>>, vector<16xf32>,
        %mul3A_1554 = arith.constant 16 : i32
        %mul3A_1555 = arith.muli %scan3A_248, %mul3A_1554 : i32
        %add3A_1556 = arith.constant 14 : i32
        %add3A_1557 = arith.addi %mul3A_1555, %add3A_1556 : i32
        %lt3A_1558 = arith.constant 0 : i32
        %lt3A_1559 = vector.broadcast %lt3A_1558 : i32 to vector<16xi32>
        %lt3A_1560 = arith.cmpi slt, %broadcast_in_dim3A_28, %lt3A_1559 : vector<16xi32>
        %add3A_1561 = arith.constant 16 : i32
        %add3A_1562 = vector.broadcast %add3A_1561 : i32 to vector<16xi32>
        %add3A_1563 = arith.addi %broadcast_in_dim3A_28, %add3A_1562 : vector<16xi32>
        %select_n3A_1564 = arith.select %lt3A_1560, %add3A_1563, %broadcast_in_dim3A_28 : vector<16xi1>, vector<16xi32>
        %broadcast_in_dim3A_1565 = vector.shape_cast %select_n3A_1564 : vector<16xi32> to vector<16x1xi32>
        %gather3A_1566 = vector.shape_cast %broadcast_in_dim3A_1565 : vector<16x1xi32> to vector<16xi32>
        %gather3A_1567 = tpu.dynamic_gather %get3A_286[%gather3A_1566] in [0] : vector<16xi32>, vector<16xi32> -> vector<16xi32>
        %lt3A_1568 = arith.constant 0 : i32
        %lt3A_1569 = vector.broadcast %lt3A_1568 : i32 to vector<16xi32>
        %lt3A_1570 = arith.cmpi slt, %broadcast_in_dim3A_28, %lt3A_1569 : vector<16xi32>
        %add3A_1571 = arith.constant 16 : i32
        %add3A_1572 = vector.broadcast %add3A_1571 : i32 to vector<16xi32>
        %add3A_1573 = arith.addi %broadcast_in_dim3A_28, %add3A_1572 : vector<16xi32>
        %select_n3A_1574 = arith.select %lt3A_1570, %add3A_1573, %broadcast_in_dim3A_28 : vector<16xi1>, vector<16xi32>
        %broadcast_in_dim3A_1575 = vector.shape_cast %select_n3A_1574 : vector<16xi32> to vector<16x1xi32>
        %gather3A_1576 = vector.shape_cast %broadcast_in_dim3A_1575 : vector<16x1xi32> to vector<16xi32>
        %gather3A_1577 = tpu.dynamic_gather %get3A_291[%gather3A_1576] in [0] : vector<16xi32>, vector<16xi32> -> vector<16xi32>
        %lt3A_1578 = arith.constant 0 : i32
        %lt3A_1579 = vector.broadcast %lt3A_1578 : i32 to vector<16xi32>
        %lt3A_1580 = arith.cmpi slt, %broadcast_in_dim3A_28, %lt3A_1579 : vector<16xi32>
        %add3A_1581 = arith.constant 16 : i32
        %add3A_1582 = vector.broadcast %add3A_1581 : i32 to vector<16xi32>
        %add3A_1583 = arith.addi %broadcast_in_dim3A_28, %add3A_1582 : vector<16xi32>
        %select_n3A_1584 = arith.select %lt3A_1580, %add3A_1583, %broadcast_in_dim3A_28 : vector<16xi1>, vector<16xi32>
        %broadcast_in_dim3A_1585 = vector.shape_cast %select_n3A_1584 : vector<16xi32> to vector<16x1xi32>
        %gather3A_1586 = vector.shape_cast %broadcast_in_dim3A_1585 : vector<16x1xi32> to vector<16xi32>
        %gather3A_1587 = tpu.dynamic_gather %bitcast3A[%gather3A_1586] in [0] : vector<16xf32>, vector<16xi32> -> vector<16xf32>
        %gather3A_1588 = tpu.vector_load_idx %arg14[%gather3A_1567, %add3A_32] : memref<1860x32xi32, #tpu.memory_space<vmem>>[vector<16xi32>, vector<16xi32>], vector<16xi32>,
        %bitcast3A_1589 = vector.bitcast %gather3A_1588 : vector<16xi32> to vector<32xbf16>
        %unpack3A_1590 = tpu.unpack_subelements %bitcast3A_1589, 0 {pack_format = #tpu.pack_format<interleaved>} : vector<32xbf16> -> vector<16xf32>
        %unpack3A_1591 = tpu.unpack_subelements %bitcast3A_1589, 1 {pack_format = #tpu.pack_format<interleaved>} : vector<32xbf16> -> vector<16xf32>
        %gather3A_1592 = tpu.vector_load_idx %arg14[%gather3A_1567, %add3A_36] : memref<1860x32xi32, #tpu.memory_space<vmem>>[vector<16xi32>, vector<16xi32>], vector<16xi32>,
        %bitcast3A_1593 = vector.bitcast %gather3A_1592 : vector<16xi32> to vector<32xbf16>
        %unpack3A_1594 = tpu.unpack_subelements %bitcast3A_1593, 0 {pack_format = #tpu.pack_format<interleaved>} : vector<32xbf16> -> vector<16xf32>
        %unpack3A_1595 = tpu.unpack_subelements %bitcast3A_1593, 1 {pack_format = #tpu.pack_format<interleaved>} : vector<32xbf16> -> vector<16xf32>
        %gather3A_1596 = tpu.vector_load_idx %arg15[%gather3A_1577, %add3A_32] : memref<25x32xi32, #tpu.memory_space<vmem>>[vector<16xi32>, vector<16xi32>], vector<16xi32>,
        %bitcast3A_1597 = vector.bitcast %gather3A_1596 : vector<16xi32> to vector<32xbf16>
        %unpack3A_1598 = tpu.unpack_subelements %bitcast3A_1597, 0 {pack_format = #tpu.pack_format<interleaved>} : vector<32xbf16> -> vector<16xf32>
        %unpack3A_1599 = tpu.unpack_subelements %bitcast3A_1597, 1 {pack_format = #tpu.pack_format<interleaved>} : vector<32xbf16> -> vector<16xf32>
        %gather3A_1600 = tpu.vector_load_idx %arg15[%gather3A_1577, %add3A_36] : memref<25x32xi32, #tpu.memory_space<vmem>>[vector<16xi32>, vector<16xi32>], vector<16xi32>,
        %bitcast3A_1601 = vector.bitcast %gather3A_1600 : vector<16xi32> to vector<32xbf16>
        %unpack3A_1602 = tpu.unpack_subelements %bitcast3A_1601, 0 {pack_format = #tpu.pack_format<interleaved>} : vector<32xbf16> -> vector<16xf32>
        %unpack3A_1603 = tpu.unpack_subelements %bitcast3A_1601, 1 {pack_format = #tpu.pack_format<interleaved>} : vector<32xbf16> -> vector<16xf32>
        %get3A_1604 = arith.index_cast %add3A_1557 : i32 to index
        %get3A_1605 = arith.constant 0 : index
        %get3A_1606 = tpu.vector_load %arg10[%get3A_1604, %get3A_1605] {strides = array<i32>} : memref<256x32xi32, #tpu.memory_space<vmem>>, vector<16xi32>,
        %bitcast3A_1607 = vector.bitcast %get3A_1606 : vector<16xi32> to vector<32xbf16>
        %unpack3A_1608 = tpu.unpack_subelements %bitcast3A_1607, 0 {pack_format = #tpu.pack_format<interleaved>} : vector<32xbf16> -> vector<16xf32>
        %unpack3A_1609 = tpu.unpack_subelements %bitcast3A_1607, 1 {pack_format = #tpu.pack_format<interleaved>} : vector<32xbf16> -> vector<16xf32>
        %get3A_1610 = arith.index_cast %add3A_1557 : i32 to index
        %get3A_1611 = arith.constant 16 : index
        %get3A_1612 = tpu.vector_load %arg10[%get3A_1610, %get3A_1611] {strides = array<i32>} : memref<256x32xi32, #tpu.memory_space<vmem>>, vector<16xi32>,
        %bitcast3A_1613 = vector.bitcast %get3A_1612 : vector<16xi32> to vector<32xbf16>
        %unpack3A_1614 = tpu.unpack_subelements %bitcast3A_1613, 0 {pack_format = #tpu.pack_format<interleaved>} : vector<32xbf16> -> vector<16xf32>
        %unpack3A_1615 = tpu.unpack_subelements %bitcast3A_1613, 1 {pack_format = #tpu.pack_format<interleaved>} : vector<32xbf16> -> vector<16xf32>
        %add3A_1616 = arith.addf %unpack3A_1608, %unpack3A_1590 : vector<16xf32>
        %add3A_1617 = arith.addf %add3A_1616, %unpack3A_1598 : vector<16xf32>
        %mul3A_1618 = arith.mulf %gather3A_1587, %get3A_161 : vector<16xf32>
        %add3A_1619 = arith.addf %add3A_1617, %mul3A_1618 : vector<16xf32>
        %swap3A_1620 = arith.index_cast %add3A_1557 : i32 to index
        %swap3A_1621 = arith.constant 0 : index
        %swap3A_1622 = tpu.vector_load %arg12[%swap3A_1620, %swap3A_1621] {strides = array<i32>} : memref<256x64xf32, #tpu.memory_space<vmem>>, vector<16xf32>,
        tpu.vector_store %arg12[%swap3A_1620, %swap3A_1621], %add3A_1619 {strides = array<i32>} : memref<256x64xf32, #tpu.memory_space<vmem>>, vector<16xf32>,
        %add3A_1623 = arith.addf %unpack3A_1609, %unpack3A_1591 : vector<16xf32>
        %add3A_1624 = arith.addf %add3A_1623, %unpack3A_1599 : vector<16xf32>
        %mul3A_1625 = arith.mulf %gather3A_1587, %get3A_163 : vector<16xf32>
        %add3A_1626 = arith.addf %add3A_1624, %mul3A_1625 : vector<16xf32>
        %swap3A_1627 = arith.index_cast %add3A_1557 : i32 to index
        %swap3A_1628 = arith.constant 16 : index
        %swap3A_1629 = tpu.vector_load %arg12[%swap3A_1627, %swap3A_1628] {strides = array<i32>} : memref<256x64xf32, #tpu.memory_space<vmem>>, vector<16xf32>,
        tpu.vector_store %arg12[%swap3A_1627, %swap3A_1628], %add3A_1626 {strides = array<i32>} : memref<256x64xf32, #tpu.memory_space<vmem>>, vector<16xf32>,
        %add3A_1630 = arith.addf %unpack3A_1614, %unpack3A_1594 : vector<16xf32>
        %add3A_1631 = arith.addf %add3A_1630, %unpack3A_1602 : vector<16xf32>
        %mul3A_1632 = arith.mulf %gather3A_1587, %get3A_165 : vector<16xf32>
        %add3A_1633 = arith.addf %add3A_1631, %mul3A_1632 : vector<16xf32>
        %swap3A_1634 = arith.index_cast %add3A_1557 : i32 to index
        %swap3A_1635 = arith.constant 32 : index
        %swap3A_1636 = tpu.vector_load %arg12[%swap3A_1634, %swap3A_1635] {strides = array<i32>} : memref<256x64xf32, #tpu.memory_space<vmem>>, vector<16xf32>,
        tpu.vector_store %arg12[%swap3A_1634, %swap3A_1635], %add3A_1633 {strides = array<i32>} : memref<256x64xf32, #tpu.memory_space<vmem>>, vector<16xf32>,
        %add3A_1637 = arith.addf %unpack3A_1615, %unpack3A_1595 : vector<16xf32>
        %add3A_1638 = arith.addf %add3A_1637, %unpack3A_1603 : vector<16xf32>
        %mul3A_1639 = arith.mulf %gather3A_1587, %get3A_167 : vector<16xf32>
        %add3A_1640 = arith.addf %add3A_1638, %mul3A_1639 : vector<16xf32>
        %swap3A_1641 = arith.index_cast %add3A_1557 : i32 to index
        %swap3A_1642 = arith.constant 48 : index
        %swap3A_1643 = tpu.vector_load %arg12[%swap3A_1641, %swap3A_1642] {strides = array<i32>} : memref<256x64xf32, #tpu.memory_space<vmem>>, vector<16xf32>,
        tpu.vector_store %arg12[%swap3A_1641, %swap3A_1642], %add3A_1640 {strides = array<i32>} : memref<256x64xf32, #tpu.memory_space<vmem>>, vector<16xf32>,
        %mul3A_1644 = arith.constant 16 : i32
        %mul3A_1645 = arith.muli %scan3A_248, %mul3A_1644 : i32
        %add3A_1646 = arith.constant 15 : i32
        %add3A_1647 = arith.addi %mul3A_1645, %add3A_1646 : i32
        %lt3A_1648 = arith.constant 0 : i32
        %lt3A_1649 = vector.broadcast %lt3A_1648 : i32 to vector<16xi32>
        %lt3A_1650 = arith.cmpi slt, %broadcast_in_dim3A_30, %lt3A_1649 : vector<16xi32>
        %add3A_1651 = arith.constant 16 : i32
        %add3A_1652 = vector.broadcast %add3A_1651 : i32 to vector<16xi32>
        %add3A_1653 = arith.addi %broadcast_in_dim3A_30, %add3A_1652 : vector<16xi32>
        %select_n3A_1654 = arith.select %lt3A_1650, %add3A_1653, %broadcast_in_dim3A_30 : vector<16xi1>, vector<16xi32>
        %broadcast_in_dim3A_1655 = vector.shape_cast %select_n3A_1654 : vector<16xi32> to vector<16x1xi32>
        %gather3A_1656 = vector.shape_cast %broadcast_in_dim3A_1655 : vector<16x1xi32> to vector<16xi32>
        %gather3A_1657 = tpu.dynamic_gather %get3A_286[%gather3A_1656] in [0] : vector<16xi32>, vector<16xi32> -> vector<16xi32>
        %lt3A_1658 = arith.constant 0 : i32
        %lt3A_1659 = vector.broadcast %lt3A_1658 : i32 to vector<16xi32>
        %lt3A_1660 = arith.cmpi slt, %broadcast_in_dim3A_30, %lt3A_1659 : vector<16xi32>
        %add3A_1661 = arith.constant 16 : i32
        %add3A_1662 = vector.broadcast %add3A_1661 : i32 to vector<16xi32>
        %add3A_1663 = arith.addi %broadcast_in_dim3A_30, %add3A_1662 : vector<16xi32>
        %select_n3A_1664 = arith.select %lt3A_1660, %add3A_1663, %broadcast_in_dim3A_30 : vector<16xi1>, vector<16xi32>
        %broadcast_in_dim3A_1665 = vector.shape_cast %select_n3A_1664 : vector<16xi32> to vector<16x1xi32>
        %gather3A_1666 = vector.shape_cast %broadcast_in_dim3A_1665 : vector<16x1xi32> to vector<16xi32>
        %gather3A_1667 = tpu.dynamic_gather %get3A_291[%gather3A_1666] in [0] : vector<16xi32>, vector<16xi32> -> vector<16xi32>
        %lt3A_1668 = arith.constant 0 : i32
        %lt3A_1669 = vector.broadcast %lt3A_1668 : i32 to vector<16xi32>
        %lt3A_1670 = arith.cmpi slt, %broadcast_in_dim3A_30, %lt3A_1669 : vector<16xi32>
        %add3A_1671 = arith.constant 16 : i32
        %add3A_1672 = vector.broadcast %add3A_1671 : i32 to vector<16xi32>
        %add3A_1673 = arith.addi %broadcast_in_dim3A_30, %add3A_1672 : vector<16xi32>
        %select_n3A_1674 = arith.select %lt3A_1670, %add3A_1673, %broadcast_in_dim3A_30 : vector<16xi1>, vector<16xi32>
        %broadcast_in_dim3A_1675 = vector.shape_cast %select_n3A_1674 : vector<16xi32> to vector<16x1xi32>
        %gather3A_1676 = vector.shape_cast %broadcast_in_dim3A_1675 : vector<16x1xi32> to vector<16xi32>
        %gather3A_1677 = tpu.dynamic_gather %bitcast3A[%gather3A_1676] in [0] : vector<16xf32>, vector<16xi32> -> vector<16xf32>
        %gather3A_1678 = tpu.vector_load_idx %arg14[%gather3A_1657, %add3A_32] : memref<1860x32xi32, #tpu.memory_space<vmem>>[vector<16xi32>, vector<16xi32>], vector<16xi32>,
        %bitcast3A_1679 = vector.bitcast %gather3A_1678 : vector<16xi32> to vector<32xbf16>
        %unpack3A_1680 = tpu.unpack_subelements %bitcast3A_1679, 0 {pack_format = #tpu.pack_format<interleaved>} : vector<32xbf16> -> vector<16xf32>
        %unpack3A_1681 = tpu.unpack_subelements %bitcast3A_1679, 1 {pack_format = #tpu.pack_format<interleaved>} : vector<32xbf16> -> vector<16xf32>
        %gather3A_1682 = tpu.vector_load_idx %arg14[%gather3A_1657, %add3A_36] : memref<1860x32xi32, #tpu.memory_space<vmem>>[vector<16xi32>, vector<16xi32>], vector<16xi32>,
        %bitcast3A_1683 = vector.bitcast %gather3A_1682 : vector<16xi32> to vector<32xbf16>
        %unpack3A_1684 = tpu.unpack_subelements %bitcast3A_1683, 0 {pack_format = #tpu.pack_format<interleaved>} : vector<32xbf16> -> vector<16xf32>
        %unpack3A_1685 = tpu.unpack_subelements %bitcast3A_1683, 1 {pack_format = #tpu.pack_format<interleaved>} : vector<32xbf16> -> vector<16xf32>
        %gather3A_1686 = tpu.vector_load_idx %arg15[%gather3A_1667, %add3A_32] : memref<25x32xi32, #tpu.memory_space<vmem>>[vector<16xi32>, vector<16xi32>], vector<16xi32>,
        %bitcast3A_1687 = vector.bitcast %gather3A_1686 : vector<16xi32> to vector<32xbf16>
        %unpack3A_1688 = tpu.unpack_subelements %bitcast3A_1687, 0 {pack_format = #tpu.pack_format<interleaved>} : vector<32xbf16> -> vector<16xf32>
        %unpack3A_1689 = tpu.unpack_subelements %bitcast3A_1687, 1 {pack_format = #tpu.pack_format<interleaved>} : vector<32xbf16> -> vector<16xf32>
        %gather3A_1690 = tpu.vector_load_idx %arg15[%gather3A_1667, %add3A_36] : memref<25x32xi32, #tpu.memory_space<vmem>>[vector<16xi32>, vector<16xi32>], vector<16xi32>,
        %bitcast3A_1691 = vector.bitcast %gather3A_1690 : vector<16xi32> to vector<32xbf16>
        %unpack3A_1692 = tpu.unpack_subelements %bitcast3A_1691, 0 {pack_format = #tpu.pack_format<interleaved>} : vector<32xbf16> -> vector<16xf32>
        %unpack3A_1693 = tpu.unpack_subelements %bitcast3A_1691, 1 {pack_format = #tpu.pack_format<interleaved>} : vector<32xbf16> -> vector<16xf32>
        %get3A_1694 = arith.index_cast %add3A_1647 : i32 to index
        %get3A_1695 = arith.constant 0 : index
        %get3A_1696 = tpu.vector_load %arg10[%get3A_1694, %get3A_1695] {strides = array<i32>} : memref<256x32xi32, #tpu.memory_space<vmem>>, vector<16xi32>,
        %bitcast3A_1697 = vector.bitcast %get3A_1696 : vector<16xi32> to vector<32xbf16>
        %unpack3A_1698 = tpu.unpack_subelements %bitcast3A_1697, 0 {pack_format = #tpu.pack_format<interleaved>} : vector<32xbf16> -> vector<16xf32>
        %unpack3A_1699 = tpu.unpack_subelements %bitcast3A_1697, 1 {pack_format = #tpu.pack_format<interleaved>} : vector<32xbf16> -> vector<16xf32>
        %get3A_1700 = arith.index_cast %add3A_1647 : i32 to index
        %get3A_1701 = arith.constant 16 : index
        %get3A_1702 = tpu.vector_load %arg10[%get3A_1700, %get3A_1701] {strides = array<i32>} : memref<256x32xi32, #tpu.memory_space<vmem>>, vector<16xi32>,
        %bitcast3A_1703 = vector.bitcast %get3A_1702 : vector<16xi32> to vector<32xbf16>
        %unpack3A_1704 = tpu.unpack_subelements %bitcast3A_1703, 0 {pack_format = #tpu.pack_format<interleaved>} : vector<32xbf16> -> vector<16xf32>
        %unpack3A_1705 = tpu.unpack_subelements %bitcast3A_1703, 1 {pack_format = #tpu.pack_format<interleaved>} : vector<32xbf16> -> vector<16xf32>
        %add3A_1706 = arith.addf %unpack3A_1698, %unpack3A_1680 : vector<16xf32>
        %add3A_1707 = arith.addf %add3A_1706, %unpack3A_1688 : vector<16xf32>
        %mul3A_1708 = arith.mulf %gather3A_1677, %get3A_161 : vector<16xf32>
        %add3A_1709 = arith.addf %add3A_1707, %mul3A_1708 : vector<16xf32>
        %swap3A_1710 = arith.index_cast %add3A_1647 : i32 to index
        %swap3A_1711 = arith.constant 0 : index
        %swap3A_1712 = tpu.vector_load %arg12[%swap3A_1710, %swap3A_1711] {strides = array<i32>} : memref<256x64xf32, #tpu.memory_space<vmem>>, vector<16xf32>,
        tpu.vector_store %arg12[%swap3A_1710, %swap3A_1711], %add3A_1709 {strides = array<i32>} : memref<256x64xf32, #tpu.memory_space<vmem>>, vector<16xf32>,
        %add3A_1713 = arith.addf %unpack3A_1699, %unpack3A_1681 : vector<16xf32>
        %add3A_1714 = arith.addf %add3A_1713, %unpack3A_1689 : vector<16xf32>
        %mul3A_1715 = arith.mulf %gather3A_1677, %get3A_163 : vector<16xf32>
        %add3A_1716 = arith.addf %add3A_1714, %mul3A_1715 : vector<16xf32>
        %swap3A_1717 = arith.index_cast %add3A_1647 : i32 to index
        %swap3A_1718 = arith.constant 16 : index
        %swap3A_1719 = tpu.vector_load %arg12[%swap3A_1717, %swap3A_1718] {strides = array<i32>} : memref<256x64xf32, #tpu.memory_space<vmem>>, vector<16xf32>,
        tpu.vector_store %arg12[%swap3A_1717, %swap3A_1718], %add3A_1716 {strides = array<i32>} : memref<256x64xf32, #tpu.memory_space<vmem>>, vector<16xf32>,
        %add3A_1720 = arith.addf %unpack3A_1704, %unpack3A_1684 : vector<16xf32>
        %add3A_1721 = arith.addf %add3A_1720, %unpack3A_1692 : vector<16xf32>
        %mul3A_1722 = arith.mulf %gather3A_1677, %get3A_165 : vector<16xf32>
        %add3A_1723 = arith.addf %add3A_1721, %mul3A_1722 : vector<16xf32>
        %swap3A_1724 = arith.index_cast %add3A_1647 : i32 to index
        %swap3A_1725 = arith.constant 32 : index
        %swap3A_1726 = tpu.vector_load %arg12[%swap3A_1724, %swap3A_1725] {strides = array<i32>} : memref<256x64xf32, #tpu.memory_space<vmem>>, vector<16xf32>,
        tpu.vector_store %arg12[%swap3A_1724, %swap3A_1725], %add3A_1723 {strides = array<i32>} : memref<256x64xf32, #tpu.memory_space<vmem>>, vector<16xf32>,
        %add3A_1727 = arith.addf %unpack3A_1705, %unpack3A_1685 : vector<16xf32>
        %add3A_1728 = arith.addf %add3A_1727, %unpack3A_1693 : vector<16xf32>
        %mul3A_1729 = arith.mulf %gather3A_1677, %get3A_167 : vector<16xf32>
        %add3A_1730 = arith.addf %add3A_1728, %mul3A_1729 : vector<16xf32>
        %swap3A_1731 = arith.index_cast %add3A_1647 : i32 to index
        %swap3A_1732 = arith.constant 48 : index
        %swap3A_1733 = tpu.vector_load %arg12[%swap3A_1731, %swap3A_1732] {strides = array<i32>} : memref<256x64xf32, #tpu.memory_space<vmem>>, vector<16xf32>,
        tpu.vector_store %arg12[%swap3A_1731, %swap3A_1732], %add3A_1730 {strides = array<i32>} : memref<256x64xf32, #tpu.memory_space<vmem>>, vector<16xf32>,
      }
      %scan3A_173 = arith.constant 16 : i32
      %mul3A_174 = arith.constant 256 : i32
      %mul3A_175 = arith.muli %mul3A_103, %mul3A_174 : i32
      %add3A_176 = arith.addi %mul3A_42, %mul3A_175 : i32
      %dma_start3A_177 = arith.constant 0 : i32
      %dma_start3A_178 = tpu.memref_slice %arg7[%add3A_176, %dma_start3A_177] : memref<819200x64xf32, #tpu.memory_space<hbm>> -> memref<256x64xf32, #tpu.memory_space<hbm>>
      %dma_start3A_179 = arith.constant 0 : i32
      %dma_start3A_180 = tpu.memref_slice %arg7[%add3A_176, %dma_start3A_179] : memref<819200x64xf32, #tpu.memory_space<hbm>> -> memref<256x64xf32, #tpu.memory_space<hbm>>
      tpu.enqueue_dma source(%arg12 : memref<256x64xf32, #tpu.memory_space<vmem>>) target(%dma_start3A_180 : memref<256x64xf32, #tpu.memory_space<hbm>>) target_semaphore(%arg21 : memref<!tpu.dma_semaphore, #tpu.memory_space<semaphore_mem>>)
      %lt3A = arith.constant 49 : i32
      %lt3A_181 = arith.cmpi slt, %scan3A_101, %lt3A : i32
      %convert_element_type3A_182 = arith.extui %lt3A_181 : i1 to i32
      %cond3A_183 = arith.constant 0 : i32
      %cond3A_184 = arith.cmpi ne, %convert_element_type3A_182, %cond3A_183 : i32
      scf.if %cond3A_184 {
        %add3A_248 = arith.constant 2 : i32
        %add3A_249 = arith.addi %mul3A_103, %add3A_248 : i32
        %add3A_250 = arith.addi %mul3A_40, %add3A_249 : i32
        %dma_start3A_251 = arith.constant 0 : i32
        %dma_start3A_252 = arith.constant 0 : i32
        %dma_start3A_253 = tpu.memref_slice %arg2[%add3A_250, %dma_start3A_251, %dma_start3A_252] : memref<3200x8x128xi32, #tpu.memory_space<hbm>> -> memref<1x8x128xi32, #tpu.memory_space<hbm>>
        %dma_start3A_254 = tpu.memref_squeeze %dma_start3A_253 : memref<1x8x128xi32, #tpu.memory_space<hbm>> -> memref<8x128xi32, #tpu.memory_space<hbm>>
        %dma_start3A_255 = arith.constant 0 : i32
        %dma_start3A_256 = arith.constant 0 : i32
        %dma_start3A_257 = tpu.memref_slice %arg2[%add3A_250, %dma_start3A_255, %dma_start3A_256] : memref<3200x8x128xi32, #tpu.memory_space<hbm>> -> memref<1x8x128xi32, #tpu.memory_space<hbm>>
        %dma_start3A_258 = tpu.memref_squeeze %dma_start3A_257 : memref<1x8x128xi32, #tpu.memory_space<hbm>> -> memref<8x128xi32, #tpu.memory_space<hbm>>
        tpu.enqueue_dma source(%dma_start3A_258 : memref<8x128xi32, #tpu.memory_space<hbm>>) target(%arg8 : memref<8x128xi32, #tpu.memory_space<vmem>>) target_semaphore(%arg17 : memref<!tpu.dma_semaphore, #tpu.memory_space<semaphore_mem>>)
      } else {
      }
      %dma_wait3A_185 = arith.constant 0 : i32
      %dma_wait3A_186 = arith.constant 0 : i32
      %dma_wait3A_187 = tpu.memref_slice %arg11[%dma_wait3A_185, %dma_wait3A_186] : memref<256x32xi32, #tpu.memory_space<vmem>> -> memref<128x32xi32, #tpu.memory_space<vmem>>
      %dma_wait3A_188 = arith.constant 0 : i32
      %dma_wait3A_189 = arith.constant 0 : i32
      %dma_wait3A_190 = tpu.memref_slice %arg3[%dma_wait3A_188, %dma_wait3A_189] : memref<100001x32xi32, #tpu.memory_space<hbm>> -> memref<128x32xi32, #tpu.memory_space<hbm>>
      %dma_wait3A_191 = arith.constant 0 : i32
      %dma_wait3A_192 = arith.constant 0 : i32
      %dma_wait3A_193 = tpu.memref_slice %arg11[%dma_wait3A_191, %dma_wait3A_192] : memref<256x32xi32, #tpu.memory_space<vmem>> -> memref<128x32xi32, #tpu.memory_space<vmem>>
      %dma_wait3A_194 = arith.constant 0 : i32
      %dma_wait3A_195 = arith.constant 0 : i32
      %dma_wait3A_196 = tpu.memref_slice %arg3[%dma_wait3A_194, %dma_wait3A_195] : memref<100001x32xi32, #tpu.memory_space<hbm>> -> memref<128x32xi32, #tpu.memory_space<hbm>>
      tpu.wait_dma2 semaphore(%arg20 : memref<!tpu.dma_semaphore, #tpu.memory_space<semaphore_mem>>) src(%dma_wait3A_196 : memref<128x32xi32, #tpu.memory_space<hbm>>) dst(%dma_wait3A_193 : memref<128x32xi32, #tpu.memory_space<vmem>>)
      %dma_wait3A_197 = arith.constant 128 : i32
      %dma_wait3A_198 = arith.constant 0 : i32
      %dma_wait3A_199 = tpu.memref_slice %arg11[%dma_wait3A_197, %dma_wait3A_198] : memref<256x32xi32, #tpu.memory_space<vmem>> -> memref<128x32xi32, #tpu.memory_space<vmem>>
      %dma_wait3A_200 = arith.constant 0 : i32
      %dma_wait3A_201 = arith.constant 0 : i32
      %dma_wait3A_202 = tpu.memref_slice %arg3[%dma_wait3A_200, %dma_wait3A_201] : memref<100001x32xi32, #tpu.memory_space<hbm>> -> memref<128x32xi32, #tpu.memory_space<hbm>>
      %dma_wait3A_203 = arith.constant 128 : i32
      %dma_wait3A_204 = arith.constant 0 : i32
      %dma_wait3A_205 = tpu.memref_slice %arg11[%dma_wait3A_203, %dma_wait3A_204] : memref<256x32xi32, #tpu.memory_space<vmem>> -> memref<128x32xi32, #tpu.memory_space<vmem>>
      %dma_wait3A_206 = arith.constant 0 : i32
      %dma_wait3A_207 = arith.constant 0 : i32
      %dma_wait3A_208 = tpu.memref_slice %arg3[%dma_wait3A_206, %dma_wait3A_207] : memref<100001x32xi32, #tpu.memory_space<hbm>> -> memref<128x32xi32, #tpu.memory_space<hbm>>
      tpu.wait_dma2 semaphore(%arg20 : memref<!tpu.dma_semaphore, #tpu.memory_space<semaphore_mem>>) src(%dma_wait3A_208 : memref<128x32xi32, #tpu.memory_space<hbm>>) dst(%dma_wait3A_205 : memref<128x32xi32, #tpu.memory_space<vmem>>)
      %dma_wait3A_209 = arith.constant 0 : i32
      %dma_wait3A_210 = arith.constant 0 : i32
      %dma_wait3A_211 = tpu.memref_slice %arg7[%dma_wait3A_209, %dma_wait3A_210] : memref<819200x64xf32, #tpu.memory_space<hbm>> -> memref<256x64xf32, #tpu.memory_space<hbm>>
      %dma_wait3A_212 = arith.constant 0 : i32
      %dma_wait3A_213 = arith.constant 0 : i32
      %dma_wait3A_214 = tpu.memref_slice %arg7[%dma_wait3A_212, %dma_wait3A_213] : memref<819200x64xf32, #tpu.memory_space<hbm>> -> memref<256x64xf32, #tpu.memory_space<hbm>>
      tpu.wait_dma2 semaphore(%arg21 : memref<!tpu.dma_semaphore, #tpu.memory_space<semaphore_mem>>) src(%arg12 : memref<256x64xf32, #tpu.memory_space<vmem>>) dst(%dma_wait3A_214 : memref<256x64xf32, #tpu.memory_space<hbm>>)
      %lt3A_215 = arith.constant 49 : i32
      %lt3A_216 = arith.cmpi slt, %scan3A_101, %lt3A_215 : i32
      %convert_element_type3A_217 = arith.extui %lt3A_216 : i1 to i32
      %cond3A_218 = arith.constant 0 : i32
      %cond3A_219 = arith.cmpi ne, %convert_element_type3A_217, %cond3A_218 : i32
      scf.if %cond3A_219 {
        %dma_wait3A_248 = arith.constant 0 : i32
        %dma_wait3A_249 = arith.constant 0 : i32
        %dma_wait3A_250 = arith.constant 0 : i32
        %dma_wait3A_251 = tpu.memref_slice %arg2[%dma_wait3A_248, %dma_wait3A_249, %dma_wait3A_250] : memref<3200x8x128xi32, #tpu.memory_space<hbm>> -> memref<1x8x128xi32, #tpu.memory_space<hbm>>
        %dma_wait3A_252 = tpu.memref_squeeze %dma_wait3A_251 : memref<1x8x128xi32, #tpu.memory_space<hbm>> -> memref<8x128xi32, #tpu.memory_space<hbm>>
        %dma_wait3A_253 = arith.constant 0 : i32
        %dma_wait3A_254 = arith.constant 0 : i32
        %dma_wait3A_255 = tpu.memref_slice %arg2[%dma_wait3A_248, %dma_wait3A_253, %dma_wait3A_254] : memref<3200x8x128xi32, #tpu.memory_space<hbm>> -> memref<1x8x128xi32, #tpu.memory_space<hbm>>
        %dma_wait3A_256 = tpu.memref_squeeze %dma_wait3A_255 : memref<1x8x128xi32, #tpu.memory_space<hbm>> -> memref<8x128xi32, #tpu.memory_space<hbm>>
        tpu.wait_dma2 semaphore(%arg17 : memref<!tpu.dma_semaphore, #tpu.memory_space<semaphore_mem>>) src(%dma_wait3A_256 : memref<8x128xi32, #tpu.memory_space<hbm>>) dst(%arg8 : memref<8x128xi32, #tpu.memory_space<vmem>>)
        %add3A_257 = arith.constant 2 : i32
        %add3A_258 = arith.addi %mul3A_103, %add3A_257 : i32
        %dma_start3A_259 = arith.constant 0 : i32
        %dma_start3A_260 = arith.constant 0 : i32
        %dma_start3A_261 = arith.constant 0 : i32
        %dma_start3A_262 = tpu.memref_slice %arg10[%dma_start3A_260, %dma_start3A_261] : memref<256x32xi32, #tpu.memory_space<vmem>> -> memref<128x32xi32, #tpu.memory_space<vmem>>
        %dma_start3A_263 = arith.constant 0 : i32
        %dma_start3A_264 = tpu.memref_slice %arg8[%dma_start3A_259, %dma_start3A_263] : memref<8x128xi32, #tpu.memory_space<vmem>> -> memref<1x128xi32, #tpu.memory_space<vmem>>
        %dma_start3A_265 = tpu.memref_squeeze %dma_start3A_264 : memref<1x128xi32, #tpu.memory_space<vmem>> -> memref<128xi32, #tpu.memory_space<vmem>>
        %dma_start3A_266 = arith.constant 0 : i32
        %dma_start3A_267 = arith.constant 0 : i32
        %dma_start3A_268 = tpu.memref_slice %arg3[%dma_start3A_266, %dma_start3A_267] : memref<100001x32xi32, #tpu.memory_space<hbm>> -> memref<100001x32xi32, #tpu.memory_space<hbm>>
        tpu.enqueue_indirect_dma source(%dma_start3A_268 : memref<100001x32xi32, #tpu.memory_space<hbm>>) target(%dma_start3A_262 : memref<128x32xi32, #tpu.memory_space<vmem>>) offsets(%dma_start3A_265 : memref<128xi32, #tpu.memory_space<vmem>>) semaphore(%arg19 : memref<!tpu.dma_semaphore, #tpu.memory_space<semaphore_mem>>)
        %dma_start3A_269 = arith.constant 1 : i32
        %dma_start3A_270 = arith.constant 128 : i32
        %dma_start3A_271 = arith.constant 0 : i32
        %dma_start3A_272 = tpu.memref_slice %arg10[%dma_start3A_270, %dma_start3A_271] : memref<256x32xi32, #tpu.memory_space<vmem>> -> memref<128x32xi32, #tpu.memory_space<vmem>>
        %dma_start3A_273 = arith.constant 0 : i32
        %dma_start3A_274 = tpu.memref_slice %arg8[%dma_start3A_269, %dma_start3A_273] : memref<8x128xi32, #tpu.memory_space<vmem>> -> memref<1x128xi32, #tpu.memory_space<vmem>>
        %dma_start3A_275 = tpu.memref_squeeze %dma_start3A_274 : memref<1x128xi32, #tpu.memory_space<vmem>> -> memref<128xi32, #tpu.memory_space<vmem>>
        %dma_start3A_276 = arith.constant 0 : i32
        %dma_start3A_277 = arith.constant 0 : i32
        %dma_start3A_278 = tpu.memref_slice %arg3[%dma_start3A_276, %dma_start3A_277] : memref<100001x32xi32, #tpu.memory_space<hbm>> -> memref<100001x32xi32, #tpu.memory_space<hbm>>
        tpu.enqueue_indirect_dma source(%dma_start3A_278 : memref<100001x32xi32, #tpu.memory_space<hbm>>) target(%dma_start3A_272 : memref<128x32xi32, #tpu.memory_space<vmem>>) offsets(%dma_start3A_275 : memref<128xi32, #tpu.memory_space<vmem>>) semaphore(%arg19 : memref<!tpu.dma_semaphore, #tpu.memory_space<semaphore_mem>>)
      } else {
      }
      %get3A_220 = arith.constant 0 : index
      %get3A_221 = tpu.vector_load %arg16[%get3A_220] {strides = array<i32>} : memref<64xf32, #tpu.memory_space<vmem>>, vector<16xf32>,
      %get3A_222 = arith.constant 16 : index
      %get3A_223 = tpu.vector_load %arg16[%get3A_222] {strides = array<i32>} : memref<64xf32, #tpu.memory_space<vmem>>, vector<16xf32>,
      %get3A_224 = arith.constant 32 : index
      %get3A_225 = tpu.vector_load %arg16[%get3A_224] {strides = array<i32>} : memref<64xf32, #tpu.memory_space<vmem>>, vector<16xf32>,
      %get3A_226 = arith.constant 48 : index
      %get3A_227 = tpu.vector_load %arg16[%get3A_226] {strides = array<i32>} : memref<64xf32, #tpu.memory_space<vmem>>, vector<16xf32>,
      %scan3A_228 = arith.constant 0 : i32
      %scan3A_229 = arith.constant 0 : i32
      %scan3A_230 = arith.constant 16 : i32
      %scan3A_231 = arith.addi %scan3A_229, %scan3A_230 : i32
      %scan3A_232 = arith.constant 1 : i32
      scf.for %scan3A_248 = %scan3A_229 to %scan3A_231 step %scan3A_232  : i32 {
        %jit3A = arith.constant 8 : i32
        %div3A = arith.divsi %scan3A_248, %jit3A : i32
        %sign3A = arith.constant 0 : i32
        %sign3A_249 = arith.cmpi sgt, %scan3A_248, %sign3A : i32
        %sign3A_250 = arith.extui %sign3A_249 : i1 to i32
        %sign3A_251 = arith.constant 0 : i32
        %sign3A_252 = arith.cmpi slt, %scan3A_248, %sign3A_251 : i32
        %sign3A_253 = arith.extui %sign3A_252 : i1 to i32
        %sign3A_254 = arith.subi %sign3A_250, %sign3A_253 : i32
        %sign3A_255 = arith.constant 0 : i32
        %sign3A_256 = arith.cmpi sgt, %jit3A, %sign3A_255 : i32
        %sign3A_257 = arith.extui %sign3A_256 : i1 to i32
        %sign3A_258 = arith.constant 0 : i32
        %sign3A_259 = arith.cmpi slt, %jit3A, %sign3A_258 : i32
        %sign3A_260 = arith.extui %sign3A_259 : i1 to i32
        %sign3A_261 = arith.subi %sign3A_257, %sign3A_260 : i32
        %ne3A = arith.cmpi ne, %sign3A_254, %sign3A_261 : i32
        %rem3A = arith.remsi %scan3A_248, %jit3A : i32
        %ne3A_262 = arith.constant 0 : i32
        %ne3A_263 = arith.cmpi ne, %rem3A, %ne3A_262 : i32
        %and3A = arith.andi %ne3A, %ne3A_263 : i1
        %sub3A = arith.constant 1 : i32
        %sub3A_264 = arith.subi %div3A, %sub3A : i32
        %select_n3A = arith.select %and3A, %sub3A_264, %div3A : i32
        %jit3A_265 = arith.constant 8 : i32
        %eq3A = arith.constant 0 : i32
        %eq3A_266 = arith.cmpi eq, %jit3A_265, %eq3A : i32
        %jit3A_267 = arith.constant 1 : i32
        %select_n3A_268 = arith.select %eq3A_266, %jit3A_267, %jit3A_265 : i32
        %rem3A_269 = arith.remsi %scan3A_248, %select_n3A_268 : i32
        %ne3A_270 = arith.constant 0 : i32
        %ne3A_271 = arith.cmpi ne, %rem3A_269, %ne3A_270 : i32
        %lt3A_272 = arith.constant 0 : i32
        %lt3A_273 = arith.cmpi slt, %rem3A_269, %lt3A_272 : i32
        %lt3A_274 = arith.constant 0 : i32
        %lt3A_275 = arith.cmpi slt, %select_n3A_268, %lt3A_274 : i32
        %ne3A_276 = arith.xori %lt3A_273, %lt3A_275 : i1
        %and3A_277 = arith.andi %ne3A_276, %ne3A_271 : i1
        %add3A_278 = arith.addi %rem3A_269, %select_n3A_268 : i32
        %select_n3A_279 = arith.select %and3A_277, %add3A_278, %rem3A_269 : i32
        %mul3A_280 = arith.constant 16 : i32
        %mul3A_281 = arith.muli %select_n3A_279, %mul3A_280 : i32
        %add3A_282 = arith.constant 2 : i32
        %add3A_283 = arith.addi %add3A_282, %select_n3A : i32
        %get3A_284 = arith.index_cast %add3A_283 : i32 to index
        %get3A_285 = arith.index_cast %mul3A_281 : i32 to index
        %get3A_286 = tpu.vector_load %arg9[%get3A_284, %get3A_285] {strides = array<i32>} : memref<8x128xi32, #tpu.memory_space<vmem>>, vector<16xi32>,
        %add3A_287 = arith.constant 4 : i32
        %add3A_288 = arith.addi %add3A_287, %select_n3A : i32
        %get3A_289 = arith.index_cast %add3A_288 : i32 to index
        %get3A_290 = arith.index_cast %mul3A_281 : i32 to index
        %get3A_291 = tpu.vector_load %arg9[%get3A_289, %get3A_290] {strides = array<i32>} : memref<8x128xi32, #tpu.memory_space<vmem>>, vector<16xi32>,
        %add3A_292 = arith.constant 6 : i32
        %add3A_293 = arith.addi %add3A_292, %select_n3A : i32
        %get3A_294 = arith.index_cast %add3A_293 : i32 to index
        %get3A_295 = arith.index_cast %mul3A_281 : i32 to index
        %get3A_296 = tpu.vector_load %arg9[%get3A_294, %get3A_295] {strides = array<i32>} : memref<8x128xi32, #tpu.memory_space<vmem>>, vector<16xi32>,
        %bitcast3A = vector.bitcast %get3A_296 : vector<16xi32> to vector<16xf32>
        %mul3A_297 = arith.constant 16 : i32
        %mul3A_298 = arith.muli %scan3A_248, %mul3A_297 : i32
        %add3A_299 = arith.constant 0 : i32
        %add3A_300 = arith.addi %mul3A_298, %add3A_299 : i32
        %lt3A_301 = arith.constant 0 : i32
        %lt3A_302 = vector.broadcast %lt3A_301 : i32 to vector<16xi32>
        %lt3A_303 = arith.cmpi slt, %broadcast_in_dim3A_0, %lt3A_302 : vector<16xi32>
        %add3A_304 = arith.constant 16 : i32
        %add3A_305 = vector.broadcast %add3A_304 : i32 to vector<16xi32>
        %add3A_306 = arith.addi %broadcast_in_dim3A_0, %add3A_305 : vector<16xi32>
        %select_n3A_307 = arith.select %lt3A_303, %add3A_306, %broadcast_in_dim3A_0 : vector<16xi1>, vector<16xi32>
        %broadcast_in_dim3A_308 = vector.shape_cast %select_n3A_307 : vector<16xi32> to vector<16x1xi32>
        %gather3A = vector.shape_cast %broadcast_in_dim3A_308 : vector<16x1xi32> to vector<16xi32>
        %gather3A_309 = tpu.dynamic_gather %get3A_286[%gather3A] in [0] : vector<16xi32>, vector<16xi32> -> vector<16xi32>
        %lt3A_310 = arith.constant 0 : i32
        %lt3A_311 = vector.broadcast %lt3A_310 : i32 to vector<16xi32>
        %lt3A_312 = arith.cmpi slt, %broadcast_in_dim3A_0, %lt3A_311 : vector<16xi32>
        %add3A_313 = arith.constant 16 : i32
        %add3A_314 = vector.broadcast %add3A_313 : i32 to vector<16xi32>
        %add3A_315 = arith.addi %broadcast_in_dim3A_0, %add3A_314 : vector<16xi32>
        %select_n3A_316 = arith.select %lt3A_312, %add3A_315, %broadcast_in_dim3A_0 : vector<16xi1>, vector<16xi32>
        %broadcast_in_dim3A_317 = vector.shape_cast %select_n3A_316 : vector<16xi32> to vector<16x1xi32>
        %gather3A_318 = vector.shape_cast %broadcast_in_dim3A_317 : vector<16x1xi32> to vector<16xi32>
        %gather3A_319 = tpu.dynamic_gather %get3A_291[%gather3A_318] in [0] : vector<16xi32>, vector<16xi32> -> vector<16xi32>
        %lt3A_320 = arith.constant 0 : i32
        %lt3A_321 = vector.broadcast %lt3A_320 : i32 to vector<16xi32>
        %lt3A_322 = arith.cmpi slt, %broadcast_in_dim3A_0, %lt3A_321 : vector<16xi32>
        %add3A_323 = arith.constant 16 : i32
        %add3A_324 = vector.broadcast %add3A_323 : i32 to vector<16xi32>
        %add3A_325 = arith.addi %broadcast_in_dim3A_0, %add3A_324 : vector<16xi32>
        %select_n3A_326 = arith.select %lt3A_322, %add3A_325, %broadcast_in_dim3A_0 : vector<16xi1>, vector<16xi32>
        %broadcast_in_dim3A_327 = vector.shape_cast %select_n3A_326 : vector<16xi32> to vector<16x1xi32>
        %gather3A_328 = vector.shape_cast %broadcast_in_dim3A_327 : vector<16x1xi32> to vector<16xi32>
        %gather3A_329 = tpu.dynamic_gather %bitcast3A[%gather3A_328] in [0] : vector<16xf32>, vector<16xi32> -> vector<16xf32>
        %gather3A_330 = tpu.vector_load_idx %arg14[%gather3A_309, %add3A_32] : memref<1860x32xi32, #tpu.memory_space<vmem>>[vector<16xi32>, vector<16xi32>], vector<16xi32>,
        %bitcast3A_331 = vector.bitcast %gather3A_330 : vector<16xi32> to vector<32xbf16>
        %unpack3A = tpu.unpack_subelements %bitcast3A_331, 0 {pack_format = #tpu.pack_format<interleaved>} : vector<32xbf16> -> vector<16xf32>
        %unpack3A_332 = tpu.unpack_subelements %bitcast3A_331, 1 {pack_format = #tpu.pack_format<interleaved>} : vector<32xbf16> -> vector<16xf32>
        %gather3A_333 = tpu.vector_load_idx %arg14[%gather3A_309, %add3A_36] : memref<1860x32xi32, #tpu.memory_space<vmem>>[vector<16xi32>, vector<16xi32>], vector<16xi32>,
        %bitcast3A_334 = vector.bitcast %gather3A_333 : vector<16xi32> to vector<32xbf16>
        %unpack3A_335 = tpu.unpack_subelements %bitcast3A_334, 0 {pack_format = #tpu.pack_format<interleaved>} : vector<32xbf16> -> vector<16xf32>
        %unpack3A_336 = tpu.unpack_subelements %bitcast3A_334, 1 {pack_format = #tpu.pack_format<interleaved>} : vector<32xbf16> -> vector<16xf32>
        %gather3A_337 = tpu.vector_load_idx %arg15[%gather3A_319, %add3A_32] : memref<25x32xi32, #tpu.memory_space<vmem>>[vector<16xi32>, vector<16xi32>], vector<16xi32>,
        %bitcast3A_338 = vector.bitcast %gather3A_337 : vector<16xi32> to vector<32xbf16>
        %unpack3A_339 = tpu.unpack_subelements %bitcast3A_338, 0 {pack_format = #tpu.pack_format<interleaved>} : vector<32xbf16> -> vector<16xf32>
        %unpack3A_340 = tpu.unpack_subelements %bitcast3A_338, 1 {pack_format = #tpu.pack_format<interleaved>} : vector<32xbf16> -> vector<16xf32>
        %gather3A_341 = tpu.vector_load_idx %arg15[%gather3A_319, %add3A_36] : memref<25x32xi32, #tpu.memory_space<vmem>>[vector<16xi32>, vector<16xi32>], vector<16xi32>,
        %bitcast3A_342 = vector.bitcast %gather3A_341 : vector<16xi32> to vector<32xbf16>
        %unpack3A_343 = tpu.unpack_subelements %bitcast3A_342, 0 {pack_format = #tpu.pack_format<interleaved>} : vector<32xbf16> -> vector<16xf32>
        %unpack3A_344 = tpu.unpack_subelements %bitcast3A_342, 1 {pack_format = #tpu.pack_format<interleaved>} : vector<32xbf16> -> vector<16xf32>
        %get3A_345 = arith.index_cast %add3A_300 : i32 to index
        %get3A_346 = arith.constant 0 : index
        %get3A_347 = tpu.vector_load %arg11[%get3A_345, %get3A_346] {strides = array<i32>} : memref<256x32xi32, #tpu.memory_space<vmem>>, vector<16xi32>,
        %bitcast3A_348 = vector.bitcast %get3A_347 : vector<16xi32> to vector<32xbf16>
        %unpack3A_349 = tpu.unpack_subelements %bitcast3A_348, 0 {pack_format = #tpu.pack_format<interleaved>} : vector<32xbf16> -> vector<16xf32>
        %unpack3A_350 = tpu.unpack_subelements %bitcast3A_348, 1 {pack_format = #tpu.pack_format<interleaved>} : vector<32xbf16> -> vector<16xf32>
        %get3A_351 = arith.index_cast %add3A_300 : i32 to index
        %get3A_352 = arith.constant 16 : index
        %get3A_353 = tpu.vector_load %arg11[%get3A_351, %get3A_352] {strides = array<i32>} : memref<256x32xi32, #tpu.memory_space<vmem>>, vector<16xi32>,
        %bitcast3A_354 = vector.bitcast %get3A_353 : vector<16xi32> to vector<32xbf16>
        %unpack3A_355 = tpu.unpack_subelements %bitcast3A_354, 0 {pack_format = #tpu.pack_format<interleaved>} : vector<32xbf16> -> vector<16xf32>
        %unpack3A_356 = tpu.unpack_subelements %bitcast3A_354, 1 {pack_format = #tpu.pack_format<interleaved>} : vector<32xbf16> -> vector<16xf32>
        %add3A_357 = arith.addf %unpack3A_349, %unpack3A : vector<16xf32>
        %add3A_358 = arith.addf %add3A_357, %unpack3A_339 : vector<16xf32>
        %mul3A_359 = arith.mulf %gather3A_329, %get3A_221 : vector<16xf32>
        %add3A_360 = arith.addf %add3A_358, %mul3A_359 : vector<16xf32>
        %swap3A = arith.index_cast %add3A_300 : i32 to index
        %swap3A_361 = arith.constant 0 : index
        %swap3A_362 = tpu.vector_load %arg13[%swap3A, %swap3A_361] {strides = array<i32>} : memref<256x64xf32, #tpu.memory_space<vmem>>, vector<16xf32>,
        tpu.vector_store %arg13[%swap3A, %swap3A_361], %add3A_360 {strides = array<i32>} : memref<256x64xf32, #tpu.memory_space<vmem>>, vector<16xf32>,
        %add3A_363 = arith.addf %unpack3A_350, %unpack3A_332 : vector<16xf32>
        %add3A_364 = arith.addf %add3A_363, %unpack3A_340 : vector<16xf32>
        %mul3A_365 = arith.mulf %gather3A_329, %get3A_223 : vector<16xf32>
        %add3A_366 = arith.addf %add3A_364, %mul3A_365 : vector<16xf32>
        %swap3A_367 = arith.index_cast %add3A_300 : i32 to index
        %swap3A_368 = arith.constant 16 : index
        %swap3A_369 = tpu.vector_load %arg13[%swap3A_367, %swap3A_368] {strides = array<i32>} : memref<256x64xf32, #tpu.memory_space<vmem>>, vector<16xf32>,
        tpu.vector_store %arg13[%swap3A_367, %swap3A_368], %add3A_366 {strides = array<i32>} : memref<256x64xf32, #tpu.memory_space<vmem>>, vector<16xf32>,
        %add3A_370 = arith.addf %unpack3A_355, %unpack3A_335 : vector<16xf32>
        %add3A_371 = arith.addf %add3A_370, %unpack3A_343 : vector<16xf32>
        %mul3A_372 = arith.mulf %gather3A_329, %get3A_225 : vector<16xf32>
        %add3A_373 = arith.addf %add3A_371, %mul3A_372 : vector<16xf32>
        %swap3A_374 = arith.index_cast %add3A_300 : i32 to index
        %swap3A_375 = arith.constant 32 : index
        %swap3A_376 = tpu.vector_load %arg13[%swap3A_374, %swap3A_375] {strides = array<i32>} : memref<256x64xf32, #tpu.memory_space<vmem>>, vector<16xf32>,
        tpu.vector_store %arg13[%swap3A_374, %swap3A_375], %add3A_373 {strides = array<i32>} : memref<256x64xf32, #tpu.memory_space<vmem>>, vector<16xf32>,
        %add3A_377 = arith.addf %unpack3A_356, %unpack3A_336 : vector<16xf32>
        %add3A_378 = arith.addf %add3A_377, %unpack3A_344 : vector<16xf32>
        %mul3A_379 = arith.mulf %gather3A_329, %get3A_227 : vector<16xf32>
        %add3A_380 = arith.addf %add3A_378, %mul3A_379 : vector<16xf32>
        %swap3A_381 = arith.index_cast %add3A_300 : i32 to index
        %swap3A_382 = arith.constant 48 : index
        %swap3A_383 = tpu.vector_load %arg13[%swap3A_381, %swap3A_382] {strides = array<i32>} : memref<256x64xf32, #tpu.memory_space<vmem>>, vector<16xf32>,
        tpu.vector_store %arg13[%swap3A_381, %swap3A_382], %add3A_380 {strides = array<i32>} : memref<256x64xf32, #tpu.memory_space<vmem>>, vector<16xf32>,
        %mul3A_384 = arith.constant 16 : i32
        %mul3A_385 = arith.muli %scan3A_248, %mul3A_384 : i32
        %add3A_386 = arith.constant 1 : i32
        %add3A_387 = arith.addi %mul3A_385, %add3A_386 : i32
        %lt3A_388 = arith.constant 0 : i32
        %lt3A_389 = vector.broadcast %lt3A_388 : i32 to vector<16xi32>
        %lt3A_390 = arith.cmpi slt, %broadcast_in_dim3A_2, %lt3A_389 : vector<16xi32>
        %add3A_391 = arith.constant 16 : i32
        %add3A_392 = vector.broadcast %add3A_391 : i32 to vector<16xi32>
        %add3A_393 = arith.addi %broadcast_in_dim3A_2, %add3A_392 : vector<16xi32>
        %select_n3A_394 = arith.select %lt3A_390, %add3A_393, %broadcast_in_dim3A_2 : vector<16xi1>, vector<16xi32>
        %broadcast_in_dim3A_395 = vector.shape_cast %select_n3A_394 : vector<16xi32> to vector<16x1xi32>
        %gather3A_396 = vector.shape_cast %broadcast_in_dim3A_395 : vector<16x1xi32> to vector<16xi32>
        %gather3A_397 = tpu.dynamic_gather %get3A_286[%gather3A_396] in [0] : vector<16xi32>, vector<16xi32> -> vector<16xi32>
        %lt3A_398 = arith.constant 0 : i32
        %lt3A_399 = vector.broadcast %lt3A_398 : i32 to vector<16xi32>
        %lt3A_400 = arith.cmpi slt, %broadcast_in_dim3A_2, %lt3A_399 : vector<16xi32>
        %add3A_401 = arith.constant 16 : i32
        %add3A_402 = vector.broadcast %add3A_401 : i32 to vector<16xi32>
        %add3A_403 = arith.addi %broadcast_in_dim3A_2, %add3A_402 : vector<16xi32>
        %select_n3A_404 = arith.select %lt3A_400, %add3A_403, %broadcast_in_dim3A_2 : vector<16xi1>, vector<16xi32>
        %broadcast_in_dim3A_405 = vector.shape_cast %select_n3A_404 : vector<16xi32> to vector<16x1xi32>
        %gather3A_406 = vector.shape_cast %broadcast_in_dim3A_405 : vector<16x1xi32> to vector<16xi32>
        %gather3A_407 = tpu.dynamic_gather %get3A_291[%gather3A_406] in [0] : vector<16xi32>, vector<16xi32> -> vector<16xi32>
        %lt3A_408 = arith.constant 0 : i32
        %lt3A_409 = vector.broadcast %lt3A_408 : i32 to vector<16xi32>
        %lt3A_410 = arith.cmpi slt, %broadcast_in_dim3A_2, %lt3A_409 : vector<16xi32>
        %add3A_411 = arith.constant 16 : i32
        %add3A_412 = vector.broadcast %add3A_411 : i32 to vector<16xi32>
        %add3A_413 = arith.addi %broadcast_in_dim3A_2, %add3A_412 : vector<16xi32>
        %select_n3A_414 = arith.select %lt3A_410, %add3A_413, %broadcast_in_dim3A_2 : vector<16xi1>, vector<16xi32>
        %broadcast_in_dim3A_415 = vector.shape_cast %select_n3A_414 : vector<16xi32> to vector<16x1xi32>
        %gather3A_416 = vector.shape_cast %broadcast_in_dim3A_415 : vector<16x1xi32> to vector<16xi32>
        %gather3A_417 = tpu.dynamic_gather %bitcast3A[%gather3A_416] in [0] : vector<16xf32>, vector<16xi32> -> vector<16xf32>
        %gather3A_418 = tpu.vector_load_idx %arg14[%gather3A_397, %add3A_32] : memref<1860x32xi32, #tpu.memory_space<vmem>>[vector<16xi32>, vector<16xi32>], vector<16xi32>,
        %bitcast3A_419 = vector.bitcast %gather3A_418 : vector<16xi32> to vector<32xbf16>
        %unpack3A_420 = tpu.unpack_subelements %bitcast3A_419, 0 {pack_format = #tpu.pack_format<interleaved>} : vector<32xbf16> -> vector<16xf32>
        %unpack3A_421 = tpu.unpack_subelements %bitcast3A_419, 1 {pack_format = #tpu.pack_format<interleaved>} : vector<32xbf16> -> vector<16xf32>
        %gather3A_422 = tpu.vector_load_idx %arg14[%gather3A_397, %add3A_36] : memref<1860x32xi32, #tpu.memory_space<vmem>>[vector<16xi32>, vector<16xi32>], vector<16xi32>,
        %bitcast3A_423 = vector.bitcast %gather3A_422 : vector<16xi32> to vector<32xbf16>
        %unpack3A_424 = tpu.unpack_subelements %bitcast3A_423, 0 {pack_format = #tpu.pack_format<interleaved>} : vector<32xbf16> -> vector<16xf32>
        %unpack3A_425 = tpu.unpack_subelements %bitcast3A_423, 1 {pack_format = #tpu.pack_format<interleaved>} : vector<32xbf16> -> vector<16xf32>
        %gather3A_426 = tpu.vector_load_idx %arg15[%gather3A_407, %add3A_32] : memref<25x32xi32, #tpu.memory_space<vmem>>[vector<16xi32>, vector<16xi32>], vector<16xi32>,
        %bitcast3A_427 = vector.bitcast %gather3A_426 : vector<16xi32> to vector<32xbf16>
        %unpack3A_428 = tpu.unpack_subelements %bitcast3A_427, 0 {pack_format = #tpu.pack_format<interleaved>} : vector<32xbf16> -> vector<16xf32>
        %unpack3A_429 = tpu.unpack_subelements %bitcast3A_427, 1 {pack_format = #tpu.pack_format<interleaved>} : vector<32xbf16> -> vector<16xf32>
        %gather3A_430 = tpu.vector_load_idx %arg15[%gather3A_407, %add3A_36] : memref<25x32xi32, #tpu.memory_space<vmem>>[vector<16xi32>, vector<16xi32>], vector<16xi32>,
        %bitcast3A_431 = vector.bitcast %gather3A_430 : vector<16xi32> to vector<32xbf16>
        %unpack3A_432 = tpu.unpack_subelements %bitcast3A_431, 0 {pack_format = #tpu.pack_format<interleaved>} : vector<32xbf16> -> vector<16xf32>
        %unpack3A_433 = tpu.unpack_subelements %bitcast3A_431, 1 {pack_format = #tpu.pack_format<interleaved>} : vector<32xbf16> -> vector<16xf32>
        %get3A_434 = arith.index_cast %add3A_387 : i32 to index
        %get3A_435 = arith.constant 0 : index
        %get3A_436 = tpu.vector_load %arg11[%get3A_434, %get3A_435] {strides = array<i32>} : memref<256x32xi32, #tpu.memory_space<vmem>>, vector<16xi32>,
        %bitcast3A_437 = vector.bitcast %get3A_436 : vector<16xi32> to vector<32xbf16>
        %unpack3A_438 = tpu.unpack_subelements %bitcast3A_437, 0 {pack_format = #tpu.pack_format<interleaved>} : vector<32xbf16> -> vector<16xf32>
        %unpack3A_439 = tpu.unpack_subelements %bitcast3A_437, 1 {pack_format = #tpu.pack_format<interleaved>} : vector<32xbf16> -> vector<16xf32>
        %get3A_440 = arith.index_cast %add3A_387 : i32 to index
        %get3A_441 = arith.constant 16 : index
        %get3A_442 = tpu.vector_load %arg11[%get3A_440, %get3A_441] {strides = array<i32>} : memref<256x32xi32, #tpu.memory_space<vmem>>, vector<16xi32>,
        %bitcast3A_443 = vector.bitcast %get3A_442 : vector<16xi32> to vector<32xbf16>
        %unpack3A_444 = tpu.unpack_subelements %bitcast3A_443, 0 {pack_format = #tpu.pack_format<interleaved>} : vector<32xbf16> -> vector<16xf32>
        %unpack3A_445 = tpu.unpack_subelements %bitcast3A_443, 1 {pack_format = #tpu.pack_format<interleaved>} : vector<32xbf16> -> vector<16xf32>
        %add3A_446 = arith.addf %unpack3A_438, %unpack3A_420 : vector<16xf32>
        %add3A_447 = arith.addf %add3A_446, %unpack3A_428 : vector<16xf32>
        %mul3A_448 = arith.mulf %gather3A_417, %get3A_221 : vector<16xf32>
        %add3A_449 = arith.addf %add3A_447, %mul3A_448 : vector<16xf32>
        %swap3A_450 = arith.index_cast %add3A_387 : i32 to index
        %swap3A_451 = arith.constant 0 : index
        %swap3A_452 = tpu.vector_load %arg13[%swap3A_450, %swap3A_451] {strides = array<i32>} : memref<256x64xf32, #tpu.memory_space<vmem>>, vector<16xf32>,
        tpu.vector_store %arg13[%swap3A_450, %swap3A_451], %add3A_449 {strides = array<i32>} : memref<256x64xf32, #tpu.memory_space<vmem>>, vector<16xf32>,
        %add3A_453 = arith.addf %unpack3A_439, %unpack3A_421 : vector<16xf32>
        %add3A_454 = arith.addf %add3A_453, %unpack3A_429 : vector<16xf32>
        %mul3A_455 = arith.mulf %gather3A_417, %get3A_223 : vector<16xf32>
        %add3A_456 = arith.addf %add3A_454, %mul3A_455 : vector<16xf32>
        %swap3A_457 = arith.index_cast %add3A_387 : i32 to index
        %swap3A_458 = arith.constant 16 : index
        %swap3A_459 = tpu.vector_load %arg13[%swap3A_457, %swap3A_458] {strides = array<i32>} : memref<256x64xf32, #tpu.memory_space<vmem>>, vector<16xf32>,
        tpu.vector_store %arg13[%swap3A_457, %swap3A_458], %add3A_456 {strides = array<i32>} : memref<256x64xf32, #tpu.memory_space<vmem>>, vector<16xf32>,
        %add3A_460 = arith.addf %unpack3A_444, %unpack3A_424 : vector<16xf32>
        %add3A_461 = arith.addf %add3A_460, %unpack3A_432 : vector<16xf32>
        %mul3A_462 = arith.mulf %gather3A_417, %get3A_225 : vector<16xf32>
        %add3A_463 = arith.addf %add3A_461, %mul3A_462 : vector<16xf32>
        %swap3A_464 = arith.index_cast %add3A_387 : i32 to index
        %swap3A_465 = arith.constant 32 : index
        %swap3A_466 = tpu.vector_load %arg13[%swap3A_464, %swap3A_465] {strides = array<i32>} : memref<256x64xf32, #tpu.memory_space<vmem>>, vector<16xf32>,
        tpu.vector_store %arg13[%swap3A_464, %swap3A_465], %add3A_463 {strides = array<i32>} : memref<256x64xf32, #tpu.memory_space<vmem>>, vector<16xf32>,
        %add3A_467 = arith.addf %unpack3A_445, %unpack3A_425 : vector<16xf32>
        %add3A_468 = arith.addf %add3A_467, %unpack3A_433 : vector<16xf32>
        %mul3A_469 = arith.mulf %gather3A_417, %get3A_227 : vector<16xf32>
        %add3A_470 = arith.addf %add3A_468, %mul3A_469 : vector<16xf32>
        %swap3A_471 = arith.index_cast %add3A_387 : i32 to index
        %swap3A_472 = arith.constant 48 : index
        %swap3A_473 = tpu.vector_load %arg13[%swap3A_471, %swap3A_472] {strides = array<i32>} : memref<256x64xf32, #tpu.memory_space<vmem>>, vector<16xf32>,
        tpu.vector_store %arg13[%swap3A_471, %swap3A_472], %add3A_470 {strides = array<i32>} : memref<256x64xf32, #tpu.memory_space<vmem>>, vector<16xf32>,
        %mul3A_474 = arith.constant 16 : i32
        %mul3A_475 = arith.muli %scan3A_248, %mul3A_474 : i32
        %add3A_476 = arith.constant 2 : i32
        %add3A_477 = arith.addi %mul3A_475, %add3A_476 : i32
        %lt3A_478 = arith.constant 0 : i32
        %lt3A_479 = vector.broadcast %lt3A_478 : i32 to vector<16xi32>
        %lt3A_480 = arith.cmpi slt, %broadcast_in_dim3A_4, %lt3A_479 : vector<16xi32>
        %add3A_481 = arith.constant 16 : i32
        %add3A_482 = vector.broadcast %add3A_481 : i32 to vector<16xi32>
        %add3A_483 = arith.addi %broadcast_in_dim3A_4, %add3A_482 : vector<16xi32>
        %select_n3A_484 = arith.select %lt3A_480, %add3A_483, %broadcast_in_dim3A_4 : vector<16xi1>, vector<16xi32>
        %broadcast_in_dim3A_485 = vector.shape_cast %select_n3A_484 : vector<16xi32> to vector<16x1xi32>
        %gather3A_486 = vector.shape_cast %broadcast_in_dim3A_485 : vector<16x1xi32> to vector<16xi32>
        %gather3A_487 = tpu.dynamic_gather %get3A_286[%gather3A_486] in [0] : vector<16xi32>, vector<16xi32> -> vector<16xi32>
        %lt3A_488 = arith.constant 0 : i32
        %lt3A_489 = vector.broadcast %lt3A_488 : i32 to vector<16xi32>
        %lt3A_490 = arith.cmpi slt, %broadcast_in_dim3A_4, %lt3A_489 : vector<16xi32>
        %add3A_491 = arith.constant 16 : i32
        %add3A_492 = vector.broadcast %add3A_491 : i32 to vector<16xi32>
        %add3A_493 = arith.addi %broadcast_in_dim3A_4, %add3A_492 : vector<16xi32>
        %select_n3A_494 = arith.select %lt3A_490, %add3A_493, %broadcast_in_dim3A_4 : vector<16xi1>, vector<16xi32>
        %broadcast_in_dim3A_495 = vector.shape_cast %select_n3A_494 : vector<16xi32> to vector<16x1xi32>
        %gather3A_496 = vector.shape_cast %broadcast_in_dim3A_495 : vector<16x1xi32> to vector<16xi32>
        %gather3A_497 = tpu.dynamic_gather %get3A_291[%gather3A_496] in [0] : vector<16xi32>, vector<16xi32> -> vector<16xi32>
        %lt3A_498 = arith.constant 0 : i32
        %lt3A_499 = vector.broadcast %lt3A_498 : i32 to vector<16xi32>
        %lt3A_500 = arith.cmpi slt, %broadcast_in_dim3A_4, %lt3A_499 : vector<16xi32>
        %add3A_501 = arith.constant 16 : i32
        %add3A_502 = vector.broadcast %add3A_501 : i32 to vector<16xi32>
        %add3A_503 = arith.addi %broadcast_in_dim3A_4, %add3A_502 : vector<16xi32>
        %select_n3A_504 = arith.select %lt3A_500, %add3A_503, %broadcast_in_dim3A_4 : vector<16xi1>, vector<16xi32>
        %broadcast_in_dim3A_505 = vector.shape_cast %select_n3A_504 : vector<16xi32> to vector<16x1xi32>
        %gather3A_506 = vector.shape_cast %broadcast_in_dim3A_505 : vector<16x1xi32> to vector<16xi32>
        %gather3A_507 = tpu.dynamic_gather %bitcast3A[%gather3A_506] in [0] : vector<16xf32>, vector<16xi32> -> vector<16xf32>
        %gather3A_508 = tpu.vector_load_idx %arg14[%gather3A_487, %add3A_32] : memref<1860x32xi32, #tpu.memory_space<vmem>>[vector<16xi32>, vector<16xi32>], vector<16xi32>,
        %bitcast3A_509 = vector.bitcast %gather3A_508 : vector<16xi32> to vector<32xbf16>
        %unpack3A_510 = tpu.unpack_subelements %bitcast3A_509, 0 {pack_format = #tpu.pack_format<interleaved>} : vector<32xbf16> -> vector<16xf32>
        %unpack3A_511 = tpu.unpack_subelements %bitcast3A_509, 1 {pack_format = #tpu.pack_format<interleaved>} : vector<32xbf16> -> vector<16xf32>
        %gather3A_512 = tpu.vector_load_idx %arg14[%gather3A_487, %add3A_36] : memref<1860x32xi32, #tpu.memory_space<vmem>>[vector<16xi32>, vector<16xi32>], vector<16xi32>,
        %bitcast3A_513 = vector.bitcast %gather3A_512 : vector<16xi32> to vector<32xbf16>
        %unpack3A_514 = tpu.unpack_subelements %bitcast3A_513, 0 {pack_format = #tpu.pack_format<interleaved>} : vector<32xbf16> -> vector<16xf32>
        %unpack3A_515 = tpu.unpack_subelements %bitcast3A_513, 1 {pack_format = #tpu.pack_format<interleaved>} : vector<32xbf16> -> vector<16xf32>
        %gather3A_516 = tpu.vector_load_idx %arg15[%gather3A_497, %add3A_32] : memref<25x32xi32, #tpu.memory_space<vmem>>[vector<16xi32>, vector<16xi32>], vector<16xi32>,
        %bitcast3A_517 = vector.bitcast %gather3A_516 : vector<16xi32> to vector<32xbf16>
        %unpack3A_518 = tpu.unpack_subelements %bitcast3A_517, 0 {pack_format = #tpu.pack_format<interleaved>} : vector<32xbf16> -> vector<16xf32>
        %unpack3A_519 = tpu.unpack_subelements %bitcast3A_517, 1 {pack_format = #tpu.pack_format<interleaved>} : vector<32xbf16> -> vector<16xf32>
        %gather3A_520 = tpu.vector_load_idx %arg15[%gather3A_497, %add3A_36] : memref<25x32xi32, #tpu.memory_space<vmem>>[vector<16xi32>, vector<16xi32>], vector<16xi32>,
        %bitcast3A_521 = vector.bitcast %gather3A_520 : vector<16xi32> to vector<32xbf16>
        %unpack3A_522 = tpu.unpack_subelements %bitcast3A_521, 0 {pack_format = #tpu.pack_format<interleaved>} : vector<32xbf16> -> vector<16xf32>
        %unpack3A_523 = tpu.unpack_subelements %bitcast3A_521, 1 {pack_format = #tpu.pack_format<interleaved>} : vector<32xbf16> -> vector<16xf32>
        %get3A_524 = arith.index_cast %add3A_477 : i32 to index
        %get3A_525 = arith.constant 0 : index
        %get3A_526 = tpu.vector_load %arg11[%get3A_524, %get3A_525] {strides = array<i32>} : memref<256x32xi32, #tpu.memory_space<vmem>>, vector<16xi32>,
        %bitcast3A_527 = vector.bitcast %get3A_526 : vector<16xi32> to vector<32xbf16>
        %unpack3A_528 = tpu.unpack_subelements %bitcast3A_527, 0 {pack_format = #tpu.pack_format<interleaved>} : vector<32xbf16> -> vector<16xf32>
        %unpack3A_529 = tpu.unpack_subelements %bitcast3A_527, 1 {pack_format = #tpu.pack_format<interleaved>} : vector<32xbf16> -> vector<16xf32>
        %get3A_530 = arith.index_cast %add3A_477 : i32 to index
        %get3A_531 = arith.constant 16 : index
        %get3A_532 = tpu.vector_load %arg11[%get3A_530, %get3A_531] {strides = array<i32>} : memref<256x32xi32, #tpu.memory_space<vmem>>, vector<16xi32>,
        %bitcast3A_533 = vector.bitcast %get3A_532 : vector<16xi32> to vector<32xbf16>
        %unpack3A_534 = tpu.unpack_subelements %bitcast3A_533, 0 {pack_format = #tpu.pack_format<interleaved>} : vector<32xbf16> -> vector<16xf32>
        %unpack3A_535 = tpu.unpack_subelements %bitcast3A_533, 1 {pack_format = #tpu.pack_format<interleaved>} : vector<32xbf16> -> vector<16xf32>
        %add3A_536 = arith.addf %unpack3A_528, %unpack3A_510 : vector<16xf32>
        %add3A_537 = arith.addf %add3A_536, %unpack3A_518 : vector<16xf32>
        %mul3A_538 = arith.mulf %gather3A_507, %get3A_221 : vector<16xf32>
        %add3A_539 = arith.addf %add3A_537, %mul3A_538 : vector<16xf32>
        %swap3A_540 = arith.index_cast %add3A_477 : i32 to index
        %swap3A_541 = arith.constant 0 : index
        %swap3A_542 = tpu.vector_load %arg13[%swap3A_540, %swap3A_541] {strides = array<i32>} : memref<256x64xf32, #tpu.memory_space<vmem>>, vector<16xf32>,
        tpu.vector_store %arg13[%swap3A_540, %swap3A_541], %add3A_539 {strides = array<i32>} : memref<256x64xf32, #tpu.memory_space<vmem>>, vector<16xf32>,
        %add3A_543 = arith.addf %unpack3A_529, %unpack3A_511 : vector<16xf32>
        %add3A_544 = arith.addf %add3A_543, %unpack3A_519 : vector<16xf32>
        %mul3A_545 = arith.mulf %gather3A_507, %get3A_223 : vector<16xf32>
        %add3A_546 = arith.addf %add3A_544, %mul3A_545 : vector<16xf32>
        %swap3A_547 = arith.index_cast %add3A_477 : i32 to index
        %swap3A_548 = arith.constant 16 : index
        %swap3A_549 = tpu.vector_load %arg13[%swap3A_547, %swap3A_548] {strides = array<i32>} : memref<256x64xf32, #tpu.memory_space<vmem>>, vector<16xf32>,
        tpu.vector_store %arg13[%swap3A_547, %swap3A_548], %add3A_546 {strides = array<i32>} : memref<256x64xf32, #tpu.memory_space<vmem>>, vector<16xf32>,
        %add3A_550 = arith.addf %unpack3A_534, %unpack3A_514 : vector<16xf32>
        %add3A_551 = arith.addf %add3A_550, %unpack3A_522 : vector<16xf32>
        %mul3A_552 = arith.mulf %gather3A_507, %get3A_225 : vector<16xf32>
        %add3A_553 = arith.addf %add3A_551, %mul3A_552 : vector<16xf32>
        %swap3A_554 = arith.index_cast %add3A_477 : i32 to index
        %swap3A_555 = arith.constant 32 : index
        %swap3A_556 = tpu.vector_load %arg13[%swap3A_554, %swap3A_555] {strides = array<i32>} : memref<256x64xf32, #tpu.memory_space<vmem>>, vector<16xf32>,
        tpu.vector_store %arg13[%swap3A_554, %swap3A_555], %add3A_553 {strides = array<i32>} : memref<256x64xf32, #tpu.memory_space<vmem>>, vector<16xf32>,
        %add3A_557 = arith.addf %unpack3A_535, %unpack3A_515 : vector<16xf32>
        %add3A_558 = arith.addf %add3A_557, %unpack3A_523 : vector<16xf32>
        %mul3A_559 = arith.mulf %gather3A_507, %get3A_227 : vector<16xf32>
        %add3A_560 = arith.addf %add3A_558, %mul3A_559 : vector<16xf32>
        %swap3A_561 = arith.index_cast %add3A_477 : i32 to index
        %swap3A_562 = arith.constant 48 : index
        %swap3A_563 = tpu.vector_load %arg13[%swap3A_561, %swap3A_562] {strides = array<i32>} : memref<256x64xf32, #tpu.memory_space<vmem>>, vector<16xf32>,
        tpu.vector_store %arg13[%swap3A_561, %swap3A_562], %add3A_560 {strides = array<i32>} : memref<256x64xf32, #tpu.memory_space<vmem>>, vector<16xf32>,
        %mul3A_564 = arith.constant 16 : i32
        %mul3A_565 = arith.muli %scan3A_248, %mul3A_564 : i32
        %add3A_566 = arith.constant 3 : i32
        %add3A_567 = arith.addi %mul3A_565, %add3A_566 : i32
        %lt3A_568 = arith.constant 0 : i32
        %lt3A_569 = vector.broadcast %lt3A_568 : i32 to vector<16xi32>
        %lt3A_570 = arith.cmpi slt, %broadcast_in_dim3A_6, %lt3A_569 : vector<16xi32>
        %add3A_571 = arith.constant 16 : i32
        %add3A_572 = vector.broadcast %add3A_571 : i32 to vector<16xi32>
        %add3A_573 = arith.addi %broadcast_in_dim3A_6, %add3A_572 : vector<16xi32>
        %select_n3A_574 = arith.select %lt3A_570, %add3A_573, %broadcast_in_dim3A_6 : vector<16xi1>, vector<16xi32>
        %broadcast_in_dim3A_575 = vector.shape_cast %select_n3A_574 : vector<16xi32> to vector<16x1xi32>
        %gather3A_576 = vector.shape_cast %broadcast_in_dim3A_575 : vector<16x1xi32> to vector<16xi32>
        %gather3A_577 = tpu.dynamic_gather %get3A_286[%gather3A_576] in [0] : vector<16xi32>, vector<16xi32> -> vector<16xi32>
        %lt3A_578 = arith.constant 0 : i32
        %lt3A_579 = vector.broadcast %lt3A_578 : i32 to vector<16xi32>
        %lt3A_580 = arith.cmpi slt, %broadcast_in_dim3A_6, %lt3A_579 : vector<16xi32>
        %add3A_581 = arith.constant 16 : i32
        %add3A_582 = vector.broadcast %add3A_581 : i32 to vector<16xi32>
        %add3A_583 = arith.addi %broadcast_in_dim3A_6, %add3A_582 : vector<16xi32>
        %select_n3A_584 = arith.select %lt3A_580, %add3A_583, %broadcast_in_dim3A_6 : vector<16xi1>, vector<16xi32>
        %broadcast_in_dim3A_585 = vector.shape_cast %select_n3A_584 : vector<16xi32> to vector<16x1xi32>
        %gather3A_586 = vector.shape_cast %broadcast_in_dim3A_585 : vector<16x1xi32> to vector<16xi32>
        %gather3A_587 = tpu.dynamic_gather %get3A_291[%gather3A_586] in [0] : vector<16xi32>, vector<16xi32> -> vector<16xi32>
        %lt3A_588 = arith.constant 0 : i32
        %lt3A_589 = vector.broadcast %lt3A_588 : i32 to vector<16xi32>
        %lt3A_590 = arith.cmpi slt, %broadcast_in_dim3A_6, %lt3A_589 : vector<16xi32>
        %add3A_591 = arith.constant 16 : i32
        %add3A_592 = vector.broadcast %add3A_591 : i32 to vector<16xi32>
        %add3A_593 = arith.addi %broadcast_in_dim3A_6, %add3A_592 : vector<16xi32>
        %select_n3A_594 = arith.select %lt3A_590, %add3A_593, %broadcast_in_dim3A_6 : vector<16xi1>, vector<16xi32>
        %broadcast_in_dim3A_595 = vector.shape_cast %select_n3A_594 : vector<16xi32> to vector<16x1xi32>
        %gather3A_596 = vector.shape_cast %broadcast_in_dim3A_595 : vector<16x1xi32> to vector<16xi32>
        %gather3A_597 = tpu.dynamic_gather %bitcast3A[%gather3A_596] in [0] : vector<16xf32>, vector<16xi32> -> vector<16xf32>
        %gather3A_598 = tpu.vector_load_idx %arg14[%gather3A_577, %add3A_32] : memref<1860x32xi32, #tpu.memory_space<vmem>>[vector<16xi32>, vector<16xi32>], vector<16xi32>,
        %bitcast3A_599 = vector.bitcast %gather3A_598 : vector<16xi32> to vector<32xbf16>
        %unpack3A_600 = tpu.unpack_subelements %bitcast3A_599, 0 {pack_format = #tpu.pack_format<interleaved>} : vector<32xbf16> -> vector<16xf32>
        %unpack3A_601 = tpu.unpack_subelements %bitcast3A_599, 1 {pack_format = #tpu.pack_format<interleaved>} : vector<32xbf16> -> vector<16xf32>
        %gather3A_602 = tpu.vector_load_idx %arg14[%gather3A_577, %add3A_36] : memref<1860x32xi32, #tpu.memory_space<vmem>>[vector<16xi32>, vector<16xi32>], vector<16xi32>,
        %bitcast3A_603 = vector.bitcast %gather3A_602 : vector<16xi32> to vector<32xbf16>
        %unpack3A_604 = tpu.unpack_subelements %bitcast3A_603, 0 {pack_format = #tpu.pack_format<interleaved>} : vector<32xbf16> -> vector<16xf32>
        %unpack3A_605 = tpu.unpack_subelements %bitcast3A_603, 1 {pack_format = #tpu.pack_format<interleaved>} : vector<32xbf16> -> vector<16xf32>
        %gather3A_606 = tpu.vector_load_idx %arg15[%gather3A_587, %add3A_32] : memref<25x32xi32, #tpu.memory_space<vmem>>[vector<16xi32>, vector<16xi32>], vector<16xi32>,
        %bitcast3A_607 = vector.bitcast %gather3A_606 : vector<16xi32> to vector<32xbf16>
        %unpack3A_608 = tpu.unpack_subelements %bitcast3A_607, 0 {pack_format = #tpu.pack_format<interleaved>} : vector<32xbf16> -> vector<16xf32>
        %unpack3A_609 = tpu.unpack_subelements %bitcast3A_607, 1 {pack_format = #tpu.pack_format<interleaved>} : vector<32xbf16> -> vector<16xf32>
        %gather3A_610 = tpu.vector_load_idx %arg15[%gather3A_587, %add3A_36] : memref<25x32xi32, #tpu.memory_space<vmem>>[vector<16xi32>, vector<16xi32>], vector<16xi32>,
        %bitcast3A_611 = vector.bitcast %gather3A_610 : vector<16xi32> to vector<32xbf16>
        %unpack3A_612 = tpu.unpack_subelements %bitcast3A_611, 0 {pack_format = #tpu.pack_format<interleaved>} : vector<32xbf16> -> vector<16xf32>
        %unpack3A_613 = tpu.unpack_subelements %bitcast3A_611, 1 {pack_format = #tpu.pack_format<interleaved>} : vector<32xbf16> -> vector<16xf32>
        %get3A_614 = arith.index_cast %add3A_567 : i32 to index
        %get3A_615 = arith.constant 0 : index
        %get3A_616 = tpu.vector_load %arg11[%get3A_614, %get3A_615] {strides = array<i32>} : memref<256x32xi32, #tpu.memory_space<vmem>>, vector<16xi32>,
        %bitcast3A_617 = vector.bitcast %get3A_616 : vector<16xi32> to vector<32xbf16>
        %unpack3A_618 = tpu.unpack_subelements %bitcast3A_617, 0 {pack_format = #tpu.pack_format<interleaved>} : vector<32xbf16> -> vector<16xf32>
        %unpack3A_619 = tpu.unpack_subelements %bitcast3A_617, 1 {pack_format = #tpu.pack_format<interleaved>} : vector<32xbf16> -> vector<16xf32>
        %get3A_620 = arith.index_cast %add3A_567 : i32 to index
        %get3A_621 = arith.constant 16 : index
        %get3A_622 = tpu.vector_load %arg11[%get3A_620, %get3A_621] {strides = array<i32>} : memref<256x32xi32, #tpu.memory_space<vmem>>, vector<16xi32>,
        %bitcast3A_623 = vector.bitcast %get3A_622 : vector<16xi32> to vector<32xbf16>
        %unpack3A_624 = tpu.unpack_subelements %bitcast3A_623, 0 {pack_format = #tpu.pack_format<interleaved>} : vector<32xbf16> -> vector<16xf32>
        %unpack3A_625 = tpu.unpack_subelements %bitcast3A_623, 1 {pack_format = #tpu.pack_format<interleaved>} : vector<32xbf16> -> vector<16xf32>
        %add3A_626 = arith.addf %unpack3A_618, %unpack3A_600 : vector<16xf32>
        %add3A_627 = arith.addf %add3A_626, %unpack3A_608 : vector<16xf32>
        %mul3A_628 = arith.mulf %gather3A_597, %get3A_221 : vector<16xf32>
        %add3A_629 = arith.addf %add3A_627, %mul3A_628 : vector<16xf32>
        %swap3A_630 = arith.index_cast %add3A_567 : i32 to index
        %swap3A_631 = arith.constant 0 : index
        %swap3A_632 = tpu.vector_load %arg13[%swap3A_630, %swap3A_631] {strides = array<i32>} : memref<256x64xf32, #tpu.memory_space<vmem>>, vector<16xf32>,
        tpu.vector_store %arg13[%swap3A_630, %swap3A_631], %add3A_629 {strides = array<i32>} : memref<256x64xf32, #tpu.memory_space<vmem>>, vector<16xf32>,
        %add3A_633 = arith.addf %unpack3A_619, %unpack3A_601 : vector<16xf32>
        %add3A_634 = arith.addf %add3A_633, %unpack3A_609 : vector<16xf32>
        %mul3A_635 = arith.mulf %gather3A_597, %get3A_223 : vector<16xf32>
        %add3A_636 = arith.addf %add3A_634, %mul3A_635 : vector<16xf32>
        %swap3A_637 = arith.index_cast %add3A_567 : i32 to index
        %swap3A_638 = arith.constant 16 : index
        %swap3A_639 = tpu.vector_load %arg13[%swap3A_637, %swap3A_638] {strides = array<i32>} : memref<256x64xf32, #tpu.memory_space<vmem>>, vector<16xf32>,
        tpu.vector_store %arg13[%swap3A_637, %swap3A_638], %add3A_636 {strides = array<i32>} : memref<256x64xf32, #tpu.memory_space<vmem>>, vector<16xf32>,
        %add3A_640 = arith.addf %unpack3A_624, %unpack3A_604 : vector<16xf32>
        %add3A_641 = arith.addf %add3A_640, %unpack3A_612 : vector<16xf32>
        %mul3A_642 = arith.mulf %gather3A_597, %get3A_225 : vector<16xf32>
        %add3A_643 = arith.addf %add3A_641, %mul3A_642 : vector<16xf32>
        %swap3A_644 = arith.index_cast %add3A_567 : i32 to index
        %swap3A_645 = arith.constant 32 : index
        %swap3A_646 = tpu.vector_load %arg13[%swap3A_644, %swap3A_645] {strides = array<i32>} : memref<256x64xf32, #tpu.memory_space<vmem>>, vector<16xf32>,
        tpu.vector_store %arg13[%swap3A_644, %swap3A_645], %add3A_643 {strides = array<i32>} : memref<256x64xf32, #tpu.memory_space<vmem>>, vector<16xf32>,
        %add3A_647 = arith.addf %unpack3A_625, %unpack3A_605 : vector<16xf32>
        %add3A_648 = arith.addf %add3A_647, %unpack3A_613 : vector<16xf32>
        %mul3A_649 = arith.mulf %gather3A_597, %get3A_227 : vector<16xf32>
        %add3A_650 = arith.addf %add3A_648, %mul3A_649 : vector<16xf32>
        %swap3A_651 = arith.index_cast %add3A_567 : i32 to index
        %swap3A_652 = arith.constant 48 : index
        %swap3A_653 = tpu.vector_load %arg13[%swap3A_651, %swap3A_652] {strides = array<i32>} : memref<256x64xf32, #tpu.memory_space<vmem>>, vector<16xf32>,
        tpu.vector_store %arg13[%swap3A_651, %swap3A_652], %add3A_650 {strides = array<i32>} : memref<256x64xf32, #tpu.memory_space<vmem>>, vector<16xf32>,
        %mul3A_654 = arith.constant 16 : i32
        %mul3A_655 = arith.muli %scan3A_248, %mul3A_654 : i32
        %add3A_656 = arith.constant 4 : i32
        %add3A_657 = arith.addi %mul3A_655, %add3A_656 : i32
        %lt3A_658 = arith.constant 0 : i32
        %lt3A_659 = vector.broadcast %lt3A_658 : i32 to vector<16xi32>
        %lt3A_660 = arith.cmpi slt, %broadcast_in_dim3A_8, %lt3A_659 : vector<16xi32>
        %add3A_661 = arith.constant 16 : i32
        %add3A_662 = vector.broadcast %add3A_661 : i32 to vector<16xi32>
        %add3A_663 = arith.addi %broadcast_in_dim3A_8, %add3A_662 : vector<16xi32>
        %select_n3A_664 = arith.select %lt3A_660, %add3A_663, %broadcast_in_dim3A_8 : vector<16xi1>, vector<16xi32>
        %broadcast_in_dim3A_665 = vector.shape_cast %select_n3A_664 : vector<16xi32> to vector<16x1xi32>
        %gather3A_666 = vector.shape_cast %broadcast_in_dim3A_665 : vector<16x1xi32> to vector<16xi32>
        %gather3A_667 = tpu.dynamic_gather %get3A_286[%gather3A_666] in [0] : vector<16xi32>, vector<16xi32> -> vector<16xi32>
        %lt3A_668 = arith.constant 0 : i32
        %lt3A_669 = vector.broadcast %lt3A_668 : i32 to vector<16xi32>
        %lt3A_670 = arith.cmpi slt, %broadcast_in_dim3A_8, %lt3A_669 : vector<16xi32>
        %add3A_671 = arith.constant 16 : i32
        %add3A_672 = vector.broadcast %add3A_671 : i32 to vector<16xi32>
        %add3A_673 = arith.addi %broadcast_in_dim3A_8, %add3A_672 : vector<16xi32>
        %select_n3A_674 = arith.select %lt3A_670, %add3A_673, %broadcast_in_dim3A_8 : vector<16xi1>, vector<16xi32>
        %broadcast_in_dim3A_675 = vector.shape_cast %select_n3A_674 : vector<16xi32> to vector<16x1xi32>
        %gather3A_676 = vector.shape_cast %broadcast_in_dim3A_675 : vector<16x1xi32> to vector<16xi32>
        %gather3A_677 = tpu.dynamic_gather %get3A_291[%gather3A_676] in [0] : vector<16xi32>, vector<16xi32> -> vector<16xi32>
        %lt3A_678 = arith.constant 0 : i32
        %lt3A_679 = vector.broadcast %lt3A_678 : i32 to vector<16xi32>
        %lt3A_680 = arith.cmpi slt, %broadcast_in_dim3A_8, %lt3A_679 : vector<16xi32>
        %add3A_681 = arith.constant 16 : i32
        %add3A_682 = vector.broadcast %add3A_681 : i32 to vector<16xi32>
        %add3A_683 = arith.addi %broadcast_in_dim3A_8, %add3A_682 : vector<16xi32>
        %select_n3A_684 = arith.select %lt3A_680, %add3A_683, %broadcast_in_dim3A_8 : vector<16xi1>, vector<16xi32>
        %broadcast_in_dim3A_685 = vector.shape_cast %select_n3A_684 : vector<16xi32> to vector<16x1xi32>
        %gather3A_686 = vector.shape_cast %broadcast_in_dim3A_685 : vector<16x1xi32> to vector<16xi32>
        %gather3A_687 = tpu.dynamic_gather %bitcast3A[%gather3A_686] in [0] : vector<16xf32>, vector<16xi32> -> vector<16xf32>
        %gather3A_688 = tpu.vector_load_idx %arg14[%gather3A_667, %add3A_32] : memref<1860x32xi32, #tpu.memory_space<vmem>>[vector<16xi32>, vector<16xi32>], vector<16xi32>,
        %bitcast3A_689 = vector.bitcast %gather3A_688 : vector<16xi32> to vector<32xbf16>
        %unpack3A_690 = tpu.unpack_subelements %bitcast3A_689, 0 {pack_format = #tpu.pack_format<interleaved>} : vector<32xbf16> -> vector<16xf32>
        %unpack3A_691 = tpu.unpack_subelements %bitcast3A_689, 1 {pack_format = #tpu.pack_format<interleaved>} : vector<32xbf16> -> vector<16xf32>
        %gather3A_692 = tpu.vector_load_idx %arg14[%gather3A_667, %add3A_36] : memref<1860x32xi32, #tpu.memory_space<vmem>>[vector<16xi32>, vector<16xi32>], vector<16xi32>,
        %bitcast3A_693 = vector.bitcast %gather3A_692 : vector<16xi32> to vector<32xbf16>
        %unpack3A_694 = tpu.unpack_subelements %bitcast3A_693, 0 {pack_format = #tpu.pack_format<interleaved>} : vector<32xbf16> -> vector<16xf32>
        %unpack3A_695 = tpu.unpack_subelements %bitcast3A_693, 1 {pack_format = #tpu.pack_format<interleaved>} : vector<32xbf16> -> vector<16xf32>
        %gather3A_696 = tpu.vector_load_idx %arg15[%gather3A_677, %add3A_32] : memref<25x32xi32, #tpu.memory_space<vmem>>[vector<16xi32>, vector<16xi32>], vector<16xi32>,
        %bitcast3A_697 = vector.bitcast %gather3A_696 : vector<16xi32> to vector<32xbf16>
        %unpack3A_698 = tpu.unpack_subelements %bitcast3A_697, 0 {pack_format = #tpu.pack_format<interleaved>} : vector<32xbf16> -> vector<16xf32>
        %unpack3A_699 = tpu.unpack_subelements %bitcast3A_697, 1 {pack_format = #tpu.pack_format<interleaved>} : vector<32xbf16> -> vector<16xf32>
        %gather3A_700 = tpu.vector_load_idx %arg15[%gather3A_677, %add3A_36] : memref<25x32xi32, #tpu.memory_space<vmem>>[vector<16xi32>, vector<16xi32>], vector<16xi32>,
        %bitcast3A_701 = vector.bitcast %gather3A_700 : vector<16xi32> to vector<32xbf16>
        %unpack3A_702 = tpu.unpack_subelements %bitcast3A_701, 0 {pack_format = #tpu.pack_format<interleaved>} : vector<32xbf16> -> vector<16xf32>
        %unpack3A_703 = tpu.unpack_subelements %bitcast3A_701, 1 {pack_format = #tpu.pack_format<interleaved>} : vector<32xbf16> -> vector<16xf32>
        %get3A_704 = arith.index_cast %add3A_657 : i32 to index
        %get3A_705 = arith.constant 0 : index
        %get3A_706 = tpu.vector_load %arg11[%get3A_704, %get3A_705] {strides = array<i32>} : memref<256x32xi32, #tpu.memory_space<vmem>>, vector<16xi32>,
        %bitcast3A_707 = vector.bitcast %get3A_706 : vector<16xi32> to vector<32xbf16>
        %unpack3A_708 = tpu.unpack_subelements %bitcast3A_707, 0 {pack_format = #tpu.pack_format<interleaved>} : vector<32xbf16> -> vector<16xf32>
        %unpack3A_709 = tpu.unpack_subelements %bitcast3A_707, 1 {pack_format = #tpu.pack_format<interleaved>} : vector<32xbf16> -> vector<16xf32>
        %get3A_710 = arith.index_cast %add3A_657 : i32 to index
        %get3A_711 = arith.constant 16 : index
        %get3A_712 = tpu.vector_load %arg11[%get3A_710, %get3A_711] {strides = array<i32>} : memref<256x32xi32, #tpu.memory_space<vmem>>, vector<16xi32>,
        %bitcast3A_713 = vector.bitcast %get3A_712 : vector<16xi32> to vector<32xbf16>
        %unpack3A_714 = tpu.unpack_subelements %bitcast3A_713, 0 {pack_format = #tpu.pack_format<interleaved>} : vector<32xbf16> -> vector<16xf32>
        %unpack3A_715 = tpu.unpack_subelements %bitcast3A_713, 1 {pack_format = #tpu.pack_format<interleaved>} : vector<32xbf16> -> vector<16xf32>
        %add3A_716 = arith.addf %unpack3A_708, %unpack3A_690 : vector<16xf32>
        %add3A_717 = arith.addf %add3A_716, %unpack3A_698 : vector<16xf32>
        %mul3A_718 = arith.mulf %gather3A_687, %get3A_221 : vector<16xf32>
        %add3A_719 = arith.addf %add3A_717, %mul3A_718 : vector<16xf32>
        %swap3A_720 = arith.index_cast %add3A_657 : i32 to index
        %swap3A_721 = arith.constant 0 : index
        %swap3A_722 = tpu.vector_load %arg13[%swap3A_720, %swap3A_721] {strides = array<i32>} : memref<256x64xf32, #tpu.memory_space<vmem>>, vector<16xf32>,
        tpu.vector_store %arg13[%swap3A_720, %swap3A_721], %add3A_719 {strides = array<i32>} : memref<256x64xf32, #tpu.memory_space<vmem>>, vector<16xf32>,
        %add3A_723 = arith.addf %unpack3A_709, %unpack3A_691 : vector<16xf32>
        %add3A_724 = arith.addf %add3A_723, %unpack3A_699 : vector<16xf32>
        %mul3A_725 = arith.mulf %gather3A_687, %get3A_223 : vector<16xf32>
        %add3A_726 = arith.addf %add3A_724, %mul3A_725 : vector<16xf32>
        %swap3A_727 = arith.index_cast %add3A_657 : i32 to index
        %swap3A_728 = arith.constant 16 : index
        %swap3A_729 = tpu.vector_load %arg13[%swap3A_727, %swap3A_728] {strides = array<i32>} : memref<256x64xf32, #tpu.memory_space<vmem>>, vector<16xf32>,
        tpu.vector_store %arg13[%swap3A_727, %swap3A_728], %add3A_726 {strides = array<i32>} : memref<256x64xf32, #tpu.memory_space<vmem>>, vector<16xf32>,
        %add3A_730 = arith.addf %unpack3A_714, %unpack3A_694 : vector<16xf32>
        %add3A_731 = arith.addf %add3A_730, %unpack3A_702 : vector<16xf32>
        %mul3A_732 = arith.mulf %gather3A_687, %get3A_225 : vector<16xf32>
        %add3A_733 = arith.addf %add3A_731, %mul3A_732 : vector<16xf32>
        %swap3A_734 = arith.index_cast %add3A_657 : i32 to index
        %swap3A_735 = arith.constant 32 : index
        %swap3A_736 = tpu.vector_load %arg13[%swap3A_734, %swap3A_735] {strides = array<i32>} : memref<256x64xf32, #tpu.memory_space<vmem>>, vector<16xf32>,
        tpu.vector_store %arg13[%swap3A_734, %swap3A_735], %add3A_733 {strides = array<i32>} : memref<256x64xf32, #tpu.memory_space<vmem>>, vector<16xf32>,
        %add3A_737 = arith.addf %unpack3A_715, %unpack3A_695 : vector<16xf32>
        %add3A_738 = arith.addf %add3A_737, %unpack3A_703 : vector<16xf32>
        %mul3A_739 = arith.mulf %gather3A_687, %get3A_227 : vector<16xf32>
        %add3A_740 = arith.addf %add3A_738, %mul3A_739 : vector<16xf32>
        %swap3A_741 = arith.index_cast %add3A_657 : i32 to index
        %swap3A_742 = arith.constant 48 : index
        %swap3A_743 = tpu.vector_load %arg13[%swap3A_741, %swap3A_742] {strides = array<i32>} : memref<256x64xf32, #tpu.memory_space<vmem>>, vector<16xf32>,
        tpu.vector_store %arg13[%swap3A_741, %swap3A_742], %add3A_740 {strides = array<i32>} : memref<256x64xf32, #tpu.memory_space<vmem>>, vector<16xf32>,
        %mul3A_744 = arith.constant 16 : i32
        %mul3A_745 = arith.muli %scan3A_248, %mul3A_744 : i32
        %add3A_746 = arith.constant 5 : i32
        %add3A_747 = arith.addi %mul3A_745, %add3A_746 : i32
        %lt3A_748 = arith.constant 0 : i32
        %lt3A_749 = vector.broadcast %lt3A_748 : i32 to vector<16xi32>
        %lt3A_750 = arith.cmpi slt, %broadcast_in_dim3A_10, %lt3A_749 : vector<16xi32>
        %add3A_751 = arith.constant 16 : i32
        %add3A_752 = vector.broadcast %add3A_751 : i32 to vector<16xi32>
        %add3A_753 = arith.addi %broadcast_in_dim3A_10, %add3A_752 : vector<16xi32>
        %select_n3A_754 = arith.select %lt3A_750, %add3A_753, %broadcast_in_dim3A_10 : vector<16xi1>, vector<16xi32>
        %broadcast_in_dim3A_755 = vector.shape_cast %select_n3A_754 : vector<16xi32> to vector<16x1xi32>
        %gather3A_756 = vector.shape_cast %broadcast_in_dim3A_755 : vector<16x1xi32> to vector<16xi32>
        %gather3A_757 = tpu.dynamic_gather %get3A_286[%gather3A_756] in [0] : vector<16xi32>, vector<16xi32> -> vector<16xi32>
        %lt3A_758 = arith.constant 0 : i32
        %lt3A_759 = vector.broadcast %lt3A_758 : i32 to vector<16xi32>
        %lt3A_760 = arith.cmpi slt, %broadcast_in_dim3A_10, %lt3A_759 : vector<16xi32>
        %add3A_761 = arith.constant 16 : i32
        %add3A_762 = vector.broadcast %add3A_761 : i32 to vector<16xi32>
        %add3A_763 = arith.addi %broadcast_in_dim3A_10, %add3A_762 : vector<16xi32>
        %select_n3A_764 = arith.select %lt3A_760, %add3A_763, %broadcast_in_dim3A_10 : vector<16xi1>, vector<16xi32>
        %broadcast_in_dim3A_765 = vector.shape_cast %select_n3A_764 : vector<16xi32> to vector<16x1xi32>
        %gather3A_766 = vector.shape_cast %broadcast_in_dim3A_765 : vector<16x1xi32> to vector<16xi32>
        %gather3A_767 = tpu.dynamic_gather %get3A_291[%gather3A_766] in [0] : vector<16xi32>, vector<16xi32> -> vector<16xi32>
        %lt3A_768 = arith.constant 0 : i32
        %lt3A_769 = vector.broadcast %lt3A_768 : i32 to vector<16xi32>
        %lt3A_770 = arith.cmpi slt, %broadcast_in_dim3A_10, %lt3A_769 : vector<16xi32>
        %add3A_771 = arith.constant 16 : i32
        %add3A_772 = vector.broadcast %add3A_771 : i32 to vector<16xi32>
        %add3A_773 = arith.addi %broadcast_in_dim3A_10, %add3A_772 : vector<16xi32>
        %select_n3A_774 = arith.select %lt3A_770, %add3A_773, %broadcast_in_dim3A_10 : vector<16xi1>, vector<16xi32>
        %broadcast_in_dim3A_775 = vector.shape_cast %select_n3A_774 : vector<16xi32> to vector<16x1xi32>
        %gather3A_776 = vector.shape_cast %broadcast_in_dim3A_775 : vector<16x1xi32> to vector<16xi32>
        %gather3A_777 = tpu.dynamic_gather %bitcast3A[%gather3A_776] in [0] : vector<16xf32>, vector<16xi32> -> vector<16xf32>
        %gather3A_778 = tpu.vector_load_idx %arg14[%gather3A_757, %add3A_32] : memref<1860x32xi32, #tpu.memory_space<vmem>>[vector<16xi32>, vector<16xi32>], vector<16xi32>,
        %bitcast3A_779 = vector.bitcast %gather3A_778 : vector<16xi32> to vector<32xbf16>
        %unpack3A_780 = tpu.unpack_subelements %bitcast3A_779, 0 {pack_format = #tpu.pack_format<interleaved>} : vector<32xbf16> -> vector<16xf32>
        %unpack3A_781 = tpu.unpack_subelements %bitcast3A_779, 1 {pack_format = #tpu.pack_format<interleaved>} : vector<32xbf16> -> vector<16xf32>
        %gather3A_782 = tpu.vector_load_idx %arg14[%gather3A_757, %add3A_36] : memref<1860x32xi32, #tpu.memory_space<vmem>>[vector<16xi32>, vector<16xi32>], vector<16xi32>,
        %bitcast3A_783 = vector.bitcast %gather3A_782 : vector<16xi32> to vector<32xbf16>
        %unpack3A_784 = tpu.unpack_subelements %bitcast3A_783, 0 {pack_format = #tpu.pack_format<interleaved>} : vector<32xbf16> -> vector<16xf32>
        %unpack3A_785 = tpu.unpack_subelements %bitcast3A_783, 1 {pack_format = #tpu.pack_format<interleaved>} : vector<32xbf16> -> vector<16xf32>
        %gather3A_786 = tpu.vector_load_idx %arg15[%gather3A_767, %add3A_32] : memref<25x32xi32, #tpu.memory_space<vmem>>[vector<16xi32>, vector<16xi32>], vector<16xi32>,
        %bitcast3A_787 = vector.bitcast %gather3A_786 : vector<16xi32> to vector<32xbf16>
        %unpack3A_788 = tpu.unpack_subelements %bitcast3A_787, 0 {pack_format = #tpu.pack_format<interleaved>} : vector<32xbf16> -> vector<16xf32>
        %unpack3A_789 = tpu.unpack_subelements %bitcast3A_787, 1 {pack_format = #tpu.pack_format<interleaved>} : vector<32xbf16> -> vector<16xf32>
        %gather3A_790 = tpu.vector_load_idx %arg15[%gather3A_767, %add3A_36] : memref<25x32xi32, #tpu.memory_space<vmem>>[vector<16xi32>, vector<16xi32>], vector<16xi32>,
        %bitcast3A_791 = vector.bitcast %gather3A_790 : vector<16xi32> to vector<32xbf16>
        %unpack3A_792 = tpu.unpack_subelements %bitcast3A_791, 0 {pack_format = #tpu.pack_format<interleaved>} : vector<32xbf16> -> vector<16xf32>
        %unpack3A_793 = tpu.unpack_subelements %bitcast3A_791, 1 {pack_format = #tpu.pack_format<interleaved>} : vector<32xbf16> -> vector<16xf32>
        %get3A_794 = arith.index_cast %add3A_747 : i32 to index
        %get3A_795 = arith.constant 0 : index
        %get3A_796 = tpu.vector_load %arg11[%get3A_794, %get3A_795] {strides = array<i32>} : memref<256x32xi32, #tpu.memory_space<vmem>>, vector<16xi32>,
        %bitcast3A_797 = vector.bitcast %get3A_796 : vector<16xi32> to vector<32xbf16>
        %unpack3A_798 = tpu.unpack_subelements %bitcast3A_797, 0 {pack_format = #tpu.pack_format<interleaved>} : vector<32xbf16> -> vector<16xf32>
        %unpack3A_799 = tpu.unpack_subelements %bitcast3A_797, 1 {pack_format = #tpu.pack_format<interleaved>} : vector<32xbf16> -> vector<16xf32>
        %get3A_800 = arith.index_cast %add3A_747 : i32 to index
        %get3A_801 = arith.constant 16 : index
        %get3A_802 = tpu.vector_load %arg11[%get3A_800, %get3A_801] {strides = array<i32>} : memref<256x32xi32, #tpu.memory_space<vmem>>, vector<16xi32>,
        %bitcast3A_803 = vector.bitcast %get3A_802 : vector<16xi32> to vector<32xbf16>
        %unpack3A_804 = tpu.unpack_subelements %bitcast3A_803, 0 {pack_format = #tpu.pack_format<interleaved>} : vector<32xbf16> -> vector<16xf32>
        %unpack3A_805 = tpu.unpack_subelements %bitcast3A_803, 1 {pack_format = #tpu.pack_format<interleaved>} : vector<32xbf16> -> vector<16xf32>
        %add3A_806 = arith.addf %unpack3A_798, %unpack3A_780 : vector<16xf32>
        %add3A_807 = arith.addf %add3A_806, %unpack3A_788 : vector<16xf32>
        %mul3A_808 = arith.mulf %gather3A_777, %get3A_221 : vector<16xf32>
        %add3A_809 = arith.addf %add3A_807, %mul3A_808 : vector<16xf32>
        %swap3A_810 = arith.index_cast %add3A_747 : i32 to index
        %swap3A_811 = arith.constant 0 : index
        %swap3A_812 = tpu.vector_load %arg13[%swap3A_810, %swap3A_811] {strides = array<i32>} : memref<256x64xf32, #tpu.memory_space<vmem>>, vector<16xf32>,
        tpu.vector_store %arg13[%swap3A_810, %swap3A_811], %add3A_809 {strides = array<i32>} : memref<256x64xf32, #tpu.memory_space<vmem>>, vector<16xf32>,
        %add3A_813 = arith.addf %unpack3A_799, %unpack3A_781 : vector<16xf32>
        %add3A_814 = arith.addf %add3A_813, %unpack3A_789 : vector<16xf32>
        %mul3A_815 = arith.mulf %gather3A_777, %get3A_223 : vector<16xf32>
        %add3A_816 = arith.addf %add3A_814, %mul3A_815 : vector<16xf32>
        %swap3A_817 = arith.index_cast %add3A_747 : i32 to index
        %swap3A_818 = arith.constant 16 : index
        %swap3A_819 = tpu.vector_load %arg13[%swap3A_817, %swap3A_818] {strides = array<i32>} : memref<256x64xf32, #tpu.memory_space<vmem>>, vector<16xf32>,
        tpu.vector_store %arg13[%swap3A_817, %swap3A_818], %add3A_816 {strides = array<i32>} : memref<256x64xf32, #tpu.memory_space<vmem>>, vector<16xf32>,
        %add3A_820 = arith.addf %unpack3A_804, %unpack3A_784 : vector<16xf32>
        %add3A_821 = arith.addf %add3A_820, %unpack3A_792 : vector<16xf32>
        %mul3A_822 = arith.mulf %gather3A_777, %get3A_225 : vector<16xf32>
        %add3A_823 = arith.addf %add3A_821, %mul3A_822 : vector<16xf32>
        %swap3A_824 = arith.index_cast %add3A_747 : i32 to index
        %swap3A_825 = arith.constant 32 : index
        %swap3A_826 = tpu.vector_load %arg13[%swap3A_824, %swap3A_825] {strides = array<i32>} : memref<256x64xf32, #tpu.memory_space<vmem>>, vector<16xf32>,
        tpu.vector_store %arg13[%swap3A_824, %swap3A_825], %add3A_823 {strides = array<i32>} : memref<256x64xf32, #tpu.memory_space<vmem>>, vector<16xf32>,
        %add3A_827 = arith.addf %unpack3A_805, %unpack3A_785 : vector<16xf32>
        %add3A_828 = arith.addf %add3A_827, %unpack3A_793 : vector<16xf32>
        %mul3A_829 = arith.mulf %gather3A_777, %get3A_227 : vector<16xf32>
        %add3A_830 = arith.addf %add3A_828, %mul3A_829 : vector<16xf32>
        %swap3A_831 = arith.index_cast %add3A_747 : i32 to index
        %swap3A_832 = arith.constant 48 : index
        %swap3A_833 = tpu.vector_load %arg13[%swap3A_831, %swap3A_832] {strides = array<i32>} : memref<256x64xf32, #tpu.memory_space<vmem>>, vector<16xf32>,
        tpu.vector_store %arg13[%swap3A_831, %swap3A_832], %add3A_830 {strides = array<i32>} : memref<256x64xf32, #tpu.memory_space<vmem>>, vector<16xf32>,
        %mul3A_834 = arith.constant 16 : i32
        %mul3A_835 = arith.muli %scan3A_248, %mul3A_834 : i32
        %add3A_836 = arith.constant 6 : i32
        %add3A_837 = arith.addi %mul3A_835, %add3A_836 : i32
        %lt3A_838 = arith.constant 0 : i32
        %lt3A_839 = vector.broadcast %lt3A_838 : i32 to vector<16xi32>
        %lt3A_840 = arith.cmpi slt, %broadcast_in_dim3A_12, %lt3A_839 : vector<16xi32>
        %add3A_841 = arith.constant 16 : i32
        %add3A_842 = vector.broadcast %add3A_841 : i32 to vector<16xi32>
        %add3A_843 = arith.addi %broadcast_in_dim3A_12, %add3A_842 : vector<16xi32>
        %select_n3A_844 = arith.select %lt3A_840, %add3A_843, %broadcast_in_dim3A_12 : vector<16xi1>, vector<16xi32>
        %broadcast_in_dim3A_845 = vector.shape_cast %select_n3A_844 : vector<16xi32> to vector<16x1xi32>
        %gather3A_846 = vector.shape_cast %broadcast_in_dim3A_845 : vector<16x1xi32> to vector<16xi32>
        %gather3A_847 = tpu.dynamic_gather %get3A_286[%gather3A_846] in [0] : vector<16xi32>, vector<16xi32> -> vector<16xi32>
        %lt3A_848 = arith.constant 0 : i32
        %lt3A_849 = vector.broadcast %lt3A_848 : i32 to vector<16xi32>
        %lt3A_850 = arith.cmpi slt, %broadcast_in_dim3A_12, %lt3A_849 : vector<16xi32>
        %add3A_851 = arith.constant 16 : i32
        %add3A_852 = vector.broadcast %add3A_851 : i32 to vector<16xi32>
        %add3A_853 = arith.addi %broadcast_in_dim3A_12, %add3A_852 : vector<16xi32>
        %select_n3A_854 = arith.select %lt3A_850, %add3A_853, %broadcast_in_dim3A_12 : vector<16xi1>, vector<16xi32>
        %broadcast_in_dim3A_855 = vector.shape_cast %select_n3A_854 : vector<16xi32> to vector<16x1xi32>
        %gather3A_856 = vector.shape_cast %broadcast_in_dim3A_855 : vector<16x1xi32> to vector<16xi32>
        %gather3A_857 = tpu.dynamic_gather %get3A_291[%gather3A_856] in [0] : vector<16xi32>, vector<16xi32> -> vector<16xi32>
        %lt3A_858 = arith.constant 0 : i32
        %lt3A_859 = vector.broadcast %lt3A_858 : i32 to vector<16xi32>
        %lt3A_860 = arith.cmpi slt, %broadcast_in_dim3A_12, %lt3A_859 : vector<16xi32>
        %add3A_861 = arith.constant 16 : i32
        %add3A_862 = vector.broadcast %add3A_861 : i32 to vector<16xi32>
        %add3A_863 = arith.addi %broadcast_in_dim3A_12, %add3A_862 : vector<16xi32>
        %select_n3A_864 = arith.select %lt3A_860, %add3A_863, %broadcast_in_dim3A_12 : vector<16xi1>, vector<16xi32>
        %broadcast_in_dim3A_865 = vector.shape_cast %select_n3A_864 : vector<16xi32> to vector<16x1xi32>
        %gather3A_866 = vector.shape_cast %broadcast_in_dim3A_865 : vector<16x1xi32> to vector<16xi32>
        %gather3A_867 = tpu.dynamic_gather %bitcast3A[%gather3A_866] in [0] : vector<16xf32>, vector<16xi32> -> vector<16xf32>
        %gather3A_868 = tpu.vector_load_idx %arg14[%gather3A_847, %add3A_32] : memref<1860x32xi32, #tpu.memory_space<vmem>>[vector<16xi32>, vector<16xi32>], vector<16xi32>,
        %bitcast3A_869 = vector.bitcast %gather3A_868 : vector<16xi32> to vector<32xbf16>
        %unpack3A_870 = tpu.unpack_subelements %bitcast3A_869, 0 {pack_format = #tpu.pack_format<interleaved>} : vector<32xbf16> -> vector<16xf32>
        %unpack3A_871 = tpu.unpack_subelements %bitcast3A_869, 1 {pack_format = #tpu.pack_format<interleaved>} : vector<32xbf16> -> vector<16xf32>
        %gather3A_872 = tpu.vector_load_idx %arg14[%gather3A_847, %add3A_36] : memref<1860x32xi32, #tpu.memory_space<vmem>>[vector<16xi32>, vector<16xi32>], vector<16xi32>,
        %bitcast3A_873 = vector.bitcast %gather3A_872 : vector<16xi32> to vector<32xbf16>
        %unpack3A_874 = tpu.unpack_subelements %bitcast3A_873, 0 {pack_format = #tpu.pack_format<interleaved>} : vector<32xbf16> -> vector<16xf32>
        %unpack3A_875 = tpu.unpack_subelements %bitcast3A_873, 1 {pack_format = #tpu.pack_format<interleaved>} : vector<32xbf16> -> vector<16xf32>
        %gather3A_876 = tpu.vector_load_idx %arg15[%gather3A_857, %add3A_32] : memref<25x32xi32, #tpu.memory_space<vmem>>[vector<16xi32>, vector<16xi32>], vector<16xi32>,
        %bitcast3A_877 = vector.bitcast %gather3A_876 : vector<16xi32> to vector<32xbf16>
        %unpack3A_878 = tpu.unpack_subelements %bitcast3A_877, 0 {pack_format = #tpu.pack_format<interleaved>} : vector<32xbf16> -> vector<16xf32>
        %unpack3A_879 = tpu.unpack_subelements %bitcast3A_877, 1 {pack_format = #tpu.pack_format<interleaved>} : vector<32xbf16> -> vector<16xf32>
        %gather3A_880 = tpu.vector_load_idx %arg15[%gather3A_857, %add3A_36] : memref<25x32xi32, #tpu.memory_space<vmem>>[vector<16xi32>, vector<16xi32>], vector<16xi32>,
        %bitcast3A_881 = vector.bitcast %gather3A_880 : vector<16xi32> to vector<32xbf16>
        %unpack3A_882 = tpu.unpack_subelements %bitcast3A_881, 0 {pack_format = #tpu.pack_format<interleaved>} : vector<32xbf16> -> vector<16xf32>
        %unpack3A_883 = tpu.unpack_subelements %bitcast3A_881, 1 {pack_format = #tpu.pack_format<interleaved>} : vector<32xbf16> -> vector<16xf32>
        %get3A_884 = arith.index_cast %add3A_837 : i32 to index
        %get3A_885 = arith.constant 0 : index
        %get3A_886 = tpu.vector_load %arg11[%get3A_884, %get3A_885] {strides = array<i32>} : memref<256x32xi32, #tpu.memory_space<vmem>>, vector<16xi32>,
        %bitcast3A_887 = vector.bitcast %get3A_886 : vector<16xi32> to vector<32xbf16>
        %unpack3A_888 = tpu.unpack_subelements %bitcast3A_887, 0 {pack_format = #tpu.pack_format<interleaved>} : vector<32xbf16> -> vector<16xf32>
        %unpack3A_889 = tpu.unpack_subelements %bitcast3A_887, 1 {pack_format = #tpu.pack_format<interleaved>} : vector<32xbf16> -> vector<16xf32>
        %get3A_890 = arith.index_cast %add3A_837 : i32 to index
        %get3A_891 = arith.constant 16 : index
        %get3A_892 = tpu.vector_load %arg11[%get3A_890, %get3A_891] {strides = array<i32>} : memref<256x32xi32, #tpu.memory_space<vmem>>, vector<16xi32>,
        %bitcast3A_893 = vector.bitcast %get3A_892 : vector<16xi32> to vector<32xbf16>
        %unpack3A_894 = tpu.unpack_subelements %bitcast3A_893, 0 {pack_format = #tpu.pack_format<interleaved>} : vector<32xbf16> -> vector<16xf32>
        %unpack3A_895 = tpu.unpack_subelements %bitcast3A_893, 1 {pack_format = #tpu.pack_format<interleaved>} : vector<32xbf16> -> vector<16xf32>
        %add3A_896 = arith.addf %unpack3A_888, %unpack3A_870 : vector<16xf32>
        %add3A_897 = arith.addf %add3A_896, %unpack3A_878 : vector<16xf32>
        %mul3A_898 = arith.mulf %gather3A_867, %get3A_221 : vector<16xf32>
        %add3A_899 = arith.addf %add3A_897, %mul3A_898 : vector<16xf32>
        %swap3A_900 = arith.index_cast %add3A_837 : i32 to index
        %swap3A_901 = arith.constant 0 : index
        %swap3A_902 = tpu.vector_load %arg13[%swap3A_900, %swap3A_901] {strides = array<i32>} : memref<256x64xf32, #tpu.memory_space<vmem>>, vector<16xf32>,
        tpu.vector_store %arg13[%swap3A_900, %swap3A_901], %add3A_899 {strides = array<i32>} : memref<256x64xf32, #tpu.memory_space<vmem>>, vector<16xf32>,
        %add3A_903 = arith.addf %unpack3A_889, %unpack3A_871 : vector<16xf32>
        %add3A_904 = arith.addf %add3A_903, %unpack3A_879 : vector<16xf32>
        %mul3A_905 = arith.mulf %gather3A_867, %get3A_223 : vector<16xf32>
        %add3A_906 = arith.addf %add3A_904, %mul3A_905 : vector<16xf32>
        %swap3A_907 = arith.index_cast %add3A_837 : i32 to index
        %swap3A_908 = arith.constant 16 : index
        %swap3A_909 = tpu.vector_load %arg13[%swap3A_907, %swap3A_908] {strides = array<i32>} : memref<256x64xf32, #tpu.memory_space<vmem>>, vector<16xf32>,
        tpu.vector_store %arg13[%swap3A_907, %swap3A_908], %add3A_906 {strides = array<i32>} : memref<256x64xf32, #tpu.memory_space<vmem>>, vector<16xf32>,
        %add3A_910 = arith.addf %unpack3A_894, %unpack3A_874 : vector<16xf32>
        %add3A_911 = arith.addf %add3A_910, %unpack3A_882 : vector<16xf32>
        %mul3A_912 = arith.mulf %gather3A_867, %get3A_225 : vector<16xf32>
        %add3A_913 = arith.addf %add3A_911, %mul3A_912 : vector<16xf32>
        %swap3A_914 = arith.index_cast %add3A_837 : i32 to index
        %swap3A_915 = arith.constant 32 : index
        %swap3A_916 = tpu.vector_load %arg13[%swap3A_914, %swap3A_915] {strides = array<i32>} : memref<256x64xf32, #tpu.memory_space<vmem>>, vector<16xf32>,
        tpu.vector_store %arg13[%swap3A_914, %swap3A_915], %add3A_913 {strides = array<i32>} : memref<256x64xf32, #tpu.memory_space<vmem>>, vector<16xf32>,
        %add3A_917 = arith.addf %unpack3A_895, %unpack3A_875 : vector<16xf32>
        %add3A_918 = arith.addf %add3A_917, %unpack3A_883 : vector<16xf32>
        %mul3A_919 = arith.mulf %gather3A_867, %get3A_227 : vector<16xf32>
        %add3A_920 = arith.addf %add3A_918, %mul3A_919 : vector<16xf32>
        %swap3A_921 = arith.index_cast %add3A_837 : i32 to index
        %swap3A_922 = arith.constant 48 : index
        %swap3A_923 = tpu.vector_load %arg13[%swap3A_921, %swap3A_922] {strides = array<i32>} : memref<256x64xf32, #tpu.memory_space<vmem>>, vector<16xf32>,
        tpu.vector_store %arg13[%swap3A_921, %swap3A_922], %add3A_920 {strides = array<i32>} : memref<256x64xf32, #tpu.memory_space<vmem>>, vector<16xf32>,
        %mul3A_924 = arith.constant 16 : i32
        %mul3A_925 = arith.muli %scan3A_248, %mul3A_924 : i32
        %add3A_926 = arith.constant 7 : i32
        %add3A_927 = arith.addi %mul3A_925, %add3A_926 : i32
        %lt3A_928 = arith.constant 0 : i32
        %lt3A_929 = vector.broadcast %lt3A_928 : i32 to vector<16xi32>
        %lt3A_930 = arith.cmpi slt, %broadcast_in_dim3A_14, %lt3A_929 : vector<16xi32>
        %add3A_931 = arith.constant 16 : i32
        %add3A_932 = vector.broadcast %add3A_931 : i32 to vector<16xi32>
        %add3A_933 = arith.addi %broadcast_in_dim3A_14, %add3A_932 : vector<16xi32>
        %select_n3A_934 = arith.select %lt3A_930, %add3A_933, %broadcast_in_dim3A_14 : vector<16xi1>, vector<16xi32>
        %broadcast_in_dim3A_935 = vector.shape_cast %select_n3A_934 : vector<16xi32> to vector<16x1xi32>
        %gather3A_936 = vector.shape_cast %broadcast_in_dim3A_935 : vector<16x1xi32> to vector<16xi32>
        %gather3A_937 = tpu.dynamic_gather %get3A_286[%gather3A_936] in [0] : vector<16xi32>, vector<16xi32> -> vector<16xi32>
        %lt3A_938 = arith.constant 0 : i32
        %lt3A_939 = vector.broadcast %lt3A_938 : i32 to vector<16xi32>
        %lt3A_940 = arith.cmpi slt, %broadcast_in_dim3A_14, %lt3A_939 : vector<16xi32>
        %add3A_941 = arith.constant 16 : i32
        %add3A_942 = vector.broadcast %add3A_941 : i32 to vector<16xi32>
        %add3A_943 = arith.addi %broadcast_in_dim3A_14, %add3A_942 : vector<16xi32>
        %select_n3A_944 = arith.select %lt3A_940, %add3A_943, %broadcast_in_dim3A_14 : vector<16xi1>, vector<16xi32>
        %broadcast_in_dim3A_945 = vector.shape_cast %select_n3A_944 : vector<16xi32> to vector<16x1xi32>
        %gather3A_946 = vector.shape_cast %broadcast_in_dim3A_945 : vector<16x1xi32> to vector<16xi32>
        %gather3A_947 = tpu.dynamic_gather %get3A_291[%gather3A_946] in [0] : vector<16xi32>, vector<16xi32> -> vector<16xi32>
        %lt3A_948 = arith.constant 0 : i32
        %lt3A_949 = vector.broadcast %lt3A_948 : i32 to vector<16xi32>
        %lt3A_950 = arith.cmpi slt, %broadcast_in_dim3A_14, %lt3A_949 : vector<16xi32>
        %add3A_951 = arith.constant 16 : i32
        %add3A_952 = vector.broadcast %add3A_951 : i32 to vector<16xi32>
        %add3A_953 = arith.addi %broadcast_in_dim3A_14, %add3A_952 : vector<16xi32>
        %select_n3A_954 = arith.select %lt3A_950, %add3A_953, %broadcast_in_dim3A_14 : vector<16xi1>, vector<16xi32>
        %broadcast_in_dim3A_955 = vector.shape_cast %select_n3A_954 : vector<16xi32> to vector<16x1xi32>
        %gather3A_956 = vector.shape_cast %broadcast_in_dim3A_955 : vector<16x1xi32> to vector<16xi32>
        %gather3A_957 = tpu.dynamic_gather %bitcast3A[%gather3A_956] in [0] : vector<16xf32>, vector<16xi32> -> vector<16xf32>
        %gather3A_958 = tpu.vector_load_idx %arg14[%gather3A_937, %add3A_32] : memref<1860x32xi32, #tpu.memory_space<vmem>>[vector<16xi32>, vector<16xi32>], vector<16xi32>,
        %bitcast3A_959 = vector.bitcast %gather3A_958 : vector<16xi32> to vector<32xbf16>
        %unpack3A_960 = tpu.unpack_subelements %bitcast3A_959, 0 {pack_format = #tpu.pack_format<interleaved>} : vector<32xbf16> -> vector<16xf32>
        %unpack3A_961 = tpu.unpack_subelements %bitcast3A_959, 1 {pack_format = #tpu.pack_format<interleaved>} : vector<32xbf16> -> vector<16xf32>
        %gather3A_962 = tpu.vector_load_idx %arg14[%gather3A_937, %add3A_36] : memref<1860x32xi32, #tpu.memory_space<vmem>>[vector<16xi32>, vector<16xi32>], vector<16xi32>,
        %bitcast3A_963 = vector.bitcast %gather3A_962 : vector<16xi32> to vector<32xbf16>
        %unpack3A_964 = tpu.unpack_subelements %bitcast3A_963, 0 {pack_format = #tpu.pack_format<interleaved>} : vector<32xbf16> -> vector<16xf32>
        %unpack3A_965 = tpu.unpack_subelements %bitcast3A_963, 1 {pack_format = #tpu.pack_format<interleaved>} : vector<32xbf16> -> vector<16xf32>
        %gather3A_966 = tpu.vector_load_idx %arg15[%gather3A_947, %add3A_32] : memref<25x32xi32, #tpu.memory_space<vmem>>[vector<16xi32>, vector<16xi32>], vector<16xi32>,
        %bitcast3A_967 = vector.bitcast %gather3A_966 : vector<16xi32> to vector<32xbf16>
        %unpack3A_968 = tpu.unpack_subelements %bitcast3A_967, 0 {pack_format = #tpu.pack_format<interleaved>} : vector<32xbf16> -> vector<16xf32>
        %unpack3A_969 = tpu.unpack_subelements %bitcast3A_967, 1 {pack_format = #tpu.pack_format<interleaved>} : vector<32xbf16> -> vector<16xf32>
        %gather3A_970 = tpu.vector_load_idx %arg15[%gather3A_947, %add3A_36] : memref<25x32xi32, #tpu.memory_space<vmem>>[vector<16xi32>, vector<16xi32>], vector<16xi32>,
        %bitcast3A_971 = vector.bitcast %gather3A_970 : vector<16xi32> to vector<32xbf16>
        %unpack3A_972 = tpu.unpack_subelements %bitcast3A_971, 0 {pack_format = #tpu.pack_format<interleaved>} : vector<32xbf16> -> vector<16xf32>
        %unpack3A_973 = tpu.unpack_subelements %bitcast3A_971, 1 {pack_format = #tpu.pack_format<interleaved>} : vector<32xbf16> -> vector<16xf32>
        %get3A_974 = arith.index_cast %add3A_927 : i32 to index
        %get3A_975 = arith.constant 0 : index
        %get3A_976 = tpu.vector_load %arg11[%get3A_974, %get3A_975] {strides = array<i32>} : memref<256x32xi32, #tpu.memory_space<vmem>>, vector<16xi32>,
        %bitcast3A_977 = vector.bitcast %get3A_976 : vector<16xi32> to vector<32xbf16>
        %unpack3A_978 = tpu.unpack_subelements %bitcast3A_977, 0 {pack_format = #tpu.pack_format<interleaved>} : vector<32xbf16> -> vector<16xf32>
        %unpack3A_979 = tpu.unpack_subelements %bitcast3A_977, 1 {pack_format = #tpu.pack_format<interleaved>} : vector<32xbf16> -> vector<16xf32>
        %get3A_980 = arith.index_cast %add3A_927 : i32 to index
        %get3A_981 = arith.constant 16 : index
        %get3A_982 = tpu.vector_load %arg11[%get3A_980, %get3A_981] {strides = array<i32>} : memref<256x32xi32, #tpu.memory_space<vmem>>, vector<16xi32>,
        %bitcast3A_983 = vector.bitcast %get3A_982 : vector<16xi32> to vector<32xbf16>
        %unpack3A_984 = tpu.unpack_subelements %bitcast3A_983, 0 {pack_format = #tpu.pack_format<interleaved>} : vector<32xbf16> -> vector<16xf32>
        %unpack3A_985 = tpu.unpack_subelements %bitcast3A_983, 1 {pack_format = #tpu.pack_format<interleaved>} : vector<32xbf16> -> vector<16xf32>
        %add3A_986 = arith.addf %unpack3A_978, %unpack3A_960 : vector<16xf32>
        %add3A_987 = arith.addf %add3A_986, %unpack3A_968 : vector<16xf32>
        %mul3A_988 = arith.mulf %gather3A_957, %get3A_221 : vector<16xf32>
        %add3A_989 = arith.addf %add3A_987, %mul3A_988 : vector<16xf32>
        %swap3A_990 = arith.index_cast %add3A_927 : i32 to index
        %swap3A_991 = arith.constant 0 : index
        %swap3A_992 = tpu.vector_load %arg13[%swap3A_990, %swap3A_991] {strides = array<i32>} : memref<256x64xf32, #tpu.memory_space<vmem>>, vector<16xf32>,
        tpu.vector_store %arg13[%swap3A_990, %swap3A_991], %add3A_989 {strides = array<i32>} : memref<256x64xf32, #tpu.memory_space<vmem>>, vector<16xf32>,
        %add3A_993 = arith.addf %unpack3A_979, %unpack3A_961 : vector<16xf32>
        %add3A_994 = arith.addf %add3A_993, %unpack3A_969 : vector<16xf32>
        %mul3A_995 = arith.mulf %gather3A_957, %get3A_223 : vector<16xf32>
        %add3A_996 = arith.addf %add3A_994, %mul3A_995 : vector<16xf32>
        %swap3A_997 = arith.index_cast %add3A_927 : i32 to index
        %swap3A_998 = arith.constant 16 : index
        %swap3A_999 = tpu.vector_load %arg13[%swap3A_997, %swap3A_998] {strides = array<i32>} : memref<256x64xf32, #tpu.memory_space<vmem>>, vector<16xf32>,
        tpu.vector_store %arg13[%swap3A_997, %swap3A_998], %add3A_996 {strides = array<i32>} : memref<256x64xf32, #tpu.memory_space<vmem>>, vector<16xf32>,
        %add3A_1000 = arith.addf %unpack3A_984, %unpack3A_964 : vector<16xf32>
        %add3A_1001 = arith.addf %add3A_1000, %unpack3A_972 : vector<16xf32>
        %mul3A_1002 = arith.mulf %gather3A_957, %get3A_225 : vector<16xf32>
        %add3A_1003 = arith.addf %add3A_1001, %mul3A_1002 : vector<16xf32>
        %swap3A_1004 = arith.index_cast %add3A_927 : i32 to index
        %swap3A_1005 = arith.constant 32 : index
        %swap3A_1006 = tpu.vector_load %arg13[%swap3A_1004, %swap3A_1005] {strides = array<i32>} : memref<256x64xf32, #tpu.memory_space<vmem>>, vector<16xf32>,
        tpu.vector_store %arg13[%swap3A_1004, %swap3A_1005], %add3A_1003 {strides = array<i32>} : memref<256x64xf32, #tpu.memory_space<vmem>>, vector<16xf32>,
        %add3A_1007 = arith.addf %unpack3A_985, %unpack3A_965 : vector<16xf32>
        %add3A_1008 = arith.addf %add3A_1007, %unpack3A_973 : vector<16xf32>
        %mul3A_1009 = arith.mulf %gather3A_957, %get3A_227 : vector<16xf32>
        %add3A_1010 = arith.addf %add3A_1008, %mul3A_1009 : vector<16xf32>
        %swap3A_1011 = arith.index_cast %add3A_927 : i32 to index
        %swap3A_1012 = arith.constant 48 : index
        %swap3A_1013 = tpu.vector_load %arg13[%swap3A_1011, %swap3A_1012] {strides = array<i32>} : memref<256x64xf32, #tpu.memory_space<vmem>>, vector<16xf32>,
        tpu.vector_store %arg13[%swap3A_1011, %swap3A_1012], %add3A_1010 {strides = array<i32>} : memref<256x64xf32, #tpu.memory_space<vmem>>, vector<16xf32>,
        %mul3A_1014 = arith.constant 16 : i32
        %mul3A_1015 = arith.muli %scan3A_248, %mul3A_1014 : i32
        %add3A_1016 = arith.constant 8 : i32
        %add3A_1017 = arith.addi %mul3A_1015, %add3A_1016 : i32
        %lt3A_1018 = arith.constant 0 : i32
        %lt3A_1019 = vector.broadcast %lt3A_1018 : i32 to vector<16xi32>
        %lt3A_1020 = arith.cmpi slt, %broadcast_in_dim3A_16, %lt3A_1019 : vector<16xi32>
        %add3A_1021 = arith.constant 16 : i32
        %add3A_1022 = vector.broadcast %add3A_1021 : i32 to vector<16xi32>
        %add3A_1023 = arith.addi %broadcast_in_dim3A_16, %add3A_1022 : vector<16xi32>
        %select_n3A_1024 = arith.select %lt3A_1020, %add3A_1023, %broadcast_in_dim3A_16 : vector<16xi1>, vector<16xi32>
        %broadcast_in_dim3A_1025 = vector.shape_cast %select_n3A_1024 : vector<16xi32> to vector<16x1xi32>
        %gather3A_1026 = vector.shape_cast %broadcast_in_dim3A_1025 : vector<16x1xi32> to vector<16xi32>
        %gather3A_1027 = tpu.dynamic_gather %get3A_286[%gather3A_1026] in [0] : vector<16xi32>, vector<16xi32> -> vector<16xi32>
        %lt3A_1028 = arith.constant 0 : i32
        %lt3A_1029 = vector.broadcast %lt3A_1028 : i32 to vector<16xi32>
        %lt3A_1030 = arith.cmpi slt, %broadcast_in_dim3A_16, %lt3A_1029 : vector<16xi32>
        %add3A_1031 = arith.constant 16 : i32
        %add3A_1032 = vector.broadcast %add3A_1031 : i32 to vector<16xi32>
        %add3A_1033 = arith.addi %broadcast_in_dim3A_16, %add3A_1032 : vector<16xi32>
        %select_n3A_1034 = arith.select %lt3A_1030, %add3A_1033, %broadcast_in_dim3A_16 : vector<16xi1>, vector<16xi32>
        %broadcast_in_dim3A_1035 = vector.shape_cast %select_n3A_1034 : vector<16xi32> to vector<16x1xi32>
        %gather3A_1036 = vector.shape_cast %broadcast_in_dim3A_1035 : vector<16x1xi32> to vector<16xi32>
        %gather3A_1037 = tpu.dynamic_gather %get3A_291[%gather3A_1036] in [0] : vector<16xi32>, vector<16xi32> -> vector<16xi32>
        %lt3A_1038 = arith.constant 0 : i32
        %lt3A_1039 = vector.broadcast %lt3A_1038 : i32 to vector<16xi32>
        %lt3A_1040 = arith.cmpi slt, %broadcast_in_dim3A_16, %lt3A_1039 : vector<16xi32>
        %add3A_1041 = arith.constant 16 : i32
        %add3A_1042 = vector.broadcast %add3A_1041 : i32 to vector<16xi32>
        %add3A_1043 = arith.addi %broadcast_in_dim3A_16, %add3A_1042 : vector<16xi32>
        %select_n3A_1044 = arith.select %lt3A_1040, %add3A_1043, %broadcast_in_dim3A_16 : vector<16xi1>, vector<16xi32>
        %broadcast_in_dim3A_1045 = vector.shape_cast %select_n3A_1044 : vector<16xi32> to vector<16x1xi32>
        %gather3A_1046 = vector.shape_cast %broadcast_in_dim3A_1045 : vector<16x1xi32> to vector<16xi32>
        %gather3A_1047 = tpu.dynamic_gather %bitcast3A[%gather3A_1046] in [0] : vector<16xf32>, vector<16xi32> -> vector<16xf32>
        %gather3A_1048 = tpu.vector_load_idx %arg14[%gather3A_1027, %add3A_32] : memref<1860x32xi32, #tpu.memory_space<vmem>>[vector<16xi32>, vector<16xi32>], vector<16xi32>,
        %bitcast3A_1049 = vector.bitcast %gather3A_1048 : vector<16xi32> to vector<32xbf16>
        %unpack3A_1050 = tpu.unpack_subelements %bitcast3A_1049, 0 {pack_format = #tpu.pack_format<interleaved>} : vector<32xbf16> -> vector<16xf32>
        %unpack3A_1051 = tpu.unpack_subelements %bitcast3A_1049, 1 {pack_format = #tpu.pack_format<interleaved>} : vector<32xbf16> -> vector<16xf32>
        %gather3A_1052 = tpu.vector_load_idx %arg14[%gather3A_1027, %add3A_36] : memref<1860x32xi32, #tpu.memory_space<vmem>>[vector<16xi32>, vector<16xi32>], vector<16xi32>,
        %bitcast3A_1053 = vector.bitcast %gather3A_1052 : vector<16xi32> to vector<32xbf16>
        %unpack3A_1054 = tpu.unpack_subelements %bitcast3A_1053, 0 {pack_format = #tpu.pack_format<interleaved>} : vector<32xbf16> -> vector<16xf32>
        %unpack3A_1055 = tpu.unpack_subelements %bitcast3A_1053, 1 {pack_format = #tpu.pack_format<interleaved>} : vector<32xbf16> -> vector<16xf32>
        %gather3A_1056 = tpu.vector_load_idx %arg15[%gather3A_1037, %add3A_32] : memref<25x32xi32, #tpu.memory_space<vmem>>[vector<16xi32>, vector<16xi32>], vector<16xi32>,
        %bitcast3A_1057 = vector.bitcast %gather3A_1056 : vector<16xi32> to vector<32xbf16>
        %unpack3A_1058 = tpu.unpack_subelements %bitcast3A_1057, 0 {pack_format = #tpu.pack_format<interleaved>} : vector<32xbf16> -> vector<16xf32>
        %unpack3A_1059 = tpu.unpack_subelements %bitcast3A_1057, 1 {pack_format = #tpu.pack_format<interleaved>} : vector<32xbf16> -> vector<16xf32>
        %gather3A_1060 = tpu.vector_load_idx %arg15[%gather3A_1037, %add3A_36] : memref<25x32xi32, #tpu.memory_space<vmem>>[vector<16xi32>, vector<16xi32>], vector<16xi32>,
        %bitcast3A_1061 = vector.bitcast %gather3A_1060 : vector<16xi32> to vector<32xbf16>
        %unpack3A_1062 = tpu.unpack_subelements %bitcast3A_1061, 0 {pack_format = #tpu.pack_format<interleaved>} : vector<32xbf16> -> vector<16xf32>
        %unpack3A_1063 = tpu.unpack_subelements %bitcast3A_1061, 1 {pack_format = #tpu.pack_format<interleaved>} : vector<32xbf16> -> vector<16xf32>
        %get3A_1064 = arith.index_cast %add3A_1017 : i32 to index
        %get3A_1065 = arith.constant 0 : index
        %get3A_1066 = tpu.vector_load %arg11[%get3A_1064, %get3A_1065] {strides = array<i32>} : memref<256x32xi32, #tpu.memory_space<vmem>>, vector<16xi32>,
        %bitcast3A_1067 = vector.bitcast %get3A_1066 : vector<16xi32> to vector<32xbf16>
        %unpack3A_1068 = tpu.unpack_subelements %bitcast3A_1067, 0 {pack_format = #tpu.pack_format<interleaved>} : vector<32xbf16> -> vector<16xf32>
        %unpack3A_1069 = tpu.unpack_subelements %bitcast3A_1067, 1 {pack_format = #tpu.pack_format<interleaved>} : vector<32xbf16> -> vector<16xf32>
        %get3A_1070 = arith.index_cast %add3A_1017 : i32 to index
        %get3A_1071 = arith.constant 16 : index
        %get3A_1072 = tpu.vector_load %arg11[%get3A_1070, %get3A_1071] {strides = array<i32>} : memref<256x32xi32, #tpu.memory_space<vmem>>, vector<16xi32>,
        %bitcast3A_1073 = vector.bitcast %get3A_1072 : vector<16xi32> to vector<32xbf16>
        %unpack3A_1074 = tpu.unpack_subelements %bitcast3A_1073, 0 {pack_format = #tpu.pack_format<interleaved>} : vector<32xbf16> -> vector<16xf32>
        %unpack3A_1075 = tpu.unpack_subelements %bitcast3A_1073, 1 {pack_format = #tpu.pack_format<interleaved>} : vector<32xbf16> -> vector<16xf32>
        %add3A_1076 = arith.addf %unpack3A_1068, %unpack3A_1050 : vector<16xf32>
        %add3A_1077 = arith.addf %add3A_1076, %unpack3A_1058 : vector<16xf32>
        %mul3A_1078 = arith.mulf %gather3A_1047, %get3A_221 : vector<16xf32>
        %add3A_1079 = arith.addf %add3A_1077, %mul3A_1078 : vector<16xf32>
        %swap3A_1080 = arith.index_cast %add3A_1017 : i32 to index
        %swap3A_1081 = arith.constant 0 : index
        %swap3A_1082 = tpu.vector_load %arg13[%swap3A_1080, %swap3A_1081] {strides = array<i32>} : memref<256x64xf32, #tpu.memory_space<vmem>>, vector<16xf32>,
        tpu.vector_store %arg13[%swap3A_1080, %swap3A_1081], %add3A_1079 {strides = array<i32>} : memref<256x64xf32, #tpu.memory_space<vmem>>, vector<16xf32>,
        %add3A_1083 = arith.addf %unpack3A_1069, %unpack3A_1051 : vector<16xf32>
        %add3A_1084 = arith.addf %add3A_1083, %unpack3A_1059 : vector<16xf32>
        %mul3A_1085 = arith.mulf %gather3A_1047, %get3A_223 : vector<16xf32>
        %add3A_1086 = arith.addf %add3A_1084, %mul3A_1085 : vector<16xf32>
        %swap3A_1087 = arith.index_cast %add3A_1017 : i32 to index
        %swap3A_1088 = arith.constant 16 : index
        %swap3A_1089 = tpu.vector_load %arg13[%swap3A_1087, %swap3A_1088] {strides = array<i32>} : memref<256x64xf32, #tpu.memory_space<vmem>>, vector<16xf32>,
        tpu.vector_store %arg13[%swap3A_1087, %swap3A_1088], %add3A_1086 {strides = array<i32>} : memref<256x64xf32, #tpu.memory_space<vmem>>, vector<16xf32>,
        %add3A_1090 = arith.addf %unpack3A_1074, %unpack3A_1054 : vector<16xf32>
        %add3A_1091 = arith.addf %add3A_1090, %unpack3A_1062 : vector<16xf32>
        %mul3A_1092 = arith.mulf %gather3A_1047, %get3A_225 : vector<16xf32>
        %add3A_1093 = arith.addf %add3A_1091, %mul3A_1092 : vector<16xf32>
        %swap3A_1094 = arith.index_cast %add3A_1017 : i32 to index
        %swap3A_1095 = arith.constant 32 : index
        %swap3A_1096 = tpu.vector_load %arg13[%swap3A_1094, %swap3A_1095] {strides = array<i32>} : memref<256x64xf32, #tpu.memory_space<vmem>>, vector<16xf32>,
        tpu.vector_store %arg13[%swap3A_1094, %swap3A_1095], %add3A_1093 {strides = array<i32>} : memref<256x64xf32, #tpu.memory_space<vmem>>, vector<16xf32>,
        %add3A_1097 = arith.addf %unpack3A_1075, %unpack3A_1055 : vector<16xf32>
        %add3A_1098 = arith.addf %add3A_1097, %unpack3A_1063 : vector<16xf32>
        %mul3A_1099 = arith.mulf %gather3A_1047, %get3A_227 : vector<16xf32>
        %add3A_1100 = arith.addf %add3A_1098, %mul3A_1099 : vector<16xf32>
        %swap3A_1101 = arith.index_cast %add3A_1017 : i32 to index
        %swap3A_1102 = arith.constant 48 : index
        %swap3A_1103 = tpu.vector_load %arg13[%swap3A_1101, %swap3A_1102] {strides = array<i32>} : memref<256x64xf32, #tpu.memory_space<vmem>>, vector<16xf32>,
        tpu.vector_store %arg13[%swap3A_1101, %swap3A_1102], %add3A_1100 {strides = array<i32>} : memref<256x64xf32, #tpu.memory_space<vmem>>, vector<16xf32>,
        %mul3A_1104 = arith.constant 16 : i32
        %mul3A_1105 = arith.muli %scan3A_248, %mul3A_1104 : i32
        %add3A_1106 = arith.constant 9 : i32
        %add3A_1107 = arith.addi %mul3A_1105, %add3A_1106 : i32
        %lt3A_1108 = arith.constant 0 : i32
        %lt3A_1109 = vector.broadcast %lt3A_1108 : i32 to vector<16xi32>
        %lt3A_1110 = arith.cmpi slt, %broadcast_in_dim3A_18, %lt3A_1109 : vector<16xi32>
        %add3A_1111 = arith.constant 16 : i32
        %add3A_1112 = vector.broadcast %add3A_1111 : i32 to vector<16xi32>
        %add3A_1113 = arith.addi %broadcast_in_dim3A_18, %add3A_1112 : vector<16xi32>
        %select_n3A_1114 = arith.select %lt3A_1110, %add3A_1113, %broadcast_in_dim3A_18 : vector<16xi1>, vector<16xi32>
        %broadcast_in_dim3A_1115 = vector.shape_cast %select_n3A_1114 : vector<16xi32> to vector<16x1xi32>
        %gather3A_1116 = vector.shape_cast %broadcast_in_dim3A_1115 : vector<16x1xi32> to vector<16xi32>
        %gather3A_1117 = tpu.dynamic_gather %get3A_286[%gather3A_1116] in [0] : vector<16xi32>, vector<16xi32> -> vector<16xi32>
        %lt3A_1118 = arith.constant 0 : i32
        %lt3A_1119 = vector.broadcast %lt3A_1118 : i32 to vector<16xi32>
        %lt3A_1120 = arith.cmpi slt, %broadcast_in_dim3A_18, %lt3A_1119 : vector<16xi32>
        %add3A_1121 = arith.constant 16 : i32
        %add3A_1122 = vector.broadcast %add3A_1121 : i32 to vector<16xi32>
        %add3A_1123 = arith.addi %broadcast_in_dim3A_18, %add3A_1122 : vector<16xi32>
        %select_n3A_1124 = arith.select %lt3A_1120, %add3A_1123, %broadcast_in_dim3A_18 : vector<16xi1>, vector<16xi32>
        %broadcast_in_dim3A_1125 = vector.shape_cast %select_n3A_1124 : vector<16xi32> to vector<16x1xi32>
        %gather3A_1126 = vector.shape_cast %broadcast_in_dim3A_1125 : vector<16x1xi32> to vector<16xi32>
        %gather3A_1127 = tpu.dynamic_gather %get3A_291[%gather3A_1126] in [0] : vector<16xi32>, vector<16xi32> -> vector<16xi32>
        %lt3A_1128 = arith.constant 0 : i32
        %lt3A_1129 = vector.broadcast %lt3A_1128 : i32 to vector<16xi32>
        %lt3A_1130 = arith.cmpi slt, %broadcast_in_dim3A_18, %lt3A_1129 : vector<16xi32>
        %add3A_1131 = arith.constant 16 : i32
        %add3A_1132 = vector.broadcast %add3A_1131 : i32 to vector<16xi32>
        %add3A_1133 = arith.addi %broadcast_in_dim3A_18, %add3A_1132 : vector<16xi32>
        %select_n3A_1134 = arith.select %lt3A_1130, %add3A_1133, %broadcast_in_dim3A_18 : vector<16xi1>, vector<16xi32>
        %broadcast_in_dim3A_1135 = vector.shape_cast %select_n3A_1134 : vector<16xi32> to vector<16x1xi32>
        %gather3A_1136 = vector.shape_cast %broadcast_in_dim3A_1135 : vector<16x1xi32> to vector<16xi32>
        %gather3A_1137 = tpu.dynamic_gather %bitcast3A[%gather3A_1136] in [0] : vector<16xf32>, vector<16xi32> -> vector<16xf32>
        %gather3A_1138 = tpu.vector_load_idx %arg14[%gather3A_1117, %add3A_32] : memref<1860x32xi32, #tpu.memory_space<vmem>>[vector<16xi32>, vector<16xi32>], vector<16xi32>,
        %bitcast3A_1139 = vector.bitcast %gather3A_1138 : vector<16xi32> to vector<32xbf16>
        %unpack3A_1140 = tpu.unpack_subelements %bitcast3A_1139, 0 {pack_format = #tpu.pack_format<interleaved>} : vector<32xbf16> -> vector<16xf32>
        %unpack3A_1141 = tpu.unpack_subelements %bitcast3A_1139, 1 {pack_format = #tpu.pack_format<interleaved>} : vector<32xbf16> -> vector<16xf32>
        %gather3A_1142 = tpu.vector_load_idx %arg14[%gather3A_1117, %add3A_36] : memref<1860x32xi32, #tpu.memory_space<vmem>>[vector<16xi32>, vector<16xi32>], vector<16xi32>,
        %bitcast3A_1143 = vector.bitcast %gather3A_1142 : vector<16xi32> to vector<32xbf16>
        %unpack3A_1144 = tpu.unpack_subelements %bitcast3A_1143, 0 {pack_format = #tpu.pack_format<interleaved>} : vector<32xbf16> -> vector<16xf32>
        %unpack3A_1145 = tpu.unpack_subelements %bitcast3A_1143, 1 {pack_format = #tpu.pack_format<interleaved>} : vector<32xbf16> -> vector<16xf32>
        %gather3A_1146 = tpu.vector_load_idx %arg15[%gather3A_1127, %add3A_32] : memref<25x32xi32, #tpu.memory_space<vmem>>[vector<16xi32>, vector<16xi32>], vector<16xi32>,
        %bitcast3A_1147 = vector.bitcast %gather3A_1146 : vector<16xi32> to vector<32xbf16>
        %unpack3A_1148 = tpu.unpack_subelements %bitcast3A_1147, 0 {pack_format = #tpu.pack_format<interleaved>} : vector<32xbf16> -> vector<16xf32>
        %unpack3A_1149 = tpu.unpack_subelements %bitcast3A_1147, 1 {pack_format = #tpu.pack_format<interleaved>} : vector<32xbf16> -> vector<16xf32>
        %gather3A_1150 = tpu.vector_load_idx %arg15[%gather3A_1127, %add3A_36] : memref<25x32xi32, #tpu.memory_space<vmem>>[vector<16xi32>, vector<16xi32>], vector<16xi32>,
        %bitcast3A_1151 = vector.bitcast %gather3A_1150 : vector<16xi32> to vector<32xbf16>
        %unpack3A_1152 = tpu.unpack_subelements %bitcast3A_1151, 0 {pack_format = #tpu.pack_format<interleaved>} : vector<32xbf16> -> vector<16xf32>
        %unpack3A_1153 = tpu.unpack_subelements %bitcast3A_1151, 1 {pack_format = #tpu.pack_format<interleaved>} : vector<32xbf16> -> vector<16xf32>
        %get3A_1154 = arith.index_cast %add3A_1107 : i32 to index
        %get3A_1155 = arith.constant 0 : index
        %get3A_1156 = tpu.vector_load %arg11[%get3A_1154, %get3A_1155] {strides = array<i32>} : memref<256x32xi32, #tpu.memory_space<vmem>>, vector<16xi32>,
        %bitcast3A_1157 = vector.bitcast %get3A_1156 : vector<16xi32> to vector<32xbf16>
        %unpack3A_1158 = tpu.unpack_subelements %bitcast3A_1157, 0 {pack_format = #tpu.pack_format<interleaved>} : vector<32xbf16> -> vector<16xf32>
        %unpack3A_1159 = tpu.unpack_subelements %bitcast3A_1157, 1 {pack_format = #tpu.pack_format<interleaved>} : vector<32xbf16> -> vector<16xf32>
        %get3A_1160 = arith.index_cast %add3A_1107 : i32 to index
        %get3A_1161 = arith.constant 16 : index
        %get3A_1162 = tpu.vector_load %arg11[%get3A_1160, %get3A_1161] {strides = array<i32>} : memref<256x32xi32, #tpu.memory_space<vmem>>, vector<16xi32>,
        %bitcast3A_1163 = vector.bitcast %get3A_1162 : vector<16xi32> to vector<32xbf16>
        %unpack3A_1164 = tpu.unpack_subelements %bitcast3A_1163, 0 {pack_format = #tpu.pack_format<interleaved>} : vector<32xbf16> -> vector<16xf32>
        %unpack3A_1165 = tpu.unpack_subelements %bitcast3A_1163, 1 {pack_format = #tpu.pack_format<interleaved>} : vector<32xbf16> -> vector<16xf32>
        %add3A_1166 = arith.addf %unpack3A_1158, %unpack3A_1140 : vector<16xf32>
        %add3A_1167 = arith.addf %add3A_1166, %unpack3A_1148 : vector<16xf32>
        %mul3A_1168 = arith.mulf %gather3A_1137, %get3A_221 : vector<16xf32>
        %add3A_1169 = arith.addf %add3A_1167, %mul3A_1168 : vector<16xf32>
        %swap3A_1170 = arith.index_cast %add3A_1107 : i32 to index
        %swap3A_1171 = arith.constant 0 : index
        %swap3A_1172 = tpu.vector_load %arg13[%swap3A_1170, %swap3A_1171] {strides = array<i32>} : memref<256x64xf32, #tpu.memory_space<vmem>>, vector<16xf32>,
        tpu.vector_store %arg13[%swap3A_1170, %swap3A_1171], %add3A_1169 {strides = array<i32>} : memref<256x64xf32, #tpu.memory_space<vmem>>, vector<16xf32>,
        %add3A_1173 = arith.addf %unpack3A_1159, %unpack3A_1141 : vector<16xf32>
        %add3A_1174 = arith.addf %add3A_1173, %unpack3A_1149 : vector<16xf32>
        %mul3A_1175 = arith.mulf %gather3A_1137, %get3A_223 : vector<16xf32>
        %add3A_1176 = arith.addf %add3A_1174, %mul3A_1175 : vector<16xf32>
        %swap3A_1177 = arith.index_cast %add3A_1107 : i32 to index
        %swap3A_1178 = arith.constant 16 : index
        %swap3A_1179 = tpu.vector_load %arg13[%swap3A_1177, %swap3A_1178] {strides = array<i32>} : memref<256x64xf32, #tpu.memory_space<vmem>>, vector<16xf32>,
        tpu.vector_store %arg13[%swap3A_1177, %swap3A_1178], %add3A_1176 {strides = array<i32>} : memref<256x64xf32, #tpu.memory_space<vmem>>, vector<16xf32>,
        %add3A_1180 = arith.addf %unpack3A_1164, %unpack3A_1144 : vector<16xf32>
        %add3A_1181 = arith.addf %add3A_1180, %unpack3A_1152 : vector<16xf32>
        %mul3A_1182 = arith.mulf %gather3A_1137, %get3A_225 : vector<16xf32>
        %add3A_1183 = arith.addf %add3A_1181, %mul3A_1182 : vector<16xf32>
        %swap3A_1184 = arith.index_cast %add3A_1107 : i32 to index
        %swap3A_1185 = arith.constant 32 : index
        %swap3A_1186 = tpu.vector_load %arg13[%swap3A_1184, %swap3A_1185] {strides = array<i32>} : memref<256x64xf32, #tpu.memory_space<vmem>>, vector<16xf32>,
        tpu.vector_store %arg13[%swap3A_1184, %swap3A_1185], %add3A_1183 {strides = array<i32>} : memref<256x64xf32, #tpu.memory_space<vmem>>, vector<16xf32>,
        %add3A_1187 = arith.addf %unpack3A_1165, %unpack3A_1145 : vector<16xf32>
        %add3A_1188 = arith.addf %add3A_1187, %unpack3A_1153 : vector<16xf32>
        %mul3A_1189 = arith.mulf %gather3A_1137, %get3A_227 : vector<16xf32>
        %add3A_1190 = arith.addf %add3A_1188, %mul3A_1189 : vector<16xf32>
        %swap3A_1191 = arith.index_cast %add3A_1107 : i32 to index
        %swap3A_1192 = arith.constant 48 : index
        %swap3A_1193 = tpu.vector_load %arg13[%swap3A_1191, %swap3A_1192] {strides = array<i32>} : memref<256x64xf32, #tpu.memory_space<vmem>>, vector<16xf32>,
        tpu.vector_store %arg13[%swap3A_1191, %swap3A_1192], %add3A_1190 {strides = array<i32>} : memref<256x64xf32, #tpu.memory_space<vmem>>, vector<16xf32>,
        %mul3A_1194 = arith.constant 16 : i32
        %mul3A_1195 = arith.muli %scan3A_248, %mul3A_1194 : i32
        %add3A_1196 = arith.constant 10 : i32
        %add3A_1197 = arith.addi %mul3A_1195, %add3A_1196 : i32
        %lt3A_1198 = arith.constant 0 : i32
        %lt3A_1199 = vector.broadcast %lt3A_1198 : i32 to vector<16xi32>
        %lt3A_1200 = arith.cmpi slt, %broadcast_in_dim3A_20, %lt3A_1199 : vector<16xi32>
        %add3A_1201 = arith.constant 16 : i32
        %add3A_1202 = vector.broadcast %add3A_1201 : i32 to vector<16xi32>
        %add3A_1203 = arith.addi %broadcast_in_dim3A_20, %add3A_1202 : vector<16xi32>
        %select_n3A_1204 = arith.select %lt3A_1200, %add3A_1203, %broadcast_in_dim3A_20 : vector<16xi1>, vector<16xi32>
        %broadcast_in_dim3A_1205 = vector.shape_cast %select_n3A_1204 : vector<16xi32> to vector<16x1xi32>
        %gather3A_1206 = vector.shape_cast %broadcast_in_dim3A_1205 : vector<16x1xi32> to vector<16xi32>
        %gather3A_1207 = tpu.dynamic_gather %get3A_286[%gather3A_1206] in [0] : vector<16xi32>, vector<16xi32> -> vector<16xi32>
        %lt3A_1208 = arith.constant 0 : i32
        %lt3A_1209 = vector.broadcast %lt3A_1208 : i32 to vector<16xi32>
        %lt3A_1210 = arith.cmpi slt, %broadcast_in_dim3A_20, %lt3A_1209 : vector<16xi32>
        %add3A_1211 = arith.constant 16 : i32
        %add3A_1212 = vector.broadcast %add3A_1211 : i32 to vector<16xi32>
        %add3A_1213 = arith.addi %broadcast_in_dim3A_20, %add3A_1212 : vector<16xi32>
        %select_n3A_1214 = arith.select %lt3A_1210, %add3A_1213, %broadcast_in_dim3A_20 : vector<16xi1>, vector<16xi32>
        %broadcast_in_dim3A_1215 = vector.shape_cast %select_n3A_1214 : vector<16xi32> to vector<16x1xi32>
        %gather3A_1216 = vector.shape_cast %broadcast_in_dim3A_1215 : vector<16x1xi32> to vector<16xi32>
        %gather3A_1217 = tpu.dynamic_gather %get3A_291[%gather3A_1216] in [0] : vector<16xi32>, vector<16xi32> -> vector<16xi32>
        %lt3A_1218 = arith.constant 0 : i32
        %lt3A_1219 = vector.broadcast %lt3A_1218 : i32 to vector<16xi32>
        %lt3A_1220 = arith.cmpi slt, %broadcast_in_dim3A_20, %lt3A_1219 : vector<16xi32>
        %add3A_1221 = arith.constant 16 : i32
        %add3A_1222 = vector.broadcast %add3A_1221 : i32 to vector<16xi32>
        %add3A_1223 = arith.addi %broadcast_in_dim3A_20, %add3A_1222 : vector<16xi32>
        %select_n3A_1224 = arith.select %lt3A_1220, %add3A_1223, %broadcast_in_dim3A_20 : vector<16xi1>, vector<16xi32>
        %broadcast_in_dim3A_1225 = vector.shape_cast %select_n3A_1224 : vector<16xi32> to vector<16x1xi32>
        %gather3A_1226 = vector.shape_cast %broadcast_in_dim3A_1225 : vector<16x1xi32> to vector<16xi32>
        %gather3A_1227 = tpu.dynamic_gather %bitcast3A[%gather3A_1226] in [0] : vector<16xf32>, vector<16xi32> -> vector<16xf32>
        %gather3A_1228 = tpu.vector_load_idx %arg14[%gather3A_1207, %add3A_32] : memref<1860x32xi32, #tpu.memory_space<vmem>>[vector<16xi32>, vector<16xi32>], vector<16xi32>,
        %bitcast3A_1229 = vector.bitcast %gather3A_1228 : vector<16xi32> to vector<32xbf16>
        %unpack3A_1230 = tpu.unpack_subelements %bitcast3A_1229, 0 {pack_format = #tpu.pack_format<interleaved>} : vector<32xbf16> -> vector<16xf32>
        %unpack3A_1231 = tpu.unpack_subelements %bitcast3A_1229, 1 {pack_format = #tpu.pack_format<interleaved>} : vector<32xbf16> -> vector<16xf32>
        %gather3A_1232 = tpu.vector_load_idx %arg14[%gather3A_1207, %add3A_36] : memref<1860x32xi32, #tpu.memory_space<vmem>>[vector<16xi32>, vector<16xi32>], vector<16xi32>,
        %bitcast3A_1233 = vector.bitcast %gather3A_1232 : vector<16xi32> to vector<32xbf16>
        %unpack3A_1234 = tpu.unpack_subelements %bitcast3A_1233, 0 {pack_format = #tpu.pack_format<interleaved>} : vector<32xbf16> -> vector<16xf32>
        %unpack3A_1235 = tpu.unpack_subelements %bitcast3A_1233, 1 {pack_format = #tpu.pack_format<interleaved>} : vector<32xbf16> -> vector<16xf32>
        %gather3A_1236 = tpu.vector_load_idx %arg15[%gather3A_1217, %add3A_32] : memref<25x32xi32, #tpu.memory_space<vmem>>[vector<16xi32>, vector<16xi32>], vector<16xi32>,
        %bitcast3A_1237 = vector.bitcast %gather3A_1236 : vector<16xi32> to vector<32xbf16>
        %unpack3A_1238 = tpu.unpack_subelements %bitcast3A_1237, 0 {pack_format = #tpu.pack_format<interleaved>} : vector<32xbf16> -> vector<16xf32>
        %unpack3A_1239 = tpu.unpack_subelements %bitcast3A_1237, 1 {pack_format = #tpu.pack_format<interleaved>} : vector<32xbf16> -> vector<16xf32>
        %gather3A_1240 = tpu.vector_load_idx %arg15[%gather3A_1217, %add3A_36] : memref<25x32xi32, #tpu.memory_space<vmem>>[vector<16xi32>, vector<16xi32>], vector<16xi32>,
        %bitcast3A_1241 = vector.bitcast %gather3A_1240 : vector<16xi32> to vector<32xbf16>
        %unpack3A_1242 = tpu.unpack_subelements %bitcast3A_1241, 0 {pack_format = #tpu.pack_format<interleaved>} : vector<32xbf16> -> vector<16xf32>
        %unpack3A_1243 = tpu.unpack_subelements %bitcast3A_1241, 1 {pack_format = #tpu.pack_format<interleaved>} : vector<32xbf16> -> vector<16xf32>
        %get3A_1244 = arith.index_cast %add3A_1197 : i32 to index
        %get3A_1245 = arith.constant 0 : index
        %get3A_1246 = tpu.vector_load %arg11[%get3A_1244, %get3A_1245] {strides = array<i32>} : memref<256x32xi32, #tpu.memory_space<vmem>>, vector<16xi32>,
        %bitcast3A_1247 = vector.bitcast %get3A_1246 : vector<16xi32> to vector<32xbf16>
        %unpack3A_1248 = tpu.unpack_subelements %bitcast3A_1247, 0 {pack_format = #tpu.pack_format<interleaved>} : vector<32xbf16> -> vector<16xf32>
        %unpack3A_1249 = tpu.unpack_subelements %bitcast3A_1247, 1 {pack_format = #tpu.pack_format<interleaved>} : vector<32xbf16> -> vector<16xf32>
        %get3A_1250 = arith.index_cast %add3A_1197 : i32 to index
        %get3A_1251 = arith.constant 16 : index
        %get3A_1252 = tpu.vector_load %arg11[%get3A_1250, %get3A_1251] {strides = array<i32>} : memref<256x32xi32, #tpu.memory_space<vmem>>, vector<16xi32>,
        %bitcast3A_1253 = vector.bitcast %get3A_1252 : vector<16xi32> to vector<32xbf16>
        %unpack3A_1254 = tpu.unpack_subelements %bitcast3A_1253, 0 {pack_format = #tpu.pack_format<interleaved>} : vector<32xbf16> -> vector<16xf32>
        %unpack3A_1255 = tpu.unpack_subelements %bitcast3A_1253, 1 {pack_format = #tpu.pack_format<interleaved>} : vector<32xbf16> -> vector<16xf32>
        %add3A_1256 = arith.addf %unpack3A_1248, %unpack3A_1230 : vector<16xf32>
        %add3A_1257 = arith.addf %add3A_1256, %unpack3A_1238 : vector<16xf32>
        %mul3A_1258 = arith.mulf %gather3A_1227, %get3A_221 : vector<16xf32>
        %add3A_1259 = arith.addf %add3A_1257, %mul3A_1258 : vector<16xf32>
        %swap3A_1260 = arith.index_cast %add3A_1197 : i32 to index
        %swap3A_1261 = arith.constant 0 : index
        %swap3A_1262 = tpu.vector_load %arg13[%swap3A_1260, %swap3A_1261] {strides = array<i32>} : memref<256x64xf32, #tpu.memory_space<vmem>>, vector<16xf32>,
        tpu.vector_store %arg13[%swap3A_1260, %swap3A_1261], %add3A_1259 {strides = array<i32>} : memref<256x64xf32, #tpu.memory_space<vmem>>, vector<16xf32>,
        %add3A_1263 = arith.addf %unpack3A_1249, %unpack3A_1231 : vector<16xf32>
        %add3A_1264 = arith.addf %add3A_1263, %unpack3A_1239 : vector<16xf32>
        %mul3A_1265 = arith.mulf %gather3A_1227, %get3A_223 : vector<16xf32>
        %add3A_1266 = arith.addf %add3A_1264, %mul3A_1265 : vector<16xf32>
        %swap3A_1267 = arith.index_cast %add3A_1197 : i32 to index
        %swap3A_1268 = arith.constant 16 : index
        %swap3A_1269 = tpu.vector_load %arg13[%swap3A_1267, %swap3A_1268] {strides = array<i32>} : memref<256x64xf32, #tpu.memory_space<vmem>>, vector<16xf32>,
        tpu.vector_store %arg13[%swap3A_1267, %swap3A_1268], %add3A_1266 {strides = array<i32>} : memref<256x64xf32, #tpu.memory_space<vmem>>, vector<16xf32>,
        %add3A_1270 = arith.addf %unpack3A_1254, %unpack3A_1234 : vector<16xf32>
        %add3A_1271 = arith.addf %add3A_1270, %unpack3A_1242 : vector<16xf32>
        %mul3A_1272 = arith.mulf %gather3A_1227, %get3A_225 : vector<16xf32>
        %add3A_1273 = arith.addf %add3A_1271, %mul3A_1272 : vector<16xf32>
        %swap3A_1274 = arith.index_cast %add3A_1197 : i32 to index
        %swap3A_1275 = arith.constant 32 : index
        %swap3A_1276 = tpu.vector_load %arg13[%swap3A_1274, %swap3A_1275] {strides = array<i32>} : memref<256x64xf32, #tpu.memory_space<vmem>>, vector<16xf32>,
        tpu.vector_store %arg13[%swap3A_1274, %swap3A_1275], %add3A_1273 {strides = array<i32>} : memref<256x64xf32, #tpu.memory_space<vmem>>, vector<16xf32>,
        %add3A_1277 = arith.addf %unpack3A_1255, %unpack3A_1235 : vector<16xf32>
        %add3A_1278 = arith.addf %add3A_1277, %unpack3A_1243 : vector<16xf32>
        %mul3A_1279 = arith.mulf %gather3A_1227, %get3A_227 : vector<16xf32>
        %add3A_1280 = arith.addf %add3A_1278, %mul3A_1279 : vector<16xf32>
        %swap3A_1281 = arith.index_cast %add3A_1197 : i32 to index
        %swap3A_1282 = arith.constant 48 : index
        %swap3A_1283 = tpu.vector_load %arg13[%swap3A_1281, %swap3A_1282] {strides = array<i32>} : memref<256x64xf32, #tpu.memory_space<vmem>>, vector<16xf32>,
        tpu.vector_store %arg13[%swap3A_1281, %swap3A_1282], %add3A_1280 {strides = array<i32>} : memref<256x64xf32, #tpu.memory_space<vmem>>, vector<16xf32>,
        %mul3A_1284 = arith.constant 16 : i32
        %mul3A_1285 = arith.muli %scan3A_248, %mul3A_1284 : i32
        %add3A_1286 = arith.constant 11 : i32
        %add3A_1287 = arith.addi %mul3A_1285, %add3A_1286 : i32
        %lt3A_1288 = arith.constant 0 : i32
        %lt3A_1289 = vector.broadcast %lt3A_1288 : i32 to vector<16xi32>
        %lt3A_1290 = arith.cmpi slt, %broadcast_in_dim3A_22, %lt3A_1289 : vector<16xi32>
        %add3A_1291 = arith.constant 16 : i32
        %add3A_1292 = vector.broadcast %add3A_1291 : i32 to vector<16xi32>
        %add3A_1293 = arith.addi %broadcast_in_dim3A_22, %add3A_1292 : vector<16xi32>
        %select_n3A_1294 = arith.select %lt3A_1290, %add3A_1293, %broadcast_in_dim3A_22 : vector<16xi1>, vector<16xi32>
        %broadcast_in_dim3A_1295 = vector.shape_cast %select_n3A_1294 : vector<16xi32> to vector<16x1xi32>
        %gather3A_1296 = vector.shape_cast %broadcast_in_dim3A_1295 : vector<16x1xi32> to vector<16xi32>
        %gather3A_1297 = tpu.dynamic_gather %get3A_286[%gather3A_1296] in [0] : vector<16xi32>, vector<16xi32> -> vector<16xi32>
        %lt3A_1298 = arith.constant 0 : i32
        %lt3A_1299 = vector.broadcast %lt3A_1298 : i32 to vector<16xi32>
        %lt3A_1300 = arith.cmpi slt, %broadcast_in_dim3A_22, %lt3A_1299 : vector<16xi32>
        %add3A_1301 = arith.constant 16 : i32
        %add3A_1302 = vector.broadcast %add3A_1301 : i32 to vector<16xi32>
        %add3A_1303 = arith.addi %broadcast_in_dim3A_22, %add3A_1302 : vector<16xi32>
        %select_n3A_1304 = arith.select %lt3A_1300, %add3A_1303, %broadcast_in_dim3A_22 : vector<16xi1>, vector<16xi32>
        %broadcast_in_dim3A_1305 = vector.shape_cast %select_n3A_1304 : vector<16xi32> to vector<16x1xi32>
        %gather3A_1306 = vector.shape_cast %broadcast_in_dim3A_1305 : vector<16x1xi32> to vector<16xi32>
        %gather3A_1307 = tpu.dynamic_gather %get3A_291[%gather3A_1306] in [0] : vector<16xi32>, vector<16xi32> -> vector<16xi32>
        %lt3A_1308 = arith.constant 0 : i32
        %lt3A_1309 = vector.broadcast %lt3A_1308 : i32 to vector<16xi32>
        %lt3A_1310 = arith.cmpi slt, %broadcast_in_dim3A_22, %lt3A_1309 : vector<16xi32>
        %add3A_1311 = arith.constant 16 : i32
        %add3A_1312 = vector.broadcast %add3A_1311 : i32 to vector<16xi32>
        %add3A_1313 = arith.addi %broadcast_in_dim3A_22, %add3A_1312 : vector<16xi32>
        %select_n3A_1314 = arith.select %lt3A_1310, %add3A_1313, %broadcast_in_dim3A_22 : vector<16xi1>, vector<16xi32>
        %broadcast_in_dim3A_1315 = vector.shape_cast %select_n3A_1314 : vector<16xi32> to vector<16x1xi32>
        %gather3A_1316 = vector.shape_cast %broadcast_in_dim3A_1315 : vector<16x1xi32> to vector<16xi32>
        %gather3A_1317 = tpu.dynamic_gather %bitcast3A[%gather3A_1316] in [0] : vector<16xf32>, vector<16xi32> -> vector<16xf32>
        %gather3A_1318 = tpu.vector_load_idx %arg14[%gather3A_1297, %add3A_32] : memref<1860x32xi32, #tpu.memory_space<vmem>>[vector<16xi32>, vector<16xi32>], vector<16xi32>,
        %bitcast3A_1319 = vector.bitcast %gather3A_1318 : vector<16xi32> to vector<32xbf16>
        %unpack3A_1320 = tpu.unpack_subelements %bitcast3A_1319, 0 {pack_format = #tpu.pack_format<interleaved>} : vector<32xbf16> -> vector<16xf32>
        %unpack3A_1321 = tpu.unpack_subelements %bitcast3A_1319, 1 {pack_format = #tpu.pack_format<interleaved>} : vector<32xbf16> -> vector<16xf32>
        %gather3A_1322 = tpu.vector_load_idx %arg14[%gather3A_1297, %add3A_36] : memref<1860x32xi32, #tpu.memory_space<vmem>>[vector<16xi32>, vector<16xi32>], vector<16xi32>,
        %bitcast3A_1323 = vector.bitcast %gather3A_1322 : vector<16xi32> to vector<32xbf16>
        %unpack3A_1324 = tpu.unpack_subelements %bitcast3A_1323, 0 {pack_format = #tpu.pack_format<interleaved>} : vector<32xbf16> -> vector<16xf32>
        %unpack3A_1325 = tpu.unpack_subelements %bitcast3A_1323, 1 {pack_format = #tpu.pack_format<interleaved>} : vector<32xbf16> -> vector<16xf32>
        %gather3A_1326 = tpu.vector_load_idx %arg15[%gather3A_1307, %add3A_32] : memref<25x32xi32, #tpu.memory_space<vmem>>[vector<16xi32>, vector<16xi32>], vector<16xi32>,
        %bitcast3A_1327 = vector.bitcast %gather3A_1326 : vector<16xi32> to vector<32xbf16>
        %unpack3A_1328 = tpu.unpack_subelements %bitcast3A_1327, 0 {pack_format = #tpu.pack_format<interleaved>} : vector<32xbf16> -> vector<16xf32>
        %unpack3A_1329 = tpu.unpack_subelements %bitcast3A_1327, 1 {pack_format = #tpu.pack_format<interleaved>} : vector<32xbf16> -> vector<16xf32>
        %gather3A_1330 = tpu.vector_load_idx %arg15[%gather3A_1307, %add3A_36] : memref<25x32xi32, #tpu.memory_space<vmem>>[vector<16xi32>, vector<16xi32>], vector<16xi32>,
        %bitcast3A_1331 = vector.bitcast %gather3A_1330 : vector<16xi32> to vector<32xbf16>
        %unpack3A_1332 = tpu.unpack_subelements %bitcast3A_1331, 0 {pack_format = #tpu.pack_format<interleaved>} : vector<32xbf16> -> vector<16xf32>
        %unpack3A_1333 = tpu.unpack_subelements %bitcast3A_1331, 1 {pack_format = #tpu.pack_format<interleaved>} : vector<32xbf16> -> vector<16xf32>
        %get3A_1334 = arith.index_cast %add3A_1287 : i32 to index
        %get3A_1335 = arith.constant 0 : index
        %get3A_1336 = tpu.vector_load %arg11[%get3A_1334, %get3A_1335] {strides = array<i32>} : memref<256x32xi32, #tpu.memory_space<vmem>>, vector<16xi32>,
        %bitcast3A_1337 = vector.bitcast %get3A_1336 : vector<16xi32> to vector<32xbf16>
        %unpack3A_1338 = tpu.unpack_subelements %bitcast3A_1337, 0 {pack_format = #tpu.pack_format<interleaved>} : vector<32xbf16> -> vector<16xf32>
        %unpack3A_1339 = tpu.unpack_subelements %bitcast3A_1337, 1 {pack_format = #tpu.pack_format<interleaved>} : vector<32xbf16> -> vector<16xf32>
        %get3A_1340 = arith.index_cast %add3A_1287 : i32 to index
        %get3A_1341 = arith.constant 16 : index
        %get3A_1342 = tpu.vector_load %arg11[%get3A_1340, %get3A_1341] {strides = array<i32>} : memref<256x32xi32, #tpu.memory_space<vmem>>, vector<16xi32>,
        %bitcast3A_1343 = vector.bitcast %get3A_1342 : vector<16xi32> to vector<32xbf16>
        %unpack3A_1344 = tpu.unpack_subelements %bitcast3A_1343, 0 {pack_format = #tpu.pack_format<interleaved>} : vector<32xbf16> -> vector<16xf32>
        %unpack3A_1345 = tpu.unpack_subelements %bitcast3A_1343, 1 {pack_format = #tpu.pack_format<interleaved>} : vector<32xbf16> -> vector<16xf32>
        %add3A_1346 = arith.addf %unpack3A_1338, %unpack3A_1320 : vector<16xf32>
        %add3A_1347 = arith.addf %add3A_1346, %unpack3A_1328 : vector<16xf32>
        %mul3A_1348 = arith.mulf %gather3A_1317, %get3A_221 : vector<16xf32>
        %add3A_1349 = arith.addf %add3A_1347, %mul3A_1348 : vector<16xf32>
        %swap3A_1350 = arith.index_cast %add3A_1287 : i32 to index
        %swap3A_1351 = arith.constant 0 : index
        %swap3A_1352 = tpu.vector_load %arg13[%swap3A_1350, %swap3A_1351] {strides = array<i32>} : memref<256x64xf32, #tpu.memory_space<vmem>>, vector<16xf32>,
        tpu.vector_store %arg13[%swap3A_1350, %swap3A_1351], %add3A_1349 {strides = array<i32>} : memref<256x64xf32, #tpu.memory_space<vmem>>, vector<16xf32>,
        %add3A_1353 = arith.addf %unpack3A_1339, %unpack3A_1321 : vector<16xf32>
        %add3A_1354 = arith.addf %add3A_1353, %unpack3A_1329 : vector<16xf32>
        %mul3A_1355 = arith.mulf %gather3A_1317, %get3A_223 : vector<16xf32>
        %add3A_1356 = arith.addf %add3A_1354, %mul3A_1355 : vector<16xf32>
        %swap3A_1357 = arith.index_cast %add3A_1287 : i32 to index
        %swap3A_1358 = arith.constant 16 : index
        %swap3A_1359 = tpu.vector_load %arg13[%swap3A_1357, %swap3A_1358] {strides = array<i32>} : memref<256x64xf32, #tpu.memory_space<vmem>>, vector<16xf32>,
        tpu.vector_store %arg13[%swap3A_1357, %swap3A_1358], %add3A_1356 {strides = array<i32>} : memref<256x64xf32, #tpu.memory_space<vmem>>, vector<16xf32>,
        %add3A_1360 = arith.addf %unpack3A_1344, %unpack3A_1324 : vector<16xf32>
        %add3A_1361 = arith.addf %add3A_1360, %unpack3A_1332 : vector<16xf32>
        %mul3A_1362 = arith.mulf %gather3A_1317, %get3A_225 : vector<16xf32>
        %add3A_1363 = arith.addf %add3A_1361, %mul3A_1362 : vector<16xf32>
        %swap3A_1364 = arith.index_cast %add3A_1287 : i32 to index
        %swap3A_1365 = arith.constant 32 : index
        %swap3A_1366 = tpu.vector_load %arg13[%swap3A_1364, %swap3A_1365] {strides = array<i32>} : memref<256x64xf32, #tpu.memory_space<vmem>>, vector<16xf32>,
        tpu.vector_store %arg13[%swap3A_1364, %swap3A_1365], %add3A_1363 {strides = array<i32>} : memref<256x64xf32, #tpu.memory_space<vmem>>, vector<16xf32>,
        %add3A_1367 = arith.addf %unpack3A_1345, %unpack3A_1325 : vector<16xf32>
        %add3A_1368 = arith.addf %add3A_1367, %unpack3A_1333 : vector<16xf32>
        %mul3A_1369 = arith.mulf %gather3A_1317, %get3A_227 : vector<16xf32>
        %add3A_1370 = arith.addf %add3A_1368, %mul3A_1369 : vector<16xf32>
        %swap3A_1371 = arith.index_cast %add3A_1287 : i32 to index
        %swap3A_1372 = arith.constant 48 : index
        %swap3A_1373 = tpu.vector_load %arg13[%swap3A_1371, %swap3A_1372] {strides = array<i32>} : memref<256x64xf32, #tpu.memory_space<vmem>>, vector<16xf32>,
        tpu.vector_store %arg13[%swap3A_1371, %swap3A_1372], %add3A_1370 {strides = array<i32>} : memref<256x64xf32, #tpu.memory_space<vmem>>, vector<16xf32>,
        %mul3A_1374 = arith.constant 16 : i32
        %mul3A_1375 = arith.muli %scan3A_248, %mul3A_1374 : i32
        %add3A_1376 = arith.constant 12 : i32
        %add3A_1377 = arith.addi %mul3A_1375, %add3A_1376 : i32
        %lt3A_1378 = arith.constant 0 : i32
        %lt3A_1379 = vector.broadcast %lt3A_1378 : i32 to vector<16xi32>
        %lt3A_1380 = arith.cmpi slt, %broadcast_in_dim3A_24, %lt3A_1379 : vector<16xi32>
        %add3A_1381 = arith.constant 16 : i32
        %add3A_1382 = vector.broadcast %add3A_1381 : i32 to vector<16xi32>
        %add3A_1383 = arith.addi %broadcast_in_dim3A_24, %add3A_1382 : vector<16xi32>
        %select_n3A_1384 = arith.select %lt3A_1380, %add3A_1383, %broadcast_in_dim3A_24 : vector<16xi1>, vector<16xi32>
        %broadcast_in_dim3A_1385 = vector.shape_cast %select_n3A_1384 : vector<16xi32> to vector<16x1xi32>
        %gather3A_1386 = vector.shape_cast %broadcast_in_dim3A_1385 : vector<16x1xi32> to vector<16xi32>
        %gather3A_1387 = tpu.dynamic_gather %get3A_286[%gather3A_1386] in [0] : vector<16xi32>, vector<16xi32> -> vector<16xi32>
        %lt3A_1388 = arith.constant 0 : i32
        %lt3A_1389 = vector.broadcast %lt3A_1388 : i32 to vector<16xi32>
        %lt3A_1390 = arith.cmpi slt, %broadcast_in_dim3A_24, %lt3A_1389 : vector<16xi32>
        %add3A_1391 = arith.constant 16 : i32
        %add3A_1392 = vector.broadcast %add3A_1391 : i32 to vector<16xi32>
        %add3A_1393 = arith.addi %broadcast_in_dim3A_24, %add3A_1392 : vector<16xi32>
        %select_n3A_1394 = arith.select %lt3A_1390, %add3A_1393, %broadcast_in_dim3A_24 : vector<16xi1>, vector<16xi32>
        %broadcast_in_dim3A_1395 = vector.shape_cast %select_n3A_1394 : vector<16xi32> to vector<16x1xi32>
        %gather3A_1396 = vector.shape_cast %broadcast_in_dim3A_1395 : vector<16x1xi32> to vector<16xi32>
        %gather3A_1397 = tpu.dynamic_gather %get3A_291[%gather3A_1396] in [0] : vector<16xi32>, vector<16xi32> -> vector<16xi32>
        %lt3A_1398 = arith.constant 0 : i32
        %lt3A_1399 = vector.broadcast %lt3A_1398 : i32 to vector<16xi32>
        %lt3A_1400 = arith.cmpi slt, %broadcast_in_dim3A_24, %lt3A_1399 : vector<16xi32>
        %add3A_1401 = arith.constant 16 : i32
        %add3A_1402 = vector.broadcast %add3A_1401 : i32 to vector<16xi32>
        %add3A_1403 = arith.addi %broadcast_in_dim3A_24, %add3A_1402 : vector<16xi32>
        %select_n3A_1404 = arith.select %lt3A_1400, %add3A_1403, %broadcast_in_dim3A_24 : vector<16xi1>, vector<16xi32>
        %broadcast_in_dim3A_1405 = vector.shape_cast %select_n3A_1404 : vector<16xi32> to vector<16x1xi32>
        %gather3A_1406 = vector.shape_cast %broadcast_in_dim3A_1405 : vector<16x1xi32> to vector<16xi32>
        %gather3A_1407 = tpu.dynamic_gather %bitcast3A[%gather3A_1406] in [0] : vector<16xf32>, vector<16xi32> -> vector<16xf32>
        %gather3A_1408 = tpu.vector_load_idx %arg14[%gather3A_1387, %add3A_32] : memref<1860x32xi32, #tpu.memory_space<vmem>>[vector<16xi32>, vector<16xi32>], vector<16xi32>,
        %bitcast3A_1409 = vector.bitcast %gather3A_1408 : vector<16xi32> to vector<32xbf16>
        %unpack3A_1410 = tpu.unpack_subelements %bitcast3A_1409, 0 {pack_format = #tpu.pack_format<interleaved>} : vector<32xbf16> -> vector<16xf32>
        %unpack3A_1411 = tpu.unpack_subelements %bitcast3A_1409, 1 {pack_format = #tpu.pack_format<interleaved>} : vector<32xbf16> -> vector<16xf32>
        %gather3A_1412 = tpu.vector_load_idx %arg14[%gather3A_1387, %add3A_36] : memref<1860x32xi32, #tpu.memory_space<vmem>>[vector<16xi32>, vector<16xi32>], vector<16xi32>,
        %bitcast3A_1413 = vector.bitcast %gather3A_1412 : vector<16xi32> to vector<32xbf16>
        %unpack3A_1414 = tpu.unpack_subelements %bitcast3A_1413, 0 {pack_format = #tpu.pack_format<interleaved>} : vector<32xbf16> -> vector<16xf32>
        %unpack3A_1415 = tpu.unpack_subelements %bitcast3A_1413, 1 {pack_format = #tpu.pack_format<interleaved>} : vector<32xbf16> -> vector<16xf32>
        %gather3A_1416 = tpu.vector_load_idx %arg15[%gather3A_1397, %add3A_32] : memref<25x32xi32, #tpu.memory_space<vmem>>[vector<16xi32>, vector<16xi32>], vector<16xi32>,
        %bitcast3A_1417 = vector.bitcast %gather3A_1416 : vector<16xi32> to vector<32xbf16>
        %unpack3A_1418 = tpu.unpack_subelements %bitcast3A_1417, 0 {pack_format = #tpu.pack_format<interleaved>} : vector<32xbf16> -> vector<16xf32>
        %unpack3A_1419 = tpu.unpack_subelements %bitcast3A_1417, 1 {pack_format = #tpu.pack_format<interleaved>} : vector<32xbf16> -> vector<16xf32>
        %gather3A_1420 = tpu.vector_load_idx %arg15[%gather3A_1397, %add3A_36] : memref<25x32xi32, #tpu.memory_space<vmem>>[vector<16xi32>, vector<16xi32>], vector<16xi32>,
        %bitcast3A_1421 = vector.bitcast %gather3A_1420 : vector<16xi32> to vector<32xbf16>
        %unpack3A_1422 = tpu.unpack_subelements %bitcast3A_1421, 0 {pack_format = #tpu.pack_format<interleaved>} : vector<32xbf16> -> vector<16xf32>
        %unpack3A_1423 = tpu.unpack_subelements %bitcast3A_1421, 1 {pack_format = #tpu.pack_format<interleaved>} : vector<32xbf16> -> vector<16xf32>
        %get3A_1424 = arith.index_cast %add3A_1377 : i32 to index
        %get3A_1425 = arith.constant 0 : index
        %get3A_1426 = tpu.vector_load %arg11[%get3A_1424, %get3A_1425] {strides = array<i32>} : memref<256x32xi32, #tpu.memory_space<vmem>>, vector<16xi32>,
        %bitcast3A_1427 = vector.bitcast %get3A_1426 : vector<16xi32> to vector<32xbf16>
        %unpack3A_1428 = tpu.unpack_subelements %bitcast3A_1427, 0 {pack_format = #tpu.pack_format<interleaved>} : vector<32xbf16> -> vector<16xf32>
        %unpack3A_1429 = tpu.unpack_subelements %bitcast3A_1427, 1 {pack_format = #tpu.pack_format<interleaved>} : vector<32xbf16> -> vector<16xf32>
        %get3A_1430 = arith.index_cast %add3A_1377 : i32 to index
        %get3A_1431 = arith.constant 16 : index
        %get3A_1432 = tpu.vector_load %arg11[%get3A_1430, %get3A_1431] {strides = array<i32>} : memref<256x32xi32, #tpu.memory_space<vmem>>, vector<16xi32>,
        %bitcast3A_1433 = vector.bitcast %get3A_1432 : vector<16xi32> to vector<32xbf16>
        %unpack3A_1434 = tpu.unpack_subelements %bitcast3A_1433, 0 {pack_format = #tpu.pack_format<interleaved>} : vector<32xbf16> -> vector<16xf32>
        %unpack3A_1435 = tpu.unpack_subelements %bitcast3A_1433, 1 {pack_format = #tpu.pack_format<interleaved>} : vector<32xbf16> -> vector<16xf32>
        %add3A_1436 = arith.addf %unpack3A_1428, %unpack3A_1410 : vector<16xf32>
        %add3A_1437 = arith.addf %add3A_1436, %unpack3A_1418 : vector<16xf32>
        %mul3A_1438 = arith.mulf %gather3A_1407, %get3A_221 : vector<16xf32>
        %add3A_1439 = arith.addf %add3A_1437, %mul3A_1438 : vector<16xf32>
        %swap3A_1440 = arith.index_cast %add3A_1377 : i32 to index
        %swap3A_1441 = arith.constant 0 : index
        %swap3A_1442 = tpu.vector_load %arg13[%swap3A_1440, %swap3A_1441] {strides = array<i32>} : memref<256x64xf32, #tpu.memory_space<vmem>>, vector<16xf32>,
        tpu.vector_store %arg13[%swap3A_1440, %swap3A_1441], %add3A_1439 {strides = array<i32>} : memref<256x64xf32, #tpu.memory_space<vmem>>, vector<16xf32>,
        %add3A_1443 = arith.addf %unpack3A_1429, %unpack3A_1411 : vector<16xf32>
        %add3A_1444 = arith.addf %add3A_1443, %unpack3A_1419 : vector<16xf32>
        %mul3A_1445 = arith.mulf %gather3A_1407, %get3A_223 : vector<16xf32>
        %add3A_1446 = arith.addf %add3A_1444, %mul3A_1445 : vector<16xf32>
        %swap3A_1447 = arith.index_cast %add3A_1377 : i32 to index
        %swap3A_1448 = arith.constant 16 : index
        %swap3A_1449 = tpu.vector_load %arg13[%swap3A_1447, %swap3A_1448] {strides = array<i32>} : memref<256x64xf32, #tpu.memory_space<vmem>>, vector<16xf32>,
        tpu.vector_store %arg13[%swap3A_1447, %swap3A_1448], %add3A_1446 {strides = array<i32>} : memref<256x64xf32, #tpu.memory_space<vmem>>, vector<16xf32>,
        %add3A_1450 = arith.addf %unpack3A_1434, %unpack3A_1414 : vector<16xf32>
        %add3A_1451 = arith.addf %add3A_1450, %unpack3A_1422 : vector<16xf32>
        %mul3A_1452 = arith.mulf %gather3A_1407, %get3A_225 : vector<16xf32>
        %add3A_1453 = arith.addf %add3A_1451, %mul3A_1452 : vector<16xf32>
        %swap3A_1454 = arith.index_cast %add3A_1377 : i32 to index
        %swap3A_1455 = arith.constant 32 : index
        %swap3A_1456 = tpu.vector_load %arg13[%swap3A_1454, %swap3A_1455] {strides = array<i32>} : memref<256x64xf32, #tpu.memory_space<vmem>>, vector<16xf32>,
        tpu.vector_store %arg13[%swap3A_1454, %swap3A_1455], %add3A_1453 {strides = array<i32>} : memref<256x64xf32, #tpu.memory_space<vmem>>, vector<16xf32>,
        %add3A_1457 = arith.addf %unpack3A_1435, %unpack3A_1415 : vector<16xf32>
        %add3A_1458 = arith.addf %add3A_1457, %unpack3A_1423 : vector<16xf32>
        %mul3A_1459 = arith.mulf %gather3A_1407, %get3A_227 : vector<16xf32>
        %add3A_1460 = arith.addf %add3A_1458, %mul3A_1459 : vector<16xf32>
        %swap3A_1461 = arith.index_cast %add3A_1377 : i32 to index
        %swap3A_1462 = arith.constant 48 : index
        %swap3A_1463 = tpu.vector_load %arg13[%swap3A_1461, %swap3A_1462] {strides = array<i32>} : memref<256x64xf32, #tpu.memory_space<vmem>>, vector<16xf32>,
        tpu.vector_store %arg13[%swap3A_1461, %swap3A_1462], %add3A_1460 {strides = array<i32>} : memref<256x64xf32, #tpu.memory_space<vmem>>, vector<16xf32>,
        %mul3A_1464 = arith.constant 16 : i32
        %mul3A_1465 = arith.muli %scan3A_248, %mul3A_1464 : i32
        %add3A_1466 = arith.constant 13 : i32
        %add3A_1467 = arith.addi %mul3A_1465, %add3A_1466 : i32
        %lt3A_1468 = arith.constant 0 : i32
        %lt3A_1469 = vector.broadcast %lt3A_1468 : i32 to vector<16xi32>
        %lt3A_1470 = arith.cmpi slt, %broadcast_in_dim3A_26, %lt3A_1469 : vector<16xi32>
        %add3A_1471 = arith.constant 16 : i32
        %add3A_1472 = vector.broadcast %add3A_1471 : i32 to vector<16xi32>
        %add3A_1473 = arith.addi %broadcast_in_dim3A_26, %add3A_1472 : vector<16xi32>
        %select_n3A_1474 = arith.select %lt3A_1470, %add3A_1473, %broadcast_in_dim3A_26 : vector<16xi1>, vector<16xi32>
        %broadcast_in_dim3A_1475 = vector.shape_cast %select_n3A_1474 : vector<16xi32> to vector<16x1xi32>
        %gather3A_1476 = vector.shape_cast %broadcast_in_dim3A_1475 : vector<16x1xi32> to vector<16xi32>
        %gather3A_1477 = tpu.dynamic_gather %get3A_286[%gather3A_1476] in [0] : vector<16xi32>, vector<16xi32> -> vector<16xi32>
        %lt3A_1478 = arith.constant 0 : i32
        %lt3A_1479 = vector.broadcast %lt3A_1478 : i32 to vector<16xi32>
        %lt3A_1480 = arith.cmpi slt, %broadcast_in_dim3A_26, %lt3A_1479 : vector<16xi32>
        %add3A_1481 = arith.constant 16 : i32
        %add3A_1482 = vector.broadcast %add3A_1481 : i32 to vector<16xi32>
        %add3A_1483 = arith.addi %broadcast_in_dim3A_26, %add3A_1482 : vector<16xi32>
        %select_n3A_1484 = arith.select %lt3A_1480, %add3A_1483, %broadcast_in_dim3A_26 : vector<16xi1>, vector<16xi32>
        %broadcast_in_dim3A_1485 = vector.shape_cast %select_n3A_1484 : vector<16xi32> to vector<16x1xi32>
        %gather3A_1486 = vector.shape_cast %broadcast_in_dim3A_1485 : vector<16x1xi32> to vector<16xi32>
        %gather3A_1487 = tpu.dynamic_gather %get3A_291[%gather3A_1486] in [0] : vector<16xi32>, vector<16xi32> -> vector<16xi32>
        %lt3A_1488 = arith.constant 0 : i32
        %lt3A_1489 = vector.broadcast %lt3A_1488 : i32 to vector<16xi32>
        %lt3A_1490 = arith.cmpi slt, %broadcast_in_dim3A_26, %lt3A_1489 : vector<16xi32>
        %add3A_1491 = arith.constant 16 : i32
        %add3A_1492 = vector.broadcast %add3A_1491 : i32 to vector<16xi32>
        %add3A_1493 = arith.addi %broadcast_in_dim3A_26, %add3A_1492 : vector<16xi32>
        %select_n3A_1494 = arith.select %lt3A_1490, %add3A_1493, %broadcast_in_dim3A_26 : vector<16xi1>, vector<16xi32>
        %broadcast_in_dim3A_1495 = vector.shape_cast %select_n3A_1494 : vector<16xi32> to vector<16x1xi32>
        %gather3A_1496 = vector.shape_cast %broadcast_in_dim3A_1495 : vector<16x1xi32> to vector<16xi32>
        %gather3A_1497 = tpu.dynamic_gather %bitcast3A[%gather3A_1496] in [0] : vector<16xf32>, vector<16xi32> -> vector<16xf32>
        %gather3A_1498 = tpu.vector_load_idx %arg14[%gather3A_1477, %add3A_32] : memref<1860x32xi32, #tpu.memory_space<vmem>>[vector<16xi32>, vector<16xi32>], vector<16xi32>,
        %bitcast3A_1499 = vector.bitcast %gather3A_1498 : vector<16xi32> to vector<32xbf16>
        %unpack3A_1500 = tpu.unpack_subelements %bitcast3A_1499, 0 {pack_format = #tpu.pack_format<interleaved>} : vector<32xbf16> -> vector<16xf32>
        %unpack3A_1501 = tpu.unpack_subelements %bitcast3A_1499, 1 {pack_format = #tpu.pack_format<interleaved>} : vector<32xbf16> -> vector<16xf32>
        %gather3A_1502 = tpu.vector_load_idx %arg14[%gather3A_1477, %add3A_36] : memref<1860x32xi32, #tpu.memory_space<vmem>>[vector<16xi32>, vector<16xi32>], vector<16xi32>,
        %bitcast3A_1503 = vector.bitcast %gather3A_1502 : vector<16xi32> to vector<32xbf16>
        %unpack3A_1504 = tpu.unpack_subelements %bitcast3A_1503, 0 {pack_format = #tpu.pack_format<interleaved>} : vector<32xbf16> -> vector<16xf32>
        %unpack3A_1505 = tpu.unpack_subelements %bitcast3A_1503, 1 {pack_format = #tpu.pack_format<interleaved>} : vector<32xbf16> -> vector<16xf32>
        %gather3A_1506 = tpu.vector_load_idx %arg15[%gather3A_1487, %add3A_32] : memref<25x32xi32, #tpu.memory_space<vmem>>[vector<16xi32>, vector<16xi32>], vector<16xi32>,
        %bitcast3A_1507 = vector.bitcast %gather3A_1506 : vector<16xi32> to vector<32xbf16>
        %unpack3A_1508 = tpu.unpack_subelements %bitcast3A_1507, 0 {pack_format = #tpu.pack_format<interleaved>} : vector<32xbf16> -> vector<16xf32>
        %unpack3A_1509 = tpu.unpack_subelements %bitcast3A_1507, 1 {pack_format = #tpu.pack_format<interleaved>} : vector<32xbf16> -> vector<16xf32>
        %gather3A_1510 = tpu.vector_load_idx %arg15[%gather3A_1487, %add3A_36] : memref<25x32xi32, #tpu.memory_space<vmem>>[vector<16xi32>, vector<16xi32>], vector<16xi32>,
        %bitcast3A_1511 = vector.bitcast %gather3A_1510 : vector<16xi32> to vector<32xbf16>
        %unpack3A_1512 = tpu.unpack_subelements %bitcast3A_1511, 0 {pack_format = #tpu.pack_format<interleaved>} : vector<32xbf16> -> vector<16xf32>
        %unpack3A_1513 = tpu.unpack_subelements %bitcast3A_1511, 1 {pack_format = #tpu.pack_format<interleaved>} : vector<32xbf16> -> vector<16xf32>
        %get3A_1514 = arith.index_cast %add3A_1467 : i32 to index
        %get3A_1515 = arith.constant 0 : index
        %get3A_1516 = tpu.vector_load %arg11[%get3A_1514, %get3A_1515] {strides = array<i32>} : memref<256x32xi32, #tpu.memory_space<vmem>>, vector<16xi32>,
        %bitcast3A_1517 = vector.bitcast %get3A_1516 : vector<16xi32> to vector<32xbf16>
        %unpack3A_1518 = tpu.unpack_subelements %bitcast3A_1517, 0 {pack_format = #tpu.pack_format<interleaved>} : vector<32xbf16> -> vector<16xf32>
        %unpack3A_1519 = tpu.unpack_subelements %bitcast3A_1517, 1 {pack_format = #tpu.pack_format<interleaved>} : vector<32xbf16> -> vector<16xf32>
        %get3A_1520 = arith.index_cast %add3A_1467 : i32 to index
        %get3A_1521 = arith.constant 16 : index
        %get3A_1522 = tpu.vector_load %arg11[%get3A_1520, %get3A_1521] {strides = array<i32>} : memref<256x32xi32, #tpu.memory_space<vmem>>, vector<16xi32>,
        %bitcast3A_1523 = vector.bitcast %get3A_1522 : vector<16xi32> to vector<32xbf16>
        %unpack3A_1524 = tpu.unpack_subelements %bitcast3A_1523, 0 {pack_format = #tpu.pack_format<interleaved>} : vector<32xbf16> -> vector<16xf32>
        %unpack3A_1525 = tpu.unpack_subelements %bitcast3A_1523, 1 {pack_format = #tpu.pack_format<interleaved>} : vector<32xbf16> -> vector<16xf32>
        %add3A_1526 = arith.addf %unpack3A_1518, %unpack3A_1500 : vector<16xf32>
        %add3A_1527 = arith.addf %add3A_1526, %unpack3A_1508 : vector<16xf32>
        %mul3A_1528 = arith.mulf %gather3A_1497, %get3A_221 : vector<16xf32>
        %add3A_1529 = arith.addf %add3A_1527, %mul3A_1528 : vector<16xf32>
        %swap3A_1530 = arith.index_cast %add3A_1467 : i32 to index
        %swap3A_1531 = arith.constant 0 : index
        %swap3A_1532 = tpu.vector_load %arg13[%swap3A_1530, %swap3A_1531] {strides = array<i32>} : memref<256x64xf32, #tpu.memory_space<vmem>>, vector<16xf32>,
        tpu.vector_store %arg13[%swap3A_1530, %swap3A_1531], %add3A_1529 {strides = array<i32>} : memref<256x64xf32, #tpu.memory_space<vmem>>, vector<16xf32>,
        %add3A_1533 = arith.addf %unpack3A_1519, %unpack3A_1501 : vector<16xf32>
        %add3A_1534 = arith.addf %add3A_1533, %unpack3A_1509 : vector<16xf32>
        %mul3A_1535 = arith.mulf %gather3A_1497, %get3A_223 : vector<16xf32>
        %add3A_1536 = arith.addf %add3A_1534, %mul3A_1535 : vector<16xf32>
        %swap3A_1537 = arith.index_cast %add3A_1467 : i32 to index
        %swap3A_1538 = arith.constant 16 : index
        %swap3A_1539 = tpu.vector_load %arg13[%swap3A_1537, %swap3A_1538] {strides = array<i32>} : memref<256x64xf32, #tpu.memory_space<vmem>>, vector<16xf32>,
        tpu.vector_store %arg13[%swap3A_1537, %swap3A_1538], %add3A_1536 {strides = array<i32>} : memref<256x64xf32, #tpu.memory_space<vmem>>, vector<16xf32>,
        %add3A_1540 = arith.addf %unpack3A_1524, %unpack3A_1504 : vector<16xf32>
        %add3A_1541 = arith.addf %add3A_1540, %unpack3A_1512 : vector<16xf32>
        %mul3A_1542 = arith.mulf %gather3A_1497, %get3A_225 : vector<16xf32>
        %add3A_1543 = arith.addf %add3A_1541, %mul3A_1542 : vector<16xf32>
        %swap3A_1544 = arith.index_cast %add3A_1467 : i32 to index
        %swap3A_1545 = arith.constant 32 : index
        %swap3A_1546 = tpu.vector_load %arg13[%swap3A_1544, %swap3A_1545] {strides = array<i32>} : memref<256x64xf32, #tpu.memory_space<vmem>>, vector<16xf32>,
        tpu.vector_store %arg13[%swap3A_1544, %swap3A_1545], %add3A_1543 {strides = array<i32>} : memref<256x64xf32, #tpu.memory_space<vmem>>, vector<16xf32>,
        %add3A_1547 = arith.addf %unpack3A_1525, %unpack3A_1505 : vector<16xf32>
        %add3A_1548 = arith.addf %add3A_1547, %unpack3A_1513 : vector<16xf32>
        %mul3A_1549 = arith.mulf %gather3A_1497, %get3A_227 : vector<16xf32>
        %add3A_1550 = arith.addf %add3A_1548, %mul3A_1549 : vector<16xf32>
        %swap3A_1551 = arith.index_cast %add3A_1467 : i32 to index
        %swap3A_1552 = arith.constant 48 : index
        %swap3A_1553 = tpu.vector_load %arg13[%swap3A_1551, %swap3A_1552] {strides = array<i32>} : memref<256x64xf32, #tpu.memory_space<vmem>>, vector<16xf32>,
        tpu.vector_store %arg13[%swap3A_1551, %swap3A_1552], %add3A_1550 {strides = array<i32>} : memref<256x64xf32, #tpu.memory_space<vmem>>, vector<16xf32>,
        %mul3A_1554 = arith.constant 16 : i32
        %mul3A_1555 = arith.muli %scan3A_248, %mul3A_1554 : i32
        %add3A_1556 = arith.constant 14 : i32
        %add3A_1557 = arith.addi %mul3A_1555, %add3A_1556 : i32
        %lt3A_1558 = arith.constant 0 : i32
        %lt3A_1559 = vector.broadcast %lt3A_1558 : i32 to vector<16xi32>
        %lt3A_1560 = arith.cmpi slt, %broadcast_in_dim3A_28, %lt3A_1559 : vector<16xi32>
        %add3A_1561 = arith.constant 16 : i32
        %add3A_1562 = vector.broadcast %add3A_1561 : i32 to vector<16xi32>
        %add3A_1563 = arith.addi %broadcast_in_dim3A_28, %add3A_1562 : vector<16xi32>
        %select_n3A_1564 = arith.select %lt3A_1560, %add3A_1563, %broadcast_in_dim3A_28 : vector<16xi1>, vector<16xi32>
        %broadcast_in_dim3A_1565 = vector.shape_cast %select_n3A_1564 : vector<16xi32> to vector<16x1xi32>
        %gather3A_1566 = vector.shape_cast %broadcast_in_dim3A_1565 : vector<16x1xi32> to vector<16xi32>
        %gather3A_1567 = tpu.dynamic_gather %get3A_286[%gather3A_1566] in [0] : vector<16xi32>, vector<16xi32> -> vector<16xi32>
        %lt3A_1568 = arith.constant 0 : i32
        %lt3A_1569 = vector.broadcast %lt3A_1568 : i32 to vector<16xi32>
        %lt3A_1570 = arith.cmpi slt, %broadcast_in_dim3A_28, %lt3A_1569 : vector<16xi32>
        %add3A_1571 = arith.constant 16 : i32
        %add3A_1572 = vector.broadcast %add3A_1571 : i32 to vector<16xi32>
        %add3A_1573 = arith.addi %broadcast_in_dim3A_28, %add3A_1572 : vector<16xi32>
        %select_n3A_1574 = arith.select %lt3A_1570, %add3A_1573, %broadcast_in_dim3A_28 : vector<16xi1>, vector<16xi32>
        %broadcast_in_dim3A_1575 = vector.shape_cast %select_n3A_1574 : vector<16xi32> to vector<16x1xi32>
        %gather3A_1576 = vector.shape_cast %broadcast_in_dim3A_1575 : vector<16x1xi32> to vector<16xi32>
        %gather3A_1577 = tpu.dynamic_gather %get3A_291[%gather3A_1576] in [0] : vector<16xi32>, vector<16xi32> -> vector<16xi32>
        %lt3A_1578 = arith.constant 0 : i32
        %lt3A_1579 = vector.broadcast %lt3A_1578 : i32 to vector<16xi32>
        %lt3A_1580 = arith.cmpi slt, %broadcast_in_dim3A_28, %lt3A_1579 : vector<16xi32>
        %add3A_1581 = arith.constant 16 : i32
        %add3A_1582 = vector.broadcast %add3A_1581 : i32 to vector<16xi32>
        %add3A_1583 = arith.addi %broadcast_in_dim3A_28, %add3A_1582 : vector<16xi32>
        %select_n3A_1584 = arith.select %lt3A_1580, %add3A_1583, %broadcast_in_dim3A_28 : vector<16xi1>, vector<16xi32>
        %broadcast_in_dim3A_1585 = vector.shape_cast %select_n3A_1584 : vector<16xi32> to vector<16x1xi32>
        %gather3A_1586 = vector.shape_cast %broadcast_in_dim3A_1585 : vector<16x1xi32> to vector<16xi32>
        %gather3A_1587 = tpu.dynamic_gather %bitcast3A[%gather3A_1586] in [0] : vector<16xf32>, vector<16xi32> -> vector<16xf32>
        %gather3A_1588 = tpu.vector_load_idx %arg14[%gather3A_1567, %add3A_32] : memref<1860x32xi32, #tpu.memory_space<vmem>>[vector<16xi32>, vector<16xi32>], vector<16xi32>,
        %bitcast3A_1589 = vector.bitcast %gather3A_1588 : vector<16xi32> to vector<32xbf16>
        %unpack3A_1590 = tpu.unpack_subelements %bitcast3A_1589, 0 {pack_format = #tpu.pack_format<interleaved>} : vector<32xbf16> -> vector<16xf32>
        %unpack3A_1591 = tpu.unpack_subelements %bitcast3A_1589, 1 {pack_format = #tpu.pack_format<interleaved>} : vector<32xbf16> -> vector<16xf32>
        %gather3A_1592 = tpu.vector_load_idx %arg14[%gather3A_1567, %add3A_36] : memref<1860x32xi32, #tpu.memory_space<vmem>>[vector<16xi32>, vector<16xi32>], vector<16xi32>,
        %bitcast3A_1593 = vector.bitcast %gather3A_1592 : vector<16xi32> to vector<32xbf16>
        %unpack3A_1594 = tpu.unpack_subelements %bitcast3A_1593, 0 {pack_format = #tpu.pack_format<interleaved>} : vector<32xbf16> -> vector<16xf32>
        %unpack3A_1595 = tpu.unpack_subelements %bitcast3A_1593, 1 {pack_format = #tpu.pack_format<interleaved>} : vector<32xbf16> -> vector<16xf32>
        %gather3A_1596 = tpu.vector_load_idx %arg15[%gather3A_1577, %add3A_32] : memref<25x32xi32, #tpu.memory_space<vmem>>[vector<16xi32>, vector<16xi32>], vector<16xi32>,
        %bitcast3A_1597 = vector.bitcast %gather3A_1596 : vector<16xi32> to vector<32xbf16>
        %unpack3A_1598 = tpu.unpack_subelements %bitcast3A_1597, 0 {pack_format = #tpu.pack_format<interleaved>} : vector<32xbf16> -> vector<16xf32>
        %unpack3A_1599 = tpu.unpack_subelements %bitcast3A_1597, 1 {pack_format = #tpu.pack_format<interleaved>} : vector<32xbf16> -> vector<16xf32>
        %gather3A_1600 = tpu.vector_load_idx %arg15[%gather3A_1577, %add3A_36] : memref<25x32xi32, #tpu.memory_space<vmem>>[vector<16xi32>, vector<16xi32>], vector<16xi32>,
        %bitcast3A_1601 = vector.bitcast %gather3A_1600 : vector<16xi32> to vector<32xbf16>
        %unpack3A_1602 = tpu.unpack_subelements %bitcast3A_1601, 0 {pack_format = #tpu.pack_format<interleaved>} : vector<32xbf16> -> vector<16xf32>
        %unpack3A_1603 = tpu.unpack_subelements %bitcast3A_1601, 1 {pack_format = #tpu.pack_format<interleaved>} : vector<32xbf16> -> vector<16xf32>
        %get3A_1604 = arith.index_cast %add3A_1557 : i32 to index
        %get3A_1605 = arith.constant 0 : index
        %get3A_1606 = tpu.vector_load %arg11[%get3A_1604, %get3A_1605] {strides = array<i32>} : memref<256x32xi32, #tpu.memory_space<vmem>>, vector<16xi32>,
        %bitcast3A_1607 = vector.bitcast %get3A_1606 : vector<16xi32> to vector<32xbf16>
        %unpack3A_1608 = tpu.unpack_subelements %bitcast3A_1607, 0 {pack_format = #tpu.pack_format<interleaved>} : vector<32xbf16> -> vector<16xf32>
        %unpack3A_1609 = tpu.unpack_subelements %bitcast3A_1607, 1 {pack_format = #tpu.pack_format<interleaved>} : vector<32xbf16> -> vector<16xf32>
        %get3A_1610 = arith.index_cast %add3A_1557 : i32 to index
        %get3A_1611 = arith.constant 16 : index
        %get3A_1612 = tpu.vector_load %arg11[%get3A_1610, %get3A_1611] {strides = array<i32>} : memref<256x32xi32, #tpu.memory_space<vmem>>, vector<16xi32>,
        %bitcast3A_1613 = vector.bitcast %get3A_1612 : vector<16xi32> to vector<32xbf16>
        %unpack3A_1614 = tpu.unpack_subelements %bitcast3A_1613, 0 {pack_format = #tpu.pack_format<interleaved>} : vector<32xbf16> -> vector<16xf32>
        %unpack3A_1615 = tpu.unpack_subelements %bitcast3A_1613, 1 {pack_format = #tpu.pack_format<interleaved>} : vector<32xbf16> -> vector<16xf32>
        %add3A_1616 = arith.addf %unpack3A_1608, %unpack3A_1590 : vector<16xf32>
        %add3A_1617 = arith.addf %add3A_1616, %unpack3A_1598 : vector<16xf32>
        %mul3A_1618 = arith.mulf %gather3A_1587, %get3A_221 : vector<16xf32>
        %add3A_1619 = arith.addf %add3A_1617, %mul3A_1618 : vector<16xf32>
        %swap3A_1620 = arith.index_cast %add3A_1557 : i32 to index
        %swap3A_1621 = arith.constant 0 : index
        %swap3A_1622 = tpu.vector_load %arg13[%swap3A_1620, %swap3A_1621] {strides = array<i32>} : memref<256x64xf32, #tpu.memory_space<vmem>>, vector<16xf32>,
        tpu.vector_store %arg13[%swap3A_1620, %swap3A_1621], %add3A_1619 {strides = array<i32>} : memref<256x64xf32, #tpu.memory_space<vmem>>, vector<16xf32>,
        %add3A_1623 = arith.addf %unpack3A_1609, %unpack3A_1591 : vector<16xf32>
        %add3A_1624 = arith.addf %add3A_1623, %unpack3A_1599 : vector<16xf32>
        %mul3A_1625 = arith.mulf %gather3A_1587, %get3A_223 : vector<16xf32>
        %add3A_1626 = arith.addf %add3A_1624, %mul3A_1625 : vector<16xf32>
        %swap3A_1627 = arith.index_cast %add3A_1557 : i32 to index
        %swap3A_1628 = arith.constant 16 : index
        %swap3A_1629 = tpu.vector_load %arg13[%swap3A_1627, %swap3A_1628] {strides = array<i32>} : memref<256x64xf32, #tpu.memory_space<vmem>>, vector<16xf32>,
        tpu.vector_store %arg13[%swap3A_1627, %swap3A_1628], %add3A_1626 {strides = array<i32>} : memref<256x64xf32, #tpu.memory_space<vmem>>, vector<16xf32>,
        %add3A_1630 = arith.addf %unpack3A_1614, %unpack3A_1594 : vector<16xf32>
        %add3A_1631 = arith.addf %add3A_1630, %unpack3A_1602 : vector<16xf32>
        %mul3A_1632 = arith.mulf %gather3A_1587, %get3A_225 : vector<16xf32>
        %add3A_1633 = arith.addf %add3A_1631, %mul3A_1632 : vector<16xf32>
        %swap3A_1634 = arith.index_cast %add3A_1557 : i32 to index
        %swap3A_1635 = arith.constant 32 : index
        %swap3A_1636 = tpu.vector_load %arg13[%swap3A_1634, %swap3A_1635] {strides = array<i32>} : memref<256x64xf32, #tpu.memory_space<vmem>>, vector<16xf32>,
        tpu.vector_store %arg13[%swap3A_1634, %swap3A_1635], %add3A_1633 {strides = array<i32>} : memref<256x64xf32, #tpu.memory_space<vmem>>, vector<16xf32>,
        %add3A_1637 = arith.addf %unpack3A_1615, %unpack3A_1595 : vector<16xf32>
        %add3A_1638 = arith.addf %add3A_1637, %unpack3A_1603 : vector<16xf32>
        %mul3A_1639 = arith.mulf %gather3A_1587, %get3A_227 : vector<16xf32>
        %add3A_1640 = arith.addf %add3A_1638, %mul3A_1639 : vector<16xf32>
        %swap3A_1641 = arith.index_cast %add3A_1557 : i32 to index
        %swap3A_1642 = arith.constant 48 : index
        %swap3A_1643 = tpu.vector_load %arg13[%swap3A_1641, %swap3A_1642] {strides = array<i32>} : memref<256x64xf32, #tpu.memory_space<vmem>>, vector<16xf32>,
        tpu.vector_store %arg13[%swap3A_1641, %swap3A_1642], %add3A_1640 {strides = array<i32>} : memref<256x64xf32, #tpu.memory_space<vmem>>, vector<16xf32>,
        %mul3A_1644 = arith.constant 16 : i32
        %mul3A_1645 = arith.muli %scan3A_248, %mul3A_1644 : i32
        %add3A_1646 = arith.constant 15 : i32
        %add3A_1647 = arith.addi %mul3A_1645, %add3A_1646 : i32
        %lt3A_1648 = arith.constant 0 : i32
        %lt3A_1649 = vector.broadcast %lt3A_1648 : i32 to vector<16xi32>
        %lt3A_1650 = arith.cmpi slt, %broadcast_in_dim3A_30, %lt3A_1649 : vector<16xi32>
        %add3A_1651 = arith.constant 16 : i32
        %add3A_1652 = vector.broadcast %add3A_1651 : i32 to vector<16xi32>
        %add3A_1653 = arith.addi %broadcast_in_dim3A_30, %add3A_1652 : vector<16xi32>
        %select_n3A_1654 = arith.select %lt3A_1650, %add3A_1653, %broadcast_in_dim3A_30 : vector<16xi1>, vector<16xi32>
        %broadcast_in_dim3A_1655 = vector.shape_cast %select_n3A_1654 : vector<16xi32> to vector<16x1xi32>
        %gather3A_1656 = vector.shape_cast %broadcast_in_dim3A_1655 : vector<16x1xi32> to vector<16xi32>
        %gather3A_1657 = tpu.dynamic_gather %get3A_286[%gather3A_1656] in [0] : vector<16xi32>, vector<16xi32> -> vector<16xi32>
        %lt3A_1658 = arith.constant 0 : i32
        %lt3A_1659 = vector.broadcast %lt3A_1658 : i32 to vector<16xi32>
        %lt3A_1660 = arith.cmpi slt, %broadcast_in_dim3A_30, %lt3A_1659 : vector<16xi32>
        %add3A_1661 = arith.constant 16 : i32
        %add3A_1662 = vector.broadcast %add3A_1661 : i32 to vector<16xi32>
        %add3A_1663 = arith.addi %broadcast_in_dim3A_30, %add3A_1662 : vector<16xi32>
        %select_n3A_1664 = arith.select %lt3A_1660, %add3A_1663, %broadcast_in_dim3A_30 : vector<16xi1>, vector<16xi32>
        %broadcast_in_dim3A_1665 = vector.shape_cast %select_n3A_1664 : vector<16xi32> to vector<16x1xi32>
        %gather3A_1666 = vector.shape_cast %broadcast_in_dim3A_1665 : vector<16x1xi32> to vector<16xi32>
        %gather3A_1667 = tpu.dynamic_gather %get3A_291[%gather3A_1666] in [0] : vector<16xi32>, vector<16xi32> -> vector<16xi32>
        %lt3A_1668 = arith.constant 0 : i32
        %lt3A_1669 = vector.broadcast %lt3A_1668 : i32 to vector<16xi32>
        %lt3A_1670 = arith.cmpi slt, %broadcast_in_dim3A_30, %lt3A_1669 : vector<16xi32>
        %add3A_1671 = arith.constant 16 : i32
        %add3A_1672 = vector.broadcast %add3A_1671 : i32 to vector<16xi32>
        %add3A_1673 = arith.addi %broadcast_in_dim3A_30, %add3A_1672 : vector<16xi32>
        %select_n3A_1674 = arith.select %lt3A_1670, %add3A_1673, %broadcast_in_dim3A_30 : vector<16xi1>, vector<16xi32>
        %broadcast_in_dim3A_1675 = vector.shape_cast %select_n3A_1674 : vector<16xi32> to vector<16x1xi32>
        %gather3A_1676 = vector.shape_cast %broadcast_in_dim3A_1675 : vector<16x1xi32> to vector<16xi32>
        %gather3A_1677 = tpu.dynamic_gather %bitcast3A[%gather3A_1676] in [0] : vector<16xf32>, vector<16xi32> -> vector<16xf32>
        %gather3A_1678 = tpu.vector_load_idx %arg14[%gather3A_1657, %add3A_32] : memref<1860x32xi32, #tpu.memory_space<vmem>>[vector<16xi32>, vector<16xi32>], vector<16xi32>,
        %bitcast3A_1679 = vector.bitcast %gather3A_1678 : vector<16xi32> to vector<32xbf16>
        %unpack3A_1680 = tpu.unpack_subelements %bitcast3A_1679, 0 {pack_format = #tpu.pack_format<interleaved>} : vector<32xbf16> -> vector<16xf32>
        %unpack3A_1681 = tpu.unpack_subelements %bitcast3A_1679, 1 {pack_format = #tpu.pack_format<interleaved>} : vector<32xbf16> -> vector<16xf32>
        %gather3A_1682 = tpu.vector_load_idx %arg14[%gather3A_1657, %add3A_36] : memref<1860x32xi32, #tpu.memory_space<vmem>>[vector<16xi32>, vector<16xi32>], vector<16xi32>,
        %bitcast3A_1683 = vector.bitcast %gather3A_1682 : vector<16xi32> to vector<32xbf16>
        %unpack3A_1684 = tpu.unpack_subelements %bitcast3A_1683, 0 {pack_format = #tpu.pack_format<interleaved>} : vector<32xbf16> -> vector<16xf32>
        %unpack3A_1685 = tpu.unpack_subelements %bitcast3A_1683, 1 {pack_format = #tpu.pack_format<interleaved>} : vector<32xbf16> -> vector<16xf32>
        %gather3A_1686 = tpu.vector_load_idx %arg15[%gather3A_1667, %add3A_32] : memref<25x32xi32, #tpu.memory_space<vmem>>[vector<16xi32>, vector<16xi32>], vector<16xi32>,
        %bitcast3A_1687 = vector.bitcast %gather3A_1686 : vector<16xi32> to vector<32xbf16>
        %unpack3A_1688 = tpu.unpack_subelements %bitcast3A_1687, 0 {pack_format = #tpu.pack_format<interleaved>} : vector<32xbf16> -> vector<16xf32>
        %unpack3A_1689 = tpu.unpack_subelements %bitcast3A_1687, 1 {pack_format = #tpu.pack_format<interleaved>} : vector<32xbf16> -> vector<16xf32>
        %gather3A_1690 = tpu.vector_load_idx %arg15[%gather3A_1667, %add3A_36] : memref<25x32xi32, #tpu.memory_space<vmem>>[vector<16xi32>, vector<16xi32>], vector<16xi32>,
        %bitcast3A_1691 = vector.bitcast %gather3A_1690 : vector<16xi32> to vector<32xbf16>
        %unpack3A_1692 = tpu.unpack_subelements %bitcast3A_1691, 0 {pack_format = #tpu.pack_format<interleaved>} : vector<32xbf16> -> vector<16xf32>
        %unpack3A_1693 = tpu.unpack_subelements %bitcast3A_1691, 1 {pack_format = #tpu.pack_format<interleaved>} : vector<32xbf16> -> vector<16xf32>
        %get3A_1694 = arith.index_cast %add3A_1647 : i32 to index
        %get3A_1695 = arith.constant 0 : index
        %get3A_1696 = tpu.vector_load %arg11[%get3A_1694, %get3A_1695] {strides = array<i32>} : memref<256x32xi32, #tpu.memory_space<vmem>>, vector<16xi32>,
        %bitcast3A_1697 = vector.bitcast %get3A_1696 : vector<16xi32> to vector<32xbf16>
        %unpack3A_1698 = tpu.unpack_subelements %bitcast3A_1697, 0 {pack_format = #tpu.pack_format<interleaved>} : vector<32xbf16> -> vector<16xf32>
        %unpack3A_1699 = tpu.unpack_subelements %bitcast3A_1697, 1 {pack_format = #tpu.pack_format<interleaved>} : vector<32xbf16> -> vector<16xf32>
        %get3A_1700 = arith.index_cast %add3A_1647 : i32 to index
        %get3A_1701 = arith.constant 16 : index
        %get3A_1702 = tpu.vector_load %arg11[%get3A_1700, %get3A_1701] {strides = array<i32>} : memref<256x32xi32, #tpu.memory_space<vmem>>, vector<16xi32>,
        %bitcast3A_1703 = vector.bitcast %get3A_1702 : vector<16xi32> to vector<32xbf16>
        %unpack3A_1704 = tpu.unpack_subelements %bitcast3A_1703, 0 {pack_format = #tpu.pack_format<interleaved>} : vector<32xbf16> -> vector<16xf32>
        %unpack3A_1705 = tpu.unpack_subelements %bitcast3A_1703, 1 {pack_format = #tpu.pack_format<interleaved>} : vector<32xbf16> -> vector<16xf32>
        %add3A_1706 = arith.addf %unpack3A_1698, %unpack3A_1680 : vector<16xf32>
        %add3A_1707 = arith.addf %add3A_1706, %unpack3A_1688 : vector<16xf32>
        %mul3A_1708 = arith.mulf %gather3A_1677, %get3A_221 : vector<16xf32>
        %add3A_1709 = arith.addf %add3A_1707, %mul3A_1708 : vector<16xf32>
        %swap3A_1710 = arith.index_cast %add3A_1647 : i32 to index
        %swap3A_1711 = arith.constant 0 : index
        %swap3A_1712 = tpu.vector_load %arg13[%swap3A_1710, %swap3A_1711] {strides = array<i32>} : memref<256x64xf32, #tpu.memory_space<vmem>>, vector<16xf32>,
        tpu.vector_store %arg13[%swap3A_1710, %swap3A_1711], %add3A_1709 {strides = array<i32>} : memref<256x64xf32, #tpu.memory_space<vmem>>, vector<16xf32>,
        %add3A_1713 = arith.addf %unpack3A_1699, %unpack3A_1681 : vector<16xf32>
        %add3A_1714 = arith.addf %add3A_1713, %unpack3A_1689 : vector<16xf32>
        %mul3A_1715 = arith.mulf %gather3A_1677, %get3A_223 : vector<16xf32>
        %add3A_1716 = arith.addf %add3A_1714, %mul3A_1715 : vector<16xf32>
        %swap3A_1717 = arith.index_cast %add3A_1647 : i32 to index
        %swap3A_1718 = arith.constant 16 : index
        %swap3A_1719 = tpu.vector_load %arg13[%swap3A_1717, %swap3A_1718] {strides = array<i32>} : memref<256x64xf32, #tpu.memory_space<vmem>>, vector<16xf32>,
        tpu.vector_store %arg13[%swap3A_1717, %swap3A_1718], %add3A_1716 {strides = array<i32>} : memref<256x64xf32, #tpu.memory_space<vmem>>, vector<16xf32>,
        %add3A_1720 = arith.addf %unpack3A_1704, %unpack3A_1684 : vector<16xf32>
        %add3A_1721 = arith.addf %add3A_1720, %unpack3A_1692 : vector<16xf32>
        %mul3A_1722 = arith.mulf %gather3A_1677, %get3A_225 : vector<16xf32>
        %add3A_1723 = arith.addf %add3A_1721, %mul3A_1722 : vector<16xf32>
        %swap3A_1724 = arith.index_cast %add3A_1647 : i32 to index
        %swap3A_1725 = arith.constant 32 : index
        %swap3A_1726 = tpu.vector_load %arg13[%swap3A_1724, %swap3A_1725] {strides = array<i32>} : memref<256x64xf32, #tpu.memory_space<vmem>>, vector<16xf32>,
        tpu.vector_store %arg13[%swap3A_1724, %swap3A_1725], %add3A_1723 {strides = array<i32>} : memref<256x64xf32, #tpu.memory_space<vmem>>, vector<16xf32>,
        %add3A_1727 = arith.addf %unpack3A_1705, %unpack3A_1685 : vector<16xf32>
        %add3A_1728 = arith.addf %add3A_1727, %unpack3A_1693 : vector<16xf32>
        %mul3A_1729 = arith.mulf %gather3A_1677, %get3A_227 : vector<16xf32>
        %add3A_1730 = arith.addf %add3A_1728, %mul3A_1729 : vector<16xf32>
        %swap3A_1731 = arith.index_cast %add3A_1647 : i32 to index
        %swap3A_1732 = arith.constant 48 : index
        %swap3A_1733 = tpu.vector_load %arg13[%swap3A_1731, %swap3A_1732] {strides = array<i32>} : memref<256x64xf32, #tpu.memory_space<vmem>>, vector<16xf32>,
        tpu.vector_store %arg13[%swap3A_1731, %swap3A_1732], %add3A_1730 {strides = array<i32>} : memref<256x64xf32, #tpu.memory_space<vmem>>, vector<16xf32>,
      }
      %scan3A_233 = arith.constant 16 : i32
      %add3A_234 = arith.constant 1 : i32
      %add3A_235 = arith.addi %mul3A_103, %add3A_234 : i32
      %mul3A_236 = arith.constant 256 : i32
      %mul3A_237 = arith.muli %add3A_235, %mul3A_236 : i32
      %add3A_238 = arith.addi %mul3A_42, %mul3A_237 : i32
      %dma_start3A_239 = arith.constant 0 : i32
      %dma_start3A_240 = tpu.memref_slice %arg7[%add3A_238, %dma_start3A_239] : memref<819200x64xf32, #tpu.memory_space<hbm>> -> memref<256x64xf32, #tpu.memory_space<hbm>>
      %dma_start3A_241 = arith.constant 0 : i32
      %dma_start3A_242 = tpu.memref_slice %arg7[%add3A_238, %dma_start3A_241] : memref<819200x64xf32, #tpu.memory_space<hbm>> -> memref<256x64xf32, #tpu.memory_space<hbm>>
      tpu.enqueue_dma source(%arg13 : memref<256x64xf32, #tpu.memory_space<vmem>>) target(%dma_start3A_242 : memref<256x64xf32, #tpu.memory_space<hbm>>) target_semaphore(%arg22 : memref<!tpu.dma_semaphore, #tpu.memory_space<semaphore_mem>>)
      %lt3A_243 = arith.constant 49 : i32
      %lt3A_244 = arith.cmpi slt, %scan3A_101, %lt3A_243 : i32
      %convert_element_type3A_245 = arith.extui %lt3A_244 : i1 to i32
      %cond3A_246 = arith.constant 0 : i32
      %cond3A_247 = arith.cmpi ne, %convert_element_type3A_245, %cond3A_246 : i32
      scf.if %cond3A_247 {
        %add3A_248 = arith.constant 3 : i32
        %add3A_249 = arith.addi %mul3A_103, %add3A_248 : i32
        %add3A_250 = arith.addi %mul3A_40, %add3A_249 : i32
        %dma_start3A_251 = arith.constant 0 : i32
        %dma_start3A_252 = arith.constant 0 : i32
        %dma_start3A_253 = tpu.memref_slice %arg2[%add3A_250, %dma_start3A_251, %dma_start3A_252] : memref<3200x8x128xi32, #tpu.memory_space<hbm>> -> memref<1x8x128xi32, #tpu.memory_space<hbm>>
        %dma_start3A_254 = tpu.memref_squeeze %dma_start3A_253 : memref<1x8x128xi32, #tpu.memory_space<hbm>> -> memref<8x128xi32, #tpu.memory_space<hbm>>
        %dma_start3A_255 = arith.constant 0 : i32
        %dma_start3A_256 = arith.constant 0 : i32
        %dma_start3A_257 = tpu.memref_slice %arg2[%add3A_250, %dma_start3A_255, %dma_start3A_256] : memref<3200x8x128xi32, #tpu.memory_space<hbm>> -> memref<1x8x128xi32, #tpu.memory_space<hbm>>
        %dma_start3A_258 = tpu.memref_squeeze %dma_start3A_257 : memref<1x8x128xi32, #tpu.memory_space<hbm>> -> memref<8x128xi32, #tpu.memory_space<hbm>>
        tpu.enqueue_dma source(%dma_start3A_258 : memref<8x128xi32, #tpu.memory_space<hbm>>) target(%arg9 : memref<8x128xi32, #tpu.memory_space<vmem>>) target_semaphore(%arg18 : memref<!tpu.dma_semaphore, #tpu.memory_space<semaphore_mem>>)
      } else {
      }
    }
    %scan3A_94 = arith.constant 50 : i32
    %dma_wait3A_95 = arith.constant 0 : i32
    %dma_wait3A_96 = arith.constant 0 : i32
    %dma_wait3A_97 = tpu.memref_slice %arg7[%dma_wait3A_95, %dma_wait3A_96] : memref<819200x64xf32, #tpu.memory_space<hbm>> -> memref<256x64xf32, #tpu.memory_space<hbm>>
    %dma_wait3A_98 = arith.constant 0 : i32
    %dma_wait3A_99 = arith.constant 0 : i32
    %dma_wait3A_100 = tpu.memref_slice %arg7[%dma_wait3A_98, %dma_wait3A_99] : memref<819200x64xf32, #tpu.memory_space<hbm>> -> memref<256x64xf32, #tpu.memory_space<hbm>>
    tpu.wait_dma2 semaphore(%arg22 : memref<!tpu.dma_semaphore, #tpu.memory_space<semaphore_mem>>) src(%arg13 : memref<256x64xf32, #tpu.memory_space<vmem>>) dst(%dma_wait3A_100 : memref<256x64xf32, #tpu.memory_space<hbm>>)
    return
  }
}

module attributes {stable_mosaic.version = 14 : i64} {
  func.func @body(%arg0: memref<1860x16xf32, #tpu.memory_space<vmem>>, %arg1: memref<25x16xf32, #tpu.memory_space<vmem>>, %arg2: memref<64x16xf32, #tpu.memory_space<vmem>>, %arg3: memref<64x16xf32, #tpu.memory_space<vmem>>, %arg4: memref<64x16xf32, #tpu.memory_space<vmem>>, %arg5: memref<16x1xf32, #tpu.memory_space<vmem>>, %arg6: memref<1x16xf32, #tpu.memory_space<vmem>>, %arg7: memref<1x64xf32, #tpu.memory_space<vmem>>, %arg8: memref<1860x32xi32, #tpu.memory_space<vmem>>, %arg9: memref<25x32xi32, #tpu.memory_space<vmem>>, %arg10: memref<1x64xf32, #tpu.memory_space<vmem>>) attributes {dimension_semantics = [], scalar_prefetch = 0 : i64, scratch_operands = 0 : i64, tpu.core_type = #tpu.core_type<tc>} {
    %get3A = arith.constant 0 : index
    %get3A_0 = arith.constant 0 : index
    %get3A_1 = vector.load %arg0[%get3A, %get3A_0] : memref<1860x16xf32, #tpu.memory_space<vmem>>, vector<1860x16xf32>
    %get3A_2 = arith.constant 0 : index
    %get3A_3 = arith.constant 0 : index
    %get3A_4 = vector.load %arg2[%get3A_2, %get3A_3] : memref<64x16xf32, #tpu.memory_space<vmem>>, vector<64x16xf32>
    %dot_general3A = arith.constant dense<0.000000e+00> : vector<1860x64xf32>
    %dot_general3A_5 = tpu.matmul %get3A_1, %get3A_4, %dot_general3A {dimension_numbers = #tpu.dot_dimension_numbers<[1], [1], [0], [0], [0, 0, 1, 0], [], []>, transpose_lhs_hint = false} : vector<1860x16xf32>, vector<64x16xf32>, vector<1860x64xf32> -> vector<1860x64xf32>
    %slice3A = vector.extract_strided_slice %dot_general3A_5 {offsets = [0, 0], sizes = [1860, 16], strides = [1, 1]} : vector<1860x64xf32> to vector<1860x16xf32>
    %slice3A_6 = vector.extract_strided_slice %dot_general3A_5 {offsets = [0, 32], sizes = [1860, 16], strides = [1, 1]} : vector<1860x64xf32> to vector<1860x16xf32>
    %concatenate3A = tpu.concatenate %slice3A, %slice3A_6 in 1 : vector<1860x16xf32>, vector<1860x16xf32> -> vector<1860x32xf32>
    %slice3A_7 = vector.extract_strided_slice %dot_general3A_5 {offsets = [0, 16], sizes = [1860, 16], strides = [1, 1]} : vector<1860x64xf32> to vector<1860x16xf32>
    %slice3A_8 = vector.extract_strided_slice %dot_general3A_5 {offsets = [0, 48], sizes = [1860, 16], strides = [1, 1]} : vector<1860x64xf32> to vector<1860x16xf32>
    %concatenate3A_9 = tpu.concatenate %slice3A_7, %slice3A_8 in 1 : vector<1860x16xf32>, vector<1860x16xf32> -> vector<1860x32xf32>
    %convert_element_type3A = arith.truncf %concatenate3A : vector<1860x32xf32> to vector<1860x32xbf16>
    %bitcast_convert_type3A = tpu.bitcast %convert_element_type3A : vector<1860x32xbf16> -> vector<1860x32xi16>
    %convert_element_type3A_10 = arith.truncf %concatenate3A_9 : vector<1860x32xf32> to vector<1860x32xbf16>
    %bitcast_convert_type3A_11 = tpu.bitcast %convert_element_type3A_10 : vector<1860x32xbf16> -> vector<1860x32xi16>
    %convert_element_type3A_12 = arith.extui %bitcast_convert_type3A : vector<1860x32xi16> to vector<1860x32xi32>
    %convert_element_type3A_13 = arith.extui %bitcast_convert_type3A_11 : vector<1860x32xi16> to vector<1860x32xi32>
    %shift_left3A = arith.constant 16 : i32
    %shift_left3A_14 = vector.broadcast %shift_left3A : i32 to vector<1860x32xi32>
    %shift_left3A_15 = arith.shli %convert_element_type3A_13, %shift_left3A_14 : vector<1860x32xi32>
    %or3A = arith.ori %convert_element_type3A_12, %shift_left3A_15 : vector<1860x32xi32>
    %bitcast_convert_type3A_16 = tpu.bitcast %or3A : vector<1860x32xi32> -> vector<1860x32xi32>
    %swap3A = arith.constant 0 : index
    %swap3A_17 = arith.constant 0 : index
    %swap3A_18 = vector.load %arg8[%swap3A, %swap3A_17] : memref<1860x32xi32, #tpu.memory_space<vmem>>, vector<1860x32xi32>
    tpu.vector_store %arg8[%swap3A, %swap3A_17], %bitcast_convert_type3A_16 {strides = array<i32>} : memref<1860x32xi32, #tpu.memory_space<vmem>>, vector<1860x32xi32>,
    %get3A_19 = arith.constant 0 : index
    %get3A_20 = arith.constant 0 : index
    %get3A_21 = vector.load %arg6[%get3A_19, %get3A_20] : memref<1x16xf32, #tpu.memory_space<vmem>>, vector<1x16xf32>
    %get3A_22 = arith.constant 0 : index
    %get3A_23 = arith.constant 0 : index
    %get3A_24 = vector.load %arg4[%get3A_22, %get3A_23] : memref<64x16xf32, #tpu.memory_space<vmem>>, vector<64x16xf32>
    %dot_general3A_25 = arith.constant dense<0.000000e+00> : vector<1x64xf32>
    %dot_general3A_26 = tpu.matmul %get3A_21, %get3A_24, %dot_general3A_25 {dimension_numbers = #tpu.dot_dimension_numbers<[1], [1], [0], [0], [0, 0, 1, 0], [], []>, transpose_lhs_hint = false} : vector<1x16xf32>, vector<64x16xf32>, vector<1x64xf32> -> vector<1x64xf32>
    %get3A_27 = arith.constant 0 : index
    %get3A_28 = arith.constant 0 : index
    %get3A_29 = vector.load %arg7[%get3A_27, %get3A_28] : memref<1x64xf32, #tpu.memory_space<vmem>>, vector<1x64xf32>
    %add3A = arith.addf %dot_general3A_26, %get3A_29 : vector<1x64xf32>
    %get3A_30 = arith.constant 0 : index
    %get3A_31 = arith.constant 0 : index
    %get3A_32 = vector.load %arg1[%get3A_30, %get3A_31] : memref<25x16xf32, #tpu.memory_space<vmem>>, vector<25x16xf32>
    %get3A_33 = arith.constant 0 : index
    %get3A_34 = arith.constant 0 : index
    %get3A_35 = vector.load %arg3[%get3A_33, %get3A_34] : memref<64x16xf32, #tpu.memory_space<vmem>>, vector<64x16xf32>
    %dot_general3A_36 = arith.constant dense<0.000000e+00> : vector<25x64xf32>
    %dot_general3A_37 = tpu.matmul %get3A_32, %get3A_35, %dot_general3A_36 {dimension_numbers = #tpu.dot_dimension_numbers<[1], [1], [0], [0], [0, 0, 1, 0], [], []>, transpose_lhs_hint = false} : vector<25x16xf32>, vector<64x16xf32>, vector<25x64xf32> -> vector<25x64xf32>
    %add3A_38 = vector.broadcast %add3A : vector<1x64xf32> to vector<25x64xf32>
    %add3A_39 = arith.addf %dot_general3A_37, %add3A_38 : vector<25x64xf32>
    %slice3A_40 = vector.extract_strided_slice %add3A_39 {offsets = [0, 0], sizes = [25, 16], strides = [1, 1]} : vector<25x64xf32> to vector<25x16xf32>
    %slice3A_41 = vector.extract_strided_slice %add3A_39 {offsets = [0, 32], sizes = [25, 16], strides = [1, 1]} : vector<25x64xf32> to vector<25x16xf32>
    %concatenate3A_42 = tpu.concatenate %slice3A_40, %slice3A_41 in 1 : vector<25x16xf32>, vector<25x16xf32> -> vector<25x32xf32>
    %slice3A_43 = vector.extract_strided_slice %add3A_39 {offsets = [0, 16], sizes = [25, 16], strides = [1, 1]} : vector<25x64xf32> to vector<25x16xf32>
    %slice3A_44 = vector.extract_strided_slice %add3A_39 {offsets = [0, 48], sizes = [25, 16], strides = [1, 1]} : vector<25x64xf32> to vector<25x16xf32>
    %concatenate3A_45 = tpu.concatenate %slice3A_43, %slice3A_44 in 1 : vector<25x16xf32>, vector<25x16xf32> -> vector<25x32xf32>
    %convert_element_type3A_46 = arith.truncf %concatenate3A_42 : vector<25x32xf32> to vector<25x32xbf16>
    %bitcast_convert_type3A_47 = tpu.bitcast %convert_element_type3A_46 : vector<25x32xbf16> -> vector<25x32xi16>
    %convert_element_type3A_48 = arith.truncf %concatenate3A_45 : vector<25x32xf32> to vector<25x32xbf16>
    %bitcast_convert_type3A_49 = tpu.bitcast %convert_element_type3A_48 : vector<25x32xbf16> -> vector<25x32xi16>
    %convert_element_type3A_50 = arith.extui %bitcast_convert_type3A_47 : vector<25x32xi16> to vector<25x32xi32>
    %convert_element_type3A_51 = arith.extui %bitcast_convert_type3A_49 : vector<25x32xi16> to vector<25x32xi32>
    %shift_left3A_52 = arith.constant 16 : i32
    %shift_left3A_53 = vector.broadcast %shift_left3A_52 : i32 to vector<25x32xi32>
    %shift_left3A_54 = arith.shli %convert_element_type3A_51, %shift_left3A_53 : vector<25x32xi32>
    %or3A_55 = arith.ori %convert_element_type3A_50, %shift_left3A_54 : vector<25x32xi32>
    %bitcast_convert_type3A_56 = tpu.bitcast %or3A_55 : vector<25x32xi32> -> vector<25x32xi32>
    %swap3A_57 = arith.constant 0 : index
    %swap3A_58 = arith.constant 0 : index
    %swap3A_59 = vector.load %arg9[%swap3A_57, %swap3A_58] : memref<25x32xi32, #tpu.memory_space<vmem>>, vector<25x32xi32>
    tpu.vector_store %arg9[%swap3A_57, %swap3A_58], %bitcast_convert_type3A_56 {strides = array<i32>} : memref<25x32xi32, #tpu.memory_space<vmem>>, vector<25x32xi32>,
    %get3A_60 = arith.constant 0 : index
    %get3A_61 = arith.constant 0 : index
    %get3A_62 = vector.load %arg5[%get3A_60, %get3A_61] : memref<16x1xf32, #tpu.memory_space<vmem>>, vector<16x1xf32>
    %get3A_63 = arith.constant 0 : index
    %get3A_64 = arith.constant 0 : index
    %get3A_65 = vector.load %arg4[%get3A_63, %get3A_64] : memref<64x16xf32, #tpu.memory_space<vmem>>, vector<64x16xf32>
    %dot_general3A_66 = arith.constant dense<0.000000e+00> : vector<1x64xf32>
    %dot_general3A_67 = tpu.matmul %get3A_62, %get3A_65, %dot_general3A_66 {dimension_numbers = #tpu.dot_dimension_numbers<[0], [1], [1], [0], [0, 1, 1, 0], [], []>, transpose_lhs_hint = false} : vector<16x1xf32>, vector<64x16xf32>, vector<1x64xf32> -> vector<1x64xf32>
    %swap3A_68 = arith.constant 0 : index
    %swap3A_69 = arith.constant 0 : index
    %swap3A_70 = vector.load %arg10[%swap3A_68, %swap3A_69] : memref<1x64xf32, #tpu.memory_space<vmem>>, vector<1x64xf32>
    tpu.vector_store %arg10[%swap3A_68, %swap3A_69], %dot_general3A_67 {strides = array<i32>} : memref<1x64xf32, #tpu.memory_space<vmem>>, vector<1x64xf32>,
    return
  }
}

module attributes {stable_mosaic.version = 14 : i64} {
  func.func @body(%arg0: i32, %arg1: memref<2048x64xf32, #tpu.memory_space<vmem>>, %arg2: memref<64x64xf32, #tpu.memory_space<vmem>>, %arg3: memref<2048x32xi32, #tpu.memory_space<vmem>>) attributes {dimension_semantics = [#tpu.dimension_semantics<arbitrary>], iteration_bounds = array<i64: 49>, scalar_prefetch = 0 : i64, scratch_operands = 0 : i64, tpu.core_type = #tpu.core_type<tc>, window_params = [{transform_indices = @transform_0, window_bounds = array<i64: 2048, 64>}, {pipeline_mode = #tpu.pipeline_mode<synchronous>, transform_indices = @transform_1, window_bounds = array<i64: 64, 64>}, {transform_indices = @transform_2, window_bounds = array<i64: 2048, 32>}]} {
    %get3A = arith.constant 0 : index
    %get3A_0 = arith.constant 0 : index
    %get3A_1 = vector.load %arg1[%get3A, %get3A_0] : memref<2048x64xf32, #tpu.memory_space<vmem>>, vector<2048x64xf32>
    %get3A_2 = arith.constant 0 : index
    %get3A_3 = arith.constant 0 : index
    %get3A_4 = vector.load %arg2[%get3A_2, %get3A_3] : memref<64x64xf32, #tpu.memory_space<vmem>>, vector<64x64xf32>
    %dot_general3A = arith.constant dense<0.000000e+00> : vector<2048x64xf32>
    %dot_general3A_5 = tpu.matmul %get3A_1, %get3A_4, %dot_general3A {dimension_numbers = #tpu.dot_dimension_numbers<[1], [1], [0], [0], [0, 0, 1, 0], [], []>, transpose_lhs_hint = false} : vector<2048x64xf32>, vector<64x64xf32>, vector<2048x64xf32> -> vector<2048x64xf32>
    %slice3A = vector.extract_strided_slice %dot_general3A_5 {offsets = [0, 0], sizes = [2048, 16], strides = [1, 1]} : vector<2048x64xf32> to vector<2048x16xf32>
    %slice3A_6 = vector.extract_strided_slice %dot_general3A_5 {offsets = [0, 32], sizes = [2048, 16], strides = [1, 1]} : vector<2048x64xf32> to vector<2048x16xf32>
    %concatenate3A = tpu.concatenate %slice3A, %slice3A_6 in 1 : vector<2048x16xf32>, vector<2048x16xf32> -> vector<2048x32xf32>
    %slice3A_7 = vector.extract_strided_slice %dot_general3A_5 {offsets = [0, 16], sizes = [2048, 16], strides = [1, 1]} : vector<2048x64xf32> to vector<2048x16xf32>
    %slice3A_8 = vector.extract_strided_slice %dot_general3A_5 {offsets = [0, 48], sizes = [2048, 16], strides = [1, 1]} : vector<2048x64xf32> to vector<2048x16xf32>
    %concatenate3A_9 = tpu.concatenate %slice3A_7, %slice3A_8 in 1 : vector<2048x16xf32>, vector<2048x16xf32> -> vector<2048x32xf32>
    %convert_element_type3A = arith.truncf %concatenate3A : vector<2048x32xf32> to vector<2048x32xbf16>
    %bitcast_convert_type3A = tpu.bitcast %convert_element_type3A : vector<2048x32xbf16> -> vector<2048x32xi16>
    %convert_element_type3A_10 = arith.truncf %concatenate3A_9 : vector<2048x32xf32> to vector<2048x32xbf16>
    %bitcast_convert_type3A_11 = tpu.bitcast %convert_element_type3A_10 : vector<2048x32xbf16> -> vector<2048x32xi16>
    %convert_element_type3A_12 = arith.extui %bitcast_convert_type3A : vector<2048x32xi16> to vector<2048x32xi32>
    %convert_element_type3A_13 = arith.extui %bitcast_convert_type3A_11 : vector<2048x32xi16> to vector<2048x32xi32>
    %shift_left3A = arith.constant 16 : i32
    %shift_left3A_14 = vector.broadcast %shift_left3A : i32 to vector<2048x32xi32>
    %shift_left3A_15 = arith.shli %convert_element_type3A_13, %shift_left3A_14 : vector<2048x32xi32>
    %or3A = arith.ori %convert_element_type3A_12, %shift_left3A_15 : vector<2048x32xi32>
    %bitcast_convert_type3A_16 = tpu.bitcast %or3A : vector<2048x32xi32> -> vector<2048x32xi32>
    %swap3A = arith.constant 0 : index
    %swap3A_17 = arith.constant 0 : index
    %swap3A_18 = vector.load %arg3[%swap3A, %swap3A_17] : memref<2048x32xi32, #tpu.memory_space<vmem>>, vector<2048x32xi32>
    tpu.vector_store %arg3[%swap3A, %swap3A_17], %bitcast_convert_type3A_16 {strides = array<i32>} : memref<2048x32xi32, #tpu.memory_space<vmem>>, vector<2048x32xi32>,
    return
  }
  func.func @transform_0(%arg0: i32) -> (i32, i32) {
    %c0_i32 = arith.constant 0 : i32
    %c0_i32_0 = arith.constant 0 : i32
    return %arg0, %c0_i32 : i32, i32
  }
  func.func @transform_1(%arg0: i32) -> (i32, i32) {
    %c0_i32 = arith.constant 0 : i32
    %c0_i32_0 = arith.constant 0 : i32
    %c0_i32_1 = arith.constant 0 : i32
    return %c0_i32, %c0_i32_0 : i32, i32
  }
  func.func @transform_2(%arg0: i32) -> (i32, i32) {
    %c0_i32 = arith.constant 0 : i32
    %c0_i32_0 = arith.constant 0 : i32
    return %arg0, %c0_i32 : i32, i32
  }
}

</mosaic_0001>

<sc_bundles>
// kernel: kernel.5.cloned.1.call-start
scs
__scs_entry_jumppad:
0x0: {  	(pc) =	sbr.rel $0x88, $3  }
0x1: {  	(tag) =	ssettag $0x0;
	lr =	simm.s32 $0x1  }
0x2: {  	[smem:$0x3F99] =	sst lr;
	_ =	strace $0xD0000000  }
0x3: {  	_ = 	snop  }
0x4: {  	_ = 	snop  }
0x5: {  	_ = 	snop  }
0x6: {  	_ = 	snop  }
0x7: {  	_ = 	snop  }
__scs_overlays_trampoline_lowered:
0x8: {  	[smem:$0x3FA8] =	sst s0  }
0x9: {  	[smem:$0x3FA9] =	sst s1  }
0xa: {  	[smem:$0x3FAA] =	sst s2  }
0xb: {  	[smem:$0x3FAB] =	sst s3  }
0xc: {  	[smem:$0x3FAC] =	sst s4  }
0xd: {  	[smem:$0x3FAD] =	sst s5  }
0xe: {  	[smem:$0x3FAE] =	sst s6  }
0xf: {  	[smem:$0x3FAF] =	sst s7  }
0x10: {  	[smem:$0x3FB0] =	sst s8  }
0x11: {  	[smem:$0x3FB1] =	sst s9;
	s0 =	simm.s32 @!p0 $0x0  }
0x12: {  	s1 =	sld [smem:$0x3F97];
	s0 =	simm.s32 @p0 $0x1  }
0x13: {  	[smem:$0x3FB2] =	sst s0;
	s0 =	simm.s32 @!p1 $0x0  }
0x14: {  	s2 =	sld [smem:$0x3F96];
	s0 =	simm.s32 @p1 $0x1  }
0x15: {  	[smem:$0x3FB3] =	sst s0;
	s0 =	simm.s32 @!p2 $0x0  }
0x16: {  	s3 =	sld [smem:$0x3FDB];
	s0 =	simm.s32 @p2 $0x1  }
0x17: {  	s4 =	simm.s32 $0x1BF5;
	[smem:$0x3FB5] =	sst s0  }
0x18: {  	s0 =	sld [smem:$0x3F98];
	_ =	swait.ge [sflag:s4], $0x0  }
0x19: {  	s7 =	sld [smem:$0x3F99]  }
0x1a: {  	s8 =	sadd.s32 $0xFFFFE003, lr  }
0x1b: {  	s9 =	sadd.s32 $0xFFFFFEF7, lr;
	s5 =	simm.s32 $0xFFFFFFFF;
	p2 =	slt.u32 s8, $0xFFFFF086  }
0x1c: {  	p1 =	slt.u32 s9, $0xF7A;
	s5 =	simm.s32 @!p2 $0x0  }
0x1d: {  	s5 =	simm.s32 @p1 $0x1;
	p0 =	seq.s32 s7, s2  }
0x1e: {  	s7 =	smul.u32 @!p0 $0xF7A, s2;
	p2 =	seq.s32 @!p0 s5, $0x0  }
0x1f: {  	s9 =	smul.u32 $0xF7A, s1;
	s8 =	simm.s32 @!p0 $0x1BF5;
	p2 =	por !p2, p0  }
0x20: {  	[sflag:s8] =	ssyncset.s32 @!p0 $0xFFFFF086;
	s6 =	sadd.s32 @!p0 s3, s7;
	s7 =	simm.s32 @!p0 $0x108  }
0x21: {  	s3 =	sadd.s32 s3, s9;
	s6 =	sadd.s32 @!p0 $0x88, s6;
	s7 =	simm.s32 @p2 $0x1082  }
0x22: {  	[simem:s7], [sflag:s8] =	dma.local @!p0 [hbm:s6], $0xF7A  }
0x23: {  	s9 =	sor.u32 $0xD0000000, s2;
	s6 =	simm.s32 $0x108;
	_ =	swait.ge @!p0 [sflag:s8], $0x0  }
0x24: {  	s3 =	sadd.s32 $0x88, s3;
	s6 =	simm.s32 @!p1 $0x1082;
	[sflag:s4] =	ssyncset.s32 $0xFFFFF086  }
0x25: {  	[simem:s6], [sflag:s4] =	dma.local [hbm:s3], $0xF7A  }
0x26: {  	[smem:$0x3F99] =	sst s1;
	(tag) =	ssettag s2;
	_ =	strace s9  }
0x27: {  	s1 =	sld [smem:$0x3FA9]  }
0x28: {  	s2 =	sld [smem:$0x3FAA]  }
0x29: {  	s4 =	sld [smem:$0x3FAC]  }
0x2a: {  	p0 =	seq.s32 s5, $0x0;
	s5 =	sld [smem:$0x3FAD]  }
0x2b: {  	s6 =	sld [smem:$0x3FAE]  }
0x2c: {  	s7 =	sld [smem:$0x3FAF]  }
0x2d: {  	s3 =	simm.s32 $0x108;
	s8 =	sld [smem:$0x3FB0]  }
0x2e: {  	s3 =	simm.s32 @!p0 $0x1082;
	s9 =	sld [smem:$0x3FB1]  }
0x2f: {  	lr =	sadd.s32 s0, s3;
	s0 =	sld [smem:$0x3FA8]  }
0x30: {  	s3 =	sld [smem:$0x3FAB]  }
0x31: {  	[smem:$0x3FB4] =	sst s10  }
0x32: {  	s10 =	sld [smem:$0x3FB2];
	_ =	sdelay $0x3  }
0x33: {  	p0 =	seq.s32 s10, $0x1;
	s10 =	sld [smem:$0x3FB4];
	_ =	sdelay $0x3  }
0x34: {  	[smem:$0x3FB4] =	sst s10  }
0x35: {  	s10 =	sld [smem:$0x3FB3];
	_ =	sdelay $0x3  }
0x36: {  	p1 =	seq.s32 s10, $0x1;
	s10 =	sld [smem:$0x3FB4];
	_ =	sdelay $0x3  }
0x37: {  	[smem:$0x3FB4] =	sst s10  }
0x38: {  	s10 =	sld [smem:$0x3FB5]  }
0x39: {  	_ = 	snop;
	(pc) =	sbr.ind lr, $3  }
0x3a: {  	_ = 	snop  }
0x3b: {  	_ = 	snop  }
0x3c: {  	p2 =	seq.s32 s10, $0x1;
	s10 =	sld [smem:$0x3FB4]  }
0x3d: {  	_ =	shalt  }
0x3e: {  	_ =	shalt  }
0x3f: {  	_ =	shalt  }
0x40: {  	_ =	shalt  }
0x41: {  	_ =	shalt  }
0x42: {  	_ =	shalt  }
0x43: {  	_ =	shalt  }
0x44: {  	_ =	shalt  }
0x45: {  	_ =	shalt  }
0x46: {  	_ =	shalt  }
0x47: {  	_ =	shalt  }
0x48: {  	_ =	shalt  }
0x49: {  	_ =	shalt  }
0x4a: {  	_ =	shalt  }
0x4b: {  	_ =	shalt  }
0x4c: {  	_ =	shalt  }
0x4d: {  	_ =	shalt  }
0x4e: {  	_ =	shalt  }
0x4f: {  	_ =	shalt  }
0x50: {  	_ =	shalt  }
0x51: {  	_ =	shalt  }
0x52: {  	_ =	shalt  }
0x53: {  	_ =	shalt  }
0x54: {  	_ =	shalt  }
0x55: {  	_ =	shalt  }
0x56: {  	_ =	shalt  }
0x57: {  	_ =	shalt  }
0x58: {  	_ =	shalt  }
0x59: {  	_ =	shalt  }
0x5a: {  	_ =	shalt  }
0x5b: {  	_ =	shalt  }
0x5c: {  	_ =	shalt  }
0x5d: {  	_ =	shalt  }
0x5e: {  	_ =	shalt  }
0x5f: {  	_ =	shalt  }
0x60: {  	_ =	shalt  }
0x61: {  	_ =	shalt  }
0x62: {  	_ =	shalt  }
0x63: {  	_ =	shalt  }
0x64: {  	_ =	shalt  }
0x65: {  	_ =	shalt  }
0x66: {  	_ =	shalt  }
0x67: {  	_ =	shalt  }
0x68: {  	_ =	shalt  }
0x69: {  	_ =	shalt  }
0x6a: {  	_ =	shalt  }
0x6b: {  	_ =	shalt  }
0x6c: {  	_ =	shalt  }
0x6d: {  	_ =	shalt  }
0x6e: {  	_ =	shalt  }
0x6f: {  	_ =	shalt  }
0x70: {  	_ =	shalt  }
0x71: {  	_ =	shalt  }
0x72: {  	_ =	shalt  }
0x73: {  	_ =	shalt  }
0x74: {  	_ =	shalt  }
0x75: {  	_ =	shalt  }
0x76: {  	_ =	shalt  }
0x77: {  	_ =	shalt  }
0x78: {  	_ =	shalt  }
0x79: {  	_ =	shalt  }
0x7a: {  	_ =	shalt  }
0x7b: {  	_ =	shalt  }
0x7c: {  	_ =	shalt  }
0x7d: {  	_ =	shalt  }
0x7e: {  	_ =	shalt  }
0x7f: {  	_ =	shalt  }
0x80: {  	_ =	shalt  }
0x81: {  	_ =	shalt  }
0x82: {  	_ =	shalt  }
0x83: {  	_ =	shalt  }
0x84: {  	_ =	shalt  }
0x85: {  	_ =	shalt  }
0x86: {  	_ =	shalt  }
0x87: {  	_ =	shalt  }
.Lfunc_end0:
.L_simem_size_0:
called_computation.1_lowered:
.L_overlay_start_0:
0x88: {  	s2 =	sld [smem:$0x3FD9]  }
0x89: {  	s3 =	sld [smem:$0x3FFE];
	_ =	sdelay $0x1  }
0x8a: {  	s1 =	srdreg.scid  }
0x8b: {  	s0 =	sand.u32 $0x1, s1  }
0x8c: {  	s17 =	sshll.u32 s0, $0xA;
	s2 =	sadd.s32 s3, s2  }
0x8d: {  	s2 =	sadd.s32 s2, s17  }
0x8e: {  	[smem:$0x3FC0] =	sst s2  }
0x8f: {  	_ = 	snop  }
0x90: {  	s2 =	sld [smem:$0x3FD0];
	(tm) =	ssettm $0x1  }
0x91: {  	s18 =	sld [smem:$0x3FFB];
	_ =	sdelay $0x3  }
0x92: {  	_ =	strace s18  }
0x93: {  	s3 =	sld [smem:$0x3FFC];
	_ =	sdelay $0x3  }
0x94: {  	_ =	strace s3  }
0x95: {  	s3 =	sld [smem:$0x3FFD];
	_ =	sdelay $0x3  }
0x96: {  	_ =	strace s3  }
0x97: {  	_ =	strace $0x8FFFFFFF  }
0x98: {  	s19 =	sld [smem:$0x3FDB];
	_ =	sdelay $0x1  }
0x99: {  	s4 =	simm.s32 $_scs_section_size  }
0x9a: {  	s5 =	simm.s32 $_size__tile_overlayer_lowered;
	s6 =	simm.s32 $_tile_overlayer_lowered  }
0x9b: {  	s22 =	simm.s32 $0x1BFF;
	s21 =	sshll.u32 s6, $0x1;
	s3 =	sadd.s32 s4, s19  }
0x9c: {  	s7 =	simm.s32 $0x0;
	s20 =	sshll.u32 s5, $0x1;
	s5 =	sadd.s32 s21, s3  }
0x9d: {  	[timem:s7], [sflag:s22] =	dma.local [hbm:s5], s20  }
0x9e: {  	_ =	swait.ge [sflag:s22], s20  }
0x9f: {  	s4 =	ssub.s32 $0x0, s20;
	[sflag:s22] =	ssyncset.done $0x0  }
0xa0: {  	[sflag:s22] =	ssyncadd.s32 s4;
	_ =	sdelay $0x1  }
0xa1: {  	s23 =	simm.s32 $0x1B8B  }
0xa2: {  	_ =	swait.ge [sflag:s23], $0x1  }
0xa3: {  	[sflag:s23] =	ssyncset.done $0x0  }
0xa4: {  	s25 =	simm.s32 $0x1B8E;
	s24 =	sld [smem:$0x3FFE];
	[sflag:s23] =	ssyncadd.s32 $0xFFFFFFFF  }
0xa5: {  	s26 =	simm.s32 $execute0_lowered;
	[smem:$0x3FD2] =	sst s25  }
0xa6: {  	s5 =	sshll.u32 s26, $0x1;
	_ =	strace $0x80000046;
	[dreg:$0x1] =	wrdreg $0xFFFFFFFF  }
0xa7: {  	s28 =	simm.s32 $_size_execute0_lowered;
	s3 =	sadd.s32 s3, s5;
	[dreg:$0x0] =	wrdreg $0x0  }
0xa8: {  	s5 =	sshll.u32 s28, $0x1;
	[dreg:$0x2] =	wrdreg s3  }
0xa9: {  	[dreg:$0x3] =	wrdreg s5  }
0xaa: {  	[dreg:$0x4] =	wrdreg $0xC0  }
0xab: {  	_ =	task [dreg:s7], $0x5FFFF  }
0xac: {  	[dreg:$0x1] =	wrdreg $0xFFFFFFFF  }
0xad: {  	[dreg:$0x0] =	wrdreg $0x60  }
0xae: {  	[dreg:$0x2] =	wrdreg s24  }
0xaf: {  	[dreg:$0x3] =	wrdreg s2  }
0xb0: {  	[dreg:$0x4] =	wrdreg $0x9  }
0xb1: {  	_ =	task.clear_ibuf [dreg:s7], $0x5FFFF;
	_ =	strace $0x90000046  }
0xb2: {  	s29 =	simm.s32 $0x9;
	_ =	strace $0x80000048  }
0xb3: {  	_ =	swait.ge [sflag:s29], $0x1  }
0xb4: {  	[sflag:s29] =	ssyncadd.s32 $0xFFFFFFFF  }
0xb5: {  	_ =	strace $0x90000048  }
0xb6: {  	_ =	sfence  }
0xb7: {  	s30 =	sld [smem:$0x0];
	_ =	sdelay $0x2  }
0xb8: {  	s31 =	sshll.u32 s1, $0xD;
	s1 =	sshrl.u32 s1, $0x2  }
0xb9: {  	s3 =	sand.u32 $0x4000, s31;
	s1 =	sadd.s32 s1, s30  }
0xba: {  	s0 =	sor.u32 s3, s0;
	s1 =	sshll.u32 s1, $0x11  }
0xbb: {  	s0 =	sor.u32 s1, s0  }
0xbc: {  	s0 =	sadd.s32 $0x8F2B, s0  }
0xbd: {  	[sflag:s0] =	ssyncadd.remote.s32 $0x1  }
0xbe: {  	_ =	sfence.sel $0xFFFF  }
0xbf: {  	[dreg:$0x0] =	wrdreg $0xFFFFFFFF;
	(pc) =	sbr.abs _section_cstart, $3  }
0xc0: {  	[dreg:$0x1] =	wrdreg $0xFFFFFFFF  }
0xc1: {  	_ =	task.clear_ibuf [dreg:s7], $0x2FFFF;
	_ =	strace $0x9FFFFFFF  }
0xc2: {  	(tm) =	ssettm $0x7FFFFFFF  }
0xc3: {  	_ =	shalt  }
tec
execute0_lowered:
.L_overlay_start_1:
0x0: {  	(tag) =	ssettag $0x1  }
0x1: {  	s0 =	rddreg [dreg:$0x0]  }
0x2: {  	s2 =	rddreg [dreg:$0x1];
	s3 =	simm.s32 $0x0  }
0x3: {  	s1 =	srdreg.scid;
	s4 =	stileid.u32;
	s17 =	simm.s32 $0x7  }
0x4: {  	s18 =	simm.s32 $0xC800;
	s19 =	simm.s32 $0x1B080;
	s20 =	simm.s32 $0x400  }
0x5: {  	s28 =	simm.s32 $0x2800;
	s29 =	simm.s32 $0x480;
	s30 =	simm.s32 $0x3800  }
0x6: {  	s31 =	simm.s32 $0x4800;
	s16 =	simm.s32 $0x0;
	[smem:$0x7FF] =	sst s3  }
0x7: {  	s1 =	sand.u32 $0x1, s1;
	s5 =	sshll.u32 s4, $0x1;
	s4 =	sadd.s32 $0x4F600, s0  }
0x8: {  	s7 =	sadd.s32 $0x4D600, s0;
	s8 =	sadd.s32 $0x4F400, s0;
	s6 =	sor.u32 s1, s5  }
0x9: {  	_ =	strace $0x80000047;
	[dreg:$0x3] =	wrdreg s7;
	s21 =	smul.u32 $0x3200, s6  }
0xa: {  	s5 =	sadd.s32 $0x1D6200, s0;
	[dreg:$0x4] =	wrdreg s8;
	s9 =	smul.u32 $0x64, s6  }
0xb: {  	s1 =	ssub.s32 $0x2, s1;
	s0 =	sadd.s32 $0x4D400, s0;
	s23 =	smul.u32 $0x32000, s6  }
0xc: {  	s10 =	sshrl.u32 s1, $0x1;
	[dreg:$0x6] =	wrdreg s0;
	s11 =	smul.u32 $0x190000, s6  }
0xd: {  	v0 =	vimm.s32 $0x0;
	v1 =	vimm.s32 $0x5;
	v2 =	vlaneseq.u32;
	s24 =	ssub.s32 s1, s10;
	s1 =	simm.s32 $0x6;
	s22 =	sadd.s32 s4, s21  }
.Ltmp0:
0xe: {  	v4 =	vimm.s32 $0x1;
	v5 =	vimm.s32 $0x2;
	v6 =	vimm.s32 $0x3;
	s12 =	sor.u32 $0x2, s9;
	s26 =	sadd.s32 s23, s2;
	(pc) =	sbr.rel .LBB2_1-.Ltmp0, $4  }
0xf: {  	v7 =	vimm.s32 $0x4;
	v8 =	vimm.s32 $0x6;
	v9 =	vimm.s32 $0x7;
	s13 =	sor.u32 $0x3, s9;
	s0 =	smax.u32 s24, $0x1;
	[dreg:$0x5] =	wrdreg s22  }
0x10: {  	v10 =	vimm.s32 $0x8;
	v11 =	vimm.s32 $0x9;
	v12 =	vimm.s32 $0xA;
	s21 =	simm.s32 $0x1;
	s25 =	sadd.s32 $0x80, s22;
	[dreg:$0x8] =	wrdreg s0  }
0x11: {  	v13 =	vimm.s32 $0xB;
	v14 =	vimm.s32 $0xC;
	v15 =	vimm.s32 $0xD;
	s15 =	sadd.s32 $0x800, s26;
	s22 =	simm.s32 $0x80;
	s26 =	simm.s32 $0x2  }
0x12: {  	v16 =	vimm.s32 $0xE;
	v17 =	vimm.s32 $0xF;
	v3 =	vor.u32 $0x10, v2;
	s0 =	simm.s32 $0x8800;
	[dreg:$0x7] =	wrdreg s25;
	s25 =	simm.s32 $0x3  }
.LBB2_8:
0x13: {  	_ =	swait.ge [sflag:s1], $0x4000  }
0x14: {  	s16 =	sadd.s32 $0x1, s16;
	s6 =	rddreg [dreg:$0x8]  }
0x15: {  	p0 =	sne.s32 s16, s6  }
.Ltmp1:
0x16: {  	_ = 	snop;
	(pc) =	sbr.rel @!p0 .LBB2_9-.Ltmp1, $3  }
0x17: {  	_ =	sdelay $0x1  }
0x18: {  	[sflag:s1] =	ssyncset.done $0x0  }
0x19: {  	[sflag:s1] =	ssyncadd.s32 $0xFFFFC000  }
.LBB2_1:
0x1a: {  	s6 =	rddreg [dreg:$0x6];
	s7 =	simm.s32 $0x1B3A0  }
0x1b: {  	[tilespmem:s7], [sflag:$0x7] =	stream.linear.gather [hbm4b:s6+s3], $0x40, $0x38;
	[tilespmem:$0x1B3E0] =	vst v63  }
0x1c: {  	_ =	swait.ge [sflag:s17], $0x40  }
0x1d: {  	[sflag:s17] =	ssyncset.done $0x0  }
0x1e: {  	s8 =	rddreg [dreg:$0x3];
	[sflag:s17] =	ssyncadd.s32 $0xFFFFFFC0  }
0x1f: {  	[tilespmem:s18], [sflag:$0x7] =	stream.linear.gather [hbm4b:s8+s3], $0xE880, $0x38;
	[tilespmem:$0x1B3E0] =	vst v63  }
0x20: {  	_ =	swait.ge [sflag:s17], $0xE880  }
0x21: {  	[sflag:s17] =	ssyncset.done $0x0  }
0x22: {  	s9 =	rddreg [dreg:$0x4];
	[sflag:s17] =	ssyncadd.s32 $0xFFFF1780  }
0x23: {  	[tilespmem:s19], [sflag:$0x7] =	stream.linear.gather [hbm4b:s9+s3], $0x320, $0x38;
	[tilespmem:$0x1B3E0] =	vst v63  }
0x24: {  	_ =	swait.ge [sflag:s17], $0x320  }
0x25: {  	[sflag:s17] =	ssyncset.done $0x0  }
0x26: {  	s10 =	rddreg [dreg:$0x5];
	[sflag:s17] =	ssyncadd.s32 $0xFFFFFCE0  }
0x27: {  	[tilespmem:s3], [sflag:$0x1] =	stream.linear.gather [hbm4b:s10+s3], $0x400, $0x38;
	[tilespmem:$0x1B3E0] =	vst v63  }
0x28: {  	s14 =	rddreg [dreg:$0x7]  }
0x29: {  	[tilespmem:s20], [sflag:$0x2] =	stream.linear.gather [hbm4b:s14+s3], $0x400, $0x38;
	[tilespmem:$0x1B3E0] =	vst v63  }
0x2a: {  	_ =	swait.ge [sflag:s21], $0x400  }
0x2b: {  	[sflag:s21] =	ssyncset.done $0x0  }
0x2c: {  	s23 =	simm.s32 $0x800;
	[sflag:s21] =	ssyncadd.s32 $0xFFFFFC00  }
0x2d: {  	[tilespmem:s23], [sflag:$0x3] =	stream.indirect.gather [hbm4b:s5+s22], $0x20, s3, s22, $0xb8;
	[tilespmem:$0x1B3E0] =	vst v63  }
0x2e: {  	s24 =	simm.s32 $0x1800;
	s23 =	simm.s32 $0x0  }
0x2f: {  	[tilespmem:s24], [sflag:$0x3] =	stream.indirect.gather [hbm4b:s5+s22], $0x20, s22, s22, $0xb8;
	[tilespmem:$0x1B3E0] =	vst v63  }
.LBB2_2:
0x30: {  	_ =	swait.ge [sflag:s25], $0x1000  }
0x31: {  	[sflag:s25] =	ssyncset.done $0x0  }
0x32: {  	[sflag:s25] =	ssyncadd.s32 $0xFFFFF000  }
0x33: {  	_ =	swait.ge [sflag:s25], $0x1000  }
0x34: {  	p0 =	seq.s32 s23, $0x0;
	[sflag:s25] =	ssyncset.done $0x0  }
0x35: {  	s6 =	simm.s32 @!p0 $0x6;
	[sflag:s25] =	ssyncadd.s32 $0xFFFFF000  }
0x36: {  	_ =	swait.ge @!p0 [sflag:s6], $0x4000  }
0x37: {  	[sflag:s6] =	ssyncset.done @!p0 $0x0  }
0x38: {  	[sflag:s6] =	ssyncadd.s32 @!p0 $0xFFFFC000  }
0x39: {  	_ =	swait.ge [sflag:s26], $0x400  }
0x3a: {  	[sflag:s26] =	ssyncset.done $0x0  }
0x3b: {  	[sflag:s26] =	ssyncadd.s32 $0xFFFFFC00  }
0x3c: {  	[tilespmem:s28], [sflag:$0x4] =	stream.indirect.gather [hbm4b:s5+s22], $0x20, s20, s22, $0xb8;
	[tilespmem:$0x1B3E0] =	vst v63  }
0x3d: {  	_ = 	snop  }
0x3e: {  	[tilespmem:s30], [sflag:$0x4] =	stream.indirect.gather [hbm4b:s5+s22], $0x20, s29, s22, $0xb8;
	[tilespmem:$0x1B3E0] =	vst v63  }
0x3f: {  	v18 =	vld [tilespmem:$0x1B3A0]  }
0x40: {  	v19 =	vld [tilespmem:$0x1B3B0]  }
0x41: {  	s24 =	sshll.u32 s23, $0x1;
	s7 =	simm.s32 $0x900;
	v20 =	vld [tilespmem:$0x1B3C0]  }
0x42: {  	s9 =	simm.s32 $0x4A00;
	s10 =	simm.s32 $0x0;
	s6 =	simm.s32 $0x0;
	v21 =	vld [tilespmem:$0x1B3D0]  }
.LBB2_3:
0x43: {  	s14 =	sand.u32 $0x200, s10  }
0x44: {  	s8 =	sand.u32 $0x70, s6;
	s14 =	sshrl.u32 s14, $0x2  }
0x45: {  	s8 =	sor.u32 s8, s14  }
0x46: {  	v24 =	vld [tilespmem:s8+$0x100];
	_ =	sdelay $0x1  }
0x47: {  	v23 =	vld [tilespmem:s8+$0x200];
	_ =	sdelay $0x2  }
0x48: {  	v22 =	vperm.xlane v24, v0;
	_ =	sdelay $0x1  }
0x49: {  	v25 =	vperm.xlane v23, v0;
	v22 =	vshll.u32 v22, $0x5  }
0x4a: {  	v26 =	vor.u32 v2, v22  }
0x4b: {  	v29 =	vld [tilespmem:s7+$0xFFFFFF00];
	v25 =	vshll.u32 v25, $0x5;
	v27 =	vor.u32 v3, v22  }
0x4c: {  	v28 =	vor.u32 v2, v25;
	v22 =	vld [tilespmem:s8+$0x300]  }
0x4d: {  	v30 =	vld [tilespmem:s7+$0xFFFFFF10]  }
0x4e: {  	v25 =	vor.u32 v3, v25  }
0x4f: {  	v26 =	vld.idx.msk [tilespmem:v26+s18+$0x0], $0xffff  }
0x50: {  	v62 =	vperm.xlane v23, v4;
	v27 =	vld.idx.msk [tilespmem:v27+s18+$0x0], $0xffff  }
0x51: {  	v33 =	vunpack.i.l.bf16.f32 v29;
	v29 =	vunpack.i.u.bf16.f32 v29;
	v28 =	vld.idx.msk [tilespmem:v28+s19+$0x0], $0xffff;
	v31 =	vperm.xlane v22, v0  }
0x52: {  	v57 =	vunpack.i.l.bf16.f32 v30;
	v30 =	vunpack.i.u.bf16.f32 v30;
	v37 =	vshll.u32 v62, $0x5  }
0x53: {  	v60 =	vperm.xlane v24, v4;
	v38 =	vor.u32 v2, v37;
	v25 =	vld.idx.msk [tilespmem:v25+s19+$0x0], $0xffff;
	v58 =	vmul.f32 v31, v18  }
0x54: {  	v59 =	vmul.f32 v31, v19;
	v32 =	vunpack.i.u.bf16.f32 v26;
	v26 =	vunpack.i.l.bf16.f32 v26  }
0x55: {  	v61 =	vmul.f32 v31, v20;
	v34 =	vunpack.i.u.bf16.f32 v27;
	v26 =	vadd.f32 v33, v26  }
0x56: {  	v27 =	vunpack.i.l.bf16.f32 v27;
	v56 =	vunpack.i.l.bf16.f32 v28;
	v29 =	vadd.f32 v29, v32  }
0x57: {  	v28 =	vunpack.i.u.bf16.f32 v28;
	v27 =	vadd.f32 v57, v27;
	v26 =	vadd.f32 v26, v56  }
0x58: {  	v35 =	vunpack.i.l.bf16.f32 v25;
	v30 =	vadd.f32 v30, v34;
	v28 =	vadd.f32 v29, v28  }
0x59: {  	v25 =	vunpack.i.u.bf16.f32 v25;
	v27 =	vadd.f32 v27, v35;
	v26 =	vadd.f32 v26, v58  }
0x5a: {  	v63 =	vmul.f32 v31, v21;
	v25 =	vadd.f32 v30, v25;
	v28 =	vadd.f32 v28, v59  }
0x5b: {  	v29 =	vshll.u32 v60, $0x5;
	v35 =	vadd.f32 v27, v61;
	[tilespmem:s9+$0xFFFFFE00] =	vst v26  }
0x5c: {  	v34 =	vor.u32 v2, v29;
	v25 =	vadd.f32 v25, v63;
	[tilespmem:s9+$0xFFFFFE10] =	vst v28  }
0x5d: {  	[tilespmem:s9+$0xFFFFFE20] =	vst v35  }
0x5e: {  	v36 =	vor.u32 v3, v29;
	[tilespmem:s9+$0xFFFFFE30] =	vst v25  }
0x5f: {  	v28 =	vld.idx.msk [tilespmem:v38+s19+$0x0], $0xffff  }
0x60: {  	v39 =	vor.u32 v3, v37;
	v40 =	vld [tilespmem:s7+$0xFFFFFF20]  }
0x61: {  	v42 =	vperm.xlane v22, v4;
	v26 =	vld.idx.msk [tilespmem:v34+s18+$0x0], $0xffff  }
0x62: {  	v51 =	vperm.xlane v24, v5;
	v41 =	vld [tilespmem:s7+$0xFFFFFF30]  }
0x63: {  	v55 =	vperm.xlane v23, v5;
	v48 =	vmul.f32 v42, v18;
	v27 =	vld.idx.msk [tilespmem:v36+s18+$0x0], $0xffff  }
0x64: {  	v53 =	vshll.u32 v51, $0x5;
	v49 =	vmul.f32 v42, v19;
	v52 =	vmul.f32 v42, v20  }
0x65: {  	v54 =	vmul.f32 v42, v21;
	v25 =	vld.idx.msk [tilespmem:v39+s19+$0x0], $0xffff;
	v45 =	vunpack.i.u.bf16.f32 v28;
	v46 =	vunpack.i.l.bf16.f32 v40  }
0x66: {  	v28 =	vunpack.i.l.bf16.f32 v28;
	v43 =	vunpack.i.u.bf16.f32 v26;
	v26 =	vunpack.i.l.bf16.f32 v26  }
0x67: {  	v29 =	vunpack.i.u.bf16.f32 v40;
	v30 =	vunpack.i.l.bf16.f32 v41;
	v26 =	vadd.f32 v46, v26  }
0x68: {  	v44 =	vunpack.i.u.bf16.f32 v27;
	v27 =	vunpack.i.l.bf16.f32 v27;
	v29 =	vadd.f32 v29, v43  }
0x69: {  	v36 =	vunpack.i.u.bf16.f32 v41;
	v27 =	vadd.f32 v30, v27;
	v26 =	vadd.f32 v26, v28  }
0x6a: {  	v47 =	vunpack.i.l.bf16.f32 v25;
	v50 =	vadd.f32 v36, v44;
	v29 =	vadd.f32 v29, v45  }
0x6b: {  	v25 =	vunpack.i.u.bf16.f32 v25;
	v27 =	vadd.f32 v27, v47;
	v26 =	vadd.f32 v26, v48  }
0x6c: {  	v56 =	vor.u32 v2, v53;
	v25 =	vadd.f32 v50, v25;
	v29 =	vadd.f32 v29, v49  }
0x6d: {  	v57 =	vadd.f32 v27, v52;
	[tilespmem:s9+$0xFFFFFE40] =	vst v26  }
0x6e: {  	v58 =	vor.u32 v3, v53;
	v59 =	vshll.u32 v55, $0x5;
	v25 =	vadd.f32 v25, v54;
	[tilespmem:s9+$0xFFFFFE50] =	vst v29  }
0x6f: {  	v60 =	vor.u32 v2, v59;
	[tilespmem:s9+$0xFFFFFE60] =	vst v57  }
0x70: {  	[tilespmem:s9+$0xFFFFFE70] =	vst v25  }
0x71: {  	v25 =	vld.idx.msk [tilespmem:v56+s18+$0x0], $0xffff  }
0x72: {  	v62 =	vperm.xlane v22, v5;
	v28 =	vor.u32 v3, v59;
	v29 =	vld [tilespmem:s7+$0xFFFFFF40]  }
0x73: {  	v27 =	vld.idx.msk [tilespmem:v58+s18+$0x0], $0xffff  }
0x74: {  	v40 =	vmul.f32 v62, v18;
	v41 =	vmul.f32 v62, v19;
	v26 =	vld.idx.msk [tilespmem:v60+s19+$0x0], $0xffff  }
0x75: {  	v43 =	vperm.xlane v24, v6;
	v45 =	vperm.xlane v23, v6;
	v61 =	vld [tilespmem:s7+$0xFFFFFF50]  }
0x76: {  	v44 =	vmul.f32 v62, v20;
	v46 =	vmul.f32 v62, v21  }
0x77: {  	v50 =	vshll.u32 v45, $0x5;
	v28 =	vld.idx.msk [tilespmem:v28+s19+$0x0], $0xffff;
	v63 =	vunpack.i.u.bf16.f32 v25;
	v25 =	vunpack.i.l.bf16.f32 v25  }
0x78: {  	v36 =	vunpack.i.l.bf16.f32 v29;
	v37 =	vunpack.i.u.bf16.f32 v27;
	v29 =	vunpack.i.u.bf16.f32 v29  }
0x79: {  	v27 =	vunpack.i.l.bf16.f32 v27;
	v38 =	vunpack.i.l.bf16.f32 v26;
	v25 =	vadd.f32 v36, v25  }
0x7a: {  	v26 =	vunpack.i.u.bf16.f32 v26;
	v39 =	vunpack.i.l.bf16.f32 v61;
	v29 =	vadd.f32 v29, v63  }
0x7b: {  	v30 =	vunpack.i.u.bf16.f32 v61;
	v27 =	vadd.f32 v39, v27;
	v25 =	vadd.f32 v25, v38  }
0x7c: {  	v42 =	vunpack.i.l.bf16.f32 v28;
	v30 =	vadd.f32 v30, v37;
	v26 =	vadd.f32 v29, v26  }
0x7d: {  	v28 =	vunpack.i.u.bf16.f32 v28;
	v27 =	vadd.f32 v27, v42;
	v25 =	vadd.f32 v25, v40  }
0x7e: {  	v52 =	vor.u32 v2, v50;
	v28 =	vadd.f32 v30, v28;
	v26 =	vadd.f32 v26, v41  }
0x7f: {  	v29 =	vshll.u32 v43, $0x5;
	v48 =	vadd.f32 v27, v44;
	[tilespmem:s9+$0xFFFFFE80] =	vst v25  }
0x80: {  	v47 =	vor.u32 v2, v29;
	v51 =	vadd.f32 v28, v46;
	[tilespmem:s9+$0xFFFFFE90] =	vst v26  }
0x81: {  	[tilespmem:s9+$0xFFFFFEA0] =	vst v48  }
0x82: {  	v49 =	vor.u32 v3, v29;
	[tilespmem:s9+$0xFFFFFEB0] =	vst v51  }
0x83: {  	v28 =	vld.idx.msk [tilespmem:v52+s19+$0x0], $0xffff  }
0x84: {  	v53 =	vor.u32 v3, v50;
	v56 =	vperm.xlane v22, v6;
	v54 =	vld [tilespmem:s7+$0xFFFFFF60]  }
0x85: {  	v26 =	vld.idx.msk [tilespmem:v47+s18+$0x0], $0xffff  }
0x86: {  	v63 =	vmul.f32 v56, v18;
	v37 =	vmul.f32 v56, v19;
	v55 =	vld [tilespmem:s7+$0xFFFFFF70]  }
0x87: {  	v39 =	vperm.xlane v24, v7;
	v42 =	vmul.f32 v56, v21;
	v27 =	vld.idx.msk [tilespmem:v49+s18+$0x0], $0xffff  }
0x88: {  	v43 =	vperm.xlane v23, v7;
	v40 =	vmul.f32 v56, v20  }
0x89: {  	v41 =	vshll.u32 v39, $0x5;
	v25 =	vld.idx.msk [tilespmem:v53+s19+$0x0], $0xffff;
	v59 =	vunpack.i.u.bf16.f32 v28;
	v60 =	vunpack.i.l.bf16.f32 v54  }
0x8a: {  	v28 =	vunpack.i.l.bf16.f32 v28;
	v57 =	vunpack.i.u.bf16.f32 v26;
	v26 =	vunpack.i.l.bf16.f32 v26  }
0x8b: {  	v29 =	vunpack.i.u.bf16.f32 v54;
	v30 =	vunpack.i.l.bf16.f32 v55;
	v26 =	vadd.f32 v60, v26  }
0x8c: {  	v58 =	vunpack.i.u.bf16.f32 v27;
	v27 =	vunpack.i.l.bf16.f32 v27;
	v29 =	vadd.f32 v29, v57  }
0x8d: {  	v62 =	vunpack.i.u.bf16.f32 v55;
	v27 =	vadd.f32 v30, v27;
	v26 =	vadd.f32 v26, v28  }
0x8e: {  	v61 =	vunpack.i.l.bf16.f32 v25;
	v38 =	vadd.f32 v62, v58;
	v29 =	vadd.f32 v29, v59  }
0x8f: {  	v25 =	vunpack.i.u.bf16.f32 v25;
	v27 =	vadd.f32 v27, v61;
	v26 =	vadd.f32 v26, v63  }
0x90: {  	v44 =	vor.u32 v2, v41;
	v25 =	vadd.f32 v38, v25;
	v29 =	vadd.f32 v29, v37  }
0x91: {  	v45 =	vadd.f32 v27, v40;
	[tilespmem:s9+$0xFFFFFEC0] =	vst v26  }
0x92: {  	v46 =	vor.u32 v3, v41;
	v47 =	vshll.u32 v43, $0x5;
	v25 =	vadd.f32 v25, v42;
	[tilespmem:s9+$0xFFFFFED0] =	vst v29  }
0x93: {  	v48 =	vor.u32 v2, v47;
	[tilespmem:s9+$0xFFFFFEE0] =	vst v45  }
0x94: {  	[tilespmem:s9+$0xFFFFFEF0] =	vst v25  }
0x95: {  	v25 =	vld.idx.msk [tilespmem:v44+s18+$0x0], $0xffff  }
0x96: {  	v50 =	vperm.xlane v22, v7;
	v28 =	vor.u32 v3, v47;
	v29 =	vld [tilespmem:s7+$0xFFFFFF80]  }
0x97: {  	v27 =	vld.idx.msk [tilespmem:v46+s18+$0x0], $0xffff  }
0x98: {  	v56 =	vmul.f32 v50, v18;
	v57 =	vmul.f32 v50, v19;
	v26 =	vld.idx.msk [tilespmem:v48+s19+$0x0], $0xffff  }
0x99: {  	v60 =	vmul.f32 v50, v20;
	v61 =	vperm.xlane v23, v1;
	v49 =	vld [tilespmem:s7+$0xFFFFFF90]  }
0x9a: {  	v62 =	vmul.f32 v50, v21;
	v59 =	vperm.xlane v24, v1  }
0x9b: {  	v35 =	vshll.u32 v61, $0x5;
	v28 =	vld.idx.msk [tilespmem:v28+s19+$0x0], $0xffff;
	v51 =	vunpack.i.u.bf16.f32 v25;
	v25 =	vunpack.i.l.bf16.f32 v25  }
0x9c: {  	v52 =	vunpack.i.l.bf16.f32 v29;
	v53 =	vunpack.i.u.bf16.f32 v27;
	v29 =	vunpack.i.u.bf16.f32 v29  }
0x9d: {  	v27 =	vunpack.i.l.bf16.f32 v27;
	v54 =	vunpack.i.l.bf16.f32 v26;
	v25 =	vadd.f32 v52, v25  }
0x9e: {  	v26 =	vunpack.i.u.bf16.f32 v26;
	v55 =	vunpack.i.l.bf16.f32 v49;
	v29 =	vadd.f32 v29, v51  }
0x9f: {  	v30 =	vunpack.i.u.bf16.f32 v49;
	v27 =	vadd.f32 v55, v27;
	v25 =	vadd.f32 v25, v54  }
0xa0: {  	v58 =	vunpack.i.l.bf16.f32 v28;
	v30 =	vadd.f32 v30, v53;
	v26 =	vadd.f32 v29, v26  }
0xa1: {  	v28 =	vunpack.i.u.bf16.f32 v28;
	v27 =	vadd.f32 v27, v58;
	v25 =	vadd.f32 v25, v56  }
0xa2: {  	v37 =	vor.u32 v2, v35;
	v28 =	vadd.f32 v30, v28;
	v26 =	vadd.f32 v26, v57  }
0xa3: {  	v29 =	vshll.u32 v59, $0x5;
	v32 =	vadd.f32 v27, v60;
	[tilespmem:s9+$0xFFFFFF00] =	vst v25  }
0xa4: {  	v63 =	vor.u32 v2, v29;
	v36 =	vadd.f32 v28, v62;
	[tilespmem:s9+$0xFFFFFF10] =	vst v26  }
0xa5: {  	[tilespmem:s9+$0xFFFFFF20] =	vst v32  }
0xa6: {  	v34 =	vor.u32 v3, v29;
	[tilespmem:s9+$0xFFFFFF30] =	vst v36  }
0xa7: {  	v28 =	vld.idx.msk [tilespmem:v37+s19+$0x0], $0xffff  }
0xa8: {  	v38 =	vor.u32 v3, v35;
	v39 =	vld [tilespmem:s7+$0xFFFFFFA0]  }
0xa9: {  	v41 =	vperm.xlane v22, v1;
	v26 =	vld.idx.msk [tilespmem:v63+s18+$0x0], $0xffff  }
0xaa: {  	v51 =	vperm.xlane v24, v8;
	v40 =	vld [tilespmem:s7+$0xFFFFFFB0]  }
0xab: {  	v48 =	vmul.f32 v41, v18;
	v49 =	vmul.f32 v41, v19;
	v27 =	vld.idx.msk [tilespmem:v34+s18+$0x0], $0xffff  }
0xac: {  	v52 =	vmul.f32 v41, v20;
	v55 =	vperm.xlane v23, v8;
	v53 =	vshll.u32 v51, $0x5  }
0xad: {  	v54 =	vmul.f32 v41, v21;
	v25 =	vld.idx.msk [tilespmem:v38+s19+$0x0], $0xffff;
	v44 =	vunpack.i.u.bf16.f32 v28;
	v45 =	vunpack.i.l.bf16.f32 v39  }
0xae: {  	v28 =	vunpack.i.l.bf16.f32 v28;
	v42 =	vunpack.i.u.bf16.f32 v26;
	v26 =	vunpack.i.l.bf16.f32 v26  }
0xaf: {  	v29 =	vunpack.i.u.bf16.f32 v39;
	v30 =	vunpack.i.l.bf16.f32 v40;
	v26 =	vadd.f32 v45, v26  }
0xb0: {  	v43 =	vunpack.i.u.bf16.f32 v27;
	v27 =	vunpack.i.l.bf16.f32 v27;
	v29 =	vadd.f32 v29, v42  }
0xb1: {  	v47 =	vunpack.i.u.bf16.f32 v40;
	v27 =	vadd.f32 v30, v27;
	v26 =	vadd.f32 v26, v28  }
0xb2: {  	v46 =	vunpack.i.l.bf16.f32 v25;
	v50 =	vadd.f32 v47, v43;
	v29 =	vadd.f32 v29, v44  }
0xb3: {  	v25 =	vunpack.i.u.bf16.f32 v25;
	v27 =	vadd.f32 v27, v46;
	v26 =	vadd.f32 v26, v48  }
0xb4: {  	v56 =	vor.u32 v2, v53;
	v25 =	vadd.f32 v50, v25;
	v29 =	vadd.f32 v29, v49  }
0xb5: {  	v57 =	vadd.f32 v27, v52;
	[tilespmem:s9+$0xFFFFFF40] =	vst v26  }
0xb6: {  	v59 =	vshll.u32 v55, $0x5;
	v58 =	vor.u32 v3, v53;
	v25 =	vadd.f32 v25, v54;
	[tilespmem:s9+$0xFFFFFF50] =	vst v29  }
0xb7: {  	v60 =	vor.u32 v2, v59;
	[tilespmem:s9+$0xFFFFFF60] =	vst v57  }
0xb8: {  	[tilespmem:s9+$0xFFFFFF70] =	vst v25  }
0xb9: {  	v25 =	vld.idx.msk [tilespmem:v56+s18+$0x0], $0xffff  }
0xba: {  	v62 =	vperm.xlane v22, v8;
	v28 =	vor.u32 v3, v59;
	v29 =	vld [tilespmem:s7+$0xFFFFFFC0]  }
0xbb: {  	v27 =	vld.idx.msk [tilespmem:v58+s18+$0x0], $0xffff  }
0xbc: {  	v41 =	vmul.f32 v62, v19;
	v40 =	vmul.f32 v62, v18;
	v26 =	vld.idx.msk [tilespmem:v60+s19+$0x0], $0xffff  }
0xbd: {  	v43 =	vperm.xlane v24, v9;
	v45 =	vperm.xlane v23, v9;
	v61 =	vld [tilespmem:s7+$0xFFFFFFD0]  }
0xbe: {  	v44 =	vmul.f32 v62, v20;
	v46 =	vmul.f32 v62, v21  }
0xbf: {  	v50 =	vshll.u32 v45, $0x5;
	v28 =	vld.idx.msk [tilespmem:v28+s19+$0x0], $0xffff;
	v63 =	vunpack.i.u.bf16.f32 v25;
	v25 =	vunpack.i.l.bf16.f32 v25  }
0xc0: {  	v36 =	vunpack.i.l.bf16.f32 v29;
	v37 =	vunpack.i.u.bf16.f32 v27;
	v29 =	vunpack.i.u.bf16.f32 v29  }
0xc1: {  	v27 =	vunpack.i.l.bf16.f32 v27;
	v38 =	vunpack.i.l.bf16.f32 v26;
	v25 =	vadd.f32 v36, v25  }
0xc2: {  	v26 =	vunpack.i.u.bf16.f32 v26;
	v39 =	vunpack.i.l.bf16.f32 v61;
	v29 =	vadd.f32 v29, v63  }
0xc3: {  	v30 =	vunpack.i.u.bf16.f32 v61;
	v27 =	vadd.f32 v39, v27;
	v25 =	vadd.f32 v25, v38  }
0xc4: {  	v42 =	vunpack.i.l.bf16.f32 v28;
	v30 =	vadd.f32 v30, v37;
	v26 =	vadd.f32 v29, v26  }
0xc5: {  	v28 =	vunpack.i.u.bf16.f32 v28;
	v27 =	vadd.f32 v27, v42;
	v25 =	vadd.f32 v25, v40  }
0xc6: {  	v52 =	vor.u32 v2, v50;
	v28 =	vadd.f32 v30, v28;
	v26 =	vadd.f32 v26, v41  }
0xc7: {  	v29 =	vshll.u32 v43, $0x5;
	v48 =	vadd.f32 v27, v44;
	[tilespmem:s9+$0xFFFFFF80] =	vst v25  }
0xc8: {  	v47 =	vor.u32 v2, v29;
	v51 =	vadd.f32 v28, v46;
	[tilespmem:s9+$0xFFFFFF90] =	vst v26  }
0xc9: {  	[tilespmem:s9+$0xFFFFFFA0] =	vst v48  }
0xca: {  	v49 =	vor.u32 v3, v29;
	[tilespmem:s9+$0xFFFFFFB0] =	vst v51  }
0xcb: {  	v28 =	vld.idx.msk [tilespmem:v52+s19+$0x0], $0xffff  }
0xcc: {  	v53 =	vor.u32 v3, v50;
	v56 =	vperm.xlane v22, v9;
	v54 =	vld [tilespmem:s7+$0xFFFFFFE0]  }
0xcd: {  	v26 =	vld.idx.msk [tilespmem:v47+s18+$0x0], $0xffff  }
0xce: {  	v63 =	vmul.f32 v56, v18;
	v37 =	vmul.f32 v56, v19;
	v55 =	vld [tilespmem:s7+$0xFFFFFFF0]  }
0xcf: {  	v39 =	vperm.xlane v24, v10;
	v42 =	vmul.f32 v56, v21;
	v27 =	vld.idx.msk [tilespmem:v49+s18+$0x0], $0xffff  }
0xd0: {  	v43 =	vperm.xlane v23, v10;
	v40 =	vmul.f32 v56, v20  }
0xd1: {  	v41 =	vshll.u32 v39, $0x5;
	v25 =	vld.idx.msk [tilespmem:v53+s19+$0x0], $0xffff;
	v59 =	vunpack.i.u.bf16.f32 v28;
	v60 =	vunpack.i.l.bf16.f32 v54  }
0xd2: {  	v28 =	vunpack.i.l.bf16.f32 v28;
	v57 =	vunpack.i.u.bf16.f32 v26;
	v26 =	vunpack.i.l.bf16.f32 v26  }
0xd3: {  	v29 =	vunpack.i.u.bf16.f32 v54;
	v30 =	vunpack.i.l.bf16.f32 v55;
	v26 =	vadd.f32 v60, v26  }
0xd4: {  	v58 =	vunpack.i.u.bf16.f32 v27;
	v27 =	vunpack.i.l.bf16.f32 v27;
	v29 =	vadd.f32 v29, v57  }
0xd5: {  	v62 =	vunpack.i.u.bf16.f32 v55;
	v27 =	vadd.f32 v30, v27;
	v26 =	vadd.f32 v26, v28  }
0xd6: {  	v61 =	vunpack.i.l.bf16.f32 v25;
	v38 =	vadd.f32 v62, v58;
	v29 =	vadd.f32 v29, v59  }
0xd7: {  	v25 =	vunpack.i.u.bf16.f32 v25;
	v27 =	vadd.f32 v27, v61;
	v26 =	vadd.f32 v26, v63  }
0xd8: {  	v44 =	vor.u32 v2, v41;
	v25 =	vadd.f32 v38, v25;
	v29 =	vadd.f32 v29, v37  }
0xd9: {  	v45 =	vadd.f32 v27, v40;
	[tilespmem:s9+$0xFFFFFFC0] =	vst v26  }
0xda: {  	v46 =	vor.u32 v3, v41;
	v47 =	vshll.u32 v43, $0x5;
	v25 =	vadd.f32 v25, v42;
	[tilespmem:s9+$0xFFFFFFD0] =	vst v29  }
0xdb: {  	v48 =	vor.u32 v2, v47;
	[tilespmem:s9+$0xFFFFFFE0] =	vst v45  }
0xdc: {  	[tilespmem:s9+$0xFFFFFFF0] =	vst v25  }
0xdd: {  	v25 =	vld.idx.msk [tilespmem:v44+s18+$0x0], $0xffff  }
0xde: {  	v50 =	vperm.xlane v22, v10;
	v28 =	vor.u32 v3, v47;
	v29 =	vld [tilespmem:s7+$0x0]  }
0xdf: {  	v27 =	vld.idx.msk [tilespmem:v46+s18+$0x0], $0xffff  }
0xe0: {  	v56 =	vmul.f32 v50, v18;
	v57 =	vmul.f32 v50, v19;
	v26 =	vld.idx.msk [tilespmem:v48+s19+$0x0], $0xffff  }
0xe1: {  	v60 =	vmul.f32 v50, v20;
	v61 =	vperm.xlane v23, v11;
	v49 =	vld [tilespmem:s7+$0x10]  }
0xe2: {  	v62 =	vmul.f32 v50, v21;
	v59 =	vperm.xlane v24, v11  }
0xe3: {  	v35 =	vshll.u32 v61, $0x5;
	v28 =	vld.idx.msk [tilespmem:v28+s19+$0x0], $0xffff;
	v51 =	vunpack.i.u.bf16.f32 v25;
	v25 =	vunpack.i.l.bf16.f32 v25  }
0xe4: {  	v52 =	vunpack.i.l.bf16.f32 v29;
	v53 =	vunpack.i.u.bf16.f32 v27;
	v29 =	vunpack.i.u.bf16.f32 v29  }
0xe5: {  	v27 =	vunpack.i.l.bf16.f32 v27;
	v54 =	vunpack.i.l.bf16.f32 v26;
	v25 =	vadd.f32 v52, v25  }
0xe6: {  	v26 =	vunpack.i.u.bf16.f32 v26;
	v55 =	vunpack.i.l.bf16.f32 v49;
	v29 =	vadd.f32 v29, v51  }
0xe7: {  	v30 =	vunpack.i.u.bf16.f32 v49;
	v27 =	vadd.f32 v55, v27;
	v25 =	vadd.f32 v25, v54  }
0xe8: {  	v58 =	vunpack.i.l.bf16.f32 v28;
	v30 =	vadd.f32 v30, v53;
	v26 =	vadd.f32 v29, v26  }
0xe9: {  	v28 =	vunpack.i.u.bf16.f32 v28;
	v27 =	vadd.f32 v27, v58;
	v25 =	vadd.f32 v25, v56  }
0xea: {  	v37 =	vor.u32 v2, v35;
	v28 =	vadd.f32 v30, v28;
	v26 =	vadd.f32 v26, v57  }
0xeb: {  	v29 =	vshll.u32 v59, $0x5;
	v32 =	vadd.f32 v27, v60;
	[tilespmem:s9+$0x0] =	vst v25  }
0xec: {  	v63 =	vor.u32 v2, v29;
	v36 =	vadd.f32 v28, v62;
	[tilespmem:s9+$0x10] =	vst v26  }
0xed: {  	[tilespmem:s9+$0x20] =	vst v32  }
0xee: {  	v34 =	vor.u32 v3, v29;
	[tilespmem:s9+$0x30] =	vst v36  }
0xef: {  	v28 =	vld.idx.msk [tilespmem:v37+s19+$0x0], $0xffff  }
0xf0: {  	v38 =	vor.u32 v3, v35;
	v39 =	vld [tilespmem:s7+$0x20]  }
0xf1: {  	v41 =	vperm.xlane v22, v11;
	v26 =	vld.idx.msk [tilespmem:v63+s18+$0x0], $0xffff  }
0xf2: {  	v51 =	vperm.xlane v24, v12;
	v40 =	vld [tilespmem:s7+$0x30]  }
0xf3: {  	v48 =	vmul.f32 v41, v18;
	v49 =	vmul.f32 v41, v19;
	v27 =	vld.idx.msk [tilespmem:v34+s18+$0x0], $0xffff  }
0xf4: {  	v52 =	vmul.f32 v41, v20;
	v55 =	vperm.xlane v23, v12;
	v53 =	vshll.u32 v51, $0x5  }
0xf5: {  	v54 =	vmul.f32 v41, v21;
	v25 =	vld.idx.msk [tilespmem:v38+s19+$0x0], $0xffff;
	v44 =	vunpack.i.u.bf16.f32 v28;
	v45 =	vunpack.i.l.bf16.f32 v39  }
0xf6: {  	v28 =	vunpack.i.l.bf16.f32 v28;
	v42 =	vunpack.i.u.bf16.f32 v26;
	v26 =	vunpack.i.l.bf16.f32 v26  }
0xf7: {  	v29 =	vunpack.i.u.bf16.f32 v39;
	v30 =	vunpack.i.l.bf16.f32 v40;
	v26 =	vadd.f32 v45, v26  }
0xf8: {  	v43 =	vunpack.i.u.bf16.f32 v27;
	v27 =	vunpack.i.l.bf16.f32 v27;
	v29 =	vadd.f32 v29, v42  }
0xf9: {  	v47 =	vunpack.i.u.bf16.f32 v40;
	v27 =	vadd.f32 v30, v27;
	v26 =	vadd.f32 v26, v28  }
0xfa: {  	v46 =	vunpack.i.l.bf16.f32 v25;
	v50 =	vadd.f32 v47, v43;
	v29 =	vadd.f32 v29, v44  }
0xfb: {  	v25 =	vunpack.i.u.bf16.f32 v25;
	v27 =	vadd.f32 v27, v46;
	v26 =	vadd.f32 v26, v48  }
0xfc: {  	v56 =	vor.u32 v2, v53;
	v25 =	vadd.f32 v50, v25;
	v29 =	vadd.f32 v29, v49  }
0xfd: {  	v57 =	vadd.f32 v27, v52;
	[tilespmem:s9+$0x40] =	vst v26  }
0xfe: {  	v59 =	vshll.u32 v55, $0x5;
	v58 =	vor.u32 v3, v53;
	v25 =	vadd.f32 v25, v54;
	[tilespmem:s9+$0x50] =	vst v29  }
0xff: {  	v60 =	vor.u32 v2, v59;
	[tilespmem:s9+$0x60] =	vst v57  }
0x100: {  	[tilespmem:s9+$0x70] =	vst v25  }
0x101: {  	v25 =	vld.idx.msk [tilespmem:v56+s18+$0x0], $0xffff  }
0x102: {  	v62 =	vperm.xlane v22, v12;
	v28 =	vor.u32 v3, v59;
	v29 =	vld [tilespmem:s7+$0x40]  }
0x103: {  	v27 =	vld.idx.msk [tilespmem:v58+s18+$0x0], $0xffff  }
0x104: {  	v41 =	vmul.f32 v62, v19;
	v40 =	vmul.f32 v62, v18;
	v26 =	vld.idx.msk [tilespmem:v60+s19+$0x0], $0xffff  }
0x105: {  	v43 =	vperm.xlane v24, v13;
	v45 =	vperm.xlane v23, v13;
	v61 =	vld [tilespmem:s7+$0x50]  }
0x106: {  	v44 =	vmul.f32 v62, v20;
	v46 =	vmul.f32 v62, v21  }
0x107: {  	v50 =	vshll.u32 v45, $0x5;
	v28 =	vld.idx.msk [tilespmem:v28+s19+$0x0], $0xffff;
	v63 =	vunpack.i.u.bf16.f32 v25;
	v25 =	vunpack.i.l.bf16.f32 v25  }
0x108: {  	v36 =	vunpack.i.l.bf16.f32 v29;
	v37 =	vunpack.i.u.bf16.f32 v27;
	v29 =	vunpack.i.u.bf16.f32 v29  }
0x109: {  	v27 =	vunpack.i.l.bf16.f32 v27;
	v38 =	vunpack.i.l.bf16.f32 v26;
	v25 =	vadd.f32 v36, v25  }
0x10a: {  	v26 =	vunpack.i.u.bf16.f32 v26;
	v39 =	vunpack.i.l.bf16.f32 v61;
	v29 =	vadd.f32 v29, v63  }
0x10b: {  	v30 =	vunpack.i.u.bf16.f32 v61;
	v27 =	vadd.f32 v39, v27;
	v25 =	vadd.f32 v25, v38  }
0x10c: {  	v42 =	vunpack.i.l.bf16.f32 v28;
	v30 =	vadd.f32 v30, v37;
	v26 =	vadd.f32 v29, v26  }
0x10d: {  	v28 =	vunpack.i.u.bf16.f32 v28;
	v27 =	vadd.f32 v27, v42;
	v25 =	vadd.f32 v25, v40  }
0x10e: {  	v52 =	vor.u32 v2, v50;
	v28 =	vadd.f32 v30, v28;
	v26 =	vadd.f32 v26, v41  }
0x10f: {  	v29 =	vshll.u32 v43, $0x5;
	v48 =	vadd.f32 v27, v44;
	[tilespmem:s9+$0x80] =	vst v25  }
0x110: {  	v47 =	vor.u32 v2, v29;
	v51 =	vadd.f32 v28, v46;
	[tilespmem:s9+$0x90] =	vst v26  }
0x111: {  	[tilespmem:s9+$0xA0] =	vst v48  }
0x112: {  	v49 =	vor.u32 v3, v29;
	[tilespmem:s9+$0xB0] =	vst v51  }
0x113: {  	v28 =	vld.idx.msk [tilespmem:v52+s19+$0x0], $0xffff  }
0x114: {  	v53 =	vor.u32 v3, v50;
	v56 =	vperm.xlane v22, v13;
	v54 =	vld [tilespmem:s7+$0x60]  }
0x115: {  	v26 =	vld.idx.msk [tilespmem:v47+s18+$0x0], $0xffff  }
0x116: {  	v63 =	vmul.f32 v56, v18;
	v37 =	vmul.f32 v56, v19;
	v55 =	vld [tilespmem:s7+$0x70]  }
0x117: {  	v39 =	vperm.xlane v24, v14;
	v42 =	vmul.f32 v56, v21;
	v27 =	vld.idx.msk [tilespmem:v49+s18+$0x0], $0xffff  }
0x118: {  	v43 =	vperm.xlane v23, v14;
	v40 =	vmul.f32 v56, v20  }
0x119: {  	v41 =	vshll.u32 v39, $0x5;
	v25 =	vld.idx.msk [tilespmem:v53+s19+$0x0], $0xffff;
	v59 =	vunpack.i.u.bf16.f32 v28;
	v60 =	vunpack.i.l.bf16.f32 v54  }
0x11a: {  	v28 =	vunpack.i.l.bf16.f32 v28;
	v57 =	vunpack.i.u.bf16.f32 v26;
	v26 =	vunpack.i.l.bf16.f32 v26  }
0x11b: {  	v29 =	vunpack.i.u.bf16.f32 v54;
	v30 =	vunpack.i.l.bf16.f32 v55;
	v26 =	vadd.f32 v60, v26  }
0x11c: {  	v58 =	vunpack.i.u.bf16.f32 v27;
	v27 =	vunpack.i.l.bf16.f32 v27;
	v29 =	vadd.f32 v29, v57  }
0x11d: {  	v62 =	vunpack.i.u.bf16.f32 v55;
	v27 =	vadd.f32 v30, v27;
	v26 =	vadd.f32 v26, v28  }
0x11e: {  	v61 =	vunpack.i.l.bf16.f32 v25;
	v38 =	vadd.f32 v62, v58;
	v29 =	vadd.f32 v29, v59  }
0x11f: {  	v25 =	vunpack.i.u.bf16.f32 v25;
	v27 =	vadd.f32 v27, v61;
	v26 =	vadd.f32 v26, v63  }
0x120: {  	v44 =	vor.u32 v2, v41;
	v25 =	vadd.f32 v38, v25;
	v29 =	vadd.f32 v29, v37  }
0x121: {  	v45 =	vadd.f32 v27, v40;
	[tilespmem:s9+$0xC0] =	vst v26  }
0x122: {  	v46 =	vor.u32 v3, v41;
	v47 =	vshll.u32 v43, $0x5;
	v25 =	vadd.f32 v25, v42;
	[tilespmem:s9+$0xD0] =	vst v29  }
0x123: {  	v48 =	vor.u32 v2, v47;
	[tilespmem:s9+$0xE0] =	vst v45  }
0x124: {  	[tilespmem:s9+$0xF0] =	vst v25  }
0x125: {  	v25 =	vld.idx.msk [tilespmem:v44+s18+$0x0], $0xffff  }
0x126: {  	v50 =	vperm.xlane v22, v14;
	v28 =	vor.u32 v3, v47;
	v29 =	vld [tilespmem:s7+$0x80]  }
0x127: {  	v27 =	vld.idx.msk [tilespmem:v46+s18+$0x0], $0xffff  }
0x128: {  	v56 =	vmul.f32 v50, v18;
	v57 =	vmul.f32 v50, v19;
	v26 =	vld.idx.msk [tilespmem:v48+s19+$0x0], $0xffff  }
0x129: {  	v60 =	vmul.f32 v50, v20;
	v61 =	vperm.xlane v23, v15;
	v49 =	vld [tilespmem:s7+$0x90]  }
0x12a: {  	v62 =	vmul.f32 v50, v21;
	v59 =	vperm.xlane v24, v15  }
0x12b: {  	v35 =	vshll.u32 v61, $0x5;
	v28 =	vld.idx.msk [tilespmem:v28+s19+$0x0], $0xffff;
	v51 =	vunpack.i.u.bf16.f32 v25;
	v25 =	vunpack.i.l.bf16.f32 v25  }
0x12c: {  	v52 =	vunpack.i.l.bf16.f32 v29;
	v53 =	vunpack.i.u.bf16.f32 v27;
	v29 =	vunpack.i.u.bf16.f32 v29  }
0x12d: {  	v27 =	vunpack.i.l.bf16.f32 v27;
	v54 =	vunpack.i.l.bf16.f32 v26;
	v25 =	vadd.f32 v52, v25  }
0x12e: {  	v26 =	vunpack.i.u.bf16.f32 v26;
	v55 =	vunpack.i.l.bf16.f32 v49;
	v29 =	vadd.f32 v29, v51  }
0x12f: {  	v30 =	vunpack.i.u.bf16.f32 v49;
	v27 =	vadd.f32 v55, v27;
	v25 =	vadd.f32 v25, v54  }
0x130: {  	v58 =	vunpack.i.l.bf16.f32 v28;
	v30 =	vadd.f32 v30, v53;
	v26 =	vadd.f32 v29, v26  }
0x131: {  	v28 =	vunpack.i.u.bf16.f32 v28;
	v27 =	vadd.f32 v27, v58;
	v25 =	vadd.f32 v25, v56  }
0x132: {  	v37 =	vor.u32 v2, v35;
	v28 =	vadd.f32 v30, v28;
	v26 =	vadd.f32 v26, v57  }
0x133: {  	v29 =	vshll.u32 v59, $0x5;
	v32 =	vadd.f32 v27, v60;
	[tilespmem:s9+$0x100] =	vst v25  }
0x134: {  	v63 =	vor.u32 v2, v29;
	v36 =	vadd.f32 v28, v62;
	[tilespmem:s9+$0x110] =	vst v26  }
0x135: {  	[tilespmem:s9+$0x120] =	vst v32  }
0x136: {  	v34 =	vor.u32 v3, v29;
	[tilespmem:s9+$0x130] =	vst v36  }
0x137: {  	v28 =	vld.idx.msk [tilespmem:v37+s19+$0x0], $0xffff  }
0x138: {  	v38 =	vor.u32 v3, v35;
	v39 =	vld [tilespmem:s7+$0xA0]  }
0x139: {  	v41 =	vperm.xlane v22, v15;
	v26 =	vld.idx.msk [tilespmem:v63+s18+$0x0], $0xffff  }
0x13a: {  	v51 =	vperm.xlane v24, v16;
	v40 =	vld [tilespmem:s7+$0xB0]  }
0x13b: {  	v48 =	vmul.f32 v41, v18;
	v49 =	vmul.f32 v41, v19;
	v27 =	vld.idx.msk [tilespmem:v34+s18+$0x0], $0xffff  }
0x13c: {  	v52 =	vmul.f32 v41, v20;
	v55 =	vperm.xlane v23, v16;
	v53 =	vshll.u32 v51, $0x5  }
0x13d: {  	v54 =	vmul.f32 v41, v21;
	v25 =	vld.idx.msk [tilespmem:v38+s19+$0x0], $0xffff;
	v44 =	vunpack.i.u.bf16.f32 v28;
	v45 =	vunpack.i.l.bf16.f32 v39  }
0x13e: {  	v28 =	vunpack.i.l.bf16.f32 v28;
	v42 =	vunpack.i.u.bf16.f32 v26;
	v26 =	vunpack.i.l.bf16.f32 v26  }
0x13f: {  	v29 =	vunpack.i.u.bf16.f32 v39;
	v30 =	vunpack.i.l.bf16.f32 v40;
	v26 =	vadd.f32 v45, v26  }
0x140: {  	v43 =	vunpack.i.u.bf16.f32 v27;
	v27 =	vunpack.i.l.bf16.f32 v27;
	v29 =	vadd.f32 v29, v42  }
0x141: {  	v47 =	vunpack.i.u.bf16.f32 v40;
	v27 =	vadd.f32 v30, v27;
	v26 =	vadd.f32 v26, v28  }
0x142: {  	v46 =	vunpack.i.l.bf16.f32 v25;
	v50 =	vadd.f32 v47, v43;
	v29 =	vadd.f32 v29, v44  }
0x143: {  	v25 =	vunpack.i.u.bf16.f32 v25;
	v27 =	vadd.f32 v27, v46;
	v26 =	vadd.f32 v26, v48  }
0x144: {  	v56 =	vor.u32 v2, v53;
	v25 =	vadd.f32 v50, v25;
	v29 =	vadd.f32 v29, v49  }
0x145: {  	v57 =	vadd.f32 v27, v52;
	[tilespmem:s9+$0x140] =	vst v26  }
0x146: {  	v59 =	vshll.u32 v55, $0x5;
	v58 =	vor.u32 v3, v53;
	v25 =	vadd.f32 v25, v54;
	[tilespmem:s9+$0x150] =	vst v29  }
0x147: {  	v60 =	vor.u32 v2, v59;
	[tilespmem:s9+$0x160] =	vst v57  }
0x148: {  	[tilespmem:s9+$0x170] =	vst v25  }
0x149: {  	v25 =	vld.idx.msk [tilespmem:v56+s18+$0x0], $0xffff  }
0x14a: {  	v28 =	vor.u32 v3, v59;
	v29 =	vld [tilespmem:s7+$0xC0]  }
0x14b: {  	v62 =	vperm.xlane v22, v16;
	v27 =	vld.idx.msk [tilespmem:v58+s18+$0x0], $0xffff  }
0x14c: {  	v24 =	vperm.xlane v24, v17;
	v26 =	vld.idx.msk [tilespmem:v60+s19+$0x0], $0xffff  }
0x14d: {  	v23 =	vperm.xlane v23, v17;
	v41 =	vmul.f32 v62, v19;
	v61 =	vld [tilespmem:s7+$0xD0]  }
0x14e: {  	v24 =	vshll.u32 v24, $0x5;
	v40 =	vmul.f32 v62, v18;
	v45 =	vmul.f32 v62, v21  }
0x14f: {  	v44 =	vmul.f32 v62, v20;
	v28 =	vld.idx.msk [tilespmem:v28+s19+$0x0], $0xffff;
	v63 =	vunpack.i.u.bf16.f32 v25;
	v25 =	vunpack.i.l.bf16.f32 v25  }
0x150: {  	v36 =	vunpack.i.l.bf16.f32 v29;
	v37 =	vunpack.i.u.bf16.f32 v27;
	v29 =	vunpack.i.u.bf16.f32 v29  }
0x151: {  	v27 =	vunpack.i.l.bf16.f32 v27;
	v38 =	vunpack.i.l.bf16.f32 v26;
	v25 =	vadd.f32 v36, v25  }
0x152: {  	v26 =	vunpack.i.u.bf16.f32 v26;
	v39 =	vunpack.i.l.bf16.f32 v61;
	v29 =	vadd.f32 v29, v63  }
0x153: {  	v30 =	vunpack.i.u.bf16.f32 v61;
	v27 =	vadd.f32 v39, v27;
	v25 =	vadd.f32 v25, v38  }
0x154: {  	v42 =	vunpack.i.l.bf16.f32 v28;
	v43 =	vadd.f32 v30, v37;
	v26 =	vadd.f32 v29, v26  }
0x155: {  	v28 =	vunpack.i.u.bf16.f32 v28;
	v27 =	vadd.f32 v27, v42;
	v25 =	vadd.f32 v25, v40  }
0x156: {  	v46 =	vor.u32 v2, v24;
	v28 =	vadd.f32 v43, v28;
	v26 =	vadd.f32 v26, v41  }
0x157: {  	v23 =	vshll.u32 v23, $0x5;
	v24 =	vor.u32 v3, v24;
	v47 =	vadd.f32 v27, v44;
	[tilespmem:s9+$0x180] =	vst v25  }
0x158: {  	v49 =	vor.u32 v2, v23;
	v48 =	vadd.f32 v28, v45;
	[tilespmem:s9+$0x190] =	vst v26  }
0x159: {  	[tilespmem:s9+$0x1A0] =	vst v47  }
0x15a: {  	v23 =	vor.u32 v3, v23;
	[tilespmem:s9+$0x1B0] =	vst v48  }
0x15b: {  	v25 =	vld.idx.msk [tilespmem:v46+s18+$0x0], $0xffff  }
0x15c: {  	v24 =	vld.idx.msk [tilespmem:v24+s18+$0x0], $0xffff  }
0x15d: {  	v26 =	vld.idx.msk [tilespmem:v49+s19+$0x0], $0xffff  }
0x15e: {  	v50 =	vld [tilespmem:s7+$0xE0]  }
0x15f: {  	v22 =	vperm.xlane v22, v17;
	v23 =	vld.idx.msk [tilespmem:v23+s19+$0x0], $0xffff  }
0x160: {  	v51 =	vld [tilespmem:s7+$0xF0]  }
0x161: {  	v59 =	vmul.f32 v22, v19;
	v58 =	vmul.f32 v22, v18  }
0x162: {  	v52 =	vunpack.i.u.bf16.f32 v25;
	v25 =	vunpack.i.l.bf16.f32 v25;
	v53 =	vunpack.i.u.bf16.f32 v24  }
0x163: {  	v24 =	vunpack.i.l.bf16.f32 v24;
	v54 =	vunpack.i.u.bf16.f32 v26;
	v56 =	vunpack.i.l.bf16.f32 v50  }
0x164: {  	v26 =	vunpack.i.l.bf16.f32 v26;
	v27 =	vunpack.i.u.bf16.f32 v50;
	v25 =	vadd.f32 v56, v25  }
0x165: {  	v55 =	vunpack.i.u.bf16.f32 v23;
	v28 =	vunpack.i.l.bf16.f32 v51;
	v27 =	vadd.f32 v27, v52  }
0x166: {  	v57 =	vunpack.i.u.bf16.f32 v51;
	v24 =	vadd.f32 v28, v24;
	v25 =	vadd.f32 v25, v26  }
0x167: {  	v23 =	vunpack.i.l.bf16.f32 v23;
	v60 =	vadd.f32 v57, v53;
	v27 =	vadd.f32 v27, v54  }
0x168: {  	p0 =	sne.s32 s10, $0x3C0;
	v61 =	vmul.f32 v22, v20;
	v23 =	vadd.f32 v24, v23;
	v25 =	vadd.f32 v25, v58  }
.Ltmp2:
0x169: {  	v22 =	vmul.f32 v22, v21;
	v63 =	vadd.f32 v60, v55;
	v62 =	vadd.f32 v27, v59;
	(pc) =	sbr.rel @p0 .LBB2_3-.Ltmp2, $4  }
0x16a: {  	v23 =	vadd.f32 v23, v61;
	[tilespmem:s9+$0x1C0] =	vst v25  }
0x16b: {  	v22 =	vadd.f32 v63, v22;
	[tilespmem:s9+$0x1D0] =	vst v62  }
0x16c: {  	s6 =	sadd.s32 $0x10, s6;
	[tilespmem:s9+$0x1E0] =	vst v23  }
0x16d: {  	s10 =	sadd.s32 $0x40, s10;
	s7 =	sadd.s32 $0x200, s7;
	[tilespmem:s9+$0x1F0] =	vst v22;
	s9 =	sadd.s32 $0x400, s9  }
0x16e: {  	s6 =	sshll.u32 s23, $0xF  }
0x16f: {  	s6 =	sadd.s32 s11, s6  }
0x170: {  	s6 =	sshrl.u32 s6, $0x3  }
0x171: {  	p0 =	seq.s32 s23, $0x31;
	s6 =	sadd.s32 s2, s6  }
0x172: {  	[hbm4b:s6+s3] =	stream.linear.scatter [tilespmem:s31], [sflag:$0x5], $0x4000, $0x38;
	[tilespmem:$0x1B3E0] =	vst v63  }
0x173: {  	s6 =	simm.s32 @p0 $0x4  }
0x174: {  	_ =	swait.ge @p0 [sflag:s6], $0x1000  }
0x175: {  	[sflag:s6] =	ssyncset.done @p0 $0x0  }
0x176: {  	[sflag:s6] =	ssyncadd.s32 @p0 $0xFFFFF000  }
0x177: {  	_ =	swait.ge @p0 [sflag:s6], $0x1000  }
0x178: {  	[sflag:s6] =	ssyncset.done @p0 $0x0  }
0x179: {  	s7 =	sadd.s32 @!p0 s24, s12;
	[sflag:s6] =	ssyncadd.s32 @p0 $0xFFFFF000;
	s6 =	simm.s32 @p0 $0x5  }
0x17a: {  	s7 =	sshll.u32 @!p0 s7, $0x7;
	_ =	swait.ge @p0 [sflag:s6], $0x4000  }
0x17b: {  	s7 =	sand.u32 @!p0 $0x1FFFFF00, s7;
	[sflag:s6] =	ssyncset.done @p0 $0x0  }
0x17c: {  	[sflag:s6] =	ssyncadd.s32 @p0 $0xFFFFC000;
	s6 =	sadd.s32 @!p0 s4, s7;
	s7 =	simm.s32 @!p0 $0x0  }
0x17d: {  	[tilespmem:s7], [sflag:$0x1] =	stream.linear.gather @!p0 [hbm4b:s6+s7], $0x400, $0x38;
	[tilespmem:$0x1B3E0] =	vst v63  }
0x17e: {  	s6 =	simm.s32 @!p0 $0x4  }
0x17f: {  	_ =	swait.ge @!p0 [sflag:s6], $0x1000  }
0x180: {  	[sflag:s6] =	ssyncset.done @!p0 $0x0  }
0x181: {  	[sflag:s6] =	ssyncadd.s32 @!p0 $0xFFFFF000  }
0x182: {  	_ =	swait.ge @!p0 [sflag:s6], $0x1000  }
0x183: {  	[sflag:s6] =	ssyncset.done @!p0 $0x0  }
0x184: {  	[sflag:s6] =	ssyncadd.s32 @!p0 $0xFFFFF000;
	s6 =	simm.s32 @!p0 $0x5  }
0x185: {  	_ =	swait.ge @!p0 [sflag:s6], $0x4000  }
0x186: {  	[sflag:s6] =	ssyncset.done @!p0 $0x0  }
0x187: {  	[sflag:s6] =	ssyncadd.s32 @!p0 $0xFFFFC000;
	s6 =	simm.s32 @!p0 $0x1  }
0x188: {  	_ =	swait.ge @!p0 [sflag:s6], $0x400  }
0x189: {  	[sflag:s6] =	ssyncset.done @!p0 $0x0  }
0x18a: {  	s8 =	simm.s32 @!p0 $0x800;
	[sflag:s6] =	ssyncadd.s32 @!p0 $0xFFFFFC00;
	s6 =	simm.s32 @!p0 $0x80  }
0x18b: {  	[tilespmem:s8], [sflag:$0x3] =	stream.indirect.gather @!p0 [hbm4b:s5+s6], $0x20, s7, s6, $0xb8;
	[tilespmem:$0x1B3E0] =	vst v63  }
0x18c: {  	s7 =	simm.s32 @!p0 $0x1800  }
0x18d: {  	[tilespmem:s7], [sflag:$0x3] =	stream.indirect.gather @!p0 [hbm4b:s5+s6], $0x20, s6, s6, $0xb8;
	[tilespmem:$0x1B3E0] =	vst v63  }
0x18e: {  	v18 =	vld [tilespmem:$0x1B3A0]  }
0x18f: {  	v19 =	vld [tilespmem:$0x1B3B0]  }
0x190: {  	s9 =	simm.s32 $0x8A00;
	v20 =	vld [tilespmem:$0x1B3C0]  }
0x191: {  	s10 =	simm.s32 $0x0;
	s6 =	simm.s32 $0x0;
	s7 =	simm.s32 $0x2900;
	v21 =	vld [tilespmem:$0x1B3D0]  }
.LBB2_5:
0x192: {  	s8 =	sand.u32 $0x200, s10  }
0x193: {  	s14 =	sand.u32 $0x70, s6;
	s8 =	sshrl.u32 s8, $0x2  }
0x194: {  	s8 =	sor.u32 s14, s8  }
0x195: {  	v24 =	vld [tilespmem:s8+$0x500];
	_ =	sdelay $0x1  }
0x196: {  	v23 =	vld [tilespmem:s8+$0x600];
	_ =	sdelay $0x2  }
0x197: {  	v22 =	vperm.xlane v24, v0;
	_ =	sdelay $0x1  }
0x198: {  	v25 =	vperm.xlane v23, v0;
	v22 =	vshll.u32 v22, $0x5  }
0x199: {  	v26 =	vor.u32 v2, v22  }
0x19a: {  	v29 =	vld [tilespmem:s7+$0xFFFFFF00];
	v25 =	vshll.u32 v25, $0x5;
	v27 =	vor.u32 v3, v22  }
0x19b: {  	v28 =	vor.u32 v2, v25;
	v22 =	vld [tilespmem:s8+$0x700]  }
0x19c: {  	v30 =	vld [tilespmem:s7+$0xFFFFFF10]  }
0x19d: {  	v25 =	vor.u32 v3, v25  }
0x19e: {  	v26 =	vld.idx.msk [tilespmem:v26+s18+$0x0], $0xffff  }
0x19f: {  	v62 =	vperm.xlane v23, v4;
	v27 =	vld.idx.msk [tilespmem:v27+s18+$0x0], $0xffff  }
0x1a0: {  	v33 =	vunpack.i.l.bf16.f32 v29;
	v29 =	vunpack.i.u.bf16.f32 v29;
	v28 =	vld.idx.msk [tilespmem:v28+s19+$0x0], $0xffff;
	v31 =	vperm.xlane v22, v0  }
0x1a1: {  	v57 =	vunpack.i.l.bf16.f32 v30;
	v30 =	vunpack.i.u.bf16.f32 v30;
	v37 =	vshll.u32 v62, $0x5  }
0x1a2: {  	v60 =	vperm.xlane v24, v4;
	v38 =	vor.u32 v2, v37;
	v25 =	vld.idx.msk [tilespmem:v25+s19+$0x0], $0xffff;
	v58 =	vmul.f32 v31, v18  }
0x1a3: {  	v59 =	vmul.f32 v31, v19;
	v32 =	vunpack.i.u.bf16.f32 v26;
	v26 =	vunpack.i.l.bf16.f32 v26  }
0x1a4: {  	v61 =	vmul.f32 v31, v20;
	v34 =	vunpack.i.u.bf16.f32 v27;
	v26 =	vadd.f32 v33, v26  }
0x1a5: {  	v27 =	vunpack.i.l.bf16.f32 v27;
	v56 =	vunpack.i.l.bf16.f32 v28;
	v29 =	vadd.f32 v29, v32  }
0x1a6: {  	v28 =	vunpack.i.u.bf16.f32 v28;
	v27 =	vadd.f32 v57, v27;
	v26 =	vadd.f32 v26, v56  }
0x1a7: {  	v35 =	vunpack.i.l.bf16.f32 v25;
	v30 =	vadd.f32 v30, v34;
	v28 =	vadd.f32 v29, v28  }
0x1a8: {  	v25 =	vunpack.i.u.bf16.f32 v25;
	v27 =	vadd.f32 v27, v35;
	v26 =	vadd.f32 v26, v58  }
0x1a9: {  	v63 =	vmul.f32 v31, v21;
	v25 =	vadd.f32 v30, v25;
	v28 =	vadd.f32 v28, v59  }
0x1aa: {  	v29 =	vshll.u32 v60, $0x5;
	v35 =	vadd.f32 v27, v61;
	[tilespmem:s9+$0xFFFFFE00] =	vst v26  }
0x1ab: {  	v34 =	vor.u32 v2, v29;
	v25 =	vadd.f32 v25, v63;
	[tilespmem:s9+$0xFFFFFE10] =	vst v28  }
0x1ac: {  	[tilespmem:s9+$0xFFFFFE20] =	vst v35  }
0x1ad: {  	v36 =	vor.u32 v3, v29;
	[tilespmem:s9+$0xFFFFFE30] =	vst v25  }
0x1ae: {  	v28 =	vld.idx.msk [tilespmem:v38+s19+$0x0], $0xffff  }
0x1af: {  	v39 =	vor.u32 v3, v37;
	v40 =	vld [tilespmem:s7+$0xFFFFFF20]  }
0x1b0: {  	v42 =	vperm.xlane v22, v4;
	v26 =	vld.idx.msk [tilespmem:v34+s18+$0x0], $0xffff  }
0x1b1: {  	v51 =	vperm.xlane v24, v5;
	v41 =	vld [tilespmem:s7+$0xFFFFFF30]  }
0x1b2: {  	v55 =	vperm.xlane v23, v5;
	v48 =	vmul.f32 v42, v18;
	v27 =	vld.idx.msk [tilespmem:v36+s18+$0x0], $0xffff  }
0x1b3: {  	v53 =	vshll.u32 v51, $0x5;
	v49 =	vmul.f32 v42, v19;
	v52 =	vmul.f32 v42, v20  }
0x1b4: {  	v54 =	vmul.f32 v42, v21;
	v25 =	vld.idx.msk [tilespmem:v39+s19+$0x0], $0xffff;
	v45 =	vunpack.i.u.bf16.f32 v28;
	v46 =	vunpack.i.l.bf16.f32 v40  }
0x1b5: {  	v28 =	vunpack.i.l.bf16.f32 v28;
	v43 =	vunpack.i.u.bf16.f32 v26;
	v26 =	vunpack.i.l.bf16.f32 v26  }
0x1b6: {  	v29 =	vunpack.i.u.bf16.f32 v40;
	v30 =	vunpack.i.l.bf16.f32 v41;
	v26 =	vadd.f32 v46, v26  }
0x1b7: {  	v44 =	vunpack.i.u.bf16.f32 v27;
	v27 =	vunpack.i.l.bf16.f32 v27;
	v29 =	vadd.f32 v29, v43  }
0x1b8: {  	v36 =	vunpack.i.u.bf16.f32 v41;
	v27 =	vadd.f32 v30, v27;
	v26 =	vadd.f32 v26, v28  }
0x1b9: {  	v47 =	vunpack.i.l.bf16.f32 v25;
	v50 =	vadd.f32 v36, v44;
	v29 =	vadd.f32 v29, v45  }
0x1ba: {  	v25 =	vunpack.i.u.bf16.f32 v25;
	v27 =	vadd.f32 v27, v47;
	v26 =	vadd.f32 v26, v48  }
0x1bb: {  	v56 =	vor.u32 v2, v53;
	v25 =	vadd.f32 v50, v25;
	v29 =	vadd.f32 v29, v49  }
0x1bc: {  	v57 =	vadd.f32 v27, v52;
	[tilespmem:s9+$0xFFFFFE40] =	vst v26  }
0x1bd: {  	v58 =	vor.u32 v3, v53;
	v59 =	vshll.u32 v55, $0x5;
	v25 =	vadd.f32 v25, v54;
	[tilespmem:s9+$0xFFFFFE50] =	vst v29  }
0x1be: {  	v60 =	vor.u32 v2, v59;
	[tilespmem:s9+$0xFFFFFE60] =	vst v57  }
0x1bf: {  	[tilespmem:s9+$0xFFFFFE70] =	vst v25  }
0x1c0: {  	v25 =	vld.idx.msk [tilespmem:v56+s18+$0x0], $0xffff  }
0x1c1: {  	v62 =	vperm.xlane v22, v5;
	v28 =	vor.u32 v3, v59;
	v29 =	vld [tilespmem:s7+$0xFFFFFF40]  }
0x1c2: {  	v27 =	vld.idx.msk [tilespmem:v58+s18+$0x0], $0xffff  }
0x1c3: {  	v40 =	vmul.f32 v62, v18;
	v41 =	vmul.f32 v62, v19;
	v26 =	vld.idx.msk [tilespmem:v60+s19+$0x0], $0xffff  }
0x1c4: {  	v43 =	vperm.xlane v24, v6;
	v45 =	vperm.xlane v23, v6;
	v61 =	vld [tilespmem:s7+$0xFFFFFF50]  }
0x1c5: {  	v44 =	vmul.f32 v62, v20;
	v46 =	vmul.f32 v62, v21  }
0x1c6: {  	v50 =	vshll.u32 v45, $0x5;
	v28 =	vld.idx.msk [tilespmem:v28+s19+$0x0], $0xffff;
	v63 =	vunpack.i.u.bf16.f32 v25;
	v25 =	vunpack.i.l.bf16.f32 v25  }
0x1c7: {  	v36 =	vunpack.i.l.bf16.f32 v29;
	v37 =	vunpack.i.u.bf16.f32 v27;
	v29 =	vunpack.i.u.bf16.f32 v29  }
0x1c8: {  	v27 =	vunpack.i.l.bf16.f32 v27;
	v38 =	vunpack.i.l.bf16.f32 v26;
	v25 =	vadd.f32 v36, v25  }
0x1c9: {  	v26 =	vunpack.i.u.bf16.f32 v26;
	v39 =	vunpack.i.l.bf16.f32 v61;
	v29 =	vadd.f32 v29, v63  }
0x1ca: {  	v30 =	vunpack.i.u.bf16.f32 v61;
	v27 =	vadd.f32 v39, v27;
	v25 =	vadd.f32 v25, v38  }
0x1cb: {  	v42 =	vunpack.i.l.bf16.f32 v28;
	v30 =	vadd.f32 v30, v37;
	v26 =	vadd.f32 v29, v26  }
0x1cc: {  	v28 =	vunpack.i.u.bf16.f32 v28;
	v27 =	vadd.f32 v27, v42;
	v25 =	vadd.f32 v25, v40  }
0x1cd: {  	v52 =	vor.u32 v2, v50;
	v28 =	vadd.f32 v30, v28;
	v26 =	vadd.f32 v26, v41  }
0x1ce: {  	v29 =	vshll.u32 v43, $0x5;
	v48 =	vadd.f32 v27, v44;
	[tilespmem:s9+$0xFFFFFE80] =	vst v25  }
0x1cf: {  	v47 =	vor.u32 v2, v29;
	v51 =	vadd.f32 v28, v46;
	[tilespmem:s9+$0xFFFFFE90] =	vst v26  }
0x1d0: {  	[tilespmem:s9+$0xFFFFFEA0] =	vst v48  }
0x1d1: {  	v49 =	vor.u32 v3, v29;
	[tilespmem:s9+$0xFFFFFEB0] =	vst v51  }
0x1d2: {  	v28 =	vld.idx.msk [tilespmem:v52+s19+$0x0], $0xffff  }
0x1d3: {  	v53 =	vor.u32 v3, v50;
	v56 =	vperm.xlane v22, v6;
	v54 =	vld [tilespmem:s7+$0xFFFFFF60]  }
0x1d4: {  	v26 =	vld.idx.msk [tilespmem:v47+s18+$0x0], $0xffff  }
0x1d5: {  	v63 =	vmul.f32 v56, v18;
	v37 =	vmul.f32 v56, v19;
	v55 =	vld [tilespmem:s7+$0xFFFFFF70]  }
0x1d6: {  	v39 =	vperm.xlane v24, v7;
	v42 =	vmul.f32 v56, v21;
	v27 =	vld.idx.msk [tilespmem:v49+s18+$0x0], $0xffff  }
0x1d7: {  	v43 =	vperm.xlane v23, v7;
	v40 =	vmul.f32 v56, v20  }
0x1d8: {  	v41 =	vshll.u32 v39, $0x5;
	v25 =	vld.idx.msk [tilespmem:v53+s19+$0x0], $0xffff;
	v59 =	vunpack.i.u.bf16.f32 v28;
	v60 =	vunpack.i.l.bf16.f32 v54  }
0x1d9: {  	v28 =	vunpack.i.l.bf16.f32 v28;
	v57 =	vunpack.i.u.bf16.f32 v26;
	v26 =	vunpack.i.l.bf16.f32 v26  }
0x1da: {  	v29 =	vunpack.i.u.bf16.f32 v54;
	v30 =	vunpack.i.l.bf16.f32 v55;
	v26 =	vadd.f32 v60, v26  }
0x1db: {  	v58 =	vunpack.i.u.bf16.f32 v27;
	v27 =	vunpack.i.l.bf16.f32 v27;
	v29 =	vadd.f32 v29, v57  }
0x1dc: {  	v62 =	vunpack.i.u.bf16.f32 v55;
	v27 =	vadd.f32 v30, v27;
	v26 =	vadd.f32 v26, v28  }
0x1dd: {  	v61 =	vunpack.i.l.bf16.f32 v25;
	v38 =	vadd.f32 v62, v58;
	v29 =	vadd.f32 v29, v59  }
0x1de: {  	v25 =	vunpack.i.u.bf16.f32 v25;
	v27 =	vadd.f32 v27, v61;
	v26 =	vadd.f32 v26, v63  }
0x1df: {  	v44 =	vor.u32 v2, v41;
	v25 =	vadd.f32 v38, v25;
	v29 =	vadd.f32 v29, v37  }
0x1e0: {  	v45 =	vadd.f32 v27, v40;
	[tilespmem:s9+$0xFFFFFEC0] =	vst v26  }
0x1e1: {  	v46 =	vor.u32 v3, v41;
	v47 =	vshll.u32 v43, $0x5;
	v25 =	vadd.f32 v25, v42;
	[tilespmem:s9+$0xFFFFFED0] =	vst v29  }
0x1e2: {  	v48 =	vor.u32 v2, v47;
	[tilespmem:s9+$0xFFFFFEE0] =	vst v45  }
0x1e3: {  	[tilespmem:s9+$0xFFFFFEF0] =	vst v25  }
0x1e4: {  	v25 =	vld.idx.msk [tilespmem:v44+s18+$0x0], $0xffff  }
0x1e5: {  	v50 =	vperm.xlane v22, v7;
	v28 =	vor.u32 v3, v47;
	v29 =	vld [tilespmem:s7+$0xFFFFFF80]  }
0x1e6: {  	v27 =	vld.idx.msk [tilespmem:v46+s18+$0x0], $0xffff  }
0x1e7: {  	v56 =	vmul.f32 v50, v18;
	v57 =	vmul.f32 v50, v19;
	v26 =	vld.idx.msk [tilespmem:v48+s19+$0x0], $0xffff  }
0x1e8: {  	v60 =	vmul.f32 v50, v20;
	v61 =	vperm.xlane v23, v1;
	v49 =	vld [tilespmem:s7+$0xFFFFFF90]  }
0x1e9: {  	v62 =	vmul.f32 v50, v21;
	v59 =	vperm.xlane v24, v1  }
0x1ea: {  	v35 =	vshll.u32 v61, $0x5;
	v28 =	vld.idx.msk [tilespmem:v28+s19+$0x0], $0xffff;
	v51 =	vunpack.i.u.bf16.f32 v25;
	v25 =	vunpack.i.l.bf16.f32 v25  }
0x1eb: {  	v52 =	vunpack.i.l.bf16.f32 v29;
	v53 =	vunpack.i.u.bf16.f32 v27;
	v29 =	vunpack.i.u.bf16.f32 v29  }
0x1ec: {  	v27 =	vunpack.i.l.bf16.f32 v27;
	v54 =	vunpack.i.l.bf16.f32 v26;
	v25 =	vadd.f32 v52, v25  }
0x1ed: {  	v26 =	vunpack.i.u.bf16.f32 v26;
	v55 =	vunpack.i.l.bf16.f32 v49;
	v29 =	vadd.f32 v29, v51  }
0x1ee: {  	v30 =	vunpack.i.u.bf16.f32 v49;
	v27 =	vadd.f32 v55, v27;
	v25 =	vadd.f32 v25, v54  }
0x1ef: {  	v58 =	vunpack.i.l.bf16.f32 v28;
	v30 =	vadd.f32 v30, v53;
	v26 =	vadd.f32 v29, v26  }
0x1f0: {  	v28 =	vunpack.i.u.bf16.f32 v28;
	v27 =	vadd.f32 v27, v58;
	v25 =	vadd.f32 v25, v56  }
0x1f1: {  	v37 =	vor.u32 v2, v35;
	v28 =	vadd.f32 v30, v28;
	v26 =	vadd.f32 v26, v57  }
0x1f2: {  	v29 =	vshll.u32 v59, $0x5;
	v32 =	vadd.f32 v27, v60;
	[tilespmem:s9+$0xFFFFFF00] =	vst v25  }
0x1f3: {  	v63 =	vor.u32 v2, v29;
	v36 =	vadd.f32 v28, v62;
	[tilespmem:s9+$0xFFFFFF10] =	vst v26  }
0x1f4: {  	[tilespmem:s9+$0xFFFFFF20] =	vst v32  }
0x1f5: {  	v34 =	vor.u32 v3, v29;
	[tilespmem:s9+$0xFFFFFF30] =	vst v36  }
0x1f6: {  	v28 =	vld.idx.msk [tilespmem:v37+s19+$0x0], $0xffff  }
0x1f7: {  	v38 =	vor.u32 v3, v35;
	v39 =	vld [tilespmem:s7+$0xFFFFFFA0]  }
0x1f8: {  	v41 =	vperm.xlane v22, v1;
	v26 =	vld.idx.msk [tilespmem:v63+s18+$0x0], $0xffff  }
0x1f9: {  	v51 =	vperm.xlane v24, v8;
	v40 =	vld [tilespmem:s7+$0xFFFFFFB0]  }
0x1fa: {  	v48 =	vmul.f32 v41, v18;
	v49 =	vmul.f32 v41, v19;
	v27 =	vld.idx.msk [tilespmem:v34+s18+$0x0], $0xffff  }
0x1fb: {  	v52 =	vmul.f32 v41, v20;
	v55 =	vperm.xlane v23, v8;
	v53 =	vshll.u32 v51, $0x5  }
0x1fc: {  	v54 =	vmul.f32 v41, v21;
	v25 =	vld.idx.msk [tilespmem:v38+s19+$0x0], $0xffff;
	v44 =	vunpack.i.u.bf16.f32 v28;
	v45 =	vunpack.i.l.bf16.f32 v39  }
0x1fd: {  	v28 =	vunpack.i.l.bf16.f32 v28;
	v42 =	vunpack.i.u.bf16.f32 v26;
	v26 =	vunpack.i.l.bf16.f32 v26  }
0x1fe: {  	v29 =	vunpack.i.u.bf16.f32 v39;
	v30 =	vunpack.i.l.bf16.f32 v40;
	v26 =	vadd.f32 v45, v26  }
0x1ff: {  	v43 =	vunpack.i.u.bf16.f32 v27;
	v27 =	vunpack.i.l.bf16.f32 v27;
	v29 =	vadd.f32 v29, v42  }
0x200: {  	v47 =	vunpack.i.u.bf16.f32 v40;
	v27 =	vadd.f32 v30, v27;
	v26 =	vadd.f32 v26, v28  }
0x201: {  	v46 =	vunpack.i.l.bf16.f32 v25;
	v50 =	vadd.f32 v47, v43;
	v29 =	vadd.f32 v29, v44  }
0x202: {  	v25 =	vunpack.i.u.bf16.f32 v25;
	v27 =	vadd.f32 v27, v46;
	v26 =	vadd.f32 v26, v48  }
0x203: {  	v56 =	vor.u32 v2, v53;
	v25 =	vadd.f32 v50, v25;
	v29 =	vadd.f32 v29, v49  }
0x204: {  	v57 =	vadd.f32 v27, v52;
	[tilespmem:s9+$0xFFFFFF40] =	vst v26  }
0x205: {  	v59 =	vshll.u32 v55, $0x5;
	v58 =	vor.u32 v3, v53;
	v25 =	vadd.f32 v25, v54;
	[tilespmem:s9+$0xFFFFFF50] =	vst v29  }
0x206: {  	v60 =	vor.u32 v2, v59;
	[tilespmem:s9+$0xFFFFFF60] =	vst v57  }
0x207: {  	[tilespmem:s9+$0xFFFFFF70] =	vst v25  }
0x208: {  	v25 =	vld.idx.msk [tilespmem:v56+s18+$0x0], $0xffff  }
0x209: {  	v62 =	vperm.xlane v22, v8;
	v28 =	vor.u32 v3, v59;
	v29 =	vld [tilespmem:s7+$0xFFFFFFC0]  }
0x20a: {  	v27 =	vld.idx.msk [tilespmem:v58+s18+$0x0], $0xffff  }
0x20b: {  	v41 =	vmul.f32 v62, v19;
	v40 =	vmul.f32 v62, v18;
	v26 =	vld.idx.msk [tilespmem:v60+s19+$0x0], $0xffff  }
0x20c: {  	v43 =	vperm.xlane v24, v9;
	v45 =	vperm.xlane v23, v9;
	v61 =	vld [tilespmem:s7+$0xFFFFFFD0]  }
0x20d: {  	v44 =	vmul.f32 v62, v20;
	v46 =	vmul.f32 v62, v21  }
0x20e: {  	v50 =	vshll.u32 v45, $0x5;
	v28 =	vld.idx.msk [tilespmem:v28+s19+$0x0], $0xffff;
	v63 =	vunpack.i.u.bf16.f32 v25;
	v25 =	vunpack.i.l.bf16.f32 v25  }
0x20f: {  	v36 =	vunpack.i.l.bf16.f32 v29;
	v37 =	vunpack.i.u.bf16.f32 v27;
	v29 =	vunpack.i.u.bf16.f32 v29  }
0x210: {  	v27 =	vunpack.i.l.bf16.f32 v27;
	v38 =	vunpack.i.l.bf16.f32 v26;
	v25 =	vadd.f32 v36, v25  }
0x211: {  	v26 =	vunpack.i.u.bf16.f32 v26;
	v39 =	vunpack.i.l.bf16.f32 v61;
	v29 =	vadd.f32 v29, v63  }
0x212: {  	v30 =	vunpack.i.u.bf16.f32 v61;
	v27 =	vadd.f32 v39, v27;
	v25 =	vadd.f32 v25, v38  }
0x213: {  	v42 =	vunpack.i.l.bf16.f32 v28;
	v30 =	vadd.f32 v30, v37;
	v26 =	vadd.f32 v29, v26  }
0x214: {  	v28 =	vunpack.i.u.bf16.f32 v28;
	v27 =	vadd.f32 v27, v42;
	v25 =	vadd.f32 v25, v40  }
0x215: {  	v52 =	vor.u32 v2, v50;
	v28 =	vadd.f32 v30, v28;
	v26 =	vadd.f32 v26, v41  }
0x216: {  	v29 =	vshll.u32 v43, $0x5;
	v48 =	vadd.f32 v27, v44;
	[tilespmem:s9+$0xFFFFFF80] =	vst v25  }
0x217: {  	v47 =	vor.u32 v2, v29;
	v51 =	vadd.f32 v28, v46;
	[tilespmem:s9+$0xFFFFFF90] =	vst v26  }
0x218: {  	[tilespmem:s9+$0xFFFFFFA0] =	vst v48  }
0x219: {  	v49 =	vor.u32 v3, v29;
	[tilespmem:s9+$0xFFFFFFB0] =	vst v51  }
0x21a: {  	v28 =	vld.idx.msk [tilespmem:v52+s19+$0x0], $0xffff  }
0x21b: {  	v53 =	vor.u32 v3, v50;
	v56 =	vperm.xlane v22, v9;
	v54 =	vld [tilespmem:s7+$0xFFFFFFE0]  }
0x21c: {  	v26 =	vld.idx.msk [tilespmem:v47+s18+$0x0], $0xffff  }
0x21d: {  	v63 =	vmul.f32 v56, v18;
	v37 =	vmul.f32 v56, v19;
	v55 =	vld [tilespmem:s7+$0xFFFFFFF0]  }
0x21e: {  	v39 =	vperm.xlane v24, v10;
	v42 =	vmul.f32 v56, v21;
	v27 =	vld.idx.msk [tilespmem:v49+s18+$0x0], $0xffff  }
0x21f: {  	v43 =	vperm.xlane v23, v10;
	v40 =	vmul.f32 v56, v20  }
0x220: {  	v41 =	vshll.u32 v39, $0x5;
	v25 =	vld.idx.msk [tilespmem:v53+s19+$0x0], $0xffff;
	v59 =	vunpack.i.u.bf16.f32 v28;
	v60 =	vunpack.i.l.bf16.f32 v54  }
0x221: {  	v28 =	vunpack.i.l.bf16.f32 v28;
	v57 =	vunpack.i.u.bf16.f32 v26;
	v26 =	vunpack.i.l.bf16.f32 v26  }
0x222: {  	v29 =	vunpack.i.u.bf16.f32 v54;
	v30 =	vunpack.i.l.bf16.f32 v55;
	v26 =	vadd.f32 v60, v26  }
0x223: {  	v58 =	vunpack.i.u.bf16.f32 v27;
	v27 =	vunpack.i.l.bf16.f32 v27;
	v29 =	vadd.f32 v29, v57  }
0x224: {  	v62 =	vunpack.i.u.bf16.f32 v55;
	v27 =	vadd.f32 v30, v27;
	v26 =	vadd.f32 v26, v28  }
0x225: {  	v61 =	vunpack.i.l.bf16.f32 v25;
	v38 =	vadd.f32 v62, v58;
	v29 =	vadd.f32 v29, v59  }
0x226: {  	v25 =	vunpack.i.u.bf16.f32 v25;
	v27 =	vadd.f32 v27, v61;
	v26 =	vadd.f32 v26, v63  }
0x227: {  	v44 =	vor.u32 v2, v41;
	v25 =	vadd.f32 v38, v25;
	v29 =	vadd.f32 v29, v37  }
0x228: {  	v45 =	vadd.f32 v27, v40;
	[tilespmem:s9+$0xFFFFFFC0] =	vst v26  }
0x229: {  	v46 =	vor.u32 v3, v41;
	v47 =	vshll.u32 v43, $0x5;
	v25 =	vadd.f32 v25, v42;
	[tilespmem:s9+$0xFFFFFFD0] =	vst v29  }
0x22a: {  	v48 =	vor.u32 v2, v47;
	[tilespmem:s9+$0xFFFFFFE0] =	vst v45  }
0x22b: {  	[tilespmem:s9+$0xFFFFFFF0] =	vst v25  }
0x22c: {  	v25 =	vld.idx.msk [tilespmem:v44+s18+$0x0], $0xffff  }
0x22d: {  	v50 =	vperm.xlane v22, v10;
	v28 =	vor.u32 v3, v47;
	v29 =	vld [tilespmem:s7+$0x0]  }
0x22e: {  	v27 =	vld.idx.msk [tilespmem:v46+s18+$0x0], $0xffff  }
0x22f: {  	v56 =	vmul.f32 v50, v18;
	v57 =	vmul.f32 v50, v19;
	v26 =	vld.idx.msk [tilespmem:v48+s19+$0x0], $0xffff  }
0x230: {  	v60 =	vmul.f32 v50, v20;
	v61 =	vperm.xlane v23, v11;
	v49 =	vld [tilespmem:s7+$0x10]  }
0x231: {  	v62 =	vmul.f32 v50, v21;
	v59 =	vperm.xlane v24, v11  }
0x232: {  	v35 =	vshll.u32 v61, $0x5;
	v28 =	vld.idx.msk [tilespmem:v28+s19+$0x0], $0xffff;
	v51 =	vunpack.i.u.bf16.f32 v25;
	v25 =	vunpack.i.l.bf16.f32 v25  }
0x233: {  	v52 =	vunpack.i.l.bf16.f32 v29;
	v53 =	vunpack.i.u.bf16.f32 v27;
	v29 =	vunpack.i.u.bf16.f32 v29  }
0x234: {  	v27 =	vunpack.i.l.bf16.f32 v27;
	v54 =	vunpack.i.l.bf16.f32 v26;
	v25 =	vadd.f32 v52, v25  }
0x235: {  	v26 =	vunpack.i.u.bf16.f32 v26;
	v55 =	vunpack.i.l.bf16.f32 v49;
	v29 =	vadd.f32 v29, v51  }
0x236: {  	v30 =	vunpack.i.u.bf16.f32 v49;
	v27 =	vadd.f32 v55, v27;
	v25 =	vadd.f32 v25, v54  }
0x237: {  	v58 =	vunpack.i.l.bf16.f32 v28;
	v30 =	vadd.f32 v30, v53;
	v26 =	vadd.f32 v29, v26  }
0x238: {  	v28 =	vunpack.i.u.bf16.f32 v28;
	v27 =	vadd.f32 v27, v58;
	v25 =	vadd.f32 v25, v56  }
0x239: {  	v37 =	vor.u32 v2, v35;
	v28 =	vadd.f32 v30, v28;
	v26 =	vadd.f32 v26, v57  }
0x23a: {  	v29 =	vshll.u32 v59, $0x5;
	v32 =	vadd.f32 v27, v60;
	[tilespmem:s9+$0x0] =	vst v25  }
0x23b: {  	v63 =	vor.u32 v2, v29;
	v36 =	vadd.f32 v28, v62;
	[tilespmem:s9+$0x10] =	vst v26  }
0x23c: {  	[tilespmem:s9+$0x20] =	vst v32  }
0x23d: {  	v34 =	vor.u32 v3, v29;
	[tilespmem:s9+$0x30] =	vst v36  }
0x23e: {  	v28 =	vld.idx.msk [tilespmem:v37+s19+$0x0], $0xffff  }
0x23f: {  	v38 =	vor.u32 v3, v35;
	v39 =	vld [tilespmem:s7+$0x20]  }
0x240: {  	v41 =	vperm.xlane v22, v11;
	v26 =	vld.idx.msk [tilespmem:v63+s18+$0x0], $0xffff  }
0x241: {  	v51 =	vperm.xlane v24, v12;
	v40 =	vld [tilespmem:s7+$0x30]  }
0x242: {  	v48 =	vmul.f32 v41, v18;
	v49 =	vmul.f32 v41, v19;
	v27 =	vld.idx.msk [tilespmem:v34+s18+$0x0], $0xffff  }
0x243: {  	v52 =	vmul.f32 v41, v20;
	v55 =	vperm.xlane v23, v12;
	v53 =	vshll.u32 v51, $0x5  }
0x244: {  	v54 =	vmul.f32 v41, v21;
	v25 =	vld.idx.msk [tilespmem:v38+s19+$0x0], $0xffff;
	v44 =	vunpack.i.u.bf16.f32 v28;
	v45 =	vunpack.i.l.bf16.f32 v39  }
0x245: {  	v28 =	vunpack.i.l.bf16.f32 v28;
	v42 =	vunpack.i.u.bf16.f32 v26;
	v26 =	vunpack.i.l.bf16.f32 v26  }
0x246: {  	v29 =	vunpack.i.u.bf16.f32 v39;
	v30 =	vunpack.i.l.bf16.f32 v40;
	v26 =	vadd.f32 v45, v26  }
0x247: {  	v43 =	vunpack.i.u.bf16.f32 v27;
	v27 =	vunpack.i.l.bf16.f32 v27;
	v29 =	vadd.f32 v29, v42  }
0x248: {  	v47 =	vunpack.i.u.bf16.f32 v40;
	v27 =	vadd.f32 v30, v27;
	v26 =	vadd.f32 v26, v28  }
0x249: {  	v46 =	vunpack.i.l.bf16.f32 v25;
	v50 =	vadd.f32 v47, v43;
	v29 =	vadd.f32 v29, v44  }
0x24a: {  	v25 =	vunpack.i.u.bf16.f32 v25;
	v27 =	vadd.f32 v27, v46;
	v26 =	vadd.f32 v26, v48  }
0x24b: {  	v56 =	vor.u32 v2, v53;
	v25 =	vadd.f32 v50, v25;
	v29 =	vadd.f32 v29, v49  }
0x24c: {  	v57 =	vadd.f32 v27, v52;
	[tilespmem:s9+$0x40] =	vst v26  }
0x24d: {  	v59 =	vshll.u32 v55, $0x5;
	v58 =	vor.u32 v3, v53;
	v25 =	vadd.f32 v25, v54;
	[tilespmem:s9+$0x50] =	vst v29  }
0x24e: {  	v60 =	vor.u32 v2, v59;
	[tilespmem:s9+$0x60] =	vst v57  }
0x24f: {  	[tilespmem:s9+$0x70] =	vst v25  }
0x250: {  	v25 =	vld.idx.msk [tilespmem:v56+s18+$0x0], $0xffff  }
0x251: {  	v62 =	vperm.xlane v22, v12;
	v28 =	vor.u32 v3, v59;
	v29 =	vld [tilespmem:s7+$0x40]  }
0x252: {  	v27 =	vld.idx.msk [tilespmem:v58+s18+$0x0], $0xffff  }
0x253: {  	v41 =	vmul.f32 v62, v19;
	v40 =	vmul.f32 v62, v18;
	v26 =	vld.idx.msk [tilespmem:v60+s19+$0x0], $0xffff  }
0x254: {  	v43 =	vperm.xlane v24, v13;
	v45 =	vperm.xlane v23, v13;
	v61 =	vld [tilespmem:s7+$0x50]  }
0x255: {  	v44 =	vmul.f32 v62, v20;
	v46 =	vmul.f32 v62, v21  }
0x256: {  	v50 =	vshll.u32 v45, $0x5;
	v28 =	vld.idx.msk [tilespmem:v28+s19+$0x0], $0xffff;
	v63 =	vunpack.i.u.bf16.f32 v25;
	v25 =	vunpack.i.l.bf16.f32 v25  }
0x257: {  	v36 =	vunpack.i.l.bf16.f32 v29;
	v37 =	vunpack.i.u.bf16.f32 v27;
	v29 =	vunpack.i.u.bf16.f32 v29  }
0x258: {  	v27 =	vunpack.i.l.bf16.f32 v27;
	v38 =	vunpack.i.l.bf16.f32 v26;
	v25 =	vadd.f32 v36, v25  }
0x259: {  	v26 =	vunpack.i.u.bf16.f32 v26;
	v39 =	vunpack.i.l.bf16.f32 v61;
	v29 =	vadd.f32 v29, v63  }
0x25a: {  	v30 =	vunpack.i.u.bf16.f32 v61;
	v27 =	vadd.f32 v39, v27;
	v25 =	vadd.f32 v25, v38  }
0x25b: {  	v42 =	vunpack.i.l.bf16.f32 v28;
	v30 =	vadd.f32 v30, v37;
	v26 =	vadd.f32 v29, v26  }
0x25c: {  	v28 =	vunpack.i.u.bf16.f32 v28;
	v27 =	vadd.f32 v27, v42;
	v25 =	vadd.f32 v25, v40  }
0x25d: {  	v52 =	vor.u32 v2, v50;
	v28 =	vadd.f32 v30, v28;
	v26 =	vadd.f32 v26, v41  }
0x25e: {  	v29 =	vshll.u32 v43, $0x5;
	v48 =	vadd.f32 v27, v44;
	[tilespmem:s9+$0x80] =	vst v25  }
0x25f: {  	v47 =	vor.u32 v2, v29;
	v51 =	vadd.f32 v28, v46;
	[tilespmem:s9+$0x90] =	vst v26  }
0x260: {  	[tilespmem:s9+$0xA0] =	vst v48  }
0x261: {  	v49 =	vor.u32 v3, v29;
	[tilespmem:s9+$0xB0] =	vst v51  }
0x262: {  	v28 =	vld.idx.msk [tilespmem:v52+s19+$0x0], $0xffff  }
0x263: {  	v53 =	vor.u32 v3, v50;
	v56 =	vperm.xlane v22, v13;
	v54 =	vld [tilespmem:s7+$0x60]  }
0x264: {  	v26 =	vld.idx.msk [tilespmem:v47+s18+$0x0], $0xffff  }
0x265: {  	v63 =	vmul.f32 v56, v18;
	v37 =	vmul.f32 v56, v19;
	v55 =	vld [tilespmem:s7+$0x70]  }
0x266: {  	v39 =	vperm.xlane v24, v14;
	v42 =	vmul.f32 v56, v21;
	v27 =	vld.idx.msk [tilespmem:v49+s18+$0x0], $0xffff  }
0x267: {  	v43 =	vperm.xlane v23, v14;
	v40 =	vmul.f32 v56, v20  }
0x268: {  	v41 =	vshll.u32 v39, $0x5;
	v25 =	vld.idx.msk [tilespmem:v53+s19+$0x0], $0xffff;
	v59 =	vunpack.i.u.bf16.f32 v28;
	v60 =	vunpack.i.l.bf16.f32 v54  }
0x269: {  	v28 =	vunpack.i.l.bf16.f32 v28;
	v57 =	vunpack.i.u.bf16.f32 v26;
	v26 =	vunpack.i.l.bf16.f32 v26  }
0x26a: {  	v29 =	vunpack.i.u.bf16.f32 v54;
	v30 =	vunpack.i.l.bf16.f32 v55;
	v26 =	vadd.f32 v60, v26  }
0x26b: {  	v58 =	vunpack.i.u.bf16.f32 v27;
	v27 =	vunpack.i.l.bf16.f32 v27;
	v29 =	vadd.f32 v29, v57  }
0x26c: {  	v62 =	vunpack.i.u.bf16.f32 v55;
	v27 =	vadd.f32 v30, v27;
	v26 =	vadd.f32 v26, v28  }
0x26d: {  	v61 =	vunpack.i.l.bf16.f32 v25;
	v38 =	vadd.f32 v62, v58;
	v29 =	vadd.f32 v29, v59  }
0x26e: {  	v25 =	vunpack.i.u.bf16.f32 v25;
	v27 =	vadd.f32 v27, v61;
	v26 =	vadd.f32 v26, v63  }
0x26f: {  	v44 =	vor.u32 v2, v41;
	v25 =	vadd.f32 v38, v25;
	v29 =	vadd.f32 v29, v37  }
0x270: {  	v45 =	vadd.f32 v27, v40;
	[tilespmem:s9+$0xC0] =	vst v26  }
0x271: {  	v46 =	vor.u32 v3, v41;
	v47 =	vshll.u32 v43, $0x5;
	v25 =	vadd.f32 v25, v42;
	[tilespmem:s9+$0xD0] =	vst v29  }
0x272: {  	v48 =	vor.u32 v2, v47;
	[tilespmem:s9+$0xE0] =	vst v45  }
0x273: {  	[tilespmem:s9+$0xF0] =	vst v25  }
0x274: {  	v25 =	vld.idx.msk [tilespmem:v44+s18+$0x0], $0xffff  }
0x275: {  	v50 =	vperm.xlane v22, v14;
	v28 =	vor.u32 v3, v47;
	v29 =	vld [tilespmem:s7+$0x80]  }
0x276: {  	v27 =	vld.idx.msk [tilespmem:v46+s18+$0x0], $0xffff  }
0x277: {  	v56 =	vmul.f32 v50, v18;
	v57 =	vmul.f32 v50, v19;
	v26 =	vld.idx.msk [tilespmem:v48+s19+$0x0], $0xffff  }
0x278: {  	v60 =	vmul.f32 v50, v20;
	v61 =	vperm.xlane v23, v15;
	v49 =	vld [tilespmem:s7+$0x90]  }
0x279: {  	v62 =	vmul.f32 v50, v21;
	v59 =	vperm.xlane v24, v15  }
0x27a: {  	v35 =	vshll.u32 v61, $0x5;
	v28 =	vld.idx.msk [tilespmem:v28+s19+$0x0], $0xffff;
	v51 =	vunpack.i.u.bf16.f32 v25;
	v25 =	vunpack.i.l.bf16.f32 v25  }
0x27b: {  	v52 =	vunpack.i.l.bf16.f32 v29;
	v53 =	vunpack.i.u.bf16.f32 v27;
	v29 =	vunpack.i.u.bf16.f32 v29  }
0x27c: {  	v27 =	vunpack.i.l.bf16.f32 v27;
	v54 =	vunpack.i.l.bf16.f32 v26;
	v25 =	vadd.f32 v52, v25  }
0x27d: {  	v26 =	vunpack.i.u.bf16.f32 v26;
	v55 =	vunpack.i.l.bf16.f32 v49;
	v29 =	vadd.f32 v29, v51  }
0x27e: {  	v30 =	vunpack.i.u.bf16.f32 v49;
	v27 =	vadd.f32 v55, v27;
	v25 =	vadd.f32 v25, v54  }
0x27f: {  	v58 =	vunpack.i.l.bf16.f32 v28;
	v30 =	vadd.f32 v30, v53;
	v26 =	vadd.f32 v29, v26  }
0x280: {  	v28 =	vunpack.i.u.bf16.f32 v28;
	v27 =	vadd.f32 v27, v58;
	v25 =	vadd.f32 v25, v56  }
0x281: {  	v37 =	vor.u32 v2, v35;
	v28 =	vadd.f32 v30, v28;
	v26 =	vadd.f32 v26, v57  }
0x282: {  	v29 =	vshll.u32 v59, $0x5;
	v32 =	vadd.f32 v27, v60;
	[tilespmem:s9+$0x100] =	vst v25  }
0x283: {  	v63 =	vor.u32 v2, v29;
	v36 =	vadd.f32 v28, v62;
	[tilespmem:s9+$0x110] =	vst v26  }
0x284: {  	[tilespmem:s9+$0x120] =	vst v32  }
0x285: {  	v34 =	vor.u32 v3, v29;
	[tilespmem:s9+$0x130] =	vst v36  }
0x286: {  	v28 =	vld.idx.msk [tilespmem:v37+s19+$0x0], $0xffff  }
0x287: {  	v38 =	vor.u32 v3, v35;
	v39 =	vld [tilespmem:s7+$0xA0]  }
0x288: {  	v41 =	vperm.xlane v22, v15;
	v26 =	vld.idx.msk [tilespmem:v63+s18+$0x0], $0xffff  }
0x289: {  	v51 =	vperm.xlane v24, v16;
	v40 =	vld [tilespmem:s7+$0xB0]  }
0x28a: {  	v48 =	vmul.f32 v41, v18;
	v49 =	vmul.f32 v41, v19;
	v27 =	vld.idx.msk [tilespmem:v34+s18+$0x0], $0xffff  }
0x28b: {  	v52 =	vmul.f32 v41, v20;
	v55 =	vperm.xlane v23, v16;
	v53 =	vshll.u32 v51, $0x5  }
0x28c: {  	v54 =	vmul.f32 v41, v21;
	v25 =	vld.idx.msk [tilespmem:v38+s19+$0x0], $0xffff;
	v44 =	vunpack.i.u.bf16.f32 v28;
	v45 =	vunpack.i.l.bf16.f32 v39  }
0x28d: {  	v28 =	vunpack.i.l.bf16.f32 v28;
	v42 =	vunpack.i.u.bf16.f32 v26;
	v26 =	vunpack.i.l.bf16.f32 v26  }
0x28e: {  	v29 =	vunpack.i.u.bf16.f32 v39;
	v30 =	vunpack.i.l.bf16.f32 v40;
	v26 =	vadd.f32 v45, v26  }
0x28f: {  	v43 =	vunpack.i.u.bf16.f32 v27;
	v27 =	vunpack.i.l.bf16.f32 v27;
	v29 =	vadd.f32 v29, v42  }
0x290: {  	v47 =	vunpack.i.u.bf16.f32 v40;
	v27 =	vadd.f32 v30, v27;
	v26 =	vadd.f32 v26, v28  }
0x291: {  	v46 =	vunpack.i.l.bf16.f32 v25;
	v50 =	vadd.f32 v47, v43;
	v29 =	vadd.f32 v29, v44  }
0x292: {  	v25 =	vunpack.i.u.bf16.f32 v25;
	v27 =	vadd.f32 v27, v46;
	v26 =	vadd.f32 v26, v48  }
0x293: {  	v56 =	vor.u32 v2, v53;
	v25 =	vadd.f32 v50, v25;
	v29 =	vadd.f32 v29, v49  }
0x294: {  	v57 =	vadd.f32 v27, v52;
	[tilespmem:s9+$0x140] =	vst v26  }
0x295: {  	v59 =	vshll.u32 v55, $0x5;
	v58 =	vor.u32 v3, v53;
	v25 =	vadd.f32 v25, v54;
	[tilespmem:s9+$0x150] =	vst v29  }
0x296: {  	v60 =	vor.u32 v2, v59;
	[tilespmem:s9+$0x160] =	vst v57  }
0x297: {  	[tilespmem:s9+$0x170] =	vst v25  }
0x298: {  	v25 =	vld.idx.msk [tilespmem:v56+s18+$0x0], $0xffff  }
0x299: {  	v28 =	vor.u32 v3, v59;
	v29 =	vld [tilespmem:s7+$0xC0]  }
0x29a: {  	v62 =	vperm.xlane v22, v16;
	v27 =	vld.idx.msk [tilespmem:v58+s18+$0x0], $0xffff  }
0x29b: {  	v24 =	vperm.xlane v24, v17;
	v26 =	vld.idx.msk [tilespmem:v60+s19+$0x0], $0xffff  }
0x29c: {  	v23 =	vperm.xlane v23, v17;
	v41 =	vmul.f32 v62, v19;
	v61 =	vld [tilespmem:s7+$0xD0]  }
0x29d: {  	v24 =	vshll.u32 v24, $0x5;
	v40 =	vmul.f32 v62, v18;
	v45 =	vmul.f32 v62, v21  }
0x29e: {  	v44 =	vmul.f32 v62, v20;
	v28 =	vld.idx.msk [tilespmem:v28+s19+$0x0], $0xffff;
	v63 =	vunpack.i.u.bf16.f32 v25;
	v25 =	vunpack.i.l.bf16.f32 v25  }
0x29f: {  	v36 =	vunpack.i.l.bf16.f32 v29;
	v37 =	vunpack.i.u.bf16.f32 v27;
	v29 =	vunpack.i.u.bf16.f32 v29  }
0x2a0: {  	v27 =	vunpack.i.l.bf16.f32 v27;
	v38 =	vunpack.i.l.bf16.f32 v26;
	v25 =	vadd.f32 v36, v25  }
0x2a1: {  	v26 =	vunpack.i.u.bf16.f32 v26;
	v39 =	vunpack.i.l.bf16.f32 v61;
	v29 =	vadd.f32 v29, v63  }
0x2a2: {  	v30 =	vunpack.i.u.bf16.f32 v61;
	v27 =	vadd.f32 v39, v27;
	v25 =	vadd.f32 v25, v38  }
0x2a3: {  	v42 =	vunpack.i.l.bf16.f32 v28;
	v43 =	vadd.f32 v30, v37;
	v26 =	vadd.f32 v29, v26  }
0x2a4: {  	v28 =	vunpack.i.u.bf16.f32 v28;
	v27 =	vadd.f32 v27, v42;
	v25 =	vadd.f32 v25, v40  }
0x2a5: {  	v46 =	vor.u32 v2, v24;
	v28 =	vadd.f32 v43, v28;
	v26 =	vadd.f32 v26, v41  }
0x2a6: {  	v23 =	vshll.u32 v23, $0x5;
	v24 =	vor.u32 v3, v24;
	v47 =	vadd.f32 v27, v44;
	[tilespmem:s9+$0x180] =	vst v25  }
0x2a7: {  	v49 =	vor.u32 v2, v23;
	v48 =	vadd.f32 v28, v45;
	[tilespmem:s9+$0x190] =	vst v26  }
0x2a8: {  	[tilespmem:s9+$0x1A0] =	vst v47  }
0x2a9: {  	v23 =	vor.u32 v3, v23;
	[tilespmem:s9+$0x1B0] =	vst v48  }
0x2aa: {  	v25 =	vld.idx.msk [tilespmem:v46+s18+$0x0], $0xffff  }
0x2ab: {  	v24 =	vld.idx.msk [tilespmem:v24+s18+$0x0], $0xffff  }
0x2ac: {  	v26 =	vld.idx.msk [tilespmem:v49+s19+$0x0], $0xffff  }
0x2ad: {  	v50 =	vld [tilespmem:s7+$0xE0]  }
0x2ae: {  	v22 =	vperm.xlane v22, v17;
	v23 =	vld.idx.msk [tilespmem:v23+s19+$0x0], $0xffff  }
0x2af: {  	v51 =	vld [tilespmem:s7+$0xF0]  }
0x2b0: {  	v59 =	vmul.f32 v22, v19;
	v58 =	vmul.f32 v22, v18  }
0x2b1: {  	v52 =	vunpack.i.u.bf16.f32 v25;
	v25 =	vunpack.i.l.bf16.f32 v25;
	v53 =	vunpack.i.u.bf16.f32 v24  }
0x2b2: {  	v24 =	vunpack.i.l.bf16.f32 v24;
	v54 =	vunpack.i.u.bf16.f32 v26;
	v56 =	vunpack.i.l.bf16.f32 v50  }
0x2b3: {  	v26 =	vunpack.i.l.bf16.f32 v26;
	v27 =	vunpack.i.u.bf16.f32 v50;
	v25 =	vadd.f32 v56, v25  }
0x2b4: {  	v55 =	vunpack.i.u.bf16.f32 v23;
	v28 =	vunpack.i.l.bf16.f32 v51;
	v27 =	vadd.f32 v27, v52  }
0x2b5: {  	v57 =	vunpack.i.u.bf16.f32 v51;
	v24 =	vadd.f32 v28, v24;
	v25 =	vadd.f32 v25, v26  }
0x2b6: {  	v23 =	vunpack.i.l.bf16.f32 v23;
	v60 =	vadd.f32 v57, v53;
	v27 =	vadd.f32 v27, v54  }
0x2b7: {  	p1 =	sne.s32 s10, $0x3C0;
	v61 =	vmul.f32 v22, v20;
	v23 =	vadd.f32 v24, v23;
	v25 =	vadd.f32 v25, v58  }
.Ltmp3:
0x2b8: {  	v22 =	vmul.f32 v22, v21;
	v63 =	vadd.f32 v60, v55;
	v62 =	vadd.f32 v27, v59;
	(pc) =	sbr.rel @p1 .LBB2_5-.Ltmp3, $4  }
0x2b9: {  	v23 =	vadd.f32 v23, v61;
	[tilespmem:s9+$0x1C0] =	vst v25  }
0x2ba: {  	v22 =	vadd.f32 v63, v22;
	[tilespmem:s9+$0x1D0] =	vst v62  }
0x2bb: {  	s6 =	sadd.s32 $0x10, s6;
	[tilespmem:s9+$0x1E0] =	vst v23  }
0x2bc: {  	s10 =	sadd.s32 $0x40, s10;
	s7 =	sadd.s32 $0x200, s7;
	[tilespmem:s9+$0x1F0] =	vst v22;
	s9 =	sadd.s32 $0x400, s9  }
.Ltmp4:
0x2bd: {  	(pc) =	sbr.rel @p0 .LBB2_8-.Ltmp4, $4  }
0x2be: {  	_ = 	snop  }
0x2bf: {  	s6 =	sshll.u32 s23, $0xC  }
0x2c0: {  	s6 =	sadd.s32 s15, s6  }
0x2c1: {  	[hbm4b:s6+s3] =	stream.linear.scatter [tilespmem:s0], [sflag:$0x6], $0x4000, $0x38;
	[tilespmem:$0x1B3E0] =	vst v63  }
.Ltmp5:
0x2c2: {  	s6 =	sadd.s32 s24, s13;
	(pc) =	sbr.rel .LBB2_2-.Ltmp5, $4  }
0x2c3: {  	s6 =	sshll.u32 s6, $0x7  }
0x2c4: {  	s6 =	sand.u32 $0x1FFFFF80, s6  }
0x2c5: {  	s23 =	sadd.s32 $0x1, s23;
	s6 =	sadd.s32 s4, s6  }
0x2c6: {  	[tilespmem:s20], [sflag:$0x2] =	stream.linear.gather [hbm4b:s6+s3], $0x400, $0x38;
	[tilespmem:$0x1B3E0] =	vst v63  }
.LBB2_9:
0x2c7: {  	_ =	sfence.sel $0x180000  }
0x2c8: {  	[bflag:$0x0] =	sbarrier.arrive $0xFFFF  }
0x2c9: {  	_ =	strace $0x90000047  }
0x2ca: {  	s0 =	stileid.u32;
	[bflag:$0x2] =	sbarrier.arrive $0xFFFF  }
0x2cb: {  	p0 =	sne.s32 s0, $0x0;
	s0 =	rddreg [dreg:$0x2]  }
0x2cc: {  	s0 =	sadd.s32 @!p0 $0x100000, s0  }
0x2cd: {  	[sflag:s0] =	ssyncadd.tile.s32 @!p0 $0x1;
	_ =	shalt  }
.Lfunc_end2:
_tile_overlayer_lowered:
.L_overlay_start_2:
0x2ce: {  	(tag) =	ssettag $0x2  }
0x2cf: {  	s0 =	rddreg [dreg:$0x0];
	s2 =	stileid.u32  }
0x2d0: {  	s1 =	rddreg [dreg:$0x1];
	p0 =	sne.s32 s2, $0x0  }
0x2d1: {  	s3 =	rddreg [dreg:$0x2];
	[bflag:$0x3] =	sbarrier.arrive $0xFFFF;
	s2 =	simm.s32 @!p0 $0x1C07  }
0x2d2: {  	[timem:s3], [sflag:s2] =	dma.local @!p0 [hbm:s0], s1  }
0x2d3: {  	s0 =	simm.s32 @!p0 $0x7  }
0x2d4: {  	_ =	swait.ge @!p0 [sflag:s0], s1  }
0x2d5: {  	s1 =	ssub.s32 @!p0 $0x0, s1;
	[sflag:s0] =	ssyncset.done @!p0 $0x0  }
0x2d6: {  	[sflag:s0] =	ssyncadd.s32 @!p0 s1  }
0x2d7: {  	[bflag:$0x3] =	sbarrier.arrive $0xFFFF  }
0x2d8: {  	_ =	shalt  }

// kernel: sparse-core-data-format-call.cloned.1.call-start
scs
called_computation_lowered:
.L_overlay_start_0:
0x0: {  	s2 =	sld [smem:$0x3FD9]  }
0x1: {  	s3 =	sld [smem:$0x3FFE];
	_ =	sdelay $0x1  }
0x2: {  	s1 =	srdreg.scid  }
0x3: {  	s0 =	sand.u32 $0x1, s1  }
0x4: {  	s18 =	sshll.u32 s0, $0xA;
	s2 =	sadd.s32 s3, s2  }
0x5: {  	s2 =	sadd.s32 s2, s18  }
0x6: {  	[smem:$0x3FC0] =	sst s2  }
0x7: {  	_ = 	snop  }
0x8: {  	s2 =	sld [smem:$0x3FD0];
	(tm) =	ssettm $0x1  }
0x9: {  	s19 =	sld [smem:$0x3FFB];
	_ =	sdelay $0x3  }
0xa: {  	_ =	strace s19  }
0xb: {  	s3 =	sld [smem:$0x3FFC];
	_ =	sdelay $0x3  }
0xc: {  	_ =	strace s3  }
0xd: {  	s3 =	sld [smem:$0x3FFD];
	_ =	sdelay $0x3  }
0xe: {  	_ =	strace s3  }
0xf: {  	_ =	strace $0x8FFFFFFF  }
0x10: {  	s20 =	sld [smem:$0x3FDB];
	_ =	sdelay $0x1  }
0x11: {  	s4 =	simm.s32 $_scs_section_size  }
0x12: {  	s5 =	simm.s32 $_size__tile_overlayer_lowered;
	s6 =	simm.s32 $_tile_overlayer_lowered  }
0x13: {  	s23 =	simm.s32 $0x1BFF;
	s22 =	sshll.u32 s6, $0x1;
	s3 =	sadd.s32 s4, s20  }
0x14: {  	s7 =	simm.s32 $0x0;
	s21 =	sshll.u32 s5, $0x1;
	s5 =	sadd.s32 s22, s3  }
0x15: {  	[timem:s7], [sflag:s23] =	dma.local [hbm:s5], s21  }
0x16: {  	_ =	swait.ge [sflag:s23], s21  }
0x17: {  	s4 =	ssub.s32 $0x0, s21;
	[sflag:s23] =	ssyncset.done $0x0  }
0x18: {  	[sflag:s23] =	ssyncadd.s32 s4;
	_ =	sdelay $0x1  }
0x19: {  	s24 =	simm.s32 $0x1B8B  }
0x1a: {  	_ =	swait.ge [sflag:s24], $0x1  }
0x1b: {  	[sflag:s24] =	ssyncset.done $0x0  }
0x1c: {  	s26 =	simm.s32 $0x1B8E;
	s25 =	sld [smem:$0x3FFE];
	[sflag:s24] =	ssyncadd.s32 $0xFFFFFFFF  }
0x1d: {  	s27 =	simm.s32 $execute0_lowered;
	[smem:$0x3FD2] =	sst s26  }
0x1e: {  	s5 =	sshll.u32 s27, $0x1;
	_ =	strace $0x80000049;
	[dreg:$0x1] =	wrdreg $0xFFFFFFFF  }
0x1f: {  	s28 =	simm.s32 $_size_execute0_lowered;
	s3 =	sadd.s32 s3, s5;
	[dreg:$0x0] =	wrdreg $0x0  }
0x20: {  	s5 =	sshll.u32 s28, $0x1;
	[dreg:$0x2] =	wrdreg s3  }
0x21: {  	[dreg:$0x3] =	wrdreg s5  }
0x22: {  	[dreg:$0x4] =	wrdreg $0xC0  }
0x23: {  	_ =	task [dreg:s7], $0x5FFFF  }
0x24: {  	[dreg:$0x1] =	wrdreg $0xFFFFFFFF  }
0x25: {  	[dreg:$0x0] =	wrdreg $0x60  }
0x26: {  	[dreg:$0x2] =	wrdreg s25  }
0x27: {  	[dreg:$0x3] =	wrdreg s2  }
0x28: {  	[dreg:$0x4] =	wrdreg $0x9  }
0x29: {  	_ =	task.clear_ibuf [dreg:s7], $0x5FFFF;
	_ =	strace $0x90000049  }
0x2a: {  	s29 =	simm.s32 $0x9;
	_ =	strace $0x8000004B  }
0x2b: {  	_ =	swait.ge [sflag:s29], $0x1  }
0x2c: {  	[sflag:s29] =	ssyncadd.s32 $0xFFFFFFFF  }
0x2d: {  	_ =	strace $0x9000004B  }
0x2e: {  	_ =	sfence  }
0x2f: {  	s30 =	sld [smem:$0x0];
	_ =	sdelay $0x2  }
0x30: {  	s31 =	sshll.u32 s1, $0xD;
	s1 =	sshrl.u32 s1, $0x2  }
0x31: {  	s3 =	sand.u32 $0x4000, s31;
	s1 =	sadd.s32 s1, s30  }
0x32: {  	s0 =	sor.u32 s3, s0;
	s1 =	sshll.u32 s1, $0x11  }
0x33: {  	s0 =	sor.u32 s1, s0  }
0x34: {  	s0 =	sadd.s32 $0x8F2B, s0  }
0x35: {  	[sflag:s0] =	ssyncadd.remote.s32 $0x1  }
0x36: {  	_ =	sfence.sel $0xFFFF  }
0x37: {  	[dreg:$0x0] =	wrdreg $0xFFFFFFFF;
	(pc) =	sbr.abs _section_cstart, $3  }
0x38: {  	[dreg:$0x1] =	wrdreg $0xFFFFFFFF  }
0x39: {  	_ =	task.clear_ibuf [dreg:s7], $0x2FFFF;
	_ =	strace $0x9FFFFFFF  }
0x3a: {  	(tm) =	ssettm $0x7FFFFFFF  }
0x3b: {  	_ =	shalt  }
tec
execute0_lowered:
.L_overlay_start_1:
0x0: {  	(tag) =	ssettag $0x1  }
0x1: {  	s0 =	srdreg.scid  }
0x2: {  	s1 =	sshll.u32 s0, $0x4  }
0x3: {  	s4 =	rddreg [dreg:$0x0];
	s0 =	stileid.u32;
	s1 =	sand.u32 $0x10, s1  }
0x4: {  	s2 =	rddreg [dreg:$0x1];
	s7 =	simm.s32 $0x1;
	s1 =	sor.u32 s0, s1  }
0x5: {  	s8 =	simm.s32 $0x2;
	s11 =	simm.s32 $0x0;
	s3 =	sshll.u32 s1, $0x7  }
0x6: {  	s10 =	simm.s32 $0x0;
	s4 =	sadd.s32 $0x2400, s4;
	s6 =	ssub.s32 $0xC8000, s3  }
.Ltmp0:
0x7: {  	s1 =	rddreg [dreg:$0x2];
	s5 =	sand.u32 $0xF80, s6;
	(pc) =	sbr.rel .LBB1_1-.Ltmp0, $4  }
0x8: {  	_ =	strace $0x8000004A;
	s9 =	smov.u32 s3;
	p0 =	sne.s32 s5, $0x0  }
0x9: {  	s6 =	sshrl.u32 s6, $0xC;
	s5 =	simm.s32 $0x1;
	s7 =	simm.s32 @!p0 $0x0  }
0xa: {  	[sflag:s5] =	ssyncpa.u1 $0x0;
	p0 =	por $0x0, $0x0;
	s6 =	sadd.s32 s7, s6  }
0xb: {  	[sflag:s8] =	ssyncpa.u1 $0x0;
	s8 =	simm.s32 $0x640000;
	s7 =	sadd.s32 $0x1, s6  }
.LBB1_4:
0xc: {  	s14 =	sshll.u32 s11, $0x3  }
0xd: {  	s30 =	sand.u32 $0x7F, s11;
	s15 =	sand.u32 $0xFFFFFC00, s14  }
0xe: {  	s11 =	sor.u32 s30, s15  }
0xf: {  	s15 =	smulhi.u32 $0x51EB851F, s11  }
0x10: {  	s14 =	smulhi.u32 $0x51EB851F, s14  }
0x11: {  	s15 =	sshrl.u32 s15, $0x12  }
0x12: {  	s14 =	sshrl.u32 s14, $0x12;
	s15 =	smul.u32 $0xC8000, s15  }
0x13: {  	s14 =	sand.u32 $0x3F, s14  }
0x14: {  	s14 =	smul.u32 $0x19000, s14;
	s11 =	ssub.s32 s11, s15  }
0x15: {  	[tilespmem:s13+$0x810 ss:$0x81] =	vst.msk $0xffff, v2;
	s15 =	sand.u32 $0x7, s11  }
0x16: {  	[tilespmem:s13+$0x1020 ss:$0x81] =	vst.msk $0xffff, v0;
	s14 =	sadd.s32 s2, s14;
	s11 =	sshrl.u32 s11, $0x3;
	s15 =	sshll.u32 s15, $0x12  }
0x17: {  	[tilespmem:s13+$0x0 ss:$0x81] =	vst.msk $0xffff, v1;
	s11 =	sadd.s32 s11, s14;
	s31 =	sor.u32 $0x400, s15  }
0x18: {  	[hbm4b:s11+s31] =	stream.strided.scatter [tilespmem:s12], [sflag:$0x2], $0x2000, s8, s31, $0x20;
	[tilespmem:$0x8080] =	vst v63  }
.LBB1_5:
0x19: {  	s13 =	sadd.s32 $0x1000, s9  }
0x1a: {  	p2 =	sgt.s32 s13, $0xC7FFF  }
0x1b: {  	s13 =	smov.u32 @p2 s3;
	p2 =	sne.s32 s10, s7  }
.Ltmp1:
0x1c: {  	p1 =	slt.u32 s10, $0x2;
	(pc) =	sbr.rel @!p2 .LBB1_6-.Ltmp1, $4  }
0x1d: {  	s12 =	simm.s32 @!p1 $0x2  }
0x1e: {  	s14 =	sadd.s32 $0x1, s10;
	_ =	swait.ge @!p1 [sflag:s12], $0x2000  }
0x1f: {  	s11 =	smov.u32 s9;
	p0 =	por !p0, !p0;
	[sflag:s12] =	ssyncset.done @!p1 $0x0  }
0x20: {  	s10 =	smov.u32 s14;
	s9 =	smov.u32 s13;
	[sflag:s12] =	ssyncadd.s32 @!p1 $0xFFFFE000  }
.LBB1_1:
0x21: {  	p1 =	sge.u32 s10, s6  }
0x22: {  	s12 =	sand.u32 @!p1 $0x1FFFFFF, s9  }
0x23: {  	s13 =	smulhi.u32 @!p1 $0x147AE15, s12;
	_ =	sdelay $0x1  }
0x24: {  	s13 =	sshrl.u32 @!p1 s13, $0xC  }
0x25: {  	s13 =	smul.u32 @!p1 $0xC8000, s13;
	_ =	sdelay $0x1  }
0x26: {  	s31 =	sadd.s32 $0xFFFFFFFF, s10;
	s14 =	sxor.u32 @!p1 $0xFFFFFFFF, s10;
	s12 =	ssub.s32 @!p1 s12, s13  }
0x27: {  	s15 =	simm.s32 @!p1 $0x80;
	s14 =	sshll.u32 @!p1 s14, $0xD;
	s12 =	sshll.u32 @!p1 s12, $0x4  }
0x28: {  	s13 =	sand.u32 @!p1 $0x2000, s14;
	s14 =	simm.s32 @!p1 $0x40;
	s12 =	sadd.s32 @!p1 s4, s12  }
0x29: {  	[tilespmem:s13], [sflag:$0x1] =	stream.strided.gather @!p1 [hbm4b:s12+s14], $0x2000, s15, s14, $0x38;
	[tilespmem:$0x8080] =	vst v63  }
0x2a: {  	p1 =	sge.u32 s31, s6  }
.Ltmp2:
0x2b: {  	_ = 	snop;
	(pc) =	sbr.rel @p1 .LBB1_5-.Ltmp2, $1  }
0x2c: {  	_ =	sdelay $0x3  }
0x2d: {  	s12 =	simm.s32 $0x1  }
0x2e: {  	_ =	swait.ge [sflag:s5], $0x2000;
	s12 =	simm.s32 @!p0 $0x0  }
0x2f: {  	[sflag:s5] =	ssyncset.done $0x0;
	s13 =	sshll.u32 s12, $0xD  }
0x30: {  	[sflag:s5] =	ssyncadd.s32 $0xFFFFE000;
	s16 =	sor.u32 $0x20, s13  }
0x31: {  	s12 =	smul.u32 $0x8100, s12;
	v3 =	vld [tilespmem:s16+$0x10]  }
0x32: {  	s30 =	sand.u32 $0x1, s10;
	v2 =	vld [tilespmem:s16+$0xFFFFFFF0]  }
0x33: {  	s13 =	smul.u32 $0x8100, s30;
	s12 =	sshrl.u32 s12, $0x2;
	v0 =	vld [tilespmem:s16+$0x0]  }
0x34: {  	v1 =	vld [tilespmem:s16+$0xFFFFFFE0];
	s14 =	sor.u32 $0x4000, s12  }
0x35: {  	s31 =	sshrl.u32 s13, $0x2;
	s13 =	sadd.s32 $0x0, s14  }
0x36: {  	s15 =	simm.s32 $0x4;
	s16 =	sadd.s32 $0x40, s16;
	s12 =	sor.u32 $0x4000, s31;
	[tilespmem:s13+$0x1830 ss:$0x81] =	vst.msk $0xffff, v3  }
.LBB1_3:
0x37: {  	v3 =	vld [tilespmem:s16+$0x10];
	p1 =	sne.s32 s15, $0x1FC;
	[tilespmem:s13+$0x810 ss:$0x81] =	vst.msk $0xffff, v2;
	s17 =	smov.u32 s15;
	s15 =	sadd.s32 $0x4, s15  }
.Ltmp3:
0x38: {  	v2 =	vld [tilespmem:s16+$0xFFFFFFF0];
	[tilespmem:s13+$0x1020 ss:$0x81] =	vst.msk $0xffff, v0;
	(pc) =	sbr.rel @p1 .LBB1_3-.Ltmp3, $4  }
0x39: {  	v0 =	vld [tilespmem:s16+$0x0];
	[tilespmem:s13+$0x0 ss:$0x81] =	vst.msk $0xffff, v1  }
0x3a: {  	s13 =	sshra.s32 s17, $0x2;
	v1 =	vld [tilespmem:s16+$0xFFFFFFE0]  }
0x3b: {  	s13 =	sadd.s32 s13, s14  }
0x3c: {  	s16 =	sadd.s32 $0x40, s16;
	[tilespmem:s13+$0x1830 ss:$0x81] =	vst.msk $0xffff, v3  }
.Ltmp4:
0x3d: {  	_ = 	snop;
	(pc) =	sbr.rel .LBB1_4-.Ltmp4, $1  }
0x3e: {  	_ =	sdelay $0x3  }
.LBB1_6:
0x3f: {  	_ =	sfence.sel $0x180000  }
0x40: {  	s2 =	simm.s32 $0x1;
	[bflag:$0x0] =	sbarrier.arrive $0xFFFF  }
0x41: {  	s31 =	simm.s32 $0x2;
	[sflag:s2] =	ssyncpa.u1 $0x1  }
0x42: {  	[sflag:s31] =	ssyncpa.u1 $0x1  }
0x43: {  	p0 =	sne.s32 s0, $0x0;
	_ =	strace $0x9000004A  }
0x44: {  	s0 =	sadd.s32 @!p0 $0x100000, s1;
	[bflag:$0x2] =	sbarrier.arrive $0xFFFF  }
0x45: {  	[sflag:s0] =	ssyncadd.tile.s32 @!p0 $0x1;
	_ =	shalt  }
.Lfunc_end1:
_tile_overlayer_lowered:
.L_overlay_start_2:
0x46: {  	(tag) =	ssettag $0x2  }
0x47: {  	s0 =	rddreg [dreg:$0x0];
	s2 =	stileid.u32  }
0x48: {  	s1 =	rddreg [dreg:$0x1];
	p0 =	sne.s32 s2, $0x0  }
0x49: {  	s3 =	rddreg [dreg:$0x2];
	[bflag:$0x3] =	sbarrier.arrive $0xFFFF;
	s2 =	simm.s32 @!p0 $0x1C01  }
0x4a: {  	[timem:s3], [sflag:s2] =	dma.local @!p0 [hbm:s0], s1  }
0x4b: {  	s0 =	simm.s32 @!p0 $0x1  }
0x4c: {  	_ =	swait.ge @!p0 [sflag:s0], s1  }
0x4d: {  	s1 =	ssub.s32 @!p0 $0x0, s1;
	[sflag:s0] =	ssyncset.done @!p0 $0x0  }
0x4e: {  	[sflag:s0] =	ssyncadd.s32 @!p0 s1  }
0x4f: {  	[bflag:$0x3] =	sbarrier.arrive $0xFFFF  }
0x50: {  	_ =	shalt  }

</sc_bundles>
